<compile_context>
chip_gen: v7x
topology: tpu7x:2x2x1
jax: 0.10.2.dev20260603
libtpu: 0.0.44.dev20260713+nightly
codegen_flags: <defaults>
</compile_context>

<pallas_src>
import functools

import jax
import jax.numpy as jnp
from jax import lax
from jax.experimental import pallas as pl
from jax.experimental.pallas import tpu as pltpu
from jax.experimental.pallas import tpu_sc as plsc

N = 10000
E = 320000
D = 128

NT = 32
EPT = E // NT
CH = 80
NCK = EPT // CH
G = CH // 16
NPT = N // 16



def _tc_first(h_in, obj, W, alr):
    BLK = 1280

    def body(h_ref, o_ref, w_ref, alr_ref, feat_ref, ee_ref):
        w = w_ref[...]
        feat = jnp.dot(h_ref[...], w[:D - 1, :], preferred_element_type=jnp.float32)
        feat = feat + o_ref[...] * w[D - 1:D, :]
        feat_ref[...] = feat
        ee_ref[...] = jnp.dot(feat, alr_ref[...], preferred_element_type=jnp.float32)

    return pl.pallas_call(
        body,
        grid=(pl.cdiv(N, BLK),),
        in_specs=[
            pl.BlockSpec((BLK, D - 1), lambda i: (i, 0)),
            pl.BlockSpec((BLK, 1), lambda i: (i, 0)),
            pl.BlockSpec((D, D), lambda i: (0, 0)),
            pl.BlockSpec((D, 2), lambda i: (0, 0)),
        ],
        out_specs=[
            pl.BlockSpec((BLK, D), lambda i: (i, 0)),
            pl.BlockSpec((BLK, 2), lambda i: (i, 0)),
        ],
        out_shape=[
            jax.ShapeDtypeStruct((N, D), jnp.float32),
            jax.ShapeDtypeStruct((N, 2), jnp.float32),
        ],
    )(h_in, obj, W, alr)


def _combine(part_ref, den_ref, b_ref):
    dsum = jnp.sum(den_ref[...], axis=0)
    return (part_ref[0] + part_ref[1]) / (dsum[:, None] + 1e-9) + b_ref[...]


def _tc_mid(part, den, b, W, alr):
    BLK = 1280

    def body(part_ref, den_ref, b_ref, w_ref, alr_ref, feat_ref, ee_ref):
        h = _combine(part_ref, den_ref, b_ref)
        feat = jnp.dot(h, w_ref[...], preferred_element_type=jnp.float32)
        feat_ref[...] = feat
        ee_ref[...] = jnp.dot(feat, alr_ref[...], preferred_element_type=jnp.float32)

    return pl.pallas_call(
        body,
        grid=(pl.cdiv(N, BLK),),
        in_specs=[
            pl.BlockSpec((2, BLK, D), lambda i: (0, i, 0)),
            pl.BlockSpec((NT, BLK), lambda i: (0, i)),
            pl.BlockSpec((1, D), lambda i: (0, 0)),
            pl.BlockSpec((D, D), lambda i: (0, 0)),
            pl.BlockSpec((D, 2), lambda i: (0, 0)),
        ],
        out_specs=[
            pl.BlockSpec((BLK, D), lambda i: (i, 0)),
            pl.BlockSpec((BLK, 2), lambda i: (i, 0)),
        ],
        out_shape=[
            jax.ShapeDtypeStruct((N, D), jnp.float32),
            jax.ShapeDtypeStruct((N, 2), jnp.float32),
        ],
    )(part, den, b, W, alr)


def _tc_final(part, den, b):
    BLK = 1280

    def body(part_ref, den_ref, b_ref, h_ref):
        h_ref[...] = _combine(part_ref, den_ref, b_ref)

    return pl.pallas_call(
        body,
        grid=(pl.cdiv(N, BLK),),
        in_specs=[
            pl.BlockSpec((2, BLK, D), lambda i: (0, i, 0)),
            pl.BlockSpec((NT, BLK), lambda i: (0, i)),
            pl.BlockSpec((1, D), lambda i: (0, 0)),
        ],
        out_specs=pl.BlockSpec((BLK, D), lambda i: (i, 0)),
        out_shape=jax.ShapeDtypeStruct((N, D), jnp.float32),
    )(part, den, b)



def _sc_edge(feat, el_h_in, er_h_in, src_flat, dst_flat):
    mesh = plsc.VectorSubcoreMesh(core_axis_name="c", subcore_axis_name="s")

    @functools.partial(
        pl.kernel,
        out_type=[
            jax.ShapeDtypeStruct((2, N, D), jnp.float32),
            jax.ShapeDtypeStruct((NT * N,), jnp.float32),
        ],
        mesh=mesh,
        compiler_params=pltpu.CompilerParams(needs_layout_passes=False),
        scratch_types=[
            pltpu.VMEM((N,), jnp.float32),
            pltpu.VMEM((CH,), jnp.float32),
            pltpu.VMEM((2 * CH, D), jnp.float32),
            pltpu.VMEM((3, CH), jnp.int32),
            pltpu.VMEM((3, CH), jnp.int32),
            pltpu.VMEM((2, CH), jnp.float32),
            pltpu.VMEM((2, CH), jnp.float32),
            pltpu.VMEM((3, 32), jnp.int32),
            pltpu.VMEM((3, 48), jnp.int32),
            pltpu.VMEM_SHARED((N, D), jnp.float32),
            pltpu.SemaphoreType.DMA,
            pltpu.SemaphoreType.DMA,
            pltpu.SemaphoreType.DMA,
            pltpu.SemaphoreType.DMA,
        ],
    )
    def k(feat_h, el_h, er_h, src_h, dst_h, part_o, den_o,
          den_v, p_v, rows_v, sidx_v, didx_v, elv, erv, didx_a, didx_b, acc_sh,
          isem, esem, gsem, ssem):
        cid = lax.axis_index("c")
        sid = lax.axis_index("s")
        wid = cid * 16 + sid
        base = wid * EPT

        z16 = jnp.zeros((16,), jnp.float32)

        def zden(i, carry):
            den_v[pl.ds(i * 16, 16)] = z16
            return carry
        lax.fori_loop(0, N // 16, zden, 0)

        def zblk(i, carry):
            for j in range(D // 16):
                rows_v[i, pl.ds(j * 16, 16)] = z16
            return carry
        lax.fori_loop(0, 125, zblk, 0)
        for t in range(NPT // 125):
            pltpu.sync_copy(rows_v.at[pl.ds(0, 125)],
                            acc_sh.at[pl.ds(sid * NPT + t * 125, 125)])
        plsc.subcore_barrier()

        def start_idx(c, slot):
            pltpu.make_async_copy(
                src_h.at[pl.ds(base + c * CH, CH)], sidx_v.at[slot], isem).start()
            pltpu.make_async_copy(
                dst_h.at[pl.ds(base + c * CH, CH)], didx_v.at[slot], isem).start()
            pltpu.make_async_copy(
                dst_h.at[pl.ds(base + c * CH, 32)], didx_a.at[slot], isem).start()
            pltpu.make_async_copy(
                dst_h.at[pl.ds(base + c * CH + 32, 48)], didx_b.at[slot], isem).start()

        def wait_idx():
            pltpu.make_async_copy(
                src_h.at[pl.ds(base, CH)], sidx_v.at[0], isem).wait()
            pltpu.make_async_copy(
                dst_h.at[pl.ds(base, CH)], didx_v.at[0], isem).wait()
            pltpu.make_async_copy(
                dst_h.at[pl.ds(base, 32)], didx_a.at[0], isem).wait()
            pltpu.make_async_copy(
                dst_h.at[pl.ds(base, 48)], didx_b.at[0], isem).wait()

        def start_ee_gathers(b2, b3):
            pltpu.make_async_copy(
                el_h.at[sidx_v.at[b3]], elv.at[b2], esem).start()
            pltpu.make_async_copy(
                er_h.at[didx_v.at[b3]], erv.at[b2], esem).start()

        def start_row_gather(b2, b3):
            pltpu.make_async_copy(
                feat_h.at[sidx_v.at[b3]],
                rows_v.at[pl.ds(b2 * CH, CH)], gsem).start()

        start_idx(0, 0)
        start_idx(1, 1)
        wait_idx()
        start_ee_gathers(0, 0)
        start_row_gather(0, 0)

        def wait_qscatters(b2, b3):
            pltpu.make_async_copy(
                rows_v.at[pl.ds(b2 * CH, 32)],
                acc_sh.at[didx_a.at[b3]], ssem).wait()
            pltpu.make_async_copy(
                rows_v.at[pl.ds(b2 * CH + 32, 48)],
                acc_sh.at[didx_b.at[b3]], ssem).wait()

        def chunk(c, carry):
            b2 = lax.rem(c, 2)
            b3 = lax.rem(c, 3)

            pltpu.make_async_copy(
                el_h.at[sidx_v.at[b3]], elv.at[b2], esem).wait()
            pltpu.make_async_copy(
                er_h.at[didx_v.at[b3]], erv.at[b2], esem).wait()

            ps = []
            for g in range(G):
                sl = pl.ds(g * 16, 16)
                d16 = didx_v[b3, sl]
                z = elv[b2, sl] + erv[b2, sl]
                p16 = jnp.exp(jnp.where(z >= 0, z, z * 0.2))
                plsc.addupdate_scatter(den_v, [d16], p16)
                ps.append(p16)

            @pl.when(c >= 1)
            def _():
                wait_qscatters(1 - b2, lax.rem(c + 2, 3))

            @pl.when(c + 1 < NCK)
            def _():
                wait_idx()
                start_ee_gathers(1 - b2, lax.rem(c + 1, 3))
                start_row_gather(1 - b2, lax.rem(c + 1, 3))

            @pl.when(c + 2 < NCK)
            def _():
                start_idx(c + 2, lax.rem(c + 2, 3))

            pltpu.make_async_copy(
                feat_h.at[sidx_v.at[b3]],
                rows_v.at[pl.ds(b2 * CH, CH)], gsem).wait()

            for g_lo, g_hi, idx_ring in ((0, 2, didx_a), (2, G, didx_b)):
                for g in range(g_lo, g_hi):
                    @plsc.parallel_loop(0, 16, unroll=8)
                    def _(r):
                        row = b2 * CH + g * 16 + r
                        _p = ps[g]
                        pr = _p[jnp.zeros((16,), jnp.int32) + r]
                        for j in range(D // 16):
                            sl = pl.ds(j * 16, 16)
                            rows_v[row, sl] = rows_v[row, sl] * pr
                pltpu.make_async_copy(
                    rows_v.at[pl.ds(b2 * CH + g_lo * 16, (g_hi - g_lo) * 16)],
                    acc_sh.at[idx_ring.at[b3]], ssem).start(add=True)
            return carry
        lax.fori_loop(0, NCK, chunk, 0)
        wait_qscatters(lax.rem(NCK - 1, 2), lax.rem(NCK - 1, 3))

        plsc.subcore_barrier()

        @pl.when(sid < 15)
        def _():
            pltpu.sync_copy(acc_sh.at[pl.ds(sid * 624, 624)],
                            part_o.at[cid, pl.ds(sid * 624, 624)])

        @pl.when(sid == 15)
        def _():
            pltpu.sync_copy(acc_sh.at[pl.ds(15 * 624, N - 15 * 624)],
                            part_o.at[cid, pl.ds(15 * 624, N - 15 * 624)])

        pltpu.sync_copy(den_v, den_o.at[pl.ds(wid * N, N)])

    return k(feat, el_h_in, er_h_in, src_flat, dst_flat)



def kernel(h_inputs, objectives, edge_index, W1, al1, ar1, b1, W2, al2, ar2, b2):
    alr1 = jnp.stack([al1.reshape(-1), ar1.reshape(-1)], axis=1)
    alr2 = jnp.stack([al2.reshape(-1), ar2.reshape(-1)], axis=1)
    src_flat = edge_index[0]
    dst_flat = edge_index[1]

    feat1, ee1 = _tc_first(h_inputs, objectives, W1, alr1)
    part1, den1 = _sc_edge(feat1, ee1[:, 0], ee1[:, 1], src_flat, dst_flat)
    feat2, ee2 = _tc_mid(part1, den1.reshape(NT, N), b1.reshape(1, D), W2, alr2)
    part2, den2 = _sc_edge(feat2, ee2[:, 0], ee2[:, 1], src_flat, dst_flat)
    return _tc_final(part2, den2.reshape(NT, N), b2.reshape(1, D))

# --- scband reference (transcript-rebuilt; emitter-appended) ---
"""Pipeline reference for scband-multi-net-16896401342656 (READ-ONLY COPY).

The authoritative reference and input builder live on the scoring server;
editing this copy changes nothing except your own understanding.
"""

import jax, jax.numpy as jnp
import numpy as np

N = 10000
E = 320000
H = 1
D = 128


def gat_conv(src, dst, h, W, attn_l, attn_r, b):
    # DGL GATConv with num_heads=H, out_feats=D
    feat = (h @ W).reshape(N, H, D)
    el = jnp.sum(feat * attn_l[None, :, :], axis=-1)  # [N, H]
    er = jnp.sum(feat * attn_r[None, :, :], axis=-1)  # [N, H]
    e = jax.nn.leaky_relu(el[src] + er[dst], 0.2)     # [E, H]
    e_max = jax.ops.segment_max(e, dst, num_segments=N)  # [N, H]
    e_exp = jnp.exp(e - e_max[dst])                       # [E, H]
    denom = jax.ops.segment_sum(e_exp, dst, num_segments=N)  # [N, H]
    a = e_exp / (denom[dst] + 1e-9)                   # [E, H]
    msg = feat[src] * a[:, :, None]                   # [E, H, D]
    out = jax.ops.segment_sum(msg, dst, num_segments=N)  # [N, H, D]
    return out + b.reshape(1, H, D)


def setup_inputs(seed: int = 0):
    key = jax.random.key(seed)
    ks = jax.random.split(key, 12)
    s = 1.0 / np.sqrt(D)
    return {
        "h_inputs": jax.random.normal(ks[0], (N, D - 1), jnp.float32),
        "objectives": jax.random.normal(ks[1], (N, 1), jnp.float32),
        "edge_index": jax.random.randint(ks[2], (2, E), 0, N, dtype=jnp.int32),
        "W1": jax.random.normal(ks[3], (D, H * D), jnp.float32) * s,
        "al1": jax.random.normal(ks[4], (H, D), jnp.float32) * s,
        "ar1": jax.random.normal(ks[5], (H, D), jnp.float32) * s,
        "b1": jnp.zeros((H * D,), jnp.float32),
        "W2": jax.random.normal(ks[6], (D, H * D), jnp.float32) * s,
        "al2": jax.random.normal(ks[7], (H, D), jnp.float32) * s,
        "ar2": jax.random.normal(ks[8], (H, D), jnp.float32) * s,
        "b2": jnp.zeros((H * D,), jnp.float32),
    }


def reference(h_inputs, objectives, edge_index, W1, al1, ar1, b1, W2, al2, ar2, b2):
    src = edge_index[0]
    dst = edge_index[1]
    x = jnp.concatenate([h_inputs, objectives], axis=1)  # [N, D]
    h = gat_conv(src, dst, x, W1, al1, ar1, b1)
    h = jnp.mean(h, axis=1)  # GAT head mean-reduce, as in the original call()
    h = gat_conv(src, dst, h, W2, al2, ar2, b2)
    h = jnp.mean(h, axis=1)
    return h

if __name__ == "__main__":
    import jax
    _d = setup_inputs()
    print(jax.jit(kernel)(*tuple(_d.values())))

</pallas_src>

<mosaic_0001>
#map = affine_map<(d0, d1) -> (0, 0)>
#map1 = affine_map<(d0, d1) -> (0)>
#map2 = affine_map<(d0, d1) -> (0, 0, 0)>
module attributes {stable_mosaic.version = 14 : i64} {
  func.func @k(%arg0: i32, %arg1: i32, %arg2: memref<10000x128xf32, #tpu.memory_space<hbm>>, %arg3: memref<10000xf32, #tpu.memory_space<hbm>>, %arg4: memref<10000xf32, #tpu.memory_space<hbm>>, %arg5: memref<320000xi32, #tpu.memory_space<hbm>>, %arg6: memref<320000xi32, #tpu.memory_space<hbm>>, %arg7: memref<2x10000x128xf32, #tpu.memory_space<hbm>>, %arg8: memref<320000xf32, #tpu.memory_space<hbm>>, %arg9: memref<10000xf32, #tpu.memory_space<vmem>>, %arg10: memref<80xf32, #tpu.memory_space<vmem>>, %arg11: memref<160x128xf32, #tpu.memory_space<vmem>>, %arg12: memref<3x80xi32, #tpu.memory_space<vmem>>, %arg13: memref<3x80xi32, #tpu.memory_space<vmem>>, %arg14: memref<2x80xf32, #tpu.memory_space<vmem>>, %arg15: memref<2x80xf32, #tpu.memory_space<vmem>>, %arg16: memref<3x32xi32, #tpu.memory_space<vmem>>, %arg17: memref<3x48xi32, #tpu.memory_space<vmem>>, %arg18: memref<10000x128xf32, #tpu.memory_space<vmem_shared>>, %arg19: memref<!tpu.dma_semaphore, #tpu.memory_space<semaphore_mem>>, %arg20: memref<!tpu.dma_semaphore, #tpu.memory_space<semaphore_mem>>, %arg21: memref<!tpu.dma_semaphore, #tpu.memory_space<semaphore_mem>>, %arg22: memref<!tpu.dma_semaphore, #tpu.memory_space<semaphore_mem>>) attributes {dimension_semantics = [#tpu.dimension_semantics<core_parallel>, #tpu.dimension_semantics<subcore_parallel>], iteration_bounds = array<i64: 2, 16>, scalar_prefetch = 0 : i64, scratch_operands = 14 : i64, tpu.core_type = #tpu.core_type<sc_vector_subcore>, window_params = [{transform_indices = #map}, {transform_indices = #map1}, {transform_indices = #map1}, {transform_indices = #map1}, {transform_indices = #map1}, {transform_indices = #map2}, {transform_indices = #map1}]} {
    %mul3A = arith.constant 16 : i32
    %mul3A_0 = arith.muli %arg0, %mul3A : i32
    %add3A = arith.addi %mul3A_0, %arg1 : i32
    %mul3A_1 = arith.constant 10000 : i32
    %mul3A_2 = arith.muli %add3A, %mul3A_1 : i32
    %broadcast_in_dim3A = arith.constant 0.000000e+00 : f32
    %broadcast_in_dim3A_3 = vector.broadcast %broadcast_in_dim3A : f32 to vector<16xf32>
    %scan3A = arith.constant 0 : i32
    %scan3A_4 = arith.constant 0 : i32
    %scan3A_5 = arith.constant 625 : i32
    %scan3A_6 = arith.addi %scan3A_4, %scan3A_5 : i32
    %scan3A_7 = arith.constant 1 : i32
    scf.for %scan3A_233 = %scan3A_4 to %scan3A_6 step %scan3A_7  : i32 {
      %mul3A_234 = arith.constant 16 : i32
      %mul3A_235 = arith.muli %scan3A_233, %mul3A_234 : i32
      %swap3A = arith.index_cast %mul3A_235 : i32 to index
      %swap3A_236 = tpu.vector_load %arg9[%swap3A] {strides = array<i32>} : memref<10000xf32, #tpu.memory_space<vmem>>, vector<16xf32>,
      tpu.vector_store %arg9[%swap3A], %broadcast_in_dim3A_3 {strides = array<i32>} : memref<10000xf32, #tpu.memory_space<vmem>>, vector<16xf32>,
    }
    %scan3A_8 = arith.constant 625 : i32
    %scan3A_9 = arith.constant 0 : i32
    %scan3A_10 = arith.constant 0 : i32
    %scan3A_11 = arith.constant 125 : i32
    %scan3A_12 = arith.addi %scan3A_10, %scan3A_11 : i32
    %scan3A_13 = arith.constant 1 : i32
    scf.for %scan3A_233 = %scan3A_10 to %scan3A_12 step %scan3A_13  : i32 {
      %swap3A = arith.index_cast %scan3A_233 : i32 to index
      %swap3A_234 = arith.constant 0 : index
      %swap3A_235 = tpu.vector_load %arg11[%swap3A, %swap3A_234] {strides = array<i32>} : memref<160x128xf32, #tpu.memory_space<vmem>>, vector<16xf32>,
      tpu.vector_store %arg11[%swap3A, %swap3A_234], %broadcast_in_dim3A_3 {strides = array<i32>} : memref<160x128xf32, #tpu.memory_space<vmem>>, vector<16xf32>,
      %swap3A_236 = arith.index_cast %scan3A_233 : i32 to index
      %swap3A_237 = arith.constant 16 : index
      %swap3A_238 = tpu.vector_load %arg11[%swap3A_236, %swap3A_237] {strides = array<i32>} : memref<160x128xf32, #tpu.memory_space<vmem>>, vector<16xf32>,
      tpu.vector_store %arg11[%swap3A_236, %swap3A_237], %broadcast_in_dim3A_3 {strides = array<i32>} : memref<160x128xf32, #tpu.memory_space<vmem>>, vector<16xf32>,
      %swap3A_239 = arith.index_cast %scan3A_233 : i32 to index
      %swap3A_240 = arith.constant 32 : index
      %swap3A_241 = tpu.vector_load %arg11[%swap3A_239, %swap3A_240] {strides = array<i32>} : memref<160x128xf32, #tpu.memory_space<vmem>>, vector<16xf32>,
      tpu.vector_store %arg11[%swap3A_239, %swap3A_240], %broadcast_in_dim3A_3 {strides = array<i32>} : memref<160x128xf32, #tpu.memory_space<vmem>>, vector<16xf32>,
      %swap3A_242 = arith.index_cast %scan3A_233 : i32 to index
      %swap3A_243 = arith.constant 48 : index
      %swap3A_244 = tpu.vector_load %arg11[%swap3A_242, %swap3A_243] {strides = array<i32>} : memref<160x128xf32, #tpu.memory_space<vmem>>, vector<16xf32>,
      tpu.vector_store %arg11[%swap3A_242, %swap3A_243], %broadcast_in_dim3A_3 {strides = array<i32>} : memref<160x128xf32, #tpu.memory_space<vmem>>, vector<16xf32>,
      %swap3A_245 = arith.index_cast %scan3A_233 : i32 to index
      %swap3A_246 = arith.constant 64 : index
      %swap3A_247 = tpu.vector_load %arg11[%swap3A_245, %swap3A_246] {strides = array<i32>} : memref<160x128xf32, #tpu.memory_space<vmem>>, vector<16xf32>,
      tpu.vector_store %arg11[%swap3A_245, %swap3A_246], %broadcast_in_dim3A_3 {strides = array<i32>} : memref<160x128xf32, #tpu.memory_space<vmem>>, vector<16xf32>,
      %swap3A_248 = arith.index_cast %scan3A_233 : i32 to index
      %swap3A_249 = arith.constant 80 : index
      %swap3A_250 = tpu.vector_load %arg11[%swap3A_248, %swap3A_249] {strides = array<i32>} : memref<160x128xf32, #tpu.memory_space<vmem>>, vector<16xf32>,
      tpu.vector_store %arg11[%swap3A_248, %swap3A_249], %broadcast_in_dim3A_3 {strides = array<i32>} : memref<160x128xf32, #tpu.memory_space<vmem>>, vector<16xf32>,
      %swap3A_251 = arith.index_cast %scan3A_233 : i32 to index
      %swap3A_252 = arith.constant 96 : index
      %swap3A_253 = tpu.vector_load %arg11[%swap3A_251, %swap3A_252] {strides = array<i32>} : memref<160x128xf32, #tpu.memory_space<vmem>>, vector<16xf32>,
      tpu.vector_store %arg11[%swap3A_251, %swap3A_252], %broadcast_in_dim3A_3 {strides = array<i32>} : memref<160x128xf32, #tpu.memory_space<vmem>>, vector<16xf32>,
      %swap3A_254 = arith.index_cast %scan3A_233 : i32 to index
      %swap3A_255 = arith.constant 112 : index
      %swap3A_256 = tpu.vector_load %arg11[%swap3A_254, %swap3A_255] {strides = array<i32>} : memref<160x128xf32, #tpu.memory_space<vmem>>, vector<16xf32>,
      tpu.vector_store %arg11[%swap3A_254, %swap3A_255], %broadcast_in_dim3A_3 {strides = array<i32>} : memref<160x128xf32, #tpu.memory_space<vmem>>, vector<16xf32>,
    }
    %scan3A_14 = arith.constant 125 : i32
    %mul3A_15 = arith.constant 625 : i32
    %mul3A_16 = arith.muli %arg1, %mul3A_15 : i32
    %add3A_17 = arith.constant 0 : i32
    %add3A_18 = arith.addi %mul3A_16, %add3A_17 : i32
    "tpu.region"() ({
      %run_scoped3A = tpu.sem_alloc : memref<!tpu.dma_semaphore, #tpu.memory_space<semaphore_mem>>
      %dma_start3A_233 = arith.constant 0 : i32
      %dma_start3A_234 = arith.constant 0 : i32
      %dma_start3A_235 = tpu.memref_slice %arg11[%dma_start3A_233, %dma_start3A_234] : memref<160x128xf32, #tpu.memory_space<vmem>> -> memref<125x128xf32, #tpu.memory_space<vmem>>
      %dma_start3A_236 = arith.constant 0 : i32
      %dma_start3A_237 = tpu.memref_slice %arg18[%add3A_18, %dma_start3A_236] : memref<10000x128xf32, #tpu.memory_space<vmem_shared>> -> memref<125x128xf32, #tpu.memory_space<vmem_shared>>
      %dma_start3A_238 = arith.constant 0 : i32
      %dma_start3A_239 = tpu.memref_slice %arg18[%add3A_18, %dma_start3A_238] : memref<10000x128xf32, #tpu.memory_space<vmem_shared>> -> memref<125x128xf32, #tpu.memory_space<vmem_shared>>
      %dma_start3A_240 = arith.constant 0 : i32
      %dma_start3A_241 = arith.constant 0 : i32
      %dma_start3A_242 = tpu.memref_slice %arg11[%dma_start3A_240, %dma_start3A_241] : memref<160x128xf32, #tpu.memory_space<vmem>> -> memref<125x128xf32, #tpu.memory_space<vmem>>
      tpu.enqueue_dma source(%dma_start3A_242 : memref<125x128xf32, #tpu.memory_space<vmem>>) target(%dma_start3A_239 : memref<125x128xf32, #tpu.memory_space<vmem_shared>>) target_semaphore(%run_scoped3A : memref<!tpu.dma_semaphore, #tpu.memory_space<semaphore_mem>>)
      %dma_wait3A_243 = arith.constant 0 : i32
      %dma_wait3A_244 = arith.constant 0 : i32
      %dma_wait3A_245 = tpu.memref_slice %arg11[%dma_wait3A_243, %dma_wait3A_244] : memref<160x128xf32, #tpu.memory_space<vmem>> -> memref<125x128xf32, #tpu.memory_space<vmem>>
      %dma_wait3A_246 = arith.constant 0 : i32
      %dma_wait3A_247 = tpu.memref_slice %arg18[%add3A_18, %dma_wait3A_246] : memref<10000x128xf32, #tpu.memory_space<vmem_shared>> -> memref<125x128xf32, #tpu.memory_space<vmem_shared>>
      %dma_wait3A_248 = arith.constant 0 : i32
      %dma_wait3A_249 = tpu.memref_slice %arg18[%add3A_18, %dma_wait3A_248] : memref<10000x128xf32, #tpu.memory_space<vmem_shared>> -> memref<125x128xf32, #tpu.memory_space<vmem_shared>>
      %dma_wait3A_250 = arith.constant 0 : i32
      %dma_wait3A_251 = arith.constant 0 : i32
      %dma_wait3A_252 = tpu.memref_slice %arg11[%dma_wait3A_250, %dma_wait3A_251] : memref<160x128xf32, #tpu.memory_space<vmem>> -> memref<125x128xf32, #tpu.memory_space<vmem>>
      tpu.wait_dma2 semaphore(%run_scoped3A : memref<!tpu.dma_semaphore, #tpu.memory_space<semaphore_mem>>) src(%dma_wait3A_252 : memref<125x128xf32, #tpu.memory_space<vmem>>) dst(%dma_wait3A_249 : memref<125x128xf32, #tpu.memory_space<vmem_shared>>)
      tpu.yield
    }) : () -> ()
    %mul3A_19 = arith.constant 625 : i32
    %mul3A_20 = arith.muli %arg1, %mul3A_19 : i32
    %add3A_21 = arith.constant 125 : i32
    %add3A_22 = arith.addi %mul3A_20, %add3A_21 : i32
    "tpu.region"() ({
      %run_scoped3A = tpu.sem_alloc : memref<!tpu.dma_semaphore, #tpu.memory_space<semaphore_mem>>
      %dma_start3A_233 = arith.constant 0 : i32
      %dma_start3A_234 = arith.constant 0 : i32
      %dma_start3A_235 = tpu.memref_slice %arg11[%dma_start3A_233, %dma_start3A_234] : memref<160x128xf32, #tpu.memory_space<vmem>> -> memref<125x128xf32, #tpu.memory_space<vmem>>
      %dma_start3A_236 = arith.constant 0 : i32
      %dma_start3A_237 = tpu.memref_slice %arg18[%add3A_22, %dma_start3A_236] : memref<10000x128xf32, #tpu.memory_space<vmem_shared>> -> memref<125x128xf32, #tpu.memory_space<vmem_shared>>
      %dma_start3A_238 = arith.constant 0 : i32
      %dma_start3A_239 = tpu.memref_slice %arg18[%add3A_22, %dma_start3A_238] : memref<10000x128xf32, #tpu.memory_space<vmem_shared>> -> memref<125x128xf32, #tpu.memory_space<vmem_shared>>
      %dma_start3A_240 = arith.constant 0 : i32
      %dma_start3A_241 = arith.constant 0 : i32
      %dma_start3A_242 = tpu.memref_slice %arg11[%dma_start3A_240, %dma_start3A_241] : memref<160x128xf32, #tpu.memory_space<vmem>> -> memref<125x128xf32, #tpu.memory_space<vmem>>
      tpu.enqueue_dma source(%dma_start3A_242 : memref<125x128xf32, #tpu.memory_space<vmem>>) target(%dma_start3A_239 : memref<125x128xf32, #tpu.memory_space<vmem_shared>>) target_semaphore(%run_scoped3A : memref<!tpu.dma_semaphore, #tpu.memory_space<semaphore_mem>>)
      %dma_wait3A_243 = arith.constant 0 : i32
      %dma_wait3A_244 = arith.constant 0 : i32
      %dma_wait3A_245 = tpu.memref_slice %arg11[%dma_wait3A_243, %dma_wait3A_244] : memref<160x128xf32, #tpu.memory_space<vmem>> -> memref<125x128xf32, #tpu.memory_space<vmem>>
      %dma_wait3A_246 = arith.constant 0 : i32
      %dma_wait3A_247 = tpu.memref_slice %arg18[%add3A_22, %dma_wait3A_246] : memref<10000x128xf32, #tpu.memory_space<vmem_shared>> -> memref<125x128xf32, #tpu.memory_space<vmem_shared>>
      %dma_wait3A_248 = arith.constant 0 : i32
      %dma_wait3A_249 = tpu.memref_slice %arg18[%add3A_22, %dma_wait3A_248] : memref<10000x128xf32, #tpu.memory_space<vmem_shared>> -> memref<125x128xf32, #tpu.memory_space<vmem_shared>>
      %dma_wait3A_250 = arith.constant 0 : i32
      %dma_wait3A_251 = arith.constant 0 : i32
      %dma_wait3A_252 = tpu.memref_slice %arg11[%dma_wait3A_250, %dma_wait3A_251] : memref<160x128xf32, #tpu.memory_space<vmem>> -> memref<125x128xf32, #tpu.memory_space<vmem>>
      tpu.wait_dma2 semaphore(%run_scoped3A : memref<!tpu.dma_semaphore, #tpu.memory_space<semaphore_mem>>) src(%dma_wait3A_252 : memref<125x128xf32, #tpu.memory_space<vmem>>) dst(%dma_wait3A_249 : memref<125x128xf32, #tpu.memory_space<vmem_shared>>)
      tpu.yield
    }) : () -> ()
    %mul3A_23 = arith.constant 625 : i32
    %mul3A_24 = arith.muli %arg1, %mul3A_23 : i32
    %add3A_25 = arith.constant 250 : i32
    %add3A_26 = arith.addi %mul3A_24, %add3A_25 : i32
    "tpu.region"() ({
      %run_scoped3A = tpu.sem_alloc : memref<!tpu.dma_semaphore, #tpu.memory_space<semaphore_mem>>
      %dma_start3A_233 = arith.constant 0 : i32
      %dma_start3A_234 = arith.constant 0 : i32
      %dma_start3A_235 = tpu.memref_slice %arg11[%dma_start3A_233, %dma_start3A_234] : memref<160x128xf32, #tpu.memory_space<vmem>> -> memref<125x128xf32, #tpu.memory_space<vmem>>
      %dma_start3A_236 = arith.constant 0 : i32
      %dma_start3A_237 = tpu.memref_slice %arg18[%add3A_26, %dma_start3A_236] : memref<10000x128xf32, #tpu.memory_space<vmem_shared>> -> memref<125x128xf32, #tpu.memory_space<vmem_shared>>
      %dma_start3A_238 = arith.constant 0 : i32
      %dma_start3A_239 = tpu.memref_slice %arg18[%add3A_26, %dma_start3A_238] : memref<10000x128xf32, #tpu.memory_space<vmem_shared>> -> memref<125x128xf32, #tpu.memory_space<vmem_shared>>
      %dma_start3A_240 = arith.constant 0 : i32
      %dma_start3A_241 = arith.constant 0 : i32
      %dma_start3A_242 = tpu.memref_slice %arg11[%dma_start3A_240, %dma_start3A_241] : memref<160x128xf32, #tpu.memory_space<vmem>> -> memref<125x128xf32, #tpu.memory_space<vmem>>
      tpu.enqueue_dma source(%dma_start3A_242 : memref<125x128xf32, #tpu.memory_space<vmem>>) target(%dma_start3A_239 : memref<125x128xf32, #tpu.memory_space<vmem_shared>>) target_semaphore(%run_scoped3A : memref<!tpu.dma_semaphore, #tpu.memory_space<semaphore_mem>>)
      %dma_wait3A_243 = arith.constant 0 : i32
      %dma_wait3A_244 = arith.constant 0 : i32
      %dma_wait3A_245 = tpu.memref_slice %arg11[%dma_wait3A_243, %dma_wait3A_244] : memref<160x128xf32, #tpu.memory_space<vmem>> -> memref<125x128xf32, #tpu.memory_space<vmem>>
      %dma_wait3A_246 = arith.constant 0 : i32
      %dma_wait3A_247 = tpu.memref_slice %arg18[%add3A_26, %dma_wait3A_246] : memref<10000x128xf32, #tpu.memory_space<vmem_shared>> -> memref<125x128xf32, #tpu.memory_space<vmem_shared>>
      %dma_wait3A_248 = arith.constant 0 : i32
      %dma_wait3A_249 = tpu.memref_slice %arg18[%add3A_26, %dma_wait3A_248] : memref<10000x128xf32, #tpu.memory_space<vmem_shared>> -> memref<125x128xf32, #tpu.memory_space<vmem_shared>>
      %dma_wait3A_250 = arith.constant 0 : i32
      %dma_wait3A_251 = arith.constant 0 : i32
      %dma_wait3A_252 = tpu.memref_slice %arg11[%dma_wait3A_250, %dma_wait3A_251] : memref<160x128xf32, #tpu.memory_space<vmem>> -> memref<125x128xf32, #tpu.memory_space<vmem>>
      tpu.wait_dma2 semaphore(%run_scoped3A : memref<!tpu.dma_semaphore, #tpu.memory_space<semaphore_mem>>) src(%dma_wait3A_252 : memref<125x128xf32, #tpu.memory_space<vmem>>) dst(%dma_wait3A_249 : memref<125x128xf32, #tpu.memory_space<vmem_shared>>)
      tpu.yield
    }) : () -> ()
    %mul3A_27 = arith.constant 625 : i32
    %mul3A_28 = arith.muli %arg1, %mul3A_27 : i32
    %add3A_29 = arith.constant 375 : i32
    %add3A_30 = arith.addi %mul3A_28, %add3A_29 : i32
    "tpu.region"() ({
      %run_scoped3A = tpu.sem_alloc : memref<!tpu.dma_semaphore, #tpu.memory_space<semaphore_mem>>
      %dma_start3A_233 = arith.constant 0 : i32
      %dma_start3A_234 = arith.constant 0 : i32
      %dma_start3A_235 = tpu.memref_slice %arg11[%dma_start3A_233, %dma_start3A_234] : memref<160x128xf32, #tpu.memory_space<vmem>> -> memref<125x128xf32, #tpu.memory_space<vmem>>
      %dma_start3A_236 = arith.constant 0 : i32
      %dma_start3A_237 = tpu.memref_slice %arg18[%add3A_30, %dma_start3A_236] : memref<10000x128xf32, #tpu.memory_space<vmem_shared>> -> memref<125x128xf32, #tpu.memory_space<vmem_shared>>
      %dma_start3A_238 = arith.constant 0 : i32
      %dma_start3A_239 = tpu.memref_slice %arg18[%add3A_30, %dma_start3A_238] : memref<10000x128xf32, #tpu.memory_space<vmem_shared>> -> memref<125x128xf32, #tpu.memory_space<vmem_shared>>
      %dma_start3A_240 = arith.constant 0 : i32
      %dma_start3A_241 = arith.constant 0 : i32
      %dma_start3A_242 = tpu.memref_slice %arg11[%dma_start3A_240, %dma_start3A_241] : memref<160x128xf32, #tpu.memory_space<vmem>> -> memref<125x128xf32, #tpu.memory_space<vmem>>
      tpu.enqueue_dma source(%dma_start3A_242 : memref<125x128xf32, #tpu.memory_space<vmem>>) target(%dma_start3A_239 : memref<125x128xf32, #tpu.memory_space<vmem_shared>>) target_semaphore(%run_scoped3A : memref<!tpu.dma_semaphore, #tpu.memory_space<semaphore_mem>>)
      %dma_wait3A_243 = arith.constant 0 : i32
      %dma_wait3A_244 = arith.constant 0 : i32
      %dma_wait3A_245 = tpu.memref_slice %arg11[%dma_wait3A_243, %dma_wait3A_244] : memref<160x128xf32, #tpu.memory_space<vmem>> -> memref<125x128xf32, #tpu.memory_space<vmem>>
      %dma_wait3A_246 = arith.constant 0 : i32
      %dma_wait3A_247 = tpu.memref_slice %arg18[%add3A_30, %dma_wait3A_246] : memref<10000x128xf32, #tpu.memory_space<vmem_shared>> -> memref<125x128xf32, #tpu.memory_space<vmem_shared>>
      %dma_wait3A_248 = arith.constant 0 : i32
      %dma_wait3A_249 = tpu.memref_slice %arg18[%add3A_30, %dma_wait3A_248] : memref<10000x128xf32, #tpu.memory_space<vmem_shared>> -> memref<125x128xf32, #tpu.memory_space<vmem_shared>>
      %dma_wait3A_250 = arith.constant 0 : i32
      %dma_wait3A_251 = arith.constant 0 : i32
      %dma_wait3A_252 = tpu.memref_slice %arg11[%dma_wait3A_250, %dma_wait3A_251] : memref<160x128xf32, #tpu.memory_space<vmem>> -> memref<125x128xf32, #tpu.memory_space<vmem>>
      tpu.wait_dma2 semaphore(%run_scoped3A : memref<!tpu.dma_semaphore, #tpu.memory_space<semaphore_mem>>) src(%dma_wait3A_252 : memref<125x128xf32, #tpu.memory_space<vmem>>) dst(%dma_wait3A_249 : memref<125x128xf32, #tpu.memory_space<vmem_shared>>)
      tpu.yield
    }) : () -> ()
    %mul3A_31 = arith.constant 625 : i32
    %mul3A_32 = arith.muli %arg1, %mul3A_31 : i32
    %add3A_33 = arith.constant 500 : i32
    %add3A_34 = arith.addi %mul3A_32, %add3A_33 : i32
    "tpu.region"() ({
      %run_scoped3A = tpu.sem_alloc : memref<!tpu.dma_semaphore, #tpu.memory_space<semaphore_mem>>
      %dma_start3A_233 = arith.constant 0 : i32
      %dma_start3A_234 = arith.constant 0 : i32
      %dma_start3A_235 = tpu.memref_slice %arg11[%dma_start3A_233, %dma_start3A_234] : memref<160x128xf32, #tpu.memory_space<vmem>> -> memref<125x128xf32, #tpu.memory_space<vmem>>
      %dma_start3A_236 = arith.constant 0 : i32
      %dma_start3A_237 = tpu.memref_slice %arg18[%add3A_34, %dma_start3A_236] : memref<10000x128xf32, #tpu.memory_space<vmem_shared>> -> memref<125x128xf32, #tpu.memory_space<vmem_shared>>
      %dma_start3A_238 = arith.constant 0 : i32
      %dma_start3A_239 = tpu.memref_slice %arg18[%add3A_34, %dma_start3A_238] : memref<10000x128xf32, #tpu.memory_space<vmem_shared>> -> memref<125x128xf32, #tpu.memory_space<vmem_shared>>
      %dma_start3A_240 = arith.constant 0 : i32
      %dma_start3A_241 = arith.constant 0 : i32
      %dma_start3A_242 = tpu.memref_slice %arg11[%dma_start3A_240, %dma_start3A_241] : memref<160x128xf32, #tpu.memory_space<vmem>> -> memref<125x128xf32, #tpu.memory_space<vmem>>
      tpu.enqueue_dma source(%dma_start3A_242 : memref<125x128xf32, #tpu.memory_space<vmem>>) target(%dma_start3A_239 : memref<125x128xf32, #tpu.memory_space<vmem_shared>>) target_semaphore(%run_scoped3A : memref<!tpu.dma_semaphore, #tpu.memory_space<semaphore_mem>>)
      %dma_wait3A_243 = arith.constant 0 : i32
      %dma_wait3A_244 = arith.constant 0 : i32
      %dma_wait3A_245 = tpu.memref_slice %arg11[%dma_wait3A_243, %dma_wait3A_244] : memref<160x128xf32, #tpu.memory_space<vmem>> -> memref<125x128xf32, #tpu.memory_space<vmem>>
      %dma_wait3A_246 = arith.constant 0 : i32
      %dma_wait3A_247 = tpu.memref_slice %arg18[%add3A_34, %dma_wait3A_246] : memref<10000x128xf32, #tpu.memory_space<vmem_shared>> -> memref<125x128xf32, #tpu.memory_space<vmem_shared>>
      %dma_wait3A_248 = arith.constant 0 : i32
      %dma_wait3A_249 = tpu.memref_slice %arg18[%add3A_34, %dma_wait3A_248] : memref<10000x128xf32, #tpu.memory_space<vmem_shared>> -> memref<125x128xf32, #tpu.memory_space<vmem_shared>>
      %dma_wait3A_250 = arith.constant 0 : i32
      %dma_wait3A_251 = arith.constant 0 : i32
      %dma_wait3A_252 = tpu.memref_slice %arg11[%dma_wait3A_250, %dma_wait3A_251] : memref<160x128xf32, #tpu.memory_space<vmem>> -> memref<125x128xf32, #tpu.memory_space<vmem>>
      tpu.wait_dma2 semaphore(%run_scoped3A : memref<!tpu.dma_semaphore, #tpu.memory_space<semaphore_mem>>) src(%dma_wait3A_252 : memref<125x128xf32, #tpu.memory_space<vmem>>) dst(%dma_wait3A_249 : memref<125x128xf32, #tpu.memory_space<vmem_shared>>)
      tpu.yield
    }) : () -> ()
    %barrier3A = arith.constant 0 : index
    tpu.barrier barrier_id(%barrier3A)
    %add3A_35 = arith.constant 0 : i32
    %add3A_36 = arith.addi %mul3A_2, %add3A_35 : i32
    %dma_start3A = arith.constant 0 : i32
    %dma_start3A_37 = arith.constant 0 : i32
    %dma_start3A_38 = tpu.memref_slice %arg12[%dma_start3A, %dma_start3A_37] : memref<3x80xi32, #tpu.memory_space<vmem>> -> memref<1x80xi32, #tpu.memory_space<vmem>>
    %dma_start3A_39 = tpu.memref_squeeze %dma_start3A_38 : memref<1x80xi32, #tpu.memory_space<vmem>> -> memref<80xi32, #tpu.memory_space<vmem>>
    %dma_start3A_40 = tpu.memref_slice %arg5[%add3A_36] : memref<320000xi32, #tpu.memory_space<hbm>> -> memref<80xi32, #tpu.memory_space<hbm>>
    %dma_start3A_41 = arith.constant 0 : i32
    %dma_start3A_42 = tpu.memref_slice %arg12[%dma_start3A, %dma_start3A_41] : memref<3x80xi32, #tpu.memory_space<vmem>> -> memref<1x80xi32, #tpu.memory_space<vmem>>
    %dma_start3A_43 = tpu.memref_squeeze %dma_start3A_42 : memref<1x80xi32, #tpu.memory_space<vmem>> -> memref<80xi32, #tpu.memory_space<vmem>>
    %dma_start3A_44 = tpu.memref_slice %arg5[%add3A_36] : memref<320000xi32, #tpu.memory_space<hbm>> -> memref<80xi32, #tpu.memory_space<hbm>>
    tpu.enqueue_dma source(%dma_start3A_44 : memref<80xi32, #tpu.memory_space<hbm>>) target(%dma_start3A_43 : memref<80xi32, #tpu.memory_space<vmem>>) target_semaphore(%arg19 : memref<!tpu.dma_semaphore, #tpu.memory_space<semaphore_mem>>)
    %add3A_45 = arith.constant 0 : i32
    %add3A_46 = arith.addi %mul3A_2, %add3A_45 : i32
    %dma_start3A_47 = arith.constant 0 : i32
    %dma_start3A_48 = arith.constant 0 : i32
    %dma_start3A_49 = tpu.memref_slice %arg13[%dma_start3A_47, %dma_start3A_48] : memref<3x80xi32, #tpu.memory_space<vmem>> -> memref<1x80xi32, #tpu.memory_space<vmem>>
    %dma_start3A_50 = tpu.memref_squeeze %dma_start3A_49 : memref<1x80xi32, #tpu.memory_space<vmem>> -> memref<80xi32, #tpu.memory_space<vmem>>
    %dma_start3A_51 = tpu.memref_slice %arg6[%add3A_46] : memref<320000xi32, #tpu.memory_space<hbm>> -> memref<80xi32, #tpu.memory_space<hbm>>
    %dma_start3A_52 = arith.constant 0 : i32
    %dma_start3A_53 = tpu.memref_slice %arg13[%dma_start3A_47, %dma_start3A_52] : memref<3x80xi32, #tpu.memory_space<vmem>> -> memref<1x80xi32, #tpu.memory_space<vmem>>
    %dma_start3A_54 = tpu.memref_squeeze %dma_start3A_53 : memref<1x80xi32, #tpu.memory_space<vmem>> -> memref<80xi32, #tpu.memory_space<vmem>>
    %dma_start3A_55 = tpu.memref_slice %arg6[%add3A_46] : memref<320000xi32, #tpu.memory_space<hbm>> -> memref<80xi32, #tpu.memory_space<hbm>>
    tpu.enqueue_dma source(%dma_start3A_55 : memref<80xi32, #tpu.memory_space<hbm>>) target(%dma_start3A_54 : memref<80xi32, #tpu.memory_space<vmem>>) target_semaphore(%arg19 : memref<!tpu.dma_semaphore, #tpu.memory_space<semaphore_mem>>)
    %add3A_56 = arith.constant 0 : i32
    %add3A_57 = arith.addi %mul3A_2, %add3A_56 : i32
    %dma_start3A_58 = arith.constant 0 : i32
    %dma_start3A_59 = arith.constant 0 : i32
    %dma_start3A_60 = tpu.memref_slice %arg16[%dma_start3A_58, %dma_start3A_59] : memref<3x32xi32, #tpu.memory_space<vmem>> -> memref<1x32xi32, #tpu.memory_space<vmem>>
    %dma_start3A_61 = tpu.memref_squeeze %dma_start3A_60 : memref<1x32xi32, #tpu.memory_space<vmem>> -> memref<32xi32, #tpu.memory_space<vmem>>
    %dma_start3A_62 = tpu.memref_slice %arg6[%add3A_57] : memref<320000xi32, #tpu.memory_space<hbm>> -> memref<32xi32, #tpu.memory_space<hbm>>
    %dma_start3A_63 = arith.constant 0 : i32
    %dma_start3A_64 = tpu.memref_slice %arg16[%dma_start3A_58, %dma_start3A_63] : memref<3x32xi32, #tpu.memory_space<vmem>> -> memref<1x32xi32, #tpu.memory_space<vmem>>
    %dma_start3A_65 = tpu.memref_squeeze %dma_start3A_64 : memref<1x32xi32, #tpu.memory_space<vmem>> -> memref<32xi32, #tpu.memory_space<vmem>>
    %dma_start3A_66 = tpu.memref_slice %arg6[%add3A_57] : memref<320000xi32, #tpu.memory_space<hbm>> -> memref<32xi32, #tpu.memory_space<hbm>>
    tpu.enqueue_dma source(%dma_start3A_66 : memref<32xi32, #tpu.memory_space<hbm>>) target(%dma_start3A_65 : memref<32xi32, #tpu.memory_space<vmem>>) target_semaphore(%arg19 : memref<!tpu.dma_semaphore, #tpu.memory_space<semaphore_mem>>)
    %add3A_67 = arith.constant 0 : i32
    %add3A_68 = arith.addi %mul3A_2, %add3A_67 : i32
    %add3A_69 = arith.constant 32 : i32
    %add3A_70 = arith.addi %add3A_68, %add3A_69 : i32
    %dma_start3A_71 = arith.constant 0 : i32
    %dma_start3A_72 = arith.constant 0 : i32
    %dma_start3A_73 = tpu.memref_slice %arg17[%dma_start3A_71, %dma_start3A_72] : memref<3x48xi32, #tpu.memory_space<vmem>> -> memref<1x48xi32, #tpu.memory_space<vmem>>
    %dma_start3A_74 = tpu.memref_squeeze %dma_start3A_73 : memref<1x48xi32, #tpu.memory_space<vmem>> -> memref<48xi32, #tpu.memory_space<vmem>>
    %dma_start3A_75 = tpu.memref_slice %arg6[%add3A_70] : memref<320000xi32, #tpu.memory_space<hbm>> -> memref<48xi32, #tpu.memory_space<hbm>>
    %dma_start3A_76 = arith.constant 0 : i32
    %dma_start3A_77 = tpu.memref_slice %arg17[%dma_start3A_71, %dma_start3A_76] : memref<3x48xi32, #tpu.memory_space<vmem>> -> memref<1x48xi32, #tpu.memory_space<vmem>>
    %dma_start3A_78 = tpu.memref_squeeze %dma_start3A_77 : memref<1x48xi32, #tpu.memory_space<vmem>> -> memref<48xi32, #tpu.memory_space<vmem>>
    %dma_start3A_79 = tpu.memref_slice %arg6[%add3A_70] : memref<320000xi32, #tpu.memory_space<hbm>> -> memref<48xi32, #tpu.memory_space<hbm>>
    tpu.enqueue_dma source(%dma_start3A_79 : memref<48xi32, #tpu.memory_space<hbm>>) target(%dma_start3A_78 : memref<48xi32, #tpu.memory_space<vmem>>) target_semaphore(%arg19 : memref<!tpu.dma_semaphore, #tpu.memory_space<semaphore_mem>>)
    %add3A_80 = arith.constant 80 : i32
    %add3A_81 = arith.addi %mul3A_2, %add3A_80 : i32
    %dma_start3A_82 = arith.constant 1 : i32
    %dma_start3A_83 = arith.constant 0 : i32
    %dma_start3A_84 = tpu.memref_slice %arg12[%dma_start3A_82, %dma_start3A_83] : memref<3x80xi32, #tpu.memory_space<vmem>> -> memref<1x80xi32, #tpu.memory_space<vmem>>
    %dma_start3A_85 = tpu.memref_squeeze %dma_start3A_84 : memref<1x80xi32, #tpu.memory_space<vmem>> -> memref<80xi32, #tpu.memory_space<vmem>>
    %dma_start3A_86 = tpu.memref_slice %arg5[%add3A_81] : memref<320000xi32, #tpu.memory_space<hbm>> -> memref<80xi32, #tpu.memory_space<hbm>>
    %dma_start3A_87 = arith.constant 0 : i32
    %dma_start3A_88 = tpu.memref_slice %arg12[%dma_start3A_82, %dma_start3A_87] : memref<3x80xi32, #tpu.memory_space<vmem>> -> memref<1x80xi32, #tpu.memory_space<vmem>>
    %dma_start3A_89 = tpu.memref_squeeze %dma_start3A_88 : memref<1x80xi32, #tpu.memory_space<vmem>> -> memref<80xi32, #tpu.memory_space<vmem>>
    %dma_start3A_90 = tpu.memref_slice %arg5[%add3A_81] : memref<320000xi32, #tpu.memory_space<hbm>> -> memref<80xi32, #tpu.memory_space<hbm>>
    tpu.enqueue_dma source(%dma_start3A_90 : memref<80xi32, #tpu.memory_space<hbm>>) target(%dma_start3A_89 : memref<80xi32, #tpu.memory_space<vmem>>) target_semaphore(%arg19 : memref<!tpu.dma_semaphore, #tpu.memory_space<semaphore_mem>>)
    %add3A_91 = arith.constant 80 : i32
    %add3A_92 = arith.addi %mul3A_2, %add3A_91 : i32
    %dma_start3A_93 = arith.constant 1 : i32
    %dma_start3A_94 = arith.constant 0 : i32
    %dma_start3A_95 = tpu.memref_slice %arg13[%dma_start3A_93, %dma_start3A_94] : memref<3x80xi32, #tpu.memory_space<vmem>> -> memref<1x80xi32, #tpu.memory_space<vmem>>
    %dma_start3A_96 = tpu.memref_squeeze %dma_start3A_95 : memref<1x80xi32, #tpu.memory_space<vmem>> -> memref<80xi32, #tpu.memory_space<vmem>>
    %dma_start3A_97 = tpu.memref_slice %arg6[%add3A_92] : memref<320000xi32, #tpu.memory_space<hbm>> -> memref<80xi32, #tpu.memory_space<hbm>>
    %dma_start3A_98 = arith.constant 0 : i32
    %dma_start3A_99 = tpu.memref_slice %arg13[%dma_start3A_93, %dma_start3A_98] : memref<3x80xi32, #tpu.memory_space<vmem>> -> memref<1x80xi32, #tpu.memory_space<vmem>>
    %dma_start3A_100 = tpu.memref_squeeze %dma_start3A_99 : memref<1x80xi32, #tpu.memory_space<vmem>> -> memref<80xi32, #tpu.memory_space<vmem>>
    %dma_start3A_101 = tpu.memref_slice %arg6[%add3A_92] : memref<320000xi32, #tpu.memory_space<hbm>> -> memref<80xi32, #tpu.memory_space<hbm>>
    tpu.enqueue_dma source(%dma_start3A_101 : memref<80xi32, #tpu.memory_space<hbm>>) target(%dma_start3A_100 : memref<80xi32, #tpu.memory_space<vmem>>) target_semaphore(%arg19 : memref<!tpu.dma_semaphore, #tpu.memory_space<semaphore_mem>>)
    %add3A_102 = arith.constant 80 : i32
    %add3A_103 = arith.addi %mul3A_2, %add3A_102 : i32
    %dma_start3A_104 = arith.constant 1 : i32
    %dma_start3A_105 = arith.constant 0 : i32
    %dma_start3A_106 = tpu.memref_slice %arg16[%dma_start3A_104, %dma_start3A_105] : memref<3x32xi32, #tpu.memory_space<vmem>> -> memref<1x32xi32, #tpu.memory_space<vmem>>
    %dma_start3A_107 = tpu.memref_squeeze %dma_start3A_106 : memref<1x32xi32, #tpu.memory_space<vmem>> -> memref<32xi32, #tpu.memory_space<vmem>>
    %dma_start3A_108 = tpu.memref_slice %arg6[%add3A_103] : memref<320000xi32, #tpu.memory_space<hbm>> -> memref<32xi32, #tpu.memory_space<hbm>>
    %dma_start3A_109 = arith.constant 0 : i32
    %dma_start3A_110 = tpu.memref_slice %arg16[%dma_start3A_104, %dma_start3A_109] : memref<3x32xi32, #tpu.memory_space<vmem>> -> memref<1x32xi32, #tpu.memory_space<vmem>>
    %dma_start3A_111 = tpu.memref_squeeze %dma_start3A_110 : memref<1x32xi32, #tpu.memory_space<vmem>> -> memref<32xi32, #tpu.memory_space<vmem>>
    %dma_start3A_112 = tpu.memref_slice %arg6[%add3A_103] : memref<320000xi32, #tpu.memory_space<hbm>> -> memref<32xi32, #tpu.memory_space<hbm>>
    tpu.enqueue_dma source(%dma_start3A_112 : memref<32xi32, #tpu.memory_space<hbm>>) target(%dma_start3A_111 : memref<32xi32, #tpu.memory_space<vmem>>) target_semaphore(%arg19 : memref<!tpu.dma_semaphore, #tpu.memory_space<semaphore_mem>>)
    %add3A_113 = arith.constant 80 : i32
    %add3A_114 = arith.addi %mul3A_2, %add3A_113 : i32
    %add3A_115 = arith.constant 32 : i32
    %add3A_116 = arith.addi %add3A_114, %add3A_115 : i32
    %dma_start3A_117 = arith.constant 1 : i32
    %dma_start3A_118 = arith.constant 0 : i32
    %dma_start3A_119 = tpu.memref_slice %arg17[%dma_start3A_117, %dma_start3A_118] : memref<3x48xi32, #tpu.memory_space<vmem>> -> memref<1x48xi32, #tpu.memory_space<vmem>>
    %dma_start3A_120 = tpu.memref_squeeze %dma_start3A_119 : memref<1x48xi32, #tpu.memory_space<vmem>> -> memref<48xi32, #tpu.memory_space<vmem>>
    %dma_start3A_121 = tpu.memref_slice %arg6[%add3A_116] : memref<320000xi32, #tpu.memory_space<hbm>> -> memref<48xi32, #tpu.memory_space<hbm>>
    %dma_start3A_122 = arith.constant 0 : i32
    %dma_start3A_123 = tpu.memref_slice %arg17[%dma_start3A_117, %dma_start3A_122] : memref<3x48xi32, #tpu.memory_space<vmem>> -> memref<1x48xi32, #tpu.memory_space<vmem>>
    %dma_start3A_124 = tpu.memref_squeeze %dma_start3A_123 : memref<1x48xi32, #tpu.memory_space<vmem>> -> memref<48xi32, #tpu.memory_space<vmem>>
    %dma_start3A_125 = tpu.memref_slice %arg6[%add3A_116] : memref<320000xi32, #tpu.memory_space<hbm>> -> memref<48xi32, #tpu.memory_space<hbm>>
    tpu.enqueue_dma source(%dma_start3A_125 : memref<48xi32, #tpu.memory_space<hbm>>) target(%dma_start3A_124 : memref<48xi32, #tpu.memory_space<vmem>>) target_semaphore(%arg19 : memref<!tpu.dma_semaphore, #tpu.memory_space<semaphore_mem>>)
    %dma_wait3A = arith.constant 0 : i32
    %dma_wait3A_126 = arith.constant 0 : i32
    %dma_wait3A_127 = tpu.memref_slice %arg12[%dma_wait3A, %dma_wait3A_126] : memref<3x80xi32, #tpu.memory_space<vmem>> -> memref<1x80xi32, #tpu.memory_space<vmem>>
    %dma_wait3A_128 = tpu.memref_squeeze %dma_wait3A_127 : memref<1x80xi32, #tpu.memory_space<vmem>> -> memref<80xi32, #tpu.memory_space<vmem>>
    %dma_wait3A_129 = tpu.memref_slice %arg5[%mul3A_2] : memref<320000xi32, #tpu.memory_space<hbm>> -> memref<80xi32, #tpu.memory_space<hbm>>
    %dma_wait3A_130 = arith.constant 0 : i32
    %dma_wait3A_131 = tpu.memref_slice %arg12[%dma_wait3A, %dma_wait3A_130] : memref<3x80xi32, #tpu.memory_space<vmem>> -> memref<1x80xi32, #tpu.memory_space<vmem>>
    %dma_wait3A_132 = tpu.memref_squeeze %dma_wait3A_131 : memref<1x80xi32, #tpu.memory_space<vmem>> -> memref<80xi32, #tpu.memory_space<vmem>>
    %dma_wait3A_133 = tpu.memref_slice %arg5[%mul3A_2] : memref<320000xi32, #tpu.memory_space<hbm>> -> memref<80xi32, #tpu.memory_space<hbm>>
    tpu.wait_dma2 semaphore(%arg19 : memref<!tpu.dma_semaphore, #tpu.memory_space<semaphore_mem>>) src(%dma_wait3A_133 : memref<80xi32, #tpu.memory_space<hbm>>) dst(%dma_wait3A_132 : memref<80xi32, #tpu.memory_space<vmem>>)
    %dma_wait3A_134 = arith.constant 0 : i32
    %dma_wait3A_135 = arith.constant 0 : i32
    %dma_wait3A_136 = tpu.memref_slice %arg13[%dma_wait3A_134, %dma_wait3A_135] : memref<3x80xi32, #tpu.memory_space<vmem>> -> memref<1x80xi32, #tpu.memory_space<vmem>>
    %dma_wait3A_137 = tpu.memref_squeeze %dma_wait3A_136 : memref<1x80xi32, #tpu.memory_space<vmem>> -> memref<80xi32, #tpu.memory_space<vmem>>
    %dma_wait3A_138 = tpu.memref_slice %arg6[%mul3A_2] : memref<320000xi32, #tpu.memory_space<hbm>> -> memref<80xi32, #tpu.memory_space<hbm>>
    %dma_wait3A_139 = arith.constant 0 : i32
    %dma_wait3A_140 = tpu.memref_slice %arg13[%dma_wait3A_134, %dma_wait3A_139] : memref<3x80xi32, #tpu.memory_space<vmem>> -> memref<1x80xi32, #tpu.memory_space<vmem>>
    %dma_wait3A_141 = tpu.memref_squeeze %dma_wait3A_140 : memref<1x80xi32, #tpu.memory_space<vmem>> -> memref<80xi32, #tpu.memory_space<vmem>>
    %dma_wait3A_142 = tpu.memref_slice %arg6[%mul3A_2] : memref<320000xi32, #tpu.memory_space<hbm>> -> memref<80xi32, #tpu.memory_space<hbm>>
    tpu.wait_dma2 semaphore(%arg19 : memref<!tpu.dma_semaphore, #tpu.memory_space<semaphore_mem>>) src(%dma_wait3A_142 : memref<80xi32, #tpu.memory_space<hbm>>) dst(%dma_wait3A_141 : memref<80xi32, #tpu.memory_space<vmem>>)
    %dma_wait3A_143 = arith.constant 0 : i32
    %dma_wait3A_144 = arith.constant 0 : i32
    %dma_wait3A_145 = tpu.memref_slice %arg16[%dma_wait3A_143, %dma_wait3A_144] : memref<3x32xi32, #tpu.memory_space<vmem>> -> memref<1x32xi32, #tpu.memory_space<vmem>>
    %dma_wait3A_146 = tpu.memref_squeeze %dma_wait3A_145 : memref<1x32xi32, #tpu.memory_space<vmem>> -> memref<32xi32, #tpu.memory_space<vmem>>
    %dma_wait3A_147 = tpu.memref_slice %arg6[%mul3A_2] : memref<320000xi32, #tpu.memory_space<hbm>> -> memref<32xi32, #tpu.memory_space<hbm>>
    %dma_wait3A_148 = arith.constant 0 : i32
    %dma_wait3A_149 = tpu.memref_slice %arg16[%dma_wait3A_143, %dma_wait3A_148] : memref<3x32xi32, #tpu.memory_space<vmem>> -> memref<1x32xi32, #tpu.memory_space<vmem>>
    %dma_wait3A_150 = tpu.memref_squeeze %dma_wait3A_149 : memref<1x32xi32, #tpu.memory_space<vmem>> -> memref<32xi32, #tpu.memory_space<vmem>>
    %dma_wait3A_151 = tpu.memref_slice %arg6[%mul3A_2] : memref<320000xi32, #tpu.memory_space<hbm>> -> memref<32xi32, #tpu.memory_space<hbm>>
    tpu.wait_dma2 semaphore(%arg19 : memref<!tpu.dma_semaphore, #tpu.memory_space<semaphore_mem>>) src(%dma_wait3A_151 : memref<32xi32, #tpu.memory_space<hbm>>) dst(%dma_wait3A_150 : memref<32xi32, #tpu.memory_space<vmem>>)
    %dma_wait3A_152 = arith.constant 0 : i32
    %dma_wait3A_153 = arith.constant 0 : i32
    %dma_wait3A_154 = tpu.memref_slice %arg17[%dma_wait3A_152, %dma_wait3A_153] : memref<3x48xi32, #tpu.memory_space<vmem>> -> memref<1x48xi32, #tpu.memory_space<vmem>>
    %dma_wait3A_155 = tpu.memref_squeeze %dma_wait3A_154 : memref<1x48xi32, #tpu.memory_space<vmem>> -> memref<48xi32, #tpu.memory_space<vmem>>
    %dma_wait3A_156 = tpu.memref_slice %arg6[%mul3A_2] : memref<320000xi32, #tpu.memory_space<hbm>> -> memref<48xi32, #tpu.memory_space<hbm>>
    %dma_wait3A_157 = arith.constant 0 : i32
    %dma_wait3A_158 = tpu.memref_slice %arg17[%dma_wait3A_152, %dma_wait3A_157] : memref<3x48xi32, #tpu.memory_space<vmem>> -> memref<1x48xi32, #tpu.memory_space<vmem>>
    %dma_wait3A_159 = tpu.memref_squeeze %dma_wait3A_158 : memref<1x48xi32, #tpu.memory_space<vmem>> -> memref<48xi32, #tpu.memory_space<vmem>>
    %dma_wait3A_160 = tpu.memref_slice %arg6[%mul3A_2] : memref<320000xi32, #tpu.memory_space<hbm>> -> memref<48xi32, #tpu.memory_space<hbm>>
    tpu.wait_dma2 semaphore(%arg19 : memref<!tpu.dma_semaphore, #tpu.memory_space<semaphore_mem>>) src(%dma_wait3A_160 : memref<48xi32, #tpu.memory_space<hbm>>) dst(%dma_wait3A_159 : memref<48xi32, #tpu.memory_space<vmem>>)
    %dma_start3A_161 = arith.constant 0 : i32
    %dma_start3A_162 = arith.constant 0 : i32
    %dma_start3A_163 = arith.constant 0 : i32
    %dma_start3A_164 = tpu.memref_slice %arg14[%dma_start3A_162, %dma_start3A_163] : memref<2x80xf32, #tpu.memory_space<vmem>> -> memref<1x80xf32, #tpu.memory_space<vmem>>
    %dma_start3A_165 = tpu.memref_squeeze %dma_start3A_164 : memref<1x80xf32, #tpu.memory_space<vmem>> -> memref<80xf32, #tpu.memory_space<vmem>>
    %dma_start3A_166 = arith.constant 0 : i32
    %dma_start3A_167 = tpu.memref_slice %arg12[%dma_start3A_161, %dma_start3A_166] : memref<3x80xi32, #tpu.memory_space<vmem>> -> memref<1x80xi32, #tpu.memory_space<vmem>>
    %dma_start3A_168 = tpu.memref_squeeze %dma_start3A_167 : memref<1x80xi32, #tpu.memory_space<vmem>> -> memref<80xi32, #tpu.memory_space<vmem>>
    %dma_start3A_169 = arith.constant 0 : i32
    %dma_start3A_170 = tpu.memref_slice %arg3[%dma_start3A_169] : memref<10000xf32, #tpu.memory_space<hbm>> -> memref<10000xf32, #tpu.memory_space<hbm>>
    tpu.enqueue_indirect_dma source(%dma_start3A_170 : memref<10000xf32, #tpu.memory_space<hbm>>) target(%dma_start3A_165 : memref<80xf32, #tpu.memory_space<vmem>>) offsets(%dma_start3A_168 : memref<80xi32, #tpu.memory_space<vmem>>) semaphore(%arg20 : memref<!tpu.dma_semaphore, #tpu.memory_space<semaphore_mem>>)
    %dma_start3A_171 = arith.constant 0 : i32
    %dma_start3A_172 = arith.constant 0 : i32
    %dma_start3A_173 = arith.constant 0 : i32
    %dma_start3A_174 = tpu.memref_slice %arg15[%dma_start3A_172, %dma_start3A_173] : memref<2x80xf32, #tpu.memory_space<vmem>> -> memref<1x80xf32, #tpu.memory_space<vmem>>
    %dma_start3A_175 = tpu.memref_squeeze %dma_start3A_174 : memref<1x80xf32, #tpu.memory_space<vmem>> -> memref<80xf32, #tpu.memory_space<vmem>>
    %dma_start3A_176 = arith.constant 0 : i32
    %dma_start3A_177 = tpu.memref_slice %arg13[%dma_start3A_171, %dma_start3A_176] : memref<3x80xi32, #tpu.memory_space<vmem>> -> memref<1x80xi32, #tpu.memory_space<vmem>>
    %dma_start3A_178 = tpu.memref_squeeze %dma_start3A_177 : memref<1x80xi32, #tpu.memory_space<vmem>> -> memref<80xi32, #tpu.memory_space<vmem>>
    %dma_start3A_179 = arith.constant 0 : i32
    %dma_start3A_180 = tpu.memref_slice %arg4[%dma_start3A_179] : memref<10000xf32, #tpu.memory_space<hbm>> -> memref<10000xf32, #tpu.memory_space<hbm>>
    tpu.enqueue_indirect_dma source(%dma_start3A_180 : memref<10000xf32, #tpu.memory_space<hbm>>) target(%dma_start3A_175 : memref<80xf32, #tpu.memory_space<vmem>>) offsets(%dma_start3A_178 : memref<80xi32, #tpu.memory_space<vmem>>) semaphore(%arg20 : memref<!tpu.dma_semaphore, #tpu.memory_space<semaphore_mem>>)
    %dma_start3A_181 = arith.constant 0 : i32
    %dma_start3A_182 = arith.constant 0 : i32
    %dma_start3A_183 = arith.constant 0 : i32
    %dma_start3A_184 = tpu.memref_slice %arg11[%dma_start3A_182, %dma_start3A_183] : memref<160x128xf32, #tpu.memory_space<vmem>> -> memref<80x128xf32, #tpu.memory_space<vmem>>
    %dma_start3A_185 = arith.constant 0 : i32
    %dma_start3A_186 = tpu.memref_slice %arg12[%dma_start3A_181, %dma_start3A_185] : memref<3x80xi32, #tpu.memory_space<vmem>> -> memref<1x80xi32, #tpu.memory_space<vmem>>
    %dma_start3A_187 = tpu.memref_squeeze %dma_start3A_186 : memref<1x80xi32, #tpu.memory_space<vmem>> -> memref<80xi32, #tpu.memory_space<vmem>>
    %dma_start3A_188 = arith.constant 0 : i32
    %dma_start3A_189 = arith.constant 0 : i32
    %dma_start3A_190 = tpu.memref_slice %arg2[%dma_start3A_188, %dma_start3A_189] : memref<10000x128xf32, #tpu.memory_space<hbm>> -> memref<10000x128xf32, #tpu.memory_space<hbm>>
    tpu.enqueue_indirect_dma source(%dma_start3A_190 : memref<10000x128xf32, #tpu.memory_space<hbm>>) target(%dma_start3A_184 : memref<80x128xf32, #tpu.memory_space<vmem>>) offsets(%dma_start3A_187 : memref<80xi32, #tpu.memory_space<vmem>>) semaphore(%arg21 : memref<!tpu.dma_semaphore, #tpu.memory_space<semaphore_mem>>)
    %scan3A_191 = arith.constant 0 : i32
    %scan3A_192 = arith.constant 0 : i32
    %scan3A_193 = arith.constant 125 : i32
    %scan3A_194 = arith.addi %scan3A_192, %scan3A_193 : i32
    %scan3A_195 = arith.constant 1 : i32
    scf.for %scan3A_233 = %scan3A_192 to %scan3A_194 step %scan3A_195  : i32 {
      %rem3A_234 = arith.constant 2 : i32
      %rem3A_235 = arith.remsi %scan3A_233, %rem3A_234 : i32
      %rem3A_236 = arith.constant 3 : i32
      %rem3A_237 = arith.remsi %scan3A_233, %rem3A_236 : i32
      %dma_wait3A_238 = arith.constant 0 : i32
      %dma_wait3A_239 = tpu.memref_slice %arg14[%rem3A_235, %dma_wait3A_238] : memref<2x80xf32, #tpu.memory_space<vmem>> -> memref<1x80xf32, #tpu.memory_space<vmem>>
      %dma_wait3A_240 = tpu.memref_squeeze %dma_wait3A_239 : memref<1x80xf32, #tpu.memory_space<vmem>> -> memref<80xf32, #tpu.memory_space<vmem>>
      %dma_wait3A_241 = arith.constant 0 : i32
      %dma_wait3A_242 = tpu.memref_slice %arg12[%rem3A_237, %dma_wait3A_241] : memref<3x80xi32, #tpu.memory_space<vmem>> -> memref<1x80xi32, #tpu.memory_space<vmem>>
      %dma_wait3A_243 = tpu.memref_squeeze %dma_wait3A_242 : memref<1x80xi32, #tpu.memory_space<vmem>> -> memref<80xi32, #tpu.memory_space<vmem>>
      %dma_wait3A_244 = arith.constant 0 : i32
      %dma_wait3A_245 = tpu.memref_slice %arg3[%dma_wait3A_244] : memref<10000xf32, #tpu.memory_space<hbm>> -> memref<10000xf32, #tpu.memory_space<hbm>>
      tpu.wait_indirect_dma semaphore(%arg20 : memref<!tpu.dma_semaphore, #tpu.memory_space<semaphore_mem>>) src(%dma_wait3A_245 : memref<10000xf32, #tpu.memory_space<hbm>>) dst(%dma_wait3A_240 : memref<80xf32, #tpu.memory_space<vmem>>)
      %dma_wait3A_246 = arith.constant 0 : i32
      %dma_wait3A_247 = tpu.memref_slice %arg15[%rem3A_235, %dma_wait3A_246] : memref<2x80xf32, #tpu.memory_space<vmem>> -> memref<1x80xf32, #tpu.memory_space<vmem>>
      %dma_wait3A_248 = tpu.memref_squeeze %dma_wait3A_247 : memref<1x80xf32, #tpu.memory_space<vmem>> -> memref<80xf32, #tpu.memory_space<vmem>>
      %dma_wait3A_249 = arith.constant 0 : i32
      %dma_wait3A_250 = tpu.memref_slice %arg13[%rem3A_237, %dma_wait3A_249] : memref<3x80xi32, #tpu.memory_space<vmem>> -> memref<1x80xi32, #tpu.memory_space<vmem>>
      %dma_wait3A_251 = tpu.memref_squeeze %dma_wait3A_250 : memref<1x80xi32, #tpu.memory_space<vmem>> -> memref<80xi32, #tpu.memory_space<vmem>>
      %dma_wait3A_252 = arith.constant 0 : i32
      %dma_wait3A_253 = tpu.memref_slice %arg4[%dma_wait3A_252] : memref<10000xf32, #tpu.memory_space<hbm>> -> memref<10000xf32, #tpu.memory_space<hbm>>
      tpu.wait_indirect_dma semaphore(%arg20 : memref<!tpu.dma_semaphore, #tpu.memory_space<semaphore_mem>>) src(%dma_wait3A_253 : memref<10000xf32, #tpu.memory_space<hbm>>) dst(%dma_wait3A_248 : memref<80xf32, #tpu.memory_space<vmem>>)
      %get3A = arith.index_cast %rem3A_237 : i32 to index
      %get3A_254 = arith.constant 0 : index
      %get3A_255 = tpu.vector_load %arg13[%get3A, %get3A_254] {strides = array<i32>} : memref<3x80xi32, #tpu.memory_space<vmem>>, vector<16xi32>,
      %get3A_256 = arith.index_cast %rem3A_235 : i32 to index
      %get3A_257 = arith.constant 0 : index
      %get3A_258 = tpu.vector_load %arg14[%get3A_256, %get3A_257] {strides = array<i32>} : memref<2x80xf32, #tpu.memory_space<vmem>>, vector<16xf32>,
      %get3A_259 = arith.index_cast %rem3A_235 : i32 to index
      %get3A_260 = arith.constant 0 : index
      %get3A_261 = tpu.vector_load %arg15[%get3A_259, %get3A_260] {strides = array<i32>} : memref<2x80xf32, #tpu.memory_space<vmem>>, vector<16xf32>,
      %add3A_262 = arith.addf %get3A_258, %get3A_261 : vector<16xf32>
      %ge3A = arith.constant 0.000000e+00 : f32
      %ge3A_263 = vector.broadcast %ge3A : f32 to vector<16xf32>
      %ge3A_264 = arith.cmpf oge, %add3A_262, %ge3A_263 : vector<16xf32>
      %mul3A_265 = arith.constant 2.000000e-01 : f32
      %mul3A_266 = vector.broadcast %mul3A_265 : f32 to vector<16xf32>
      %mul3A_267 = arith.mulf %add3A_262, %mul3A_266 : vector<16xf32>
      %select_n3A = arith.select %ge3A_264, %add3A_262, %mul3A_267 : vector<16xi1>, vector<16xf32>
      %exp3A = math.exp %select_n3A : vector<16xf32>
      tpu.vector_store_idx %arg9[%get3A_255], %exp3A {add = true} : memref<10000xf32, #tpu.memory_space<vmem>>[vector<16xi32>], vector<16xf32>,
      %get3A_268 = arith.index_cast %rem3A_237 : i32 to index
      %get3A_269 = arith.constant 16 : index
      %get3A_270 = tpu.vector_load %arg13[%get3A_268, %get3A_269] {strides = array<i32>} : memref<3x80xi32, #tpu.memory_space<vmem>>, vector<16xi32>,
      %get3A_271 = arith.index_cast %rem3A_235 : i32 to index
      %get3A_272 = arith.constant 16 : index
      %get3A_273 = tpu.vector_load %arg14[%get3A_271, %get3A_272] {strides = array<i32>} : memref<2x80xf32, #tpu.memory_space<vmem>>, vector<16xf32>,
      %get3A_274 = arith.index_cast %rem3A_235 : i32 to index
      %get3A_275 = arith.constant 16 : index
      %get3A_276 = tpu.vector_load %arg15[%get3A_274, %get3A_275] {strides = array<i32>} : memref<2x80xf32, #tpu.memory_space<vmem>>, vector<16xf32>,
      %add3A_277 = arith.addf %get3A_273, %get3A_276 : vector<16xf32>
      %ge3A_278 = arith.constant 0.000000e+00 : f32
      %ge3A_279 = vector.broadcast %ge3A_278 : f32 to vector<16xf32>
      %ge3A_280 = arith.cmpf oge, %add3A_277, %ge3A_279 : vector<16xf32>
      %mul3A_281 = arith.constant 2.000000e-01 : f32
      %mul3A_282 = vector.broadcast %mul3A_281 : f32 to vector<16xf32>
      %mul3A_283 = arith.mulf %add3A_277, %mul3A_282 : vector<16xf32>
      %select_n3A_284 = arith.select %ge3A_280, %add3A_277, %mul3A_283 : vector<16xi1>, vector<16xf32>
      %exp3A_285 = math.exp %select_n3A_284 : vector<16xf32>
      tpu.vector_store_idx %arg9[%get3A_270], %exp3A_285 {add = true} : memref<10000xf32, #tpu.memory_space<vmem>>[vector<16xi32>], vector<16xf32>,
      %get3A_286 = arith.index_cast %rem3A_237 : i32 to index
      %get3A_287 = arith.constant 32 : index
      %get3A_288 = tpu.vector_load %arg13[%get3A_286, %get3A_287] {strides = array<i32>} : memref<3x80xi32, #tpu.memory_space<vmem>>, vector<16xi32>,
      %get3A_289 = arith.index_cast %rem3A_235 : i32 to index
      %get3A_290 = arith.constant 32 : index
      %get3A_291 = tpu.vector_load %arg14[%get3A_289, %get3A_290] {strides = array<i32>} : memref<2x80xf32, #tpu.memory_space<vmem>>, vector<16xf32>,
      %get3A_292 = arith.index_cast %rem3A_235 : i32 to index
      %get3A_293 = arith.constant 32 : index
      %get3A_294 = tpu.vector_load %arg15[%get3A_292, %get3A_293] {strides = array<i32>} : memref<2x80xf32, #tpu.memory_space<vmem>>, vector<16xf32>,
      %add3A_295 = arith.addf %get3A_291, %get3A_294 : vector<16xf32>
      %ge3A_296 = arith.constant 0.000000e+00 : f32
      %ge3A_297 = vector.broadcast %ge3A_296 : f32 to vector<16xf32>
      %ge3A_298 = arith.cmpf oge, %add3A_295, %ge3A_297 : vector<16xf32>
      %mul3A_299 = arith.constant 2.000000e-01 : f32
      %mul3A_300 = vector.broadcast %mul3A_299 : f32 to vector<16xf32>
      %mul3A_301 = arith.mulf %add3A_295, %mul3A_300 : vector<16xf32>
      %select_n3A_302 = arith.select %ge3A_298, %add3A_295, %mul3A_301 : vector<16xi1>, vector<16xf32>
      %exp3A_303 = math.exp %select_n3A_302 : vector<16xf32>
      tpu.vector_store_idx %arg9[%get3A_288], %exp3A_303 {add = true} : memref<10000xf32, #tpu.memory_space<vmem>>[vector<16xi32>], vector<16xf32>,
      %get3A_304 = arith.index_cast %rem3A_237 : i32 to index
      %get3A_305 = arith.constant 48 : index
      %get3A_306 = tpu.vector_load %arg13[%get3A_304, %get3A_305] {strides = array<i32>} : memref<3x80xi32, #tpu.memory_space<vmem>>, vector<16xi32>,
      %get3A_307 = arith.index_cast %rem3A_235 : i32 to index
      %get3A_308 = arith.constant 48 : index
      %get3A_309 = tpu.vector_load %arg14[%get3A_307, %get3A_308] {strides = array<i32>} : memref<2x80xf32, #tpu.memory_space<vmem>>, vector<16xf32>,
      %get3A_310 = arith.index_cast %rem3A_235 : i32 to index
      %get3A_311 = arith.constant 48 : index
      %get3A_312 = tpu.vector_load %arg15[%get3A_310, %get3A_311] {strides = array<i32>} : memref<2x80xf32, #tpu.memory_space<vmem>>, vector<16xf32>,
      %add3A_313 = arith.addf %get3A_309, %get3A_312 : vector<16xf32>
      %ge3A_314 = arith.constant 0.000000e+00 : f32
      %ge3A_315 = vector.broadcast %ge3A_314 : f32 to vector<16xf32>
      %ge3A_316 = arith.cmpf oge, %add3A_313, %ge3A_315 : vector<16xf32>
      %mul3A_317 = arith.constant 2.000000e-01 : f32
      %mul3A_318 = vector.broadcast %mul3A_317 : f32 to vector<16xf32>
      %mul3A_319 = arith.mulf %add3A_313, %mul3A_318 : vector<16xf32>
      %select_n3A_320 = arith.select %ge3A_316, %add3A_313, %mul3A_319 : vector<16xi1>, vector<16xf32>
      %exp3A_321 = math.exp %select_n3A_320 : vector<16xf32>
      tpu.vector_store_idx %arg9[%get3A_306], %exp3A_321 {add = true} : memref<10000xf32, #tpu.memory_space<vmem>>[vector<16xi32>], vector<16xf32>,
      %get3A_322 = arith.index_cast %rem3A_237 : i32 to index
      %get3A_323 = arith.constant 64 : index
      %get3A_324 = tpu.vector_load %arg13[%get3A_322, %get3A_323] {strides = array<i32>} : memref<3x80xi32, #tpu.memory_space<vmem>>, vector<16xi32>,
      %get3A_325 = arith.index_cast %rem3A_235 : i32 to index
      %get3A_326 = arith.constant 64 : index
      %get3A_327 = tpu.vector_load %arg14[%get3A_325, %get3A_326] {strides = array<i32>} : memref<2x80xf32, #tpu.memory_space<vmem>>, vector<16xf32>,
      %get3A_328 = arith.index_cast %rem3A_235 : i32 to index
      %get3A_329 = arith.constant 64 : index
      %get3A_330 = tpu.vector_load %arg15[%get3A_328, %get3A_329] {strides = array<i32>} : memref<2x80xf32, #tpu.memory_space<vmem>>, vector<16xf32>,
      %add3A_331 = arith.addf %get3A_327, %get3A_330 : vector<16xf32>
      %ge3A_332 = arith.constant 0.000000e+00 : f32
      %ge3A_333 = vector.broadcast %ge3A_332 : f32 to vector<16xf32>
      %ge3A_334 = arith.cmpf oge, %add3A_331, %ge3A_333 : vector<16xf32>
      %mul3A_335 = arith.constant 2.000000e-01 : f32
      %mul3A_336 = vector.broadcast %mul3A_335 : f32 to vector<16xf32>
      %mul3A_337 = arith.mulf %add3A_331, %mul3A_336 : vector<16xf32>
      %select_n3A_338 = arith.select %ge3A_334, %add3A_331, %mul3A_337 : vector<16xi1>, vector<16xf32>
      %exp3A_339 = math.exp %select_n3A_338 : vector<16xf32>
      tpu.vector_store_idx %arg9[%get3A_324], %exp3A_339 {add = true} : memref<10000xf32, #tpu.memory_space<vmem>>[vector<16xi32>], vector<16xf32>,
      %ge3A_340 = arith.constant 1 : i32
      %ge3A_341 = arith.cmpi sge, %scan3A_233, %ge3A_340 : i32
      %convert_element_type3A_342 = arith.extui %ge3A_341 : i1 to i32
      %cond3A_343 = arith.constant 0 : i32
      %cond3A_344 = arith.cmpi ne, %convert_element_type3A_342, %cond3A_343 : i32
      scf.if %cond3A_344 {
        %sub3A = arith.constant 1 : i32
        %sub3A_407 = arith.subi %sub3A, %rem3A_235 : i32
        %add3A_408 = arith.constant 2 : i32
        %add3A_409 = arith.addi %scan3A_233, %add3A_408 : i32
        %rem3A_410 = arith.constant 3 : i32
        %rem3A_411 = arith.remsi %add3A_409, %rem3A_410 : i32
        %mul3A_412 = arith.constant 80 : i32
        %mul3A_413 = arith.muli %sub3A_407, %mul3A_412 : i32
        %dma_wait3A_414 = arith.constant 0 : i32
        %dma_wait3A_415 = tpu.memref_slice %arg11[%mul3A_413, %dma_wait3A_414] : memref<160x128xf32, #tpu.memory_space<vmem>> -> memref<32x128xf32, #tpu.memory_space<vmem>>
        %dma_wait3A_416 = arith.constant 0 : i32
        %dma_wait3A_417 = tpu.memref_slice %arg16[%rem3A_411, %dma_wait3A_416] : memref<3x32xi32, #tpu.memory_space<vmem>> -> memref<1x32xi32, #tpu.memory_space<vmem>>
        %dma_wait3A_418 = tpu.memref_squeeze %dma_wait3A_417 : memref<1x32xi32, #tpu.memory_space<vmem>> -> memref<32xi32, #tpu.memory_space<vmem>>
        %dma_wait3A_419 = arith.constant 0 : i32
        %dma_wait3A_420 = arith.constant 0 : i32
        %dma_wait3A_421 = tpu.memref_slice %arg18[%dma_wait3A_419, %dma_wait3A_420] : memref<10000x128xf32, #tpu.memory_space<vmem_shared>> -> memref<10000x128xf32, #tpu.memory_space<vmem_shared>>
        tpu.wait_indirect_dma semaphore(%arg22 : memref<!tpu.dma_semaphore, #tpu.memory_space<semaphore_mem>>) src(%dma_wait3A_415 : memref<32x128xf32, #tpu.memory_space<vmem>>) dst(%dma_wait3A_421 : memref<10000x128xf32, #tpu.memory_space<vmem_shared>>)
        %mul3A_422 = arith.constant 80 : i32
        %mul3A_423 = arith.muli %sub3A_407, %mul3A_422 : i32
        %add3A_424 = arith.constant 32 : i32
        %add3A_425 = arith.addi %mul3A_423, %add3A_424 : i32
        %dma_wait3A_426 = arith.constant 0 : i32
        %dma_wait3A_427 = tpu.memref_slice %arg11[%add3A_425, %dma_wait3A_426] : memref<160x128xf32, #tpu.memory_space<vmem>> -> memref<48x128xf32, #tpu.memory_space<vmem>>
        %dma_wait3A_428 = arith.constant 0 : i32
        %dma_wait3A_429 = tpu.memref_slice %arg17[%rem3A_411, %dma_wait3A_428] : memref<3x48xi32, #tpu.memory_space<vmem>> -> memref<1x48xi32, #tpu.memory_space<vmem>>
        %dma_wait3A_430 = tpu.memref_squeeze %dma_wait3A_429 : memref<1x48xi32, #tpu.memory_space<vmem>> -> memref<48xi32, #tpu.memory_space<vmem>>
        %dma_wait3A_431 = arith.constant 0 : i32
        %dma_wait3A_432 = arith.constant 0 : i32
        %dma_wait3A_433 = tpu.memref_slice %arg18[%dma_wait3A_431, %dma_wait3A_432] : memref<10000x128xf32, #tpu.memory_space<vmem_shared>> -> memref<10000x128xf32, #tpu.memory_space<vmem_shared>>
        tpu.wait_indirect_dma semaphore(%arg22 : memref<!tpu.dma_semaphore, #tpu.memory_space<semaphore_mem>>) src(%dma_wait3A_427 : memref<48x128xf32, #tpu.memory_space<vmem>>) dst(%dma_wait3A_433 : memref<10000x128xf32, #tpu.memory_space<vmem_shared>>)
      } else {
      }
      %add3A_345 = arith.constant 1 : i32
      %add3A_346 = arith.addi %scan3A_233, %add3A_345 : i32
      %lt3A_347 = arith.constant 125 : i32
      %lt3A_348 = arith.cmpi slt, %add3A_346, %lt3A_347 : i32
      %convert_element_type3A_349 = arith.extui %lt3A_348 : i1 to i32
      %cond3A_350 = arith.constant 0 : i32
      %cond3A_351 = arith.cmpi ne, %convert_element_type3A_349, %cond3A_350 : i32
      scf.if %cond3A_351 {
        %dma_wait3A_407 = arith.constant 0 : i32
        %dma_wait3A_408 = arith.constant 0 : i32
        %dma_wait3A_409 = tpu.memref_slice %arg12[%dma_wait3A_407, %dma_wait3A_408] : memref<3x80xi32, #tpu.memory_space<vmem>> -> memref<1x80xi32, #tpu.memory_space<vmem>>
        %dma_wait3A_410 = tpu.memref_squeeze %dma_wait3A_409 : memref<1x80xi32, #tpu.memory_space<vmem>> -> memref<80xi32, #tpu.memory_space<vmem>>
        %dma_wait3A_411 = tpu.memref_slice %arg5[%mul3A_2] : memref<320000xi32, #tpu.memory_space<hbm>> -> memref<80xi32, #tpu.memory_space<hbm>>
        %dma_wait3A_412 = arith.constant 0 : i32
        %dma_wait3A_413 = tpu.memref_slice %arg12[%dma_wait3A_407, %dma_wait3A_412] : memref<3x80xi32, #tpu.memory_space<vmem>> -> memref<1x80xi32, #tpu.memory_space<vmem>>
        %dma_wait3A_414 = tpu.memref_squeeze %dma_wait3A_413 : memref<1x80xi32, #tpu.memory_space<vmem>> -> memref<80xi32, #tpu.memory_space<vmem>>
        %dma_wait3A_415 = tpu.memref_slice %arg5[%mul3A_2] : memref<320000xi32, #tpu.memory_space<hbm>> -> memref<80xi32, #tpu.memory_space<hbm>>
        tpu.wait_dma2 semaphore(%arg19 : memref<!tpu.dma_semaphore, #tpu.memory_space<semaphore_mem>>) src(%dma_wait3A_415 : memref<80xi32, #tpu.memory_space<hbm>>) dst(%dma_wait3A_414 : memref<80xi32, #tpu.memory_space<vmem>>)
        %dma_wait3A_416 = arith.constant 0 : i32
        %dma_wait3A_417 = arith.constant 0 : i32
        %dma_wait3A_418 = tpu.memref_slice %arg13[%dma_wait3A_416, %dma_wait3A_417] : memref<3x80xi32, #tpu.memory_space<vmem>> -> memref<1x80xi32, #tpu.memory_space<vmem>>
        %dma_wait3A_419 = tpu.memref_squeeze %dma_wait3A_418 : memref<1x80xi32, #tpu.memory_space<vmem>> -> memref<80xi32, #tpu.memory_space<vmem>>
        %dma_wait3A_420 = tpu.memref_slice %arg6[%mul3A_2] : memref<320000xi32, #tpu.memory_space<hbm>> -> memref<80xi32, #tpu.memory_space<hbm>>
        %dma_wait3A_421 = arith.constant 0 : i32
        %dma_wait3A_422 = tpu.memref_slice %arg13[%dma_wait3A_416, %dma_wait3A_421] : memref<3x80xi32, #tpu.memory_space<vmem>> -> memref<1x80xi32, #tpu.memory_space<vmem>>
        %dma_wait3A_423 = tpu.memref_squeeze %dma_wait3A_422 : memref<1x80xi32, #tpu.memory_space<vmem>> -> memref<80xi32, #tpu.memory_space<vmem>>
        %dma_wait3A_424 = tpu.memref_slice %arg6[%mul3A_2] : memref<320000xi32, #tpu.memory_space<hbm>> -> memref<80xi32, #tpu.memory_space<hbm>>
        tpu.wait_dma2 semaphore(%arg19 : memref<!tpu.dma_semaphore, #tpu.memory_space<semaphore_mem>>) src(%dma_wait3A_424 : memref<80xi32, #tpu.memory_space<hbm>>) dst(%dma_wait3A_423 : memref<80xi32, #tpu.memory_space<vmem>>)
        %dma_wait3A_425 = arith.constant 0 : i32
        %dma_wait3A_426 = arith.constant 0 : i32
        %dma_wait3A_427 = tpu.memref_slice %arg16[%dma_wait3A_425, %dma_wait3A_426] : memref<3x32xi32, #tpu.memory_space<vmem>> -> memref<1x32xi32, #tpu.memory_space<vmem>>
        %dma_wait3A_428 = tpu.memref_squeeze %dma_wait3A_427 : memref<1x32xi32, #tpu.memory_space<vmem>> -> memref<32xi32, #tpu.memory_space<vmem>>
        %dma_wait3A_429 = tpu.memref_slice %arg6[%mul3A_2] : memref<320000xi32, #tpu.memory_space<hbm>> -> memref<32xi32, #tpu.memory_space<hbm>>
        %dma_wait3A_430 = arith.constant 0 : i32
        %dma_wait3A_431 = tpu.memref_slice %arg16[%dma_wait3A_425, %dma_wait3A_430] : memref<3x32xi32, #tpu.memory_space<vmem>> -> memref<1x32xi32, #tpu.memory_space<vmem>>
        %dma_wait3A_432 = tpu.memref_squeeze %dma_wait3A_431 : memref<1x32xi32, #tpu.memory_space<vmem>> -> memref<32xi32, #tpu.memory_space<vmem>>
        %dma_wait3A_433 = tpu.memref_slice %arg6[%mul3A_2] : memref<320000xi32, #tpu.memory_space<hbm>> -> memref<32xi32, #tpu.memory_space<hbm>>
        tpu.wait_dma2 semaphore(%arg19 : memref<!tpu.dma_semaphore, #tpu.memory_space<semaphore_mem>>) src(%dma_wait3A_433 : memref<32xi32, #tpu.memory_space<hbm>>) dst(%dma_wait3A_432 : memref<32xi32, #tpu.memory_space<vmem>>)
        %dma_wait3A_434 = arith.constant 0 : i32
        %dma_wait3A_435 = arith.constant 0 : i32
        %dma_wait3A_436 = tpu.memref_slice %arg17[%dma_wait3A_434, %dma_wait3A_435] : memref<3x48xi32, #tpu.memory_space<vmem>> -> memref<1x48xi32, #tpu.memory_space<vmem>>
        %dma_wait3A_437 = tpu.memref_squeeze %dma_wait3A_436 : memref<1x48xi32, #tpu.memory_space<vmem>> -> memref<48xi32, #tpu.memory_space<vmem>>
        %dma_wait3A_438 = tpu.memref_slice %arg6[%mul3A_2] : memref<320000xi32, #tpu.memory_space<hbm>> -> memref<48xi32, #tpu.memory_space<hbm>>
        %dma_wait3A_439 = arith.constant 0 : i32
        %dma_wait3A_440 = tpu.memref_slice %arg17[%dma_wait3A_434, %dma_wait3A_439] : memref<3x48xi32, #tpu.memory_space<vmem>> -> memref<1x48xi32, #tpu.memory_space<vmem>>
        %dma_wait3A_441 = tpu.memref_squeeze %dma_wait3A_440 : memref<1x48xi32, #tpu.memory_space<vmem>> -> memref<48xi32, #tpu.memory_space<vmem>>
        %dma_wait3A_442 = tpu.memref_slice %arg6[%mul3A_2] : memref<320000xi32, #tpu.memory_space<hbm>> -> memref<48xi32, #tpu.memory_space<hbm>>
        tpu.wait_dma2 semaphore(%arg19 : memref<!tpu.dma_semaphore, #tpu.memory_space<semaphore_mem>>) src(%dma_wait3A_442 : memref<48xi32, #tpu.memory_space<hbm>>) dst(%dma_wait3A_441 : memref<48xi32, #tpu.memory_space<vmem>>)
        %sub3A = arith.constant 1 : i32
        %sub3A_443 = arith.subi %sub3A, %rem3A_235 : i32
        %add3A_444 = arith.constant 1 : i32
        %add3A_445 = arith.addi %scan3A_233, %add3A_444 : i32
        %rem3A_446 = arith.constant 3 : i32
        %rem3A_447 = arith.remsi %add3A_445, %rem3A_446 : i32
        %dma_start3A_448 = arith.constant 0 : i32
        %dma_start3A_449 = tpu.memref_slice %arg14[%sub3A_443, %dma_start3A_448] : memref<2x80xf32, #tpu.memory_space<vmem>> -> memref<1x80xf32, #tpu.memory_space<vmem>>
        %dma_start3A_450 = tpu.memref_squeeze %dma_start3A_449 : memref<1x80xf32, #tpu.memory_space<vmem>> -> memref<80xf32, #tpu.memory_space<vmem>>
        %dma_start3A_451 = arith.constant 0 : i32
        %dma_start3A_452 = tpu.memref_slice %arg12[%rem3A_447, %dma_start3A_451] : memref<3x80xi32, #tpu.memory_space<vmem>> -> memref<1x80xi32, #tpu.memory_space<vmem>>
        %dma_start3A_453 = tpu.memref_squeeze %dma_start3A_452 : memref<1x80xi32, #tpu.memory_space<vmem>> -> memref<80xi32, #tpu.memory_space<vmem>>
        %dma_start3A_454 = arith.constant 0 : i32
        %dma_start3A_455 = tpu.memref_slice %arg3[%dma_start3A_454] : memref<10000xf32, #tpu.memory_space<hbm>> -> memref<10000xf32, #tpu.memory_space<hbm>>
        tpu.enqueue_indirect_dma source(%dma_start3A_455 : memref<10000xf32, #tpu.memory_space<hbm>>) target(%dma_start3A_450 : memref<80xf32, #tpu.memory_space<vmem>>) offsets(%dma_start3A_453 : memref<80xi32, #tpu.memory_space<vmem>>) semaphore(%arg20 : memref<!tpu.dma_semaphore, #tpu.memory_space<semaphore_mem>>)
        %dma_start3A_456 = arith.constant 0 : i32
        %dma_start3A_457 = tpu.memref_slice %arg15[%sub3A_443, %dma_start3A_456] : memref<2x80xf32, #tpu.memory_space<vmem>> -> memref<1x80xf32, #tpu.memory_space<vmem>>
        %dma_start3A_458 = tpu.memref_squeeze %dma_start3A_457 : memref<1x80xf32, #tpu.memory_space<vmem>> -> memref<80xf32, #tpu.memory_space<vmem>>
        %dma_start3A_459 = arith.constant 0 : i32
        %dma_start3A_460 = tpu.memref_slice %arg13[%rem3A_447, %dma_start3A_459] : memref<3x80xi32, #tpu.memory_space<vmem>> -> memref<1x80xi32, #tpu.memory_space<vmem>>
        %dma_start3A_461 = tpu.memref_squeeze %dma_start3A_460 : memref<1x80xi32, #tpu.memory_space<vmem>> -> memref<80xi32, #tpu.memory_space<vmem>>
        %dma_start3A_462 = arith.constant 0 : i32
        %dma_start3A_463 = tpu.memref_slice %arg4[%dma_start3A_462] : memref<10000xf32, #tpu.memory_space<hbm>> -> memref<10000xf32, #tpu.memory_space<hbm>>
        tpu.enqueue_indirect_dma source(%dma_start3A_463 : memref<10000xf32, #tpu.memory_space<hbm>>) target(%dma_start3A_458 : memref<80xf32, #tpu.memory_space<vmem>>) offsets(%dma_start3A_461 : memref<80xi32, #tpu.memory_space<vmem>>) semaphore(%arg20 : memref<!tpu.dma_semaphore, #tpu.memory_space<semaphore_mem>>)
        %sub3A_464 = arith.constant 1 : i32
        %sub3A_465 = arith.subi %sub3A_464, %rem3A_235 : i32
        %add3A_466 = arith.constant 1 : i32
        %add3A_467 = arith.addi %scan3A_233, %add3A_466 : i32
        %rem3A_468 = arith.constant 3 : i32
        %rem3A_469 = arith.remsi %add3A_467, %rem3A_468 : i32
        %mul3A_470 = arith.constant 80 : i32
        %mul3A_471 = arith.muli %sub3A_465, %mul3A_470 : i32
        %dma_start3A_472 = arith.constant 0 : i32
        %dma_start3A_473 = tpu.memref_slice %arg11[%mul3A_471, %dma_start3A_472] : memref<160x128xf32, #tpu.memory_space<vmem>> -> memref<80x128xf32, #tpu.memory_space<vmem>>
        %dma_start3A_474 = arith.constant 0 : i32
        %dma_start3A_475 = tpu.memref_slice %arg12[%rem3A_469, %dma_start3A_474] : memref<3x80xi32, #tpu.memory_space<vmem>> -> memref<1x80xi32, #tpu.memory_space<vmem>>
        %dma_start3A_476 = tpu.memref_squeeze %dma_start3A_475 : memref<1x80xi32, #tpu.memory_space<vmem>> -> memref<80xi32, #tpu.memory_space<vmem>>
        %dma_start3A_477 = arith.constant 0 : i32
        %dma_start3A_478 = arith.constant 0 : i32
        %dma_start3A_479 = tpu.memref_slice %arg2[%dma_start3A_477, %dma_start3A_478] : memref<10000x128xf32, #tpu.memory_space<hbm>> -> memref<10000x128xf32, #tpu.memory_space<hbm>>
        tpu.enqueue_indirect_dma source(%dma_start3A_479 : memref<10000x128xf32, #tpu.memory_space<hbm>>) target(%dma_start3A_473 : memref<80x128xf32, #tpu.memory_space<vmem>>) offsets(%dma_start3A_476 : memref<80xi32, #tpu.memory_space<vmem>>) semaphore(%arg21 : memref<!tpu.dma_semaphore, #tpu.memory_space<semaphore_mem>>)
      } else {
      }
      %add3A_352 = arith.constant 2 : i32
      %add3A_353 = arith.addi %scan3A_233, %add3A_352 : i32
      %lt3A_354 = arith.constant 125 : i32
      %lt3A_355 = arith.cmpi slt, %add3A_353, %lt3A_354 : i32
      %convert_element_type3A_356 = arith.extui %lt3A_355 : i1 to i32
      %cond3A_357 = arith.constant 0 : i32
      %cond3A_358 = arith.cmpi ne, %convert_element_type3A_356, %cond3A_357 : i32
      scf.if %cond3A_358 {
        %add3A_407 = arith.constant 2 : i32
        %add3A_408 = arith.addi %scan3A_233, %add3A_407 : i32
        %add3A_409 = arith.constant 2 : i32
        %add3A_410 = arith.addi %scan3A_233, %add3A_409 : i32
        %rem3A_411 = arith.constant 3 : i32
        %rem3A_412 = arith.remsi %add3A_410, %rem3A_411 : i32
        %mul3A_413 = arith.constant 80 : i32
        %mul3A_414 = arith.muli %add3A_408, %mul3A_413 : i32
        %add3A_415 = arith.addi %mul3A_2, %mul3A_414 : i32
        %dma_start3A_416 = arith.constant 0 : i32
        %dma_start3A_417 = tpu.memref_slice %arg12[%rem3A_412, %dma_start3A_416] : memref<3x80xi32, #tpu.memory_space<vmem>> -> memref<1x80xi32, #tpu.memory_space<vmem>>
        %dma_start3A_418 = tpu.memref_squeeze %dma_start3A_417 : memref<1x80xi32, #tpu.memory_space<vmem>> -> memref<80xi32, #tpu.memory_space<vmem>>
        %dma_start3A_419 = tpu.memref_slice %arg5[%add3A_415] : memref<320000xi32, #tpu.memory_space<hbm>> -> memref<80xi32, #tpu.memory_space<hbm>>
        %dma_start3A_420 = arith.constant 0 : i32
        %dma_start3A_421 = tpu.memref_slice %arg12[%rem3A_412, %dma_start3A_420] : memref<3x80xi32, #tpu.memory_space<vmem>> -> memref<1x80xi32, #tpu.memory_space<vmem>>
        %dma_start3A_422 = tpu.memref_squeeze %dma_start3A_421 : memref<1x80xi32, #tpu.memory_space<vmem>> -> memref<80xi32, #tpu.memory_space<vmem>>
        %dma_start3A_423 = tpu.memref_slice %arg5[%add3A_415] : memref<320000xi32, #tpu.memory_space<hbm>> -> memref<80xi32, #tpu.memory_space<hbm>>
        tpu.enqueue_dma source(%dma_start3A_423 : memref<80xi32, #tpu.memory_space<hbm>>) target(%dma_start3A_422 : memref<80xi32, #tpu.memory_space<vmem>>) target_semaphore(%arg19 : memref<!tpu.dma_semaphore, #tpu.memory_space<semaphore_mem>>)
        %mul3A_424 = arith.constant 80 : i32
        %mul3A_425 = arith.muli %add3A_408, %mul3A_424 : i32
        %add3A_426 = arith.addi %mul3A_2, %mul3A_425 : i32
        %dma_start3A_427 = arith.constant 0 : i32
        %dma_start3A_428 = tpu.memref_slice %arg13[%rem3A_412, %dma_start3A_427] : memref<3x80xi32, #tpu.memory_space<vmem>> -> memref<1x80xi32, #tpu.memory_space<vmem>>
        %dma_start3A_429 = tpu.memref_squeeze %dma_start3A_428 : memref<1x80xi32, #tpu.memory_space<vmem>> -> memref<80xi32, #tpu.memory_space<vmem>>
        %dma_start3A_430 = tpu.memref_slice %arg6[%add3A_426] : memref<320000xi32, #tpu.memory_space<hbm>> -> memref<80xi32, #tpu.memory_space<hbm>>
        %dma_start3A_431 = arith.constant 0 : i32
        %dma_start3A_432 = tpu.memref_slice %arg13[%rem3A_412, %dma_start3A_431] : memref<3x80xi32, #tpu.memory_space<vmem>> -> memref<1x80xi32, #tpu.memory_space<vmem>>
        %dma_start3A_433 = tpu.memref_squeeze %dma_start3A_432 : memref<1x80xi32, #tpu.memory_space<vmem>> -> memref<80xi32, #tpu.memory_space<vmem>>
        %dma_start3A_434 = tpu.memref_slice %arg6[%add3A_426] : memref<320000xi32, #tpu.memory_space<hbm>> -> memref<80xi32, #tpu.memory_space<hbm>>
        tpu.enqueue_dma source(%dma_start3A_434 : memref<80xi32, #tpu.memory_space<hbm>>) target(%dma_start3A_433 : memref<80xi32, #tpu.memory_space<vmem>>) target_semaphore(%arg19 : memref<!tpu.dma_semaphore, #tpu.memory_space<semaphore_mem>>)
        %mul3A_435 = arith.constant 80 : i32
        %mul3A_436 = arith.muli %add3A_408, %mul3A_435 : i32
        %add3A_437 = arith.addi %mul3A_2, %mul3A_436 : i32
        %dma_start3A_438 = arith.constant 0 : i32
        %dma_start3A_439 = tpu.memref_slice %arg16[%rem3A_412, %dma_start3A_438] : memref<3x32xi32, #tpu.memory_space<vmem>> -> memref<1x32xi32, #tpu.memory_space<vmem>>
        %dma_start3A_440 = tpu.memref_squeeze %dma_start3A_439 : memref<1x32xi32, #tpu.memory_space<vmem>> -> memref<32xi32, #tpu.memory_space<vmem>>
        %dma_start3A_441 = tpu.memref_slice %arg6[%add3A_437] : memref<320000xi32, #tpu.memory_space<hbm>> -> memref<32xi32, #tpu.memory_space<hbm>>
        %dma_start3A_442 = arith.constant 0 : i32
        %dma_start3A_443 = tpu.memref_slice %arg16[%rem3A_412, %dma_start3A_442] : memref<3x32xi32, #tpu.memory_space<vmem>> -> memref<1x32xi32, #tpu.memory_space<vmem>>
        %dma_start3A_444 = tpu.memref_squeeze %dma_start3A_443 : memref<1x32xi32, #tpu.memory_space<vmem>> -> memref<32xi32, #tpu.memory_space<vmem>>
        %dma_start3A_445 = tpu.memref_slice %arg6[%add3A_437] : memref<320000xi32, #tpu.memory_space<hbm>> -> memref<32xi32, #tpu.memory_space<hbm>>
        tpu.enqueue_dma source(%dma_start3A_445 : memref<32xi32, #tpu.memory_space<hbm>>) target(%dma_start3A_444 : memref<32xi32, #tpu.memory_space<vmem>>) target_semaphore(%arg19 : memref<!tpu.dma_semaphore, #tpu.memory_space<semaphore_mem>>)
        %mul3A_446 = arith.constant 80 : i32
        %mul3A_447 = arith.muli %add3A_408, %mul3A_446 : i32
        %add3A_448 = arith.addi %mul3A_2, %mul3A_447 : i32
        %add3A_449 = arith.constant 32 : i32
        %add3A_450 = arith.addi %add3A_448, %add3A_449 : i32
        %dma_start3A_451 = arith.constant 0 : i32
        %dma_start3A_452 = tpu.memref_slice %arg17[%rem3A_412, %dma_start3A_451] : memref<3x48xi32, #tpu.memory_space<vmem>> -> memref<1x48xi32, #tpu.memory_space<vmem>>
        %dma_start3A_453 = tpu.memref_squeeze %dma_start3A_452 : memref<1x48xi32, #tpu.memory_space<vmem>> -> memref<48xi32, #tpu.memory_space<vmem>>
        %dma_start3A_454 = tpu.memref_slice %arg6[%add3A_450] : memref<320000xi32, #tpu.memory_space<hbm>> -> memref<48xi32, #tpu.memory_space<hbm>>
        %dma_start3A_455 = arith.constant 0 : i32
        %dma_start3A_456 = tpu.memref_slice %arg17[%rem3A_412, %dma_start3A_455] : memref<3x48xi32, #tpu.memory_space<vmem>> -> memref<1x48xi32, #tpu.memory_space<vmem>>
        %dma_start3A_457 = tpu.memref_squeeze %dma_start3A_456 : memref<1x48xi32, #tpu.memory_space<vmem>> -> memref<48xi32, #tpu.memory_space<vmem>>
        %dma_start3A_458 = tpu.memref_slice %arg6[%add3A_450] : memref<320000xi32, #tpu.memory_space<hbm>> -> memref<48xi32, #tpu.memory_space<hbm>>
        tpu.enqueue_dma source(%dma_start3A_458 : memref<48xi32, #tpu.memory_space<hbm>>) target(%dma_start3A_457 : memref<48xi32, #tpu.memory_space<vmem>>) target_semaphore(%arg19 : memref<!tpu.dma_semaphore, #tpu.memory_space<semaphore_mem>>)
      } else {
      }
      %mul3A_359 = arith.constant 80 : i32
      %mul3A_360 = arith.muli %rem3A_235, %mul3A_359 : i32
      %dma_wait3A_361 = arith.constant 0 : i32
      %dma_wait3A_362 = tpu.memref_slice %arg11[%mul3A_360, %dma_wait3A_361] : memref<160x128xf32, #tpu.memory_space<vmem>> -> memref<80x128xf32, #tpu.memory_space<vmem>>
      %dma_wait3A_363 = arith.constant 0 : i32
      %dma_wait3A_364 = tpu.memref_slice %arg12[%rem3A_237, %dma_wait3A_363] : memref<3x80xi32, #tpu.memory_space<vmem>> -> memref<1x80xi32, #tpu.memory_space<vmem>>
      %dma_wait3A_365 = tpu.memref_squeeze %dma_wait3A_364 : memref<1x80xi32, #tpu.memory_space<vmem>> -> memref<80xi32, #tpu.memory_space<vmem>>
      %dma_wait3A_366 = arith.constant 0 : i32
      %dma_wait3A_367 = arith.constant 0 : i32
      %dma_wait3A_368 = tpu.memref_slice %arg2[%dma_wait3A_366, %dma_wait3A_367] : memref<10000x128xf32, #tpu.memory_space<hbm>> -> memref<10000x128xf32, #tpu.memory_space<hbm>>
      tpu.wait_indirect_dma semaphore(%arg21 : memref<!tpu.dma_semaphore, #tpu.memory_space<semaphore_mem>>) src(%dma_wait3A_368 : memref<10000x128xf32, #tpu.memory_space<hbm>>) dst(%dma_wait3A_362 : memref<80x128xf32, #tpu.memory_space<vmem>>)
      %parallel_loop3A = arith.constant 0 : i32
      %parallel_loop3A_369 = arith.constant 16 : i32
      %parallel_loop3A_370 = arith.constant 1 : i32
      scf.for %parallel_loop3A_407 = %parallel_loop3A to %parallel_loop3A_369 step %parallel_loop3A_370  : i32 {
        %parallel_loop3A_408 = arith.constant 80 : i32
        %parallel_loop3A_409 = arith.muli %rem3A_235, %parallel_loop3A_408 : i32
        %parallel_loop3A_410 = arith.constant 0 : i32
        %parallel_loop3A_411 = arith.addi %parallel_loop3A_409, %parallel_loop3A_410 : i32
        %parallel_loop3A_412 = arith.addi %parallel_loop3A_411, %parallel_loop3A_407 : i32
        %parallel_loop3A_413 = arith.constant 0 : i32
        %parallel_loop3A_414 = vector.broadcast %parallel_loop3A_413 : i32 to vector<16xi32>
        %parallel_loop3A_415 = vector.broadcast %parallel_loop3A_407 : i32 to vector<16xi32>
        %parallel_loop3A_416 = arith.addi %parallel_loop3A_414, %parallel_loop3A_415 : vector<16xi32>
        %parallel_loop3A_417 = arith.constant 0 : i32
        %parallel_loop3A_418 = vector.broadcast %parallel_loop3A_417 : i32 to vector<16xi32>
        %parallel_loop3A_419 = arith.cmpi slt, %parallel_loop3A_416, %parallel_loop3A_418 : vector<16xi32>
        %parallel_loop3A_420 = arith.constant 16 : i32
        %parallel_loop3A_421 = vector.broadcast %parallel_loop3A_420 : i32 to vector<16xi32>
        %parallel_loop3A_422 = arith.addi %parallel_loop3A_416, %parallel_loop3A_421 : vector<16xi32>
        %parallel_loop3A_423 = arith.select %parallel_loop3A_419, %parallel_loop3A_422, %parallel_loop3A_416 : vector<16xi1>, vector<16xi32>
        %parallel_loop3A_424 = vector.shape_cast %parallel_loop3A_423 : vector<16xi32> to vector<16x1xi32>
        %parallel_loop3A_425 = vector.shape_cast %parallel_loop3A_424 : vector<16x1xi32> to vector<16xi32>
        %parallel_loop3A_426 = tpu.dynamic_gather %exp3A[%parallel_loop3A_425] in [0] : vector<16xf32>, vector<16xi32> -> vector<16xf32>
        %parallel_loop3A_427 = arith.index_cast %parallel_loop3A_412 : i32 to index
        %parallel_loop3A_428 = arith.constant 0 : index
        %parallel_loop3A_429 = tpu.vector_load %arg11[%parallel_loop3A_427, %parallel_loop3A_428] {strides = array<i32>} : memref<160x128xf32, #tpu.memory_space<vmem>>, vector<16xf32>,
        %parallel_loop3A_430 = arith.mulf %parallel_loop3A_429, %parallel_loop3A_426 : vector<16xf32>
        %parallel_loop3A_431 = arith.index_cast %parallel_loop3A_412 : i32 to index
        %parallel_loop3A_432 = arith.constant 0 : index
        %parallel_loop3A_433 = tpu.vector_load %arg11[%parallel_loop3A_431, %parallel_loop3A_432] {strides = array<i32>} : memref<160x128xf32, #tpu.memory_space<vmem>>, vector<16xf32>,
        tpu.vector_store %arg11[%parallel_loop3A_431, %parallel_loop3A_432], %parallel_loop3A_430 {strides = array<i32>} : memref<160x128xf32, #tpu.memory_space<vmem>>, vector<16xf32>,
        %parallel_loop3A_434 = arith.index_cast %parallel_loop3A_412 : i32 to index
        %parallel_loop3A_435 = arith.constant 16 : index
        %parallel_loop3A_436 = tpu.vector_load %arg11[%parallel_loop3A_434, %parallel_loop3A_435] {strides = array<i32>} : memref<160x128xf32, #tpu.memory_space<vmem>>, vector<16xf32>,
        %parallel_loop3A_437 = arith.mulf %parallel_loop3A_436, %parallel_loop3A_426 : vector<16xf32>
        %parallel_loop3A_438 = arith.index_cast %parallel_loop3A_412 : i32 to index
        %parallel_loop3A_439 = arith.constant 16 : index
        %parallel_loop3A_440 = tpu.vector_load %arg11[%parallel_loop3A_438, %parallel_loop3A_439] {strides = array<i32>} : memref<160x128xf32, #tpu.memory_space<vmem>>, vector<16xf32>,
        tpu.vector_store %arg11[%parallel_loop3A_438, %parallel_loop3A_439], %parallel_loop3A_437 {strides = array<i32>} : memref<160x128xf32, #tpu.memory_space<vmem>>, vector<16xf32>,
        %parallel_loop3A_441 = arith.index_cast %parallel_loop3A_412 : i32 to index
        %parallel_loop3A_442 = arith.constant 32 : index
        %parallel_loop3A_443 = tpu.vector_load %arg11[%parallel_loop3A_441, %parallel_loop3A_442] {strides = array<i32>} : memref<160x128xf32, #tpu.memory_space<vmem>>, vector<16xf32>,
        %parallel_loop3A_444 = arith.mulf %parallel_loop3A_443, %parallel_loop3A_426 : vector<16xf32>
        %parallel_loop3A_445 = arith.index_cast %parallel_loop3A_412 : i32 to index
        %parallel_loop3A_446 = arith.constant 32 : index
        %parallel_loop3A_447 = tpu.vector_load %arg11[%parallel_loop3A_445, %parallel_loop3A_446] {strides = array<i32>} : memref<160x128xf32, #tpu.memory_space<vmem>>, vector<16xf32>,
        tpu.vector_store %arg11[%parallel_loop3A_445, %parallel_loop3A_446], %parallel_loop3A_444 {strides = array<i32>} : memref<160x128xf32, #tpu.memory_space<vmem>>, vector<16xf32>,
        %parallel_loop3A_448 = arith.index_cast %parallel_loop3A_412 : i32 to index
        %parallel_loop3A_449 = arith.constant 48 : index
        %parallel_loop3A_450 = tpu.vector_load %arg11[%parallel_loop3A_448, %parallel_loop3A_449] {strides = array<i32>} : memref<160x128xf32, #tpu.memory_space<vmem>>, vector<16xf32>,
        %parallel_loop3A_451 = arith.mulf %parallel_loop3A_450, %parallel_loop3A_426 : vector<16xf32>
        %parallel_loop3A_452 = arith.index_cast %parallel_loop3A_412 : i32 to index
        %parallel_loop3A_453 = arith.constant 48 : index
        %parallel_loop3A_454 = tpu.vector_load %arg11[%parallel_loop3A_452, %parallel_loop3A_453] {strides = array<i32>} : memref<160x128xf32, #tpu.memory_space<vmem>>, vector<16xf32>,
        tpu.vector_store %arg11[%parallel_loop3A_452, %parallel_loop3A_453], %parallel_loop3A_451 {strides = array<i32>} : memref<160x128xf32, #tpu.memory_space<vmem>>, vector<16xf32>,
        %parallel_loop3A_455 = arith.index_cast %parallel_loop3A_412 : i32 to index
        %parallel_loop3A_456 = arith.constant 64 : index
        %parallel_loop3A_457 = tpu.vector_load %arg11[%parallel_loop3A_455, %parallel_loop3A_456] {strides = array<i32>} : memref<160x128xf32, #tpu.memory_space<vmem>>, vector<16xf32>,
        %parallel_loop3A_458 = arith.mulf %parallel_loop3A_457, %parallel_loop3A_426 : vector<16xf32>
        %parallel_loop3A_459 = arith.index_cast %parallel_loop3A_412 : i32 to index
        %parallel_loop3A_460 = arith.constant 64 : index
        %parallel_loop3A_461 = tpu.vector_load %arg11[%parallel_loop3A_459, %parallel_loop3A_460] {strides = array<i32>} : memref<160x128xf32, #tpu.memory_space<vmem>>, vector<16xf32>,
        tpu.vector_store %arg11[%parallel_loop3A_459, %parallel_loop3A_460], %parallel_loop3A_458 {strides = array<i32>} : memref<160x128xf32, #tpu.memory_space<vmem>>, vector<16xf32>,
        %parallel_loop3A_462 = arith.index_cast %parallel_loop3A_412 : i32 to index
        %parallel_loop3A_463 = arith.constant 80 : index
        %parallel_loop3A_464 = tpu.vector_load %arg11[%parallel_loop3A_462, %parallel_loop3A_463] {strides = array<i32>} : memref<160x128xf32, #tpu.memory_space<vmem>>, vector<16xf32>,
        %parallel_loop3A_465 = arith.mulf %parallel_loop3A_464, %parallel_loop3A_426 : vector<16xf32>
        %parallel_loop3A_466 = arith.index_cast %parallel_loop3A_412 : i32 to index
        %parallel_loop3A_467 = arith.constant 80 : index
        %parallel_loop3A_468 = tpu.vector_load %arg11[%parallel_loop3A_466, %parallel_loop3A_467] {strides = array<i32>} : memref<160x128xf32, #tpu.memory_space<vmem>>, vector<16xf32>,
        tpu.vector_store %arg11[%parallel_loop3A_466, %parallel_loop3A_467], %parallel_loop3A_465 {strides = array<i32>} : memref<160x128xf32, #tpu.memory_space<vmem>>, vector<16xf32>,
        %parallel_loop3A_469 = arith.index_cast %parallel_loop3A_412 : i32 to index
        %parallel_loop3A_470 = arith.constant 96 : index
        %parallel_loop3A_471 = tpu.vector_load %arg11[%parallel_loop3A_469, %parallel_loop3A_470] {strides = array<i32>} : memref<160x128xf32, #tpu.memory_space<vmem>>, vector<16xf32>,
        %parallel_loop3A_472 = arith.mulf %parallel_loop3A_471, %parallel_loop3A_426 : vector<16xf32>
        %parallel_loop3A_473 = arith.index_cast %parallel_loop3A_412 : i32 to index
        %parallel_loop3A_474 = arith.constant 96 : index
        %parallel_loop3A_475 = tpu.vector_load %arg11[%parallel_loop3A_473, %parallel_loop3A_474] {strides = array<i32>} : memref<160x128xf32, #tpu.memory_space<vmem>>, vector<16xf32>,
        tpu.vector_store %arg11[%parallel_loop3A_473, %parallel_loop3A_474], %parallel_loop3A_472 {strides = array<i32>} : memref<160x128xf32, #tpu.memory_space<vmem>>, vector<16xf32>,
        %parallel_loop3A_476 = arith.index_cast %parallel_loop3A_412 : i32 to index
        %parallel_loop3A_477 = arith.constant 112 : index
        %parallel_loop3A_478 = tpu.vector_load %arg11[%parallel_loop3A_476, %parallel_loop3A_477] {strides = array<i32>} : memref<160x128xf32, #tpu.memory_space<vmem>>, vector<16xf32>,
        %parallel_loop3A_479 = arith.mulf %parallel_loop3A_478, %parallel_loop3A_426 : vector<16xf32>
        %parallel_loop3A_480 = arith.index_cast %parallel_loop3A_412 : i32 to index
        %parallel_loop3A_481 = arith.constant 112 : index
        %parallel_loop3A_482 = tpu.vector_load %arg11[%parallel_loop3A_480, %parallel_loop3A_481] {strides = array<i32>} : memref<160x128xf32, #tpu.memory_space<vmem>>, vector<16xf32>,
        tpu.vector_store %arg11[%parallel_loop3A_480, %parallel_loop3A_481], %parallel_loop3A_479 {strides = array<i32>} : memref<160x128xf32, #tpu.memory_space<vmem>>, vector<16xf32>,
      } {sc.loop_unroll_factor = 8 : i64, sc.parallel_access}
      %parallel_loop3A_371 = arith.constant 0 : i32
      %parallel_loop3A_372 = arith.constant 16 : i32
      %parallel_loop3A_373 = arith.constant 1 : i32
      scf.for %parallel_loop3A_407 = %parallel_loop3A_371 to %parallel_loop3A_372 step %parallel_loop3A_373  : i32 {
        %parallel_loop3A_408 = arith.constant 80 : i32
        %parallel_loop3A_409 = arith.muli %rem3A_235, %parallel_loop3A_408 : i32
        %parallel_loop3A_410 = arith.constant 16 : i32
        %parallel_loop3A_411 = arith.addi %parallel_loop3A_409, %parallel_loop3A_410 : i32
        %parallel_loop3A_412 = arith.addi %parallel_loop3A_411, %parallel_loop3A_407 : i32
        %parallel_loop3A_413 = arith.constant 0 : i32
        %parallel_loop3A_414 = vector.broadcast %parallel_loop3A_413 : i32 to vector<16xi32>
        %parallel_loop3A_415 = vector.broadcast %parallel_loop3A_407 : i32 to vector<16xi32>
        %parallel_loop3A_416 = arith.addi %parallel_loop3A_414, %parallel_loop3A_415 : vector<16xi32>
        %parallel_loop3A_417 = arith.constant 0 : i32
        %parallel_loop3A_418 = vector.broadcast %parallel_loop3A_417 : i32 to vector<16xi32>
        %parallel_loop3A_419 = arith.cmpi slt, %parallel_loop3A_416, %parallel_loop3A_418 : vector<16xi32>
        %parallel_loop3A_420 = arith.constant 16 : i32
        %parallel_loop3A_421 = vector.broadcast %parallel_loop3A_420 : i32 to vector<16xi32>
        %parallel_loop3A_422 = arith.addi %parallel_loop3A_416, %parallel_loop3A_421 : vector<16xi32>
        %parallel_loop3A_423 = arith.select %parallel_loop3A_419, %parallel_loop3A_422, %parallel_loop3A_416 : vector<16xi1>, vector<16xi32>
        %parallel_loop3A_424 = vector.shape_cast %parallel_loop3A_423 : vector<16xi32> to vector<16x1xi32>
        %parallel_loop3A_425 = vector.shape_cast %parallel_loop3A_424 : vector<16x1xi32> to vector<16xi32>
        %parallel_loop3A_426 = tpu.dynamic_gather %exp3A_285[%parallel_loop3A_425] in [0] : vector<16xf32>, vector<16xi32> -> vector<16xf32>
        %parallel_loop3A_427 = arith.index_cast %parallel_loop3A_412 : i32 to index
        %parallel_loop3A_428 = arith.constant 0 : index
        %parallel_loop3A_429 = tpu.vector_load %arg11[%parallel_loop3A_427, %parallel_loop3A_428] {strides = array<i32>} : memref<160x128xf32, #tpu.memory_space<vmem>>, vector<16xf32>,
        %parallel_loop3A_430 = arith.mulf %parallel_loop3A_429, %parallel_loop3A_426 : vector<16xf32>
        %parallel_loop3A_431 = arith.index_cast %parallel_loop3A_412 : i32 to index
        %parallel_loop3A_432 = arith.constant 0 : index
        %parallel_loop3A_433 = tpu.vector_load %arg11[%parallel_loop3A_431, %parallel_loop3A_432] {strides = array<i32>} : memref<160x128xf32, #tpu.memory_space<vmem>>, vector<16xf32>,
        tpu.vector_store %arg11[%parallel_loop3A_431, %parallel_loop3A_432], %parallel_loop3A_430 {strides = array<i32>} : memref<160x128xf32, #tpu.memory_space<vmem>>, vector<16xf32>,
        %parallel_loop3A_434 = arith.index_cast %parallel_loop3A_412 : i32 to index
        %parallel_loop3A_435 = arith.constant 16 : index
        %parallel_loop3A_436 = tpu.vector_load %arg11[%parallel_loop3A_434, %parallel_loop3A_435] {strides = array<i32>} : memref<160x128xf32, #tpu.memory_space<vmem>>, vector<16xf32>,
        %parallel_loop3A_437 = arith.mulf %parallel_loop3A_436, %parallel_loop3A_426 : vector<16xf32>
        %parallel_loop3A_438 = arith.index_cast %parallel_loop3A_412 : i32 to index
        %parallel_loop3A_439 = arith.constant 16 : index
        %parallel_loop3A_440 = tpu.vector_load %arg11[%parallel_loop3A_438, %parallel_loop3A_439] {strides = array<i32>} : memref<160x128xf32, #tpu.memory_space<vmem>>, vector<16xf32>,
        tpu.vector_store %arg11[%parallel_loop3A_438, %parallel_loop3A_439], %parallel_loop3A_437 {strides = array<i32>} : memref<160x128xf32, #tpu.memory_space<vmem>>, vector<16xf32>,
        %parallel_loop3A_441 = arith.index_cast %parallel_loop3A_412 : i32 to index
        %parallel_loop3A_442 = arith.constant 32 : index
        %parallel_loop3A_443 = tpu.vector_load %arg11[%parallel_loop3A_441, %parallel_loop3A_442] {strides = array<i32>} : memref<160x128xf32, #tpu.memory_space<vmem>>, vector<16xf32>,
        %parallel_loop3A_444 = arith.mulf %parallel_loop3A_443, %parallel_loop3A_426 : vector<16xf32>
        %parallel_loop3A_445 = arith.index_cast %parallel_loop3A_412 : i32 to index
        %parallel_loop3A_446 = arith.constant 32 : index
        %parallel_loop3A_447 = tpu.vector_load %arg11[%parallel_loop3A_445, %parallel_loop3A_446] {strides = array<i32>} : memref<160x128xf32, #tpu.memory_space<vmem>>, vector<16xf32>,
        tpu.vector_store %arg11[%parallel_loop3A_445, %parallel_loop3A_446], %parallel_loop3A_444 {strides = array<i32>} : memref<160x128xf32, #tpu.memory_space<vmem>>, vector<16xf32>,
        %parallel_loop3A_448 = arith.index_cast %parallel_loop3A_412 : i32 to index
        %parallel_loop3A_449 = arith.constant 48 : index
        %parallel_loop3A_450 = tpu.vector_load %arg11[%parallel_loop3A_448, %parallel_loop3A_449] {strides = array<i32>} : memref<160x128xf32, #tpu.memory_space<vmem>>, vector<16xf32>,
        %parallel_loop3A_451 = arith.mulf %parallel_loop3A_450, %parallel_loop3A_426 : vector<16xf32>
        %parallel_loop3A_452 = arith.index_cast %parallel_loop3A_412 : i32 to index
        %parallel_loop3A_453 = arith.constant 48 : index
        %parallel_loop3A_454 = tpu.vector_load %arg11[%parallel_loop3A_452, %parallel_loop3A_453] {strides = array<i32>} : memref<160x128xf32, #tpu.memory_space<vmem>>, vector<16xf32>,
        tpu.vector_store %arg11[%parallel_loop3A_452, %parallel_loop3A_453], %parallel_loop3A_451 {strides = array<i32>} : memref<160x128xf32, #tpu.memory_space<vmem>>, vector<16xf32>,
        %parallel_loop3A_455 = arith.index_cast %parallel_loop3A_412 : i32 to index
        %parallel_loop3A_456 = arith.constant 64 : index
        %parallel_loop3A_457 = tpu.vector_load %arg11[%parallel_loop3A_455, %parallel_loop3A_456] {strides = array<i32>} : memref<160x128xf32, #tpu.memory_space<vmem>>, vector<16xf32>,
        %parallel_loop3A_458 = arith.mulf %parallel_loop3A_457, %parallel_loop3A_426 : vector<16xf32>
        %parallel_loop3A_459 = arith.index_cast %parallel_loop3A_412 : i32 to index
        %parallel_loop3A_460 = arith.constant 64 : index
        %parallel_loop3A_461 = tpu.vector_load %arg11[%parallel_loop3A_459, %parallel_loop3A_460] {strides = array<i32>} : memref<160x128xf32, #tpu.memory_space<vmem>>, vector<16xf32>,
        tpu.vector_store %arg11[%parallel_loop3A_459, %parallel_loop3A_460], %parallel_loop3A_458 {strides = array<i32>} : memref<160x128xf32, #tpu.memory_space<vmem>>, vector<16xf32>,
        %parallel_loop3A_462 = arith.index_cast %parallel_loop3A_412 : i32 to index
        %parallel_loop3A_463 = arith.constant 80 : index
        %parallel_loop3A_464 = tpu.vector_load %arg11[%parallel_loop3A_462, %parallel_loop3A_463] {strides = array<i32>} : memref<160x128xf32, #tpu.memory_space<vmem>>, vector<16xf32>,
        %parallel_loop3A_465 = arith.mulf %parallel_loop3A_464, %parallel_loop3A_426 : vector<16xf32>
        %parallel_loop3A_466 = arith.index_cast %parallel_loop3A_412 : i32 to index
        %parallel_loop3A_467 = arith.constant 80 : index
        %parallel_loop3A_468 = tpu.vector_load %arg11[%parallel_loop3A_466, %parallel_loop3A_467] {strides = array<i32>} : memref<160x128xf32, #tpu.memory_space<vmem>>, vector<16xf32>,
        tpu.vector_store %arg11[%parallel_loop3A_466, %parallel_loop3A_467], %parallel_loop3A_465 {strides = array<i32>} : memref<160x128xf32, #tpu.memory_space<vmem>>, vector<16xf32>,
        %parallel_loop3A_469 = arith.index_cast %parallel_loop3A_412 : i32 to index
        %parallel_loop3A_470 = arith.constant 96 : index
        %parallel_loop3A_471 = tpu.vector_load %arg11[%parallel_loop3A_469, %parallel_loop3A_470] {strides = array<i32>} : memref<160x128xf32, #tpu.memory_space<vmem>>, vector<16xf32>,
        %parallel_loop3A_472 = arith.mulf %parallel_loop3A_471, %parallel_loop3A_426 : vector<16xf32>
        %parallel_loop3A_473 = arith.index_cast %parallel_loop3A_412 : i32 to index
        %parallel_loop3A_474 = arith.constant 96 : index
        %parallel_loop3A_475 = tpu.vector_load %arg11[%parallel_loop3A_473, %parallel_loop3A_474] {strides = array<i32>} : memref<160x128xf32, #tpu.memory_space<vmem>>, vector<16xf32>,
        tpu.vector_store %arg11[%parallel_loop3A_473, %parallel_loop3A_474], %parallel_loop3A_472 {strides = array<i32>} : memref<160x128xf32, #tpu.memory_space<vmem>>, vector<16xf32>,
        %parallel_loop3A_476 = arith.index_cast %parallel_loop3A_412 : i32 to index
        %parallel_loop3A_477 = arith.constant 112 : index
        %parallel_loop3A_478 = tpu.vector_load %arg11[%parallel_loop3A_476, %parallel_loop3A_477] {strides = array<i32>} : memref<160x128xf32, #tpu.memory_space<vmem>>, vector<16xf32>,
        %parallel_loop3A_479 = arith.mulf %parallel_loop3A_478, %parallel_loop3A_426 : vector<16xf32>
        %parallel_loop3A_480 = arith.index_cast %parallel_loop3A_412 : i32 to index
        %parallel_loop3A_481 = arith.constant 112 : index
        %parallel_loop3A_482 = tpu.vector_load %arg11[%parallel_loop3A_480, %parallel_loop3A_481] {strides = array<i32>} : memref<160x128xf32, #tpu.memory_space<vmem>>, vector<16xf32>,
        tpu.vector_store %arg11[%parallel_loop3A_480, %parallel_loop3A_481], %parallel_loop3A_479 {strides = array<i32>} : memref<160x128xf32, #tpu.memory_space<vmem>>, vector<16xf32>,
      } {sc.loop_unroll_factor = 8 : i64, sc.parallel_access}
      %mul3A_374 = arith.constant 80 : i32
      %mul3A_375 = arith.muli %rem3A_235, %mul3A_374 : i32
      %add3A_376 = arith.constant 0 : i32
      %add3A_377 = arith.addi %mul3A_375, %add3A_376 : i32
      %dma_start3A_378 = arith.constant 0 : i32
      %dma_start3A_379 = tpu.memref_slice %arg11[%add3A_377, %dma_start3A_378] : memref<160x128xf32, #tpu.memory_space<vmem>> -> memref<32x128xf32, #tpu.memory_space<vmem>>
      %dma_start3A_380 = arith.constant 0 : i32
      %dma_start3A_381 = tpu.memref_slice %arg16[%rem3A_237, %dma_start3A_380] : memref<3x32xi32, #tpu.memory_space<vmem>> -> memref<1x32xi32, #tpu.memory_space<vmem>>
      %dma_start3A_382 = tpu.memref_squeeze %dma_start3A_381 : memref<1x32xi32, #tpu.memory_space<vmem>> -> memref<32xi32, #tpu.memory_space<vmem>>
      %dma_start3A_383 = arith.constant 0 : i32
      %dma_start3A_384 = arith.constant 0 : i32
      %dma_start3A_385 = tpu.memref_slice %arg18[%dma_start3A_383, %dma_start3A_384] : memref<10000x128xf32, #tpu.memory_space<vmem_shared>> -> memref<10000x128xf32, #tpu.memory_space<vmem_shared>>
      tpu.enqueue_indirect_dma source(%dma_start3A_379 : memref<32x128xf32, #tpu.memory_space<vmem>>) target(%dma_start3A_385 : memref<10000x128xf32, #tpu.memory_space<vmem_shared>>) offsets(%dma_start3A_382 : memref<32xi32, #tpu.memory_space<vmem>>) semaphore(%arg22 : memref<!tpu.dma_semaphore, #tpu.memory_space<semaphore_mem>>) {add = true}
      %parallel_loop3A_386 = arith.constant 0 : i32
      %parallel_loop3A_387 = arith.constant 16 : i32
      %parallel_loop3A_388 = arith.constant 1 : i32
      scf.for %parallel_loop3A_407 = %parallel_loop3A_386 to %parallel_loop3A_387 step %parallel_loop3A_388  : i32 {
        %parallel_loop3A_408 = arith.constant 80 : i32
        %parallel_loop3A_409 = arith.muli %rem3A_235, %parallel_loop3A_408 : i32
        %parallel_loop3A_410 = arith.constant 32 : i32
        %parallel_loop3A_411 = arith.addi %parallel_loop3A_409, %parallel_loop3A_410 : i32
        %parallel_loop3A_412 = arith.addi %parallel_loop3A_411, %parallel_loop3A_407 : i32
        %parallel_loop3A_413 = arith.constant 0 : i32
        %parallel_loop3A_414 = vector.broadcast %parallel_loop3A_413 : i32 to vector<16xi32>
        %parallel_loop3A_415 = vector.broadcast %parallel_loop3A_407 : i32 to vector<16xi32>
        %parallel_loop3A_416 = arith.addi %parallel_loop3A_414, %parallel_loop3A_415 : vector<16xi32>
        %parallel_loop3A_417 = arith.constant 0 : i32
        %parallel_loop3A_418 = vector.broadcast %parallel_loop3A_417 : i32 to vector<16xi32>
        %parallel_loop3A_419 = arith.cmpi slt, %parallel_loop3A_416, %parallel_loop3A_418 : vector<16xi32>
        %parallel_loop3A_420 = arith.constant 16 : i32
        %parallel_loop3A_421 = vector.broadcast %parallel_loop3A_420 : i32 to vector<16xi32>
        %parallel_loop3A_422 = arith.addi %parallel_loop3A_416, %parallel_loop3A_421 : vector<16xi32>
        %parallel_loop3A_423 = arith.select %parallel_loop3A_419, %parallel_loop3A_422, %parallel_loop3A_416 : vector<16xi1>, vector<16xi32>
        %parallel_loop3A_424 = vector.shape_cast %parallel_loop3A_423 : vector<16xi32> to vector<16x1xi32>
        %parallel_loop3A_425 = vector.shape_cast %parallel_loop3A_424 : vector<16x1xi32> to vector<16xi32>
        %parallel_loop3A_426 = tpu.dynamic_gather %exp3A_303[%parallel_loop3A_425] in [0] : vector<16xf32>, vector<16xi32> -> vector<16xf32>
        %parallel_loop3A_427 = arith.index_cast %parallel_loop3A_412 : i32 to index
        %parallel_loop3A_428 = arith.constant 0 : index
        %parallel_loop3A_429 = tpu.vector_load %arg11[%parallel_loop3A_427, %parallel_loop3A_428] {strides = array<i32>} : memref<160x128xf32, #tpu.memory_space<vmem>>, vector<16xf32>,
        %parallel_loop3A_430 = arith.mulf %parallel_loop3A_429, %parallel_loop3A_426 : vector<16xf32>
        %parallel_loop3A_431 = arith.index_cast %parallel_loop3A_412 : i32 to index
        %parallel_loop3A_432 = arith.constant 0 : index
        %parallel_loop3A_433 = tpu.vector_load %arg11[%parallel_loop3A_431, %parallel_loop3A_432] {strides = array<i32>} : memref<160x128xf32, #tpu.memory_space<vmem>>, vector<16xf32>,
        tpu.vector_store %arg11[%parallel_loop3A_431, %parallel_loop3A_432], %parallel_loop3A_430 {strides = array<i32>} : memref<160x128xf32, #tpu.memory_space<vmem>>, vector<16xf32>,
        %parallel_loop3A_434 = arith.index_cast %parallel_loop3A_412 : i32 to index
        %parallel_loop3A_435 = arith.constant 16 : index
        %parallel_loop3A_436 = tpu.vector_load %arg11[%parallel_loop3A_434, %parallel_loop3A_435] {strides = array<i32>} : memref<160x128xf32, #tpu.memory_space<vmem>>, vector<16xf32>,
        %parallel_loop3A_437 = arith.mulf %parallel_loop3A_436, %parallel_loop3A_426 : vector<16xf32>
        %parallel_loop3A_438 = arith.index_cast %parallel_loop3A_412 : i32 to index
        %parallel_loop3A_439 = arith.constant 16 : index
        %parallel_loop3A_440 = tpu.vector_load %arg11[%parallel_loop3A_438, %parallel_loop3A_439] {strides = array<i32>} : memref<160x128xf32, #tpu.memory_space<vmem>>, vector<16xf32>,
        tpu.vector_store %arg11[%parallel_loop3A_438, %parallel_loop3A_439], %parallel_loop3A_437 {strides = array<i32>} : memref<160x128xf32, #tpu.memory_space<vmem>>, vector<16xf32>,
        %parallel_loop3A_441 = arith.index_cast %parallel_loop3A_412 : i32 to index
        %parallel_loop3A_442 = arith.constant 32 : index
        %parallel_loop3A_443 = tpu.vector_load %arg11[%parallel_loop3A_441, %parallel_loop3A_442] {strides = array<i32>} : memref<160x128xf32, #tpu.memory_space<vmem>>, vector<16xf32>,
        %parallel_loop3A_444 = arith.mulf %parallel_loop3A_443, %parallel_loop3A_426 : vector<16xf32>
        %parallel_loop3A_445 = arith.index_cast %parallel_loop3A_412 : i32 to index
        %parallel_loop3A_446 = arith.constant 32 : index
        %parallel_loop3A_447 = tpu.vector_load %arg11[%parallel_loop3A_445, %parallel_loop3A_446] {strides = array<i32>} : memref<160x128xf32, #tpu.memory_space<vmem>>, vector<16xf32>,
        tpu.vector_store %arg11[%parallel_loop3A_445, %parallel_loop3A_446], %parallel_loop3A_444 {strides = array<i32>} : memref<160x128xf32, #tpu.memory_space<vmem>>, vector<16xf32>,
        %parallel_loop3A_448 = arith.index_cast %parallel_loop3A_412 : i32 to index
        %parallel_loop3A_449 = arith.constant 48 : index
        %parallel_loop3A_450 = tpu.vector_load %arg11[%parallel_loop3A_448, %parallel_loop3A_449] {strides = array<i32>} : memref<160x128xf32, #tpu.memory_space<vmem>>, vector<16xf32>,
        %parallel_loop3A_451 = arith.mulf %parallel_loop3A_450, %parallel_loop3A_426 : vector<16xf32>
        %parallel_loop3A_452 = arith.index_cast %parallel_loop3A_412 : i32 to index
        %parallel_loop3A_453 = arith.constant 48 : index
        %parallel_loop3A_454 = tpu.vector_load %arg11[%parallel_loop3A_452, %parallel_loop3A_453] {strides = array<i32>} : memref<160x128xf32, #tpu.memory_space<vmem>>, vector<16xf32>,
        tpu.vector_store %arg11[%parallel_loop3A_452, %parallel_loop3A_453], %parallel_loop3A_451 {strides = array<i32>} : memref<160x128xf32, #tpu.memory_space<vmem>>, vector<16xf32>,
        %parallel_loop3A_455 = arith.index_cast %parallel_loop3A_412 : i32 to index
        %parallel_loop3A_456 = arith.constant 64 : index
        %parallel_loop3A_457 = tpu.vector_load %arg11[%parallel_loop3A_455, %parallel_loop3A_456] {strides = array<i32>} : memref<160x128xf32, #tpu.memory_space<vmem>>, vector<16xf32>,
        %parallel_loop3A_458 = arith.mulf %parallel_loop3A_457, %parallel_loop3A_426 : vector<16xf32>
        %parallel_loop3A_459 = arith.index_cast %parallel_loop3A_412 : i32 to index
        %parallel_loop3A_460 = arith.constant 64 : index
        %parallel_loop3A_461 = tpu.vector_load %arg11[%parallel_loop3A_459, %parallel_loop3A_460] {strides = array<i32>} : memref<160x128xf32, #tpu.memory_space<vmem>>, vector<16xf32>,
        tpu.vector_store %arg11[%parallel_loop3A_459, %parallel_loop3A_460], %parallel_loop3A_458 {strides = array<i32>} : memref<160x128xf32, #tpu.memory_space<vmem>>, vector<16xf32>,
        %parallel_loop3A_462 = arith.index_cast %parallel_loop3A_412 : i32 to index
        %parallel_loop3A_463 = arith.constant 80 : index
        %parallel_loop3A_464 = tpu.vector_load %arg11[%parallel_loop3A_462, %parallel_loop3A_463] {strides = array<i32>} : memref<160x128xf32, #tpu.memory_space<vmem>>, vector<16xf32>,
        %parallel_loop3A_465 = arith.mulf %parallel_loop3A_464, %parallel_loop3A_426 : vector<16xf32>
        %parallel_loop3A_466 = arith.index_cast %parallel_loop3A_412 : i32 to index
        %parallel_loop3A_467 = arith.constant 80 : index
        %parallel_loop3A_468 = tpu.vector_load %arg11[%parallel_loop3A_466, %parallel_loop3A_467] {strides = array<i32>} : memref<160x128xf32, #tpu.memory_space<vmem>>, vector<16xf32>,
        tpu.vector_store %arg11[%parallel_loop3A_466, %parallel_loop3A_467], %parallel_loop3A_465 {strides = array<i32>} : memref<160x128xf32, #tpu.memory_space<vmem>>, vector<16xf32>,
        %parallel_loop3A_469 = arith.index_cast %parallel_loop3A_412 : i32 to index
        %parallel_loop3A_470 = arith.constant 96 : index
        %parallel_loop3A_471 = tpu.vector_load %arg11[%parallel_loop3A_469, %parallel_loop3A_470] {strides = array<i32>} : memref<160x128xf32, #tpu.memory_space<vmem>>, vector<16xf32>,
        %parallel_loop3A_472 = arith.mulf %parallel_loop3A_471, %parallel_loop3A_426 : vector<16xf32>
        %parallel_loop3A_473 = arith.index_cast %parallel_loop3A_412 : i32 to index
        %parallel_loop3A_474 = arith.constant 96 : index
        %parallel_loop3A_475 = tpu.vector_load %arg11[%parallel_loop3A_473, %parallel_loop3A_474] {strides = array<i32>} : memref<160x128xf32, #tpu.memory_space<vmem>>, vector<16xf32>,
        tpu.vector_store %arg11[%parallel_loop3A_473, %parallel_loop3A_474], %parallel_loop3A_472 {strides = array<i32>} : memref<160x128xf32, #tpu.memory_space<vmem>>, vector<16xf32>,
        %parallel_loop3A_476 = arith.index_cast %parallel_loop3A_412 : i32 to index
        %parallel_loop3A_477 = arith.constant 112 : index
        %parallel_loop3A_478 = tpu.vector_load %arg11[%parallel_loop3A_476, %parallel_loop3A_477] {strides = array<i32>} : memref<160x128xf32, #tpu.memory_space<vmem>>, vector<16xf32>,
        %parallel_loop3A_479 = arith.mulf %parallel_loop3A_478, %parallel_loop3A_426 : vector<16xf32>
        %parallel_loop3A_480 = arith.index_cast %parallel_loop3A_412 : i32 to index
        %parallel_loop3A_481 = arith.constant 112 : index
        %parallel_loop3A_482 = tpu.vector_load %arg11[%parallel_loop3A_480, %parallel_loop3A_481] {strides = array<i32>} : memref<160x128xf32, #tpu.memory_space<vmem>>, vector<16xf32>,
        tpu.vector_store %arg11[%parallel_loop3A_480, %parallel_loop3A_481], %parallel_loop3A_479 {strides = array<i32>} : memref<160x128xf32, #tpu.memory_space<vmem>>, vector<16xf32>,
      } {sc.loop_unroll_factor = 8 : i64, sc.parallel_access}
      %parallel_loop3A_389 = arith.constant 0 : i32
      %parallel_loop3A_390 = arith.constant 16 : i32
      %parallel_loop3A_391 = arith.constant 1 : i32
      scf.for %parallel_loop3A_407 = %parallel_loop3A_389 to %parallel_loop3A_390 step %parallel_loop3A_391  : i32 {
        %parallel_loop3A_408 = arith.constant 80 : i32
        %parallel_loop3A_409 = arith.muli %rem3A_235, %parallel_loop3A_408 : i32
        %parallel_loop3A_410 = arith.constant 48 : i32
        %parallel_loop3A_411 = arith.addi %parallel_loop3A_409, %parallel_loop3A_410 : i32
        %parallel_loop3A_412 = arith.addi %parallel_loop3A_411, %parallel_loop3A_407 : i32
        %parallel_loop3A_413 = arith.constant 0 : i32
        %parallel_loop3A_414 = vector.broadcast %parallel_loop3A_413 : i32 to vector<16xi32>
        %parallel_loop3A_415 = vector.broadcast %parallel_loop3A_407 : i32 to vector<16xi32>
        %parallel_loop3A_416 = arith.addi %parallel_loop3A_414, %parallel_loop3A_415 : vector<16xi32>
        %parallel_loop3A_417 = arith.constant 0 : i32
        %parallel_loop3A_418 = vector.broadcast %parallel_loop3A_417 : i32 to vector<16xi32>
        %parallel_loop3A_419 = arith.cmpi slt, %parallel_loop3A_416, %parallel_loop3A_418 : vector<16xi32>
        %parallel_loop3A_420 = arith.constant 16 : i32
        %parallel_loop3A_421 = vector.broadcast %parallel_loop3A_420 : i32 to vector<16xi32>
        %parallel_loop3A_422 = arith.addi %parallel_loop3A_416, %parallel_loop3A_421 : vector<16xi32>
        %parallel_loop3A_423 = arith.select %parallel_loop3A_419, %parallel_loop3A_422, %parallel_loop3A_416 : vector<16xi1>, vector<16xi32>
        %parallel_loop3A_424 = vector.shape_cast %parallel_loop3A_423 : vector<16xi32> to vector<16x1xi32>
        %parallel_loop3A_425 = vector.shape_cast %parallel_loop3A_424 : vector<16x1xi32> to vector<16xi32>
        %parallel_loop3A_426 = tpu.dynamic_gather %exp3A_321[%parallel_loop3A_425] in [0] : vector<16xf32>, vector<16xi32> -> vector<16xf32>
        %parallel_loop3A_427 = arith.index_cast %parallel_loop3A_412 : i32 to index
        %parallel_loop3A_428 = arith.constant 0 : index
        %parallel_loop3A_429 = tpu.vector_load %arg11[%parallel_loop3A_427, %parallel_loop3A_428] {strides = array<i32>} : memref<160x128xf32, #tpu.memory_space<vmem>>, vector<16xf32>,
        %parallel_loop3A_430 = arith.mulf %parallel_loop3A_429, %parallel_loop3A_426 : vector<16xf32>
        %parallel_loop3A_431 = arith.index_cast %parallel_loop3A_412 : i32 to index
        %parallel_loop3A_432 = arith.constant 0 : index
        %parallel_loop3A_433 = tpu.vector_load %arg11[%parallel_loop3A_431, %parallel_loop3A_432] {strides = array<i32>} : memref<160x128xf32, #tpu.memory_space<vmem>>, vector<16xf32>,
        tpu.vector_store %arg11[%parallel_loop3A_431, %parallel_loop3A_432], %parallel_loop3A_430 {strides = array<i32>} : memref<160x128xf32, #tpu.memory_space<vmem>>, vector<16xf32>,
        %parallel_loop3A_434 = arith.index_cast %parallel_loop3A_412 : i32 to index
        %parallel_loop3A_435 = arith.constant 16 : index
        %parallel_loop3A_436 = tpu.vector_load %arg11[%parallel_loop3A_434, %parallel_loop3A_435] {strides = array<i32>} : memref<160x128xf32, #tpu.memory_space<vmem>>, vector<16xf32>,
        %parallel_loop3A_437 = arith.mulf %parallel_loop3A_436, %parallel_loop3A_426 : vector<16xf32>
        %parallel_loop3A_438 = arith.index_cast %parallel_loop3A_412 : i32 to index
        %parallel_loop3A_439 = arith.constant 16 : index
        %parallel_loop3A_440 = tpu.vector_load %arg11[%parallel_loop3A_438, %parallel_loop3A_439] {strides = array<i32>} : memref<160x128xf32, #tpu.memory_space<vmem>>, vector<16xf32>,
        tpu.vector_store %arg11[%parallel_loop3A_438, %parallel_loop3A_439], %parallel_loop3A_437 {strides = array<i32>} : memref<160x128xf32, #tpu.memory_space<vmem>>, vector<16xf32>,
        %parallel_loop3A_441 = arith.index_cast %parallel_loop3A_412 : i32 to index
        %parallel_loop3A_442 = arith.constant 32 : index
        %parallel_loop3A_443 = tpu.vector_load %arg11[%parallel_loop3A_441, %parallel_loop3A_442] {strides = array<i32>} : memref<160x128xf32, #tpu.memory_space<vmem>>, vector<16xf32>,
        %parallel_loop3A_444 = arith.mulf %parallel_loop3A_443, %parallel_loop3A_426 : vector<16xf32>
        %parallel_loop3A_445 = arith.index_cast %parallel_loop3A_412 : i32 to index
        %parallel_loop3A_446 = arith.constant 32 : index
        %parallel_loop3A_447 = tpu.vector_load %arg11[%parallel_loop3A_445, %parallel_loop3A_446] {strides = array<i32>} : memref<160x128xf32, #tpu.memory_space<vmem>>, vector<16xf32>,
        tpu.vector_store %arg11[%parallel_loop3A_445, %parallel_loop3A_446], %parallel_loop3A_444 {strides = array<i32>} : memref<160x128xf32, #tpu.memory_space<vmem>>, vector<16xf32>,
        %parallel_loop3A_448 = arith.index_cast %parallel_loop3A_412 : i32 to index
        %parallel_loop3A_449 = arith.constant 48 : index
        %parallel_loop3A_450 = tpu.vector_load %arg11[%parallel_loop3A_448, %parallel_loop3A_449] {strides = array<i32>} : memref<160x128xf32, #tpu.memory_space<vmem>>, vector<16xf32>,
        %parallel_loop3A_451 = arith.mulf %parallel_loop3A_450, %parallel_loop3A_426 : vector<16xf32>
        %parallel_loop3A_452 = arith.index_cast %parallel_loop3A_412 : i32 to index
        %parallel_loop3A_453 = arith.constant 48 : index
        %parallel_loop3A_454 = tpu.vector_load %arg11[%parallel_loop3A_452, %parallel_loop3A_453] {strides = array<i32>} : memref<160x128xf32, #tpu.memory_space<vmem>>, vector<16xf32>,
        tpu.vector_store %arg11[%parallel_loop3A_452, %parallel_loop3A_453], %parallel_loop3A_451 {strides = array<i32>} : memref<160x128xf32, #tpu.memory_space<vmem>>, vector<16xf32>,
        %parallel_loop3A_455 = arith.index_cast %parallel_loop3A_412 : i32 to index
        %parallel_loop3A_456 = arith.constant 64 : index
        %parallel_loop3A_457 = tpu.vector_load %arg11[%parallel_loop3A_455, %parallel_loop3A_456] {strides = array<i32>} : memref<160x128xf32, #tpu.memory_space<vmem>>, vector<16xf32>,
        %parallel_loop3A_458 = arith.mulf %parallel_loop3A_457, %parallel_loop3A_426 : vector<16xf32>
        %parallel_loop3A_459 = arith.index_cast %parallel_loop3A_412 : i32 to index
        %parallel_loop3A_460 = arith.constant 64 : index
        %parallel_loop3A_461 = tpu.vector_load %arg11[%parallel_loop3A_459, %parallel_loop3A_460] {strides = array<i32>} : memref<160x128xf32, #tpu.memory_space<vmem>>, vector<16xf32>,
        tpu.vector_store %arg11[%parallel_loop3A_459, %parallel_loop3A_460], %parallel_loop3A_458 {strides = array<i32>} : memref<160x128xf32, #tpu.memory_space<vmem>>, vector<16xf32>,
        %parallel_loop3A_462 = arith.index_cast %parallel_loop3A_412 : i32 to index
        %parallel_loop3A_463 = arith.constant 80 : index
        %parallel_loop3A_464 = tpu.vector_load %arg11[%parallel_loop3A_462, %parallel_loop3A_463] {strides = array<i32>} : memref<160x128xf32, #tpu.memory_space<vmem>>, vector<16xf32>,
        %parallel_loop3A_465 = arith.mulf %parallel_loop3A_464, %parallel_loop3A_426 : vector<16xf32>
        %parallel_loop3A_466 = arith.index_cast %parallel_loop3A_412 : i32 to index
        %parallel_loop3A_467 = arith.constant 80 : index
        %parallel_loop3A_468 = tpu.vector_load %arg11[%parallel_loop3A_466, %parallel_loop3A_467] {strides = array<i32>} : memref<160x128xf32, #tpu.memory_space<vmem>>, vector<16xf32>,
        tpu.vector_store %arg11[%parallel_loop3A_466, %parallel_loop3A_467], %parallel_loop3A_465 {strides = array<i32>} : memref<160x128xf32, #tpu.memory_space<vmem>>, vector<16xf32>,
        %parallel_loop3A_469 = arith.index_cast %parallel_loop3A_412 : i32 to index
        %parallel_loop3A_470 = arith.constant 96 : index
        %parallel_loop3A_471 = tpu.vector_load %arg11[%parallel_loop3A_469, %parallel_loop3A_470] {strides = array<i32>} : memref<160x128xf32, #tpu.memory_space<vmem>>, vector<16xf32>,
        %parallel_loop3A_472 = arith.mulf %parallel_loop3A_471, %parallel_loop3A_426 : vector<16xf32>
        %parallel_loop3A_473 = arith.index_cast %parallel_loop3A_412 : i32 to index
        %parallel_loop3A_474 = arith.constant 96 : index
        %parallel_loop3A_475 = tpu.vector_load %arg11[%parallel_loop3A_473, %parallel_loop3A_474] {strides = array<i32>} : memref<160x128xf32, #tpu.memory_space<vmem>>, vector<16xf32>,
        tpu.vector_store %arg11[%parallel_loop3A_473, %parallel_loop3A_474], %parallel_loop3A_472 {strides = array<i32>} : memref<160x128xf32, #tpu.memory_space<vmem>>, vector<16xf32>,
        %parallel_loop3A_476 = arith.index_cast %parallel_loop3A_412 : i32 to index
        %parallel_loop3A_477 = arith.constant 112 : index
        %parallel_loop3A_478 = tpu.vector_load %arg11[%parallel_loop3A_476, %parallel_loop3A_477] {strides = array<i32>} : memref<160x128xf32, #tpu.memory_space<vmem>>, vector<16xf32>,
        %parallel_loop3A_479 = arith.mulf %parallel_loop3A_478, %parallel_loop3A_426 : vector<16xf32>
        %parallel_loop3A_480 = arith.index_cast %parallel_loop3A_412 : i32 to index
        %parallel_loop3A_481 = arith.constant 112 : index
        %parallel_loop3A_482 = tpu.vector_load %arg11[%parallel_loop3A_480, %parallel_loop3A_481] {strides = array<i32>} : memref<160x128xf32, #tpu.memory_space<vmem>>, vector<16xf32>,
        tpu.vector_store %arg11[%parallel_loop3A_480, %parallel_loop3A_481], %parallel_loop3A_479 {strides = array<i32>} : memref<160x128xf32, #tpu.memory_space<vmem>>, vector<16xf32>,
      } {sc.loop_unroll_factor = 8 : i64, sc.parallel_access}
      %parallel_loop3A_392 = arith.constant 0 : i32
      %parallel_loop3A_393 = arith.constant 16 : i32
      %parallel_loop3A_394 = arith.constant 1 : i32
      scf.for %parallel_loop3A_407 = %parallel_loop3A_392 to %parallel_loop3A_393 step %parallel_loop3A_394  : i32 {
        %parallel_loop3A_408 = arith.constant 80 : i32
        %parallel_loop3A_409 = arith.muli %rem3A_235, %parallel_loop3A_408 : i32
        %parallel_loop3A_410 = arith.constant 64 : i32
        %parallel_loop3A_411 = arith.addi %parallel_loop3A_409, %parallel_loop3A_410 : i32
        %parallel_loop3A_412 = arith.addi %parallel_loop3A_411, %parallel_loop3A_407 : i32
        %parallel_loop3A_413 = arith.constant 0 : i32
        %parallel_loop3A_414 = vector.broadcast %parallel_loop3A_413 : i32 to vector<16xi32>
        %parallel_loop3A_415 = vector.broadcast %parallel_loop3A_407 : i32 to vector<16xi32>
        %parallel_loop3A_416 = arith.addi %parallel_loop3A_414, %parallel_loop3A_415 : vector<16xi32>
        %parallel_loop3A_417 = arith.constant 0 : i32
        %parallel_loop3A_418 = vector.broadcast %parallel_loop3A_417 : i32 to vector<16xi32>
        %parallel_loop3A_419 = arith.cmpi slt, %parallel_loop3A_416, %parallel_loop3A_418 : vector<16xi32>
        %parallel_loop3A_420 = arith.constant 16 : i32
        %parallel_loop3A_421 = vector.broadcast %parallel_loop3A_420 : i32 to vector<16xi32>
        %parallel_loop3A_422 = arith.addi %parallel_loop3A_416, %parallel_loop3A_421 : vector<16xi32>
        %parallel_loop3A_423 = arith.select %parallel_loop3A_419, %parallel_loop3A_422, %parallel_loop3A_416 : vector<16xi1>, vector<16xi32>
        %parallel_loop3A_424 = vector.shape_cast %parallel_loop3A_423 : vector<16xi32> to vector<16x1xi32>
        %parallel_loop3A_425 = vector.shape_cast %parallel_loop3A_424 : vector<16x1xi32> to vector<16xi32>
        %parallel_loop3A_426 = tpu.dynamic_gather %exp3A_339[%parallel_loop3A_425] in [0] : vector<16xf32>, vector<16xi32> -> vector<16xf32>
        %parallel_loop3A_427 = arith.index_cast %parallel_loop3A_412 : i32 to index
        %parallel_loop3A_428 = arith.constant 0 : index
        %parallel_loop3A_429 = tpu.vector_load %arg11[%parallel_loop3A_427, %parallel_loop3A_428] {strides = array<i32>} : memref<160x128xf32, #tpu.memory_space<vmem>>, vector<16xf32>,
        %parallel_loop3A_430 = arith.mulf %parallel_loop3A_429, %parallel_loop3A_426 : vector<16xf32>
        %parallel_loop3A_431 = arith.index_cast %parallel_loop3A_412 : i32 to index
        %parallel_loop3A_432 = arith.constant 0 : index
        %parallel_loop3A_433 = tpu.vector_load %arg11[%parallel_loop3A_431, %parallel_loop3A_432] {strides = array<i32>} : memref<160x128xf32, #tpu.memory_space<vmem>>, vector<16xf32>,
        tpu.vector_store %arg11[%parallel_loop3A_431, %parallel_loop3A_432], %parallel_loop3A_430 {strides = array<i32>} : memref<160x128xf32, #tpu.memory_space<vmem>>, vector<16xf32>,
        %parallel_loop3A_434 = arith.index_cast %parallel_loop3A_412 : i32 to index
        %parallel_loop3A_435 = arith.constant 16 : index
        %parallel_loop3A_436 = tpu.vector_load %arg11[%parallel_loop3A_434, %parallel_loop3A_435] {strides = array<i32>} : memref<160x128xf32, #tpu.memory_space<vmem>>, vector<16xf32>,
        %parallel_loop3A_437 = arith.mulf %parallel_loop3A_436, %parallel_loop3A_426 : vector<16xf32>
        %parallel_loop3A_438 = arith.index_cast %parallel_loop3A_412 : i32 to index
        %parallel_loop3A_439 = arith.constant 16 : index
        %parallel_loop3A_440 = tpu.vector_load %arg11[%parallel_loop3A_438, %parallel_loop3A_439] {strides = array<i32>} : memref<160x128xf32, #tpu.memory_space<vmem>>, vector<16xf32>,
        tpu.vector_store %arg11[%parallel_loop3A_438, %parallel_loop3A_439], %parallel_loop3A_437 {strides = array<i32>} : memref<160x128xf32, #tpu.memory_space<vmem>>, vector<16xf32>,
        %parallel_loop3A_441 = arith.index_cast %parallel_loop3A_412 : i32 to index
        %parallel_loop3A_442 = arith.constant 32 : index
        %parallel_loop3A_443 = tpu.vector_load %arg11[%parallel_loop3A_441, %parallel_loop3A_442] {strides = array<i32>} : memref<160x128xf32, #tpu.memory_space<vmem>>, vector<16xf32>,
        %parallel_loop3A_444 = arith.mulf %parallel_loop3A_443, %parallel_loop3A_426 : vector<16xf32>
        %parallel_loop3A_445 = arith.index_cast %parallel_loop3A_412 : i32 to index
        %parallel_loop3A_446 = arith.constant 32 : index
        %parallel_loop3A_447 = tpu.vector_load %arg11[%parallel_loop3A_445, %parallel_loop3A_446] {strides = array<i32>} : memref<160x128xf32, #tpu.memory_space<vmem>>, vector<16xf32>,
        tpu.vector_store %arg11[%parallel_loop3A_445, %parallel_loop3A_446], %parallel_loop3A_444 {strides = array<i32>} : memref<160x128xf32, #tpu.memory_space<vmem>>, vector<16xf32>,
        %parallel_loop3A_448 = arith.index_cast %parallel_loop3A_412 : i32 to index
        %parallel_loop3A_449 = arith.constant 48 : index
        %parallel_loop3A_450 = tpu.vector_load %arg11[%parallel_loop3A_448, %parallel_loop3A_449] {strides = array<i32>} : memref<160x128xf32, #tpu.memory_space<vmem>>, vector<16xf32>,
        %parallel_loop3A_451 = arith.mulf %parallel_loop3A_450, %parallel_loop3A_426 : vector<16xf32>
        %parallel_loop3A_452 = arith.index_cast %parallel_loop3A_412 : i32 to index
        %parallel_loop3A_453 = arith.constant 48 : index
        %parallel_loop3A_454 = tpu.vector_load %arg11[%parallel_loop3A_452, %parallel_loop3A_453] {strides = array<i32>} : memref<160x128xf32, #tpu.memory_space<vmem>>, vector<16xf32>,
        tpu.vector_store %arg11[%parallel_loop3A_452, %parallel_loop3A_453], %parallel_loop3A_451 {strides = array<i32>} : memref<160x128xf32, #tpu.memory_space<vmem>>, vector<16xf32>,
        %parallel_loop3A_455 = arith.index_cast %parallel_loop3A_412 : i32 to index
        %parallel_loop3A_456 = arith.constant 64 : index
        %parallel_loop3A_457 = tpu.vector_load %arg11[%parallel_loop3A_455, %parallel_loop3A_456] {strides = array<i32>} : memref<160x128xf32, #tpu.memory_space<vmem>>, vector<16xf32>,
        %parallel_loop3A_458 = arith.mulf %parallel_loop3A_457, %parallel_loop3A_426 : vector<16xf32>
        %parallel_loop3A_459 = arith.index_cast %parallel_loop3A_412 : i32 to index
        %parallel_loop3A_460 = arith.constant 64 : index
        %parallel_loop3A_461 = tpu.vector_load %arg11[%parallel_loop3A_459, %parallel_loop3A_460] {strides = array<i32>} : memref<160x128xf32, #tpu.memory_space<vmem>>, vector<16xf32>,
        tpu.vector_store %arg11[%parallel_loop3A_459, %parallel_loop3A_460], %parallel_loop3A_458 {strides = array<i32>} : memref<160x128xf32, #tpu.memory_space<vmem>>, vector<16xf32>,
        %parallel_loop3A_462 = arith.index_cast %parallel_loop3A_412 : i32 to index
        %parallel_loop3A_463 = arith.constant 80 : index
        %parallel_loop3A_464 = tpu.vector_load %arg11[%parallel_loop3A_462, %parallel_loop3A_463] {strides = array<i32>} : memref<160x128xf32, #tpu.memory_space<vmem>>, vector<16xf32>,
        %parallel_loop3A_465 = arith.mulf %parallel_loop3A_464, %parallel_loop3A_426 : vector<16xf32>
        %parallel_loop3A_466 = arith.index_cast %parallel_loop3A_412 : i32 to index
        %parallel_loop3A_467 = arith.constant 80 : index
        %parallel_loop3A_468 = tpu.vector_load %arg11[%parallel_loop3A_466, %parallel_loop3A_467] {strides = array<i32>} : memref<160x128xf32, #tpu.memory_space<vmem>>, vector<16xf32>,
        tpu.vector_store %arg11[%parallel_loop3A_466, %parallel_loop3A_467], %parallel_loop3A_465 {strides = array<i32>} : memref<160x128xf32, #tpu.memory_space<vmem>>, vector<16xf32>,
        %parallel_loop3A_469 = arith.index_cast %parallel_loop3A_412 : i32 to index
        %parallel_loop3A_470 = arith.constant 96 : index
        %parallel_loop3A_471 = tpu.vector_load %arg11[%parallel_loop3A_469, %parallel_loop3A_470] {strides = array<i32>} : memref<160x128xf32, #tpu.memory_space<vmem>>, vector<16xf32>,
        %parallel_loop3A_472 = arith.mulf %parallel_loop3A_471, %parallel_loop3A_426 : vector<16xf32>
        %parallel_loop3A_473 = arith.index_cast %parallel_loop3A_412 : i32 to index
        %parallel_loop3A_474 = arith.constant 96 : index
        %parallel_loop3A_475 = tpu.vector_load %arg11[%parallel_loop3A_473, %parallel_loop3A_474] {strides = array<i32>} : memref<160x128xf32, #tpu.memory_space<vmem>>, vector<16xf32>,
        tpu.vector_store %arg11[%parallel_loop3A_473, %parallel_loop3A_474], %parallel_loop3A_472 {strides = array<i32>} : memref<160x128xf32, #tpu.memory_space<vmem>>, vector<16xf32>,
        %parallel_loop3A_476 = arith.index_cast %parallel_loop3A_412 : i32 to index
        %parallel_loop3A_477 = arith.constant 112 : index
        %parallel_loop3A_478 = tpu.vector_load %arg11[%parallel_loop3A_476, %parallel_loop3A_477] {strides = array<i32>} : memref<160x128xf32, #tpu.memory_space<vmem>>, vector<16xf32>,
        %parallel_loop3A_479 = arith.mulf %parallel_loop3A_478, %parallel_loop3A_426 : vector<16xf32>
        %parallel_loop3A_480 = arith.index_cast %parallel_loop3A_412 : i32 to index
        %parallel_loop3A_481 = arith.constant 112 : index
        %parallel_loop3A_482 = tpu.vector_load %arg11[%parallel_loop3A_480, %parallel_loop3A_481] {strides = array<i32>} : memref<160x128xf32, #tpu.memory_space<vmem>>, vector<16xf32>,
        tpu.vector_store %arg11[%parallel_loop3A_480, %parallel_loop3A_481], %parallel_loop3A_479 {strides = array<i32>} : memref<160x128xf32, #tpu.memory_space<vmem>>, vector<16xf32>,
      } {sc.loop_unroll_factor = 8 : i64, sc.parallel_access}
      %mul3A_395 = arith.constant 80 : i32
      %mul3A_396 = arith.muli %rem3A_235, %mul3A_395 : i32
      %add3A_397 = arith.constant 32 : i32
      %add3A_398 = arith.addi %mul3A_396, %add3A_397 : i32
      %dma_start3A_399 = arith.constant 0 : i32
      %dma_start3A_400 = tpu.memref_slice %arg11[%add3A_398, %dma_start3A_399] : memref<160x128xf32, #tpu.memory_space<vmem>> -> memref<48x128xf32, #tpu.memory_space<vmem>>
      %dma_start3A_401 = arith.constant 0 : i32
      %dma_start3A_402 = tpu.memref_slice %arg17[%rem3A_237, %dma_start3A_401] : memref<3x48xi32, #tpu.memory_space<vmem>> -> memref<1x48xi32, #tpu.memory_space<vmem>>
      %dma_start3A_403 = tpu.memref_squeeze %dma_start3A_402 : memref<1x48xi32, #tpu.memory_space<vmem>> -> memref<48xi32, #tpu.memory_space<vmem>>
      %dma_start3A_404 = arith.constant 0 : i32
      %dma_start3A_405 = arith.constant 0 : i32
      %dma_start3A_406 = tpu.memref_slice %arg18[%dma_start3A_404, %dma_start3A_405] : memref<10000x128xf32, #tpu.memory_space<vmem_shared>> -> memref<10000x128xf32, #tpu.memory_space<vmem_shared>>
      tpu.enqueue_indirect_dma source(%dma_start3A_400 : memref<48x128xf32, #tpu.memory_space<vmem>>) target(%dma_start3A_406 : memref<10000x128xf32, #tpu.memory_space<vmem_shared>>) offsets(%dma_start3A_403 : memref<48xi32, #tpu.memory_space<vmem>>) semaphore(%arg22 : memref<!tpu.dma_semaphore, #tpu.memory_space<semaphore_mem>>) {add = true}
    }
    %scan3A_196 = arith.constant 125 : i32
    %rem3A = arith.constant 124 : i32
    %rem3A_197 = arith.constant 2 : i32
    %rem3A_198 = arith.remsi %rem3A, %rem3A_197 : i32
    %rem3A_199 = arith.constant 124 : i32
    %rem3A_200 = arith.constant 3 : i32
    %rem3A_201 = arith.remsi %rem3A_199, %rem3A_200 : i32
    %mul3A_202 = arith.constant 80 : i32
    %mul3A_203 = arith.muli %rem3A_198, %mul3A_202 : i32
    %dma_wait3A_204 = arith.constant 0 : i32
    %dma_wait3A_205 = tpu.memref_slice %arg11[%mul3A_203, %dma_wait3A_204] : memref<160x128xf32, #tpu.memory_space<vmem>> -> memref<32x128xf32, #tpu.memory_space<vmem>>
    %dma_wait3A_206 = arith.constant 0 : i32
    %dma_wait3A_207 = tpu.memref_slice %arg16[%rem3A_201, %dma_wait3A_206] : memref<3x32xi32, #tpu.memory_space<vmem>> -> memref<1x32xi32, #tpu.memory_space<vmem>>
    %dma_wait3A_208 = tpu.memref_squeeze %dma_wait3A_207 : memref<1x32xi32, #tpu.memory_space<vmem>> -> memref<32xi32, #tpu.memory_space<vmem>>
    %dma_wait3A_209 = arith.constant 0 : i32
    %dma_wait3A_210 = arith.constant 0 : i32
    %dma_wait3A_211 = tpu.memref_slice %arg18[%dma_wait3A_209, %dma_wait3A_210] : memref<10000x128xf32, #tpu.memory_space<vmem_shared>> -> memref<10000x128xf32, #tpu.memory_space<vmem_shared>>
    tpu.wait_indirect_dma semaphore(%arg22 : memref<!tpu.dma_semaphore, #tpu.memory_space<semaphore_mem>>) src(%dma_wait3A_205 : memref<32x128xf32, #tpu.memory_space<vmem>>) dst(%dma_wait3A_211 : memref<10000x128xf32, #tpu.memory_space<vmem_shared>>)
    %mul3A_212 = arith.constant 80 : i32
    %mul3A_213 = arith.muli %rem3A_198, %mul3A_212 : i32
    %add3A_214 = arith.constant 32 : i32
    %add3A_215 = arith.addi %mul3A_213, %add3A_214 : i32
    %dma_wait3A_216 = arith.constant 0 : i32
    %dma_wait3A_217 = tpu.memref_slice %arg11[%add3A_215, %dma_wait3A_216] : memref<160x128xf32, #tpu.memory_space<vmem>> -> memref<48x128xf32, #tpu.memory_space<vmem>>
    %dma_wait3A_218 = arith.constant 0 : i32
    %dma_wait3A_219 = tpu.memref_slice %arg17[%rem3A_201, %dma_wait3A_218] : memref<3x48xi32, #tpu.memory_space<vmem>> -> memref<1x48xi32, #tpu.memory_space<vmem>>
    %dma_wait3A_220 = tpu.memref_squeeze %dma_wait3A_219 : memref<1x48xi32, #tpu.memory_space<vmem>> -> memref<48xi32, #tpu.memory_space<vmem>>
    %dma_wait3A_221 = arith.constant 0 : i32
    %dma_wait3A_222 = arith.constant 0 : i32
    %dma_wait3A_223 = tpu.memref_slice %arg18[%dma_wait3A_221, %dma_wait3A_222] : memref<10000x128xf32, #tpu.memory_space<vmem_shared>> -> memref<10000x128xf32, #tpu.memory_space<vmem_shared>>
    tpu.wait_indirect_dma semaphore(%arg22 : memref<!tpu.dma_semaphore, #tpu.memory_space<semaphore_mem>>) src(%dma_wait3A_217 : memref<48x128xf32, #tpu.memory_space<vmem>>) dst(%dma_wait3A_223 : memref<10000x128xf32, #tpu.memory_space<vmem_shared>>)
    %barrier3A_224 = arith.constant 0 : index
    tpu.barrier barrier_id(%barrier3A_224)
    %lt3A = arith.constant 15 : i32
    %lt3A_225 = arith.cmpi slt, %arg1, %lt3A : i32
    %convert_element_type3A = arith.extui %lt3A_225 : i1 to i32
    %cond3A = arith.constant 0 : i32
    %cond3A_226 = arith.cmpi ne, %convert_element_type3A, %cond3A : i32
    scf.if %cond3A_226 {
      %mul3A_233 = arith.constant 624 : i32
      %mul3A_234 = arith.muli %arg1, %mul3A_233 : i32
      %mul3A_235 = arith.constant 624 : i32
      %mul3A_236 = arith.muli %arg1, %mul3A_235 : i32
      "tpu.region"() ({
        %run_scoped3A = tpu.sem_alloc : memref<!tpu.dma_semaphore, #tpu.memory_space<semaphore_mem>>
        %dma_start3A_237 = arith.constant 0 : i32
        %dma_start3A_238 = tpu.memref_slice %arg7[%arg0, %mul3A_236, %dma_start3A_237] : memref<2x10000x128xf32, #tpu.memory_space<hbm>> -> memref<1x624x128xf32, #tpu.memory_space<hbm>>
        %dma_start3A_239 = tpu.memref_squeeze %dma_start3A_238 : memref<1x624x128xf32, #tpu.memory_space<hbm>> -> memref<624x128xf32, #tpu.memory_space<hbm>>
        %dma_start3A_240 = arith.constant 0 : i32
        %dma_start3A_241 = tpu.memref_slice %arg18[%mul3A_234, %dma_start3A_240] : memref<10000x128xf32, #tpu.memory_space<vmem_shared>> -> memref<624x128xf32, #tpu.memory_space<vmem_shared>>
        tpu.enqueue_dma source(%dma_start3A_241 : memref<624x128xf32, #tpu.memory_space<vmem_shared>>) target(%dma_start3A_239 : memref<624x128xf32, #tpu.memory_space<hbm>>) target_semaphore(%run_scoped3A : memref<!tpu.dma_semaphore, #tpu.memory_space<semaphore_mem>>)
        %dma_wait3A_242 = arith.constant 0 : i32
        %dma_wait3A_243 = tpu.memref_slice %arg7[%arg0, %mul3A_236, %dma_wait3A_242] : memref<2x10000x128xf32, #tpu.memory_space<hbm>> -> memref<1x624x128xf32, #tpu.memory_space<hbm>>
        %dma_wait3A_244 = tpu.memref_squeeze %dma_wait3A_243 : memref<1x624x128xf32, #tpu.memory_space<hbm>> -> memref<624x128xf32, #tpu.memory_space<hbm>>
        %dma_wait3A_245 = arith.constant 0 : i32
        %dma_wait3A_246 = tpu.memref_slice %arg18[%mul3A_234, %dma_wait3A_245] : memref<10000x128xf32, #tpu.memory_space<vmem_shared>> -> memref<624x128xf32, #tpu.memory_space<vmem_shared>>
        tpu.wait_dma2 semaphore(%run_scoped3A : memref<!tpu.dma_semaphore, #tpu.memory_space<semaphore_mem>>) src(%dma_wait3A_246 : memref<624x128xf32, #tpu.memory_space<vmem_shared>>) dst(%dma_wait3A_244 : memref<624x128xf32, #tpu.memory_space<hbm>>)
        tpu.yield
      }) : () -> ()
    } else {
    }
    %eq3A = arith.constant 15 : i32
    %eq3A_227 = arith.cmpi eq, %arg1, %eq3A : i32
    %convert_element_type3A_228 = arith.extui %eq3A_227 : i1 to i32
    %cond3A_229 = arith.constant 0 : i32
    %cond3A_230 = arith.cmpi ne, %convert_element_type3A_228, %cond3A_229 : i32
    scf.if %cond3A_230 {
      "tpu.region"() ({
        %run_scoped3A = tpu.sem_alloc : memref<!tpu.dma_semaphore, #tpu.memory_space<semaphore_mem>>
        %dma_start3A_233 = arith.constant 9360 : i32
        %dma_start3A_234 = arith.constant 0 : i32
        %dma_start3A_235 = tpu.memref_slice %arg7[%arg0, %dma_start3A_233, %dma_start3A_234] : memref<2x10000x128xf32, #tpu.memory_space<hbm>> -> memref<1x640x128xf32, #tpu.memory_space<hbm>>
        %dma_start3A_236 = tpu.memref_squeeze %dma_start3A_235 : memref<1x640x128xf32, #tpu.memory_space<hbm>> -> memref<640x128xf32, #tpu.memory_space<hbm>>
        %dma_start3A_237 = arith.constant 9360 : i32
        %dma_start3A_238 = arith.constant 0 : i32
        %dma_start3A_239 = tpu.memref_slice %arg18[%dma_start3A_237, %dma_start3A_238] : memref<10000x128xf32, #tpu.memory_space<vmem_shared>> -> memref<640x128xf32, #tpu.memory_space<vmem_shared>>
        tpu.enqueue_dma source(%dma_start3A_239 : memref<640x128xf32, #tpu.memory_space<vmem_shared>>) target(%dma_start3A_236 : memref<640x128xf32, #tpu.memory_space<hbm>>) target_semaphore(%run_scoped3A : memref<!tpu.dma_semaphore, #tpu.memory_space<semaphore_mem>>)
        %dma_wait3A_240 = arith.constant 9360 : i32
        %dma_wait3A_241 = arith.constant 0 : i32
        %dma_wait3A_242 = tpu.memref_slice %arg7[%arg0, %dma_wait3A_240, %dma_wait3A_241] : memref<2x10000x128xf32, #tpu.memory_space<hbm>> -> memref<1x640x128xf32, #tpu.memory_space<hbm>>
        %dma_wait3A_243 = tpu.memref_squeeze %dma_wait3A_242 : memref<1x640x128xf32, #tpu.memory_space<hbm>> -> memref<640x128xf32, #tpu.memory_space<hbm>>
        %dma_wait3A_244 = arith.constant 9360 : i32
        %dma_wait3A_245 = arith.constant 0 : i32
        %dma_wait3A_246 = tpu.memref_slice %arg18[%dma_wait3A_244, %dma_wait3A_245] : memref<10000x128xf32, #tpu.memory_space<vmem_shared>> -> memref<640x128xf32, #tpu.memory_space<vmem_shared>>
        tpu.wait_dma2 semaphore(%run_scoped3A : memref<!tpu.dma_semaphore, #tpu.memory_space<semaphore_mem>>) src(%dma_wait3A_246 : memref<640x128xf32, #tpu.memory_space<vmem_shared>>) dst(%dma_wait3A_243 : memref<640x128xf32, #tpu.memory_space<hbm>>)
        tpu.yield
      }) : () -> ()
    } else {
    }
    %mul3A_231 = arith.constant 10000 : i32
    %mul3A_232 = arith.muli %add3A, %mul3A_231 : i32
    "tpu.region"() ({
      %run_scoped3A = tpu.sem_alloc : memref<!tpu.dma_semaphore, #tpu.memory_space<semaphore_mem>>
      %dma_start3A_233 = tpu.memref_slice %arg8[%mul3A_232] : memref<320000xf32, #tpu.memory_space<hbm>> -> memref<10000xf32, #tpu.memory_space<hbm>>
      %dma_start3A_234 = tpu.memref_slice %arg8[%mul3A_232] : memref<320000xf32, #tpu.memory_space<hbm>> -> memref<10000xf32, #tpu.memory_space<hbm>>
      tpu.enqueue_dma source(%arg9 : memref<10000xf32, #tpu.memory_space<vmem>>) target(%dma_start3A_234 : memref<10000xf32, #tpu.memory_space<hbm>>) target_semaphore(%run_scoped3A : memref<!tpu.dma_semaphore, #tpu.memory_space<semaphore_mem>>)
      %dma_wait3A_235 = tpu.memref_slice %arg8[%mul3A_232] : memref<320000xf32, #tpu.memory_space<hbm>> -> memref<10000xf32, #tpu.memory_space<hbm>>
      %dma_wait3A_236 = tpu.memref_slice %arg8[%mul3A_232] : memref<320000xf32, #tpu.memory_space<hbm>> -> memref<10000xf32, #tpu.memory_space<hbm>>
      tpu.wait_dma2 semaphore(%run_scoped3A : memref<!tpu.dma_semaphore, #tpu.memory_space<semaphore_mem>>) src(%arg9 : memref<10000xf32, #tpu.memory_space<vmem>>) dst(%dma_wait3A_236 : memref<10000xf32, #tpu.memory_space<hbm>>)
      tpu.yield
    }) : () -> ()
    return
  }
}

#map = affine_map<(d0, d1) -> (0, 0)>
#map1 = affine_map<(d0, d1) -> (0)>
#map2 = affine_map<(d0, d1) -> (0, 0, 0)>
module attributes {stable_mosaic.version = 14 : i64} {
  func.func @k(%arg0: i32, %arg1: i32, %arg2: memref<10000x128xf32, #tpu.memory_space<hbm>>, %arg3: memref<10000xf32, #tpu.memory_space<hbm>>, %arg4: memref<10000xf32, #tpu.memory_space<hbm>>, %arg5: memref<320000xi32, #tpu.memory_space<hbm>>, %arg6: memref<320000xi32, #tpu.memory_space<hbm>>, %arg7: memref<2x10000x128xf32, #tpu.memory_space<hbm>>, %arg8: memref<320000xf32, #tpu.memory_space<hbm>>, %arg9: memref<10000xf32, #tpu.memory_space<vmem>>, %arg10: memref<80xf32, #tpu.memory_space<vmem>>, %arg11: memref<160x128xf32, #tpu.memory_space<vmem>>, %arg12: memref<3x80xi32, #tpu.memory_space<vmem>>, %arg13: memref<3x80xi32, #tpu.memory_space<vmem>>, %arg14: memref<2x80xf32, #tpu.memory_space<vmem>>, %arg15: memref<2x80xf32, #tpu.memory_space<vmem>>, %arg16: memref<3x32xi32, #tpu.memory_space<vmem>>, %arg17: memref<3x48xi32, #tpu.memory_space<vmem>>, %arg18: memref<10000x128xf32, #tpu.memory_space<vmem_shared>>, %arg19: memref<!tpu.dma_semaphore, #tpu.memory_space<semaphore_mem>>, %arg20: memref<!tpu.dma_semaphore, #tpu.memory_space<semaphore_mem>>, %arg21: memref<!tpu.dma_semaphore, #tpu.memory_space<semaphore_mem>>, %arg22: memref<!tpu.dma_semaphore, #tpu.memory_space<semaphore_mem>>) attributes {dimension_semantics = [#tpu.dimension_semantics<core_parallel>, #tpu.dimension_semantics<subcore_parallel>], iteration_bounds = array<i64: 2, 16>, scalar_prefetch = 0 : i64, scratch_operands = 14 : i64, tpu.core_type = #tpu.core_type<sc_vector_subcore>, window_params = [{transform_indices = #map}, {transform_indices = #map1}, {transform_indices = #map1}, {transform_indices = #map1}, {transform_indices = #map1}, {transform_indices = #map2}, {transform_indices = #map1}]} {
    %mul3A = arith.constant 16 : i32
    %mul3A_0 = arith.muli %arg0, %mul3A : i32
    %add3A = arith.addi %mul3A_0, %arg1 : i32
    %mul3A_1 = arith.constant 10000 : i32
    %mul3A_2 = arith.muli %add3A, %mul3A_1 : i32
    %broadcast_in_dim3A = arith.constant 0.000000e+00 : f32
    %broadcast_in_dim3A_3 = vector.broadcast %broadcast_in_dim3A : f32 to vector<16xf32>
    %scan3A = arith.constant 0 : i32
    %scan3A_4 = arith.constant 0 : i32
    %scan3A_5 = arith.constant 625 : i32
    %scan3A_6 = arith.addi %scan3A_4, %scan3A_5 : i32
    %scan3A_7 = arith.constant 1 : i32
    scf.for %scan3A_233 = %scan3A_4 to %scan3A_6 step %scan3A_7  : i32 {
      %mul3A_234 = arith.constant 16 : i32
      %mul3A_235 = arith.muli %scan3A_233, %mul3A_234 : i32
      %swap3A = arith.index_cast %mul3A_235 : i32 to index
      %swap3A_236 = tpu.vector_load %arg9[%swap3A] {strides = array<i32>} : memref<10000xf32, #tpu.memory_space<vmem>>, vector<16xf32>,
      tpu.vector_store %arg9[%swap3A], %broadcast_in_dim3A_3 {strides = array<i32>} : memref<10000xf32, #tpu.memory_space<vmem>>, vector<16xf32>,
    }
    %scan3A_8 = arith.constant 625 : i32
    %scan3A_9 = arith.constant 0 : i32
    %scan3A_10 = arith.constant 0 : i32
    %scan3A_11 = arith.constant 125 : i32
    %scan3A_12 = arith.addi %scan3A_10, %scan3A_11 : i32
    %scan3A_13 = arith.constant 1 : i32
    scf.for %scan3A_233 = %scan3A_10 to %scan3A_12 step %scan3A_13  : i32 {
      %swap3A = arith.index_cast %scan3A_233 : i32 to index
      %swap3A_234 = arith.constant 0 : index
      %swap3A_235 = tpu.vector_load %arg11[%swap3A, %swap3A_234] {strides = array<i32>} : memref<160x128xf32, #tpu.memory_space<vmem>>, vector<16xf32>,
      tpu.vector_store %arg11[%swap3A, %swap3A_234], %broadcast_in_dim3A_3 {strides = array<i32>} : memref<160x128xf32, #tpu.memory_space<vmem>>, vector<16xf32>,
      %swap3A_236 = arith.index_cast %scan3A_233 : i32 to index
      %swap3A_237 = arith.constant 16 : index
      %swap3A_238 = tpu.vector_load %arg11[%swap3A_236, %swap3A_237] {strides = array<i32>} : memref<160x128xf32, #tpu.memory_space<vmem>>, vector<16xf32>,
      tpu.vector_store %arg11[%swap3A_236, %swap3A_237], %broadcast_in_dim3A_3 {strides = array<i32>} : memref<160x128xf32, #tpu.memory_space<vmem>>, vector<16xf32>,
      %swap3A_239 = arith.index_cast %scan3A_233 : i32 to index
      %swap3A_240 = arith.constant 32 : index
      %swap3A_241 = tpu.vector_load %arg11[%swap3A_239, %swap3A_240] {strides = array<i32>} : memref<160x128xf32, #tpu.memory_space<vmem>>, vector<16xf32>,
      tpu.vector_store %arg11[%swap3A_239, %swap3A_240], %broadcast_in_dim3A_3 {strides = array<i32>} : memref<160x128xf32, #tpu.memory_space<vmem>>, vector<16xf32>,
      %swap3A_242 = arith.index_cast %scan3A_233 : i32 to index
      %swap3A_243 = arith.constant 48 : index
      %swap3A_244 = tpu.vector_load %arg11[%swap3A_242, %swap3A_243] {strides = array<i32>} : memref<160x128xf32, #tpu.memory_space<vmem>>, vector<16xf32>,
      tpu.vector_store %arg11[%swap3A_242, %swap3A_243], %broadcast_in_dim3A_3 {strides = array<i32>} : memref<160x128xf32, #tpu.memory_space<vmem>>, vector<16xf32>,
      %swap3A_245 = arith.index_cast %scan3A_233 : i32 to index
      %swap3A_246 = arith.constant 64 : index
      %swap3A_247 = tpu.vector_load %arg11[%swap3A_245, %swap3A_246] {strides = array<i32>} : memref<160x128xf32, #tpu.memory_space<vmem>>, vector<16xf32>,
      tpu.vector_store %arg11[%swap3A_245, %swap3A_246], %broadcast_in_dim3A_3 {strides = array<i32>} : memref<160x128xf32, #tpu.memory_space<vmem>>, vector<16xf32>,
      %swap3A_248 = arith.index_cast %scan3A_233 : i32 to index
      %swap3A_249 = arith.constant 80 : index
      %swap3A_250 = tpu.vector_load %arg11[%swap3A_248, %swap3A_249] {strides = array<i32>} : memref<160x128xf32, #tpu.memory_space<vmem>>, vector<16xf32>,
      tpu.vector_store %arg11[%swap3A_248, %swap3A_249], %broadcast_in_dim3A_3 {strides = array<i32>} : memref<160x128xf32, #tpu.memory_space<vmem>>, vector<16xf32>,
      %swap3A_251 = arith.index_cast %scan3A_233 : i32 to index
      %swap3A_252 = arith.constant 96 : index
      %swap3A_253 = tpu.vector_load %arg11[%swap3A_251, %swap3A_252] {strides = array<i32>} : memref<160x128xf32, #tpu.memory_space<vmem>>, vector<16xf32>,
      tpu.vector_store %arg11[%swap3A_251, %swap3A_252], %broadcast_in_dim3A_3 {strides = array<i32>} : memref<160x128xf32, #tpu.memory_space<vmem>>, vector<16xf32>,
      %swap3A_254 = arith.index_cast %scan3A_233 : i32 to index
      %swap3A_255 = arith.constant 112 : index
      %swap3A_256 = tpu.vector_load %arg11[%swap3A_254, %swap3A_255] {strides = array<i32>} : memref<160x128xf32, #tpu.memory_space<vmem>>, vector<16xf32>,
      tpu.vector_store %arg11[%swap3A_254, %swap3A_255], %broadcast_in_dim3A_3 {strides = array<i32>} : memref<160x128xf32, #tpu.memory_space<vmem>>, vector<16xf32>,
    }
    %scan3A_14 = arith.constant 125 : i32
    %mul3A_15 = arith.constant 625 : i32
    %mul3A_16 = arith.muli %arg1, %mul3A_15 : i32
    %add3A_17 = arith.constant 0 : i32
    %add3A_18 = arith.addi %mul3A_16, %add3A_17 : i32
    "tpu.region"() ({
      %run_scoped3A = tpu.sem_alloc : memref<!tpu.dma_semaphore, #tpu.memory_space<semaphore_mem>>
      %dma_start3A_233 = arith.constant 0 : i32
      %dma_start3A_234 = arith.constant 0 : i32
      %dma_start3A_235 = tpu.memref_slice %arg11[%dma_start3A_233, %dma_start3A_234] : memref<160x128xf32, #tpu.memory_space<vmem>> -> memref<125x128xf32, #tpu.memory_space<vmem>>
      %dma_start3A_236 = arith.constant 0 : i32
      %dma_start3A_237 = tpu.memref_slice %arg18[%add3A_18, %dma_start3A_236] : memref<10000x128xf32, #tpu.memory_space<vmem_shared>> -> memref<125x128xf32, #tpu.memory_space<vmem_shared>>
      %dma_start3A_238 = arith.constant 0 : i32
      %dma_start3A_239 = tpu.memref_slice %arg18[%add3A_18, %dma_start3A_238] : memref<10000x128xf32, #tpu.memory_space<vmem_shared>> -> memref<125x128xf32, #tpu.memory_space<vmem_shared>>
      %dma_start3A_240 = arith.constant 0 : i32
      %dma_start3A_241 = arith.constant 0 : i32
      %dma_start3A_242 = tpu.memref_slice %arg11[%dma_start3A_240, %dma_start3A_241] : memref<160x128xf32, #tpu.memory_space<vmem>> -> memref<125x128xf32, #tpu.memory_space<vmem>>
      tpu.enqueue_dma source(%dma_start3A_242 : memref<125x128xf32, #tpu.memory_space<vmem>>) target(%dma_start3A_239 : memref<125x128xf32, #tpu.memory_space<vmem_shared>>) target_semaphore(%run_scoped3A : memref<!tpu.dma_semaphore, #tpu.memory_space<semaphore_mem>>)
      %dma_wait3A_243 = arith.constant 0 : i32
      %dma_wait3A_244 = arith.constant 0 : i32
      %dma_wait3A_245 = tpu.memref_slice %arg11[%dma_wait3A_243, %dma_wait3A_244] : memref<160x128xf32, #tpu.memory_space<vmem>> -> memref<125x128xf32, #tpu.memory_space<vmem>>
      %dma_wait3A_246 = arith.constant 0 : i32
      %dma_wait3A_247 = tpu.memref_slice %arg18[%add3A_18, %dma_wait3A_246] : memref<10000x128xf32, #tpu.memory_space<vmem_shared>> -> memref<125x128xf32, #tpu.memory_space<vmem_shared>>
      %dma_wait3A_248 = arith.constant 0 : i32
      %dma_wait3A_249 = tpu.memref_slice %arg18[%add3A_18, %dma_wait3A_248] : memref<10000x128xf32, #tpu.memory_space<vmem_shared>> -> memref<125x128xf32, #tpu.memory_space<vmem_shared>>
      %dma_wait3A_250 = arith.constant 0 : i32
      %dma_wait3A_251 = arith.constant 0 : i32
      %dma_wait3A_252 = tpu.memref_slice %arg11[%dma_wait3A_250, %dma_wait3A_251] : memref<160x128xf32, #tpu.memory_space<vmem>> -> memref<125x128xf32, #tpu.memory_space<vmem>>
      tpu.wait_dma2 semaphore(%run_scoped3A : memref<!tpu.dma_semaphore, #tpu.memory_space<semaphore_mem>>) src(%dma_wait3A_252 : memref<125x128xf32, #tpu.memory_space<vmem>>) dst(%dma_wait3A_249 : memref<125x128xf32, #tpu.memory_space<vmem_shared>>)
      tpu.yield
    }) : () -> ()
    %mul3A_19 = arith.constant 625 : i32
    %mul3A_20 = arith.muli %arg1, %mul3A_19 : i32
    %add3A_21 = arith.constant 125 : i32
    %add3A_22 = arith.addi %mul3A_20, %add3A_21 : i32
    "tpu.region"() ({
      %run_scoped3A = tpu.sem_alloc : memref<!tpu.dma_semaphore, #tpu.memory_space<semaphore_mem>>
      %dma_start3A_233 = arith.constant 0 : i32
      %dma_start3A_234 = arith.constant 0 : i32
      %dma_start3A_235 = tpu.memref_slice %arg11[%dma_start3A_233, %dma_start3A_234] : memref<160x128xf32, #tpu.memory_space<vmem>> -> memref<125x128xf32, #tpu.memory_space<vmem>>
      %dma_start3A_236 = arith.constant 0 : i32
      %dma_start3A_237 = tpu.memref_slice %arg18[%add3A_22, %dma_start3A_236] : memref<10000x128xf32, #tpu.memory_space<vmem_shared>> -> memref<125x128xf32, #tpu.memory_space<vmem_shared>>
      %dma_start3A_238 = arith.constant 0 : i32
      %dma_start3A_239 = tpu.memref_slice %arg18[%add3A_22, %dma_start3A_238] : memref<10000x128xf32, #tpu.memory_space<vmem_shared>> -> memref<125x128xf32, #tpu.memory_space<vmem_shared>>
      %dma_start3A_240 = arith.constant 0 : i32
      %dma_start3A_241 = arith.constant 0 : i32
      %dma_start3A_242 = tpu.memref_slice %arg11[%dma_start3A_240, %dma_start3A_241] : memref<160x128xf32, #tpu.memory_space<vmem>> -> memref<125x128xf32, #tpu.memory_space<vmem>>
      tpu.enqueue_dma source(%dma_start3A_242 : memref<125x128xf32, #tpu.memory_space<vmem>>) target(%dma_start3A_239 : memref<125x128xf32, #tpu.memory_space<vmem_shared>>) target_semaphore(%run_scoped3A : memref<!tpu.dma_semaphore, #tpu.memory_space<semaphore_mem>>)
      %dma_wait3A_243 = arith.constant 0 : i32
      %dma_wait3A_244 = arith.constant 0 : i32
      %dma_wait3A_245 = tpu.memref_slice %arg11[%dma_wait3A_243, %dma_wait3A_244] : memref<160x128xf32, #tpu.memory_space<vmem>> -> memref<125x128xf32, #tpu.memory_space<vmem>>
      %dma_wait3A_246 = arith.constant 0 : i32
      %dma_wait3A_247 = tpu.memref_slice %arg18[%add3A_22, %dma_wait3A_246] : memref<10000x128xf32, #tpu.memory_space<vmem_shared>> -> memref<125x128xf32, #tpu.memory_space<vmem_shared>>
      %dma_wait3A_248 = arith.constant 0 : i32
      %dma_wait3A_249 = tpu.memref_slice %arg18[%add3A_22, %dma_wait3A_248] : memref<10000x128xf32, #tpu.memory_space<vmem_shared>> -> memref<125x128xf32, #tpu.memory_space<vmem_shared>>
      %dma_wait3A_250 = arith.constant 0 : i32
      %dma_wait3A_251 = arith.constant 0 : i32
      %dma_wait3A_252 = tpu.memref_slice %arg11[%dma_wait3A_250, %dma_wait3A_251] : memref<160x128xf32, #tpu.memory_space<vmem>> -> memref<125x128xf32, #tpu.memory_space<vmem>>
      tpu.wait_dma2 semaphore(%run_scoped3A : memref<!tpu.dma_semaphore, #tpu.memory_space<semaphore_mem>>) src(%dma_wait3A_252 : memref<125x128xf32, #tpu.memory_space<vmem>>) dst(%dma_wait3A_249 : memref<125x128xf32, #tpu.memory_space<vmem_shared>>)
      tpu.yield
    }) : () -> ()
    %mul3A_23 = arith.constant 625 : i32
    %mul3A_24 = arith.muli %arg1, %mul3A_23 : i32
    %add3A_25 = arith.constant 250 : i32
    %add3A_26 = arith.addi %mul3A_24, %add3A_25 : i32
    "tpu.region"() ({
      %run_scoped3A = tpu.sem_alloc : memref<!tpu.dma_semaphore, #tpu.memory_space<semaphore_mem>>
      %dma_start3A_233 = arith.constant 0 : i32
      %dma_start3A_234 = arith.constant 0 : i32
      %dma_start3A_235 = tpu.memref_slice %arg11[%dma_start3A_233, %dma_start3A_234] : memref<160x128xf32, #tpu.memory_space<vmem>> -> memref<125x128xf32, #tpu.memory_space<vmem>>
      %dma_start3A_236 = arith.constant 0 : i32
      %dma_start3A_237 = tpu.memref_slice %arg18[%add3A_26, %dma_start3A_236] : memref<10000x128xf32, #tpu.memory_space<vmem_shared>> -> memref<125x128xf32, #tpu.memory_space<vmem_shared>>
      %dma_start3A_238 = arith.constant 0 : i32
      %dma_start3A_239 = tpu.memref_slice %arg18[%add3A_26, %dma_start3A_238] : memref<10000x128xf32, #tpu.memory_space<vmem_shared>> -> memref<125x128xf32, #tpu.memory_space<vmem_shared>>
      %dma_start3A_240 = arith.constant 0 : i32
      %dma_start3A_241 = arith.constant 0 : i32
      %dma_start3A_242 = tpu.memref_slice %arg11[%dma_start3A_240, %dma_start3A_241] : memref<160x128xf32, #tpu.memory_space<vmem>> -> memref<125x128xf32, #tpu.memory_space<vmem>>
      tpu.enqueue_dma source(%dma_start3A_242 : memref<125x128xf32, #tpu.memory_space<vmem>>) target(%dma_start3A_239 : memref<125x128xf32, #tpu.memory_space<vmem_shared>>) target_semaphore(%run_scoped3A : memref<!tpu.dma_semaphore, #tpu.memory_space<semaphore_mem>>)
      %dma_wait3A_243 = arith.constant 0 : i32
      %dma_wait3A_244 = arith.constant 0 : i32
      %dma_wait3A_245 = tpu.memref_slice %arg11[%dma_wait3A_243, %dma_wait3A_244] : memref<160x128xf32, #tpu.memory_space<vmem>> -> memref<125x128xf32, #tpu.memory_space<vmem>>
      %dma_wait3A_246 = arith.constant 0 : i32
      %dma_wait3A_247 = tpu.memref_slice %arg18[%add3A_26, %dma_wait3A_246] : memref<10000x128xf32, #tpu.memory_space<vmem_shared>> -> memref<125x128xf32, #tpu.memory_space<vmem_shared>>
      %dma_wait3A_248 = arith.constant 0 : i32
      %dma_wait3A_249 = tpu.memref_slice %arg18[%add3A_26, %dma_wait3A_248] : memref<10000x128xf32, #tpu.memory_space<vmem_shared>> -> memref<125x128xf32, #tpu.memory_space<vmem_shared>>
      %dma_wait3A_250 = arith.constant 0 : i32
      %dma_wait3A_251 = arith.constant 0 : i32
      %dma_wait3A_252 = tpu.memref_slice %arg11[%dma_wait3A_250, %dma_wait3A_251] : memref<160x128xf32, #tpu.memory_space<vmem>> -> memref<125x128xf32, #tpu.memory_space<vmem>>
      tpu.wait_dma2 semaphore(%run_scoped3A : memref<!tpu.dma_semaphore, #tpu.memory_space<semaphore_mem>>) src(%dma_wait3A_252 : memref<125x128xf32, #tpu.memory_space<vmem>>) dst(%dma_wait3A_249 : memref<125x128xf32, #tpu.memory_space<vmem_shared>>)
      tpu.yield
    }) : () -> ()
    %mul3A_27 = arith.constant 625 : i32
    %mul3A_28 = arith.muli %arg1, %mul3A_27 : i32
    %add3A_29 = arith.constant 375 : i32
    %add3A_30 = arith.addi %mul3A_28, %add3A_29 : i32
    "tpu.region"() ({
      %run_scoped3A = tpu.sem_alloc : memref<!tpu.dma_semaphore, #tpu.memory_space<semaphore_mem>>
      %dma_start3A_233 = arith.constant 0 : i32
      %dma_start3A_234 = arith.constant 0 : i32
      %dma_start3A_235 = tpu.memref_slice %arg11[%dma_start3A_233, %dma_start3A_234] : memref<160x128xf32, #tpu.memory_space<vmem>> -> memref<125x128xf32, #tpu.memory_space<vmem>>
      %dma_start3A_236 = arith.constant 0 : i32
      %dma_start3A_237 = tpu.memref_slice %arg18[%add3A_30, %dma_start3A_236] : memref<10000x128xf32, #tpu.memory_space<vmem_shared>> -> memref<125x128xf32, #tpu.memory_space<vmem_shared>>
      %dma_start3A_238 = arith.constant 0 : i32
      %dma_start3A_239 = tpu.memref_slice %arg18[%add3A_30, %dma_start3A_238] : memref<10000x128xf32, #tpu.memory_space<vmem_shared>> -> memref<125x128xf32, #tpu.memory_space<vmem_shared>>
      %dma_start3A_240 = arith.constant 0 : i32
      %dma_start3A_241 = arith.constant 0 : i32
      %dma_start3A_242 = tpu.memref_slice %arg11[%dma_start3A_240, %dma_start3A_241] : memref<160x128xf32, #tpu.memory_space<vmem>> -> memref<125x128xf32, #tpu.memory_space<vmem>>
      tpu.enqueue_dma source(%dma_start3A_242 : memref<125x128xf32, #tpu.memory_space<vmem>>) target(%dma_start3A_239 : memref<125x128xf32, #tpu.memory_space<vmem_shared>>) target_semaphore(%run_scoped3A : memref<!tpu.dma_semaphore, #tpu.memory_space<semaphore_mem>>)
      %dma_wait3A_243 = arith.constant 0 : i32
      %dma_wait3A_244 = arith.constant 0 : i32
      %dma_wait3A_245 = tpu.memref_slice %arg11[%dma_wait3A_243, %dma_wait3A_244] : memref<160x128xf32, #tpu.memory_space<vmem>> -> memref<125x128xf32, #tpu.memory_space<vmem>>
      %dma_wait3A_246 = arith.constant 0 : i32
      %dma_wait3A_247 = tpu.memref_slice %arg18[%add3A_30, %dma_wait3A_246] : memref<10000x128xf32, #tpu.memory_space<vmem_shared>> -> memref<125x128xf32, #tpu.memory_space<vmem_shared>>
      %dma_wait3A_248 = arith.constant 0 : i32
      %dma_wait3A_249 = tpu.memref_slice %arg18[%add3A_30, %dma_wait3A_248] : memref<10000x128xf32, #tpu.memory_space<vmem_shared>> -> memref<125x128xf32, #tpu.memory_space<vmem_shared>>
      %dma_wait3A_250 = arith.constant 0 : i32
      %dma_wait3A_251 = arith.constant 0 : i32
      %dma_wait3A_252 = tpu.memref_slice %arg11[%dma_wait3A_250, %dma_wait3A_251] : memref<160x128xf32, #tpu.memory_space<vmem>> -> memref<125x128xf32, #tpu.memory_space<vmem>>
      tpu.wait_dma2 semaphore(%run_scoped3A : memref<!tpu.dma_semaphore, #tpu.memory_space<semaphore_mem>>) src(%dma_wait3A_252 : memref<125x128xf32, #tpu.memory_space<vmem>>) dst(%dma_wait3A_249 : memref<125x128xf32, #tpu.memory_space<vmem_shared>>)
      tpu.yield
    }) : () -> ()
    %mul3A_31 = arith.constant 625 : i32
    %mul3A_32 = arith.muli %arg1, %mul3A_31 : i32
    %add3A_33 = arith.constant 500 : i32
    %add3A_34 = arith.addi %mul3A_32, %add3A_33 : i32
    "tpu.region"() ({
      %run_scoped3A = tpu.sem_alloc : memref<!tpu.dma_semaphore, #tpu.memory_space<semaphore_mem>>
      %dma_start3A_233 = arith.constant 0 : i32
      %dma_start3A_234 = arith.constant 0 : i32
      %dma_start3A_235 = tpu.memref_slice %arg11[%dma_start3A_233, %dma_start3A_234] : memref<160x128xf32, #tpu.memory_space<vmem>> -> memref<125x128xf32, #tpu.memory_space<vmem>>
      %dma_start3A_236 = arith.constant 0 : i32
      %dma_start3A_237 = tpu.memref_slice %arg18[%add3A_34, %dma_start3A_236] : memref<10000x128xf32, #tpu.memory_space<vmem_shared>> -> memref<125x128xf32, #tpu.memory_space<vmem_shared>>
      %dma_start3A_238 = arith.constant 0 : i32
      %dma_start3A_239 = tpu.memref_slice %arg18[%add3A_34, %dma_start3A_238] : memref<10000x128xf32, #tpu.memory_space<vmem_shared>> -> memref<125x128xf32, #tpu.memory_space<vmem_shared>>
      %dma_start3A_240 = arith.constant 0 : i32
      %dma_start3A_241 = arith.constant 0 : i32
      %dma_start3A_242 = tpu.memref_slice %arg11[%dma_start3A_240, %dma_start3A_241] : memref<160x128xf32, #tpu.memory_space<vmem>> -> memref<125x128xf32, #tpu.memory_space<vmem>>
      tpu.enqueue_dma source(%dma_start3A_242 : memref<125x128xf32, #tpu.memory_space<vmem>>) target(%dma_start3A_239 : memref<125x128xf32, #tpu.memory_space<vmem_shared>>) target_semaphore(%run_scoped3A : memref<!tpu.dma_semaphore, #tpu.memory_space<semaphore_mem>>)
      %dma_wait3A_243 = arith.constant 0 : i32
      %dma_wait3A_244 = arith.constant 0 : i32
      %dma_wait3A_245 = tpu.memref_slice %arg11[%dma_wait3A_243, %dma_wait3A_244] : memref<160x128xf32, #tpu.memory_space<vmem>> -> memref<125x128xf32, #tpu.memory_space<vmem>>
      %dma_wait3A_246 = arith.constant 0 : i32
      %dma_wait3A_247 = tpu.memref_slice %arg18[%add3A_34, %dma_wait3A_246] : memref<10000x128xf32, #tpu.memory_space<vmem_shared>> -> memref<125x128xf32, #tpu.memory_space<vmem_shared>>
      %dma_wait3A_248 = arith.constant 0 : i32
      %dma_wait3A_249 = tpu.memref_slice %arg18[%add3A_34, %dma_wait3A_248] : memref<10000x128xf32, #tpu.memory_space<vmem_shared>> -> memref<125x128xf32, #tpu.memory_space<vmem_shared>>
      %dma_wait3A_250 = arith.constant 0 : i32
      %dma_wait3A_251 = arith.constant 0 : i32
      %dma_wait3A_252 = tpu.memref_slice %arg11[%dma_wait3A_250, %dma_wait3A_251] : memref<160x128xf32, #tpu.memory_space<vmem>> -> memref<125x128xf32, #tpu.memory_space<vmem>>
      tpu.wait_dma2 semaphore(%run_scoped3A : memref<!tpu.dma_semaphore, #tpu.memory_space<semaphore_mem>>) src(%dma_wait3A_252 : memref<125x128xf32, #tpu.memory_space<vmem>>) dst(%dma_wait3A_249 : memref<125x128xf32, #tpu.memory_space<vmem_shared>>)
      tpu.yield
    }) : () -> ()
    %barrier3A = arith.constant 0 : index
    tpu.barrier barrier_id(%barrier3A)
    %add3A_35 = arith.constant 0 : i32
    %add3A_36 = arith.addi %mul3A_2, %add3A_35 : i32
    %dma_start3A = arith.constant 0 : i32
    %dma_start3A_37 = arith.constant 0 : i32
    %dma_start3A_38 = tpu.memref_slice %arg12[%dma_start3A, %dma_start3A_37] : memref<3x80xi32, #tpu.memory_space<vmem>> -> memref<1x80xi32, #tpu.memory_space<vmem>>
    %dma_start3A_39 = tpu.memref_squeeze %dma_start3A_38 : memref<1x80xi32, #tpu.memory_space<vmem>> -> memref<80xi32, #tpu.memory_space<vmem>>
    %dma_start3A_40 = tpu.memref_slice %arg5[%add3A_36] : memref<320000xi32, #tpu.memory_space<hbm>> -> memref<80xi32, #tpu.memory_space<hbm>>
    %dma_start3A_41 = arith.constant 0 : i32
    %dma_start3A_42 = tpu.memref_slice %arg12[%dma_start3A, %dma_start3A_41] : memref<3x80xi32, #tpu.memory_space<vmem>> -> memref<1x80xi32, #tpu.memory_space<vmem>>
    %dma_start3A_43 = tpu.memref_squeeze %dma_start3A_42 : memref<1x80xi32, #tpu.memory_space<vmem>> -> memref<80xi32, #tpu.memory_space<vmem>>
    %dma_start3A_44 = tpu.memref_slice %arg5[%add3A_36] : memref<320000xi32, #tpu.memory_space<hbm>> -> memref<80xi32, #tpu.memory_space<hbm>>
    tpu.enqueue_dma source(%dma_start3A_44 : memref<80xi32, #tpu.memory_space<hbm>>) target(%dma_start3A_43 : memref<80xi32, #tpu.memory_space<vmem>>) target_semaphore(%arg19 : memref<!tpu.dma_semaphore, #tpu.memory_space<semaphore_mem>>)
    %add3A_45 = arith.constant 0 : i32
    %add3A_46 = arith.addi %mul3A_2, %add3A_45 : i32
    %dma_start3A_47 = arith.constant 0 : i32
    %dma_start3A_48 = arith.constant 0 : i32
    %dma_start3A_49 = tpu.memref_slice %arg13[%dma_start3A_47, %dma_start3A_48] : memref<3x80xi32, #tpu.memory_space<vmem>> -> memref<1x80xi32, #tpu.memory_space<vmem>>
    %dma_start3A_50 = tpu.memref_squeeze %dma_start3A_49 : memref<1x80xi32, #tpu.memory_space<vmem>> -> memref<80xi32, #tpu.memory_space<vmem>>
    %dma_start3A_51 = tpu.memref_slice %arg6[%add3A_46] : memref<320000xi32, #tpu.memory_space<hbm>> -> memref<80xi32, #tpu.memory_space<hbm>>
    %dma_start3A_52 = arith.constant 0 : i32
    %dma_start3A_53 = tpu.memref_slice %arg13[%dma_start3A_47, %dma_start3A_52] : memref<3x80xi32, #tpu.memory_space<vmem>> -> memref<1x80xi32, #tpu.memory_space<vmem>>
    %dma_start3A_54 = tpu.memref_squeeze %dma_start3A_53 : memref<1x80xi32, #tpu.memory_space<vmem>> -> memref<80xi32, #tpu.memory_space<vmem>>
    %dma_start3A_55 = tpu.memref_slice %arg6[%add3A_46] : memref<320000xi32, #tpu.memory_space<hbm>> -> memref<80xi32, #tpu.memory_space<hbm>>
    tpu.enqueue_dma source(%dma_start3A_55 : memref<80xi32, #tpu.memory_space<hbm>>) target(%dma_start3A_54 : memref<80xi32, #tpu.memory_space<vmem>>) target_semaphore(%arg19 : memref<!tpu.dma_semaphore, #tpu.memory_space<semaphore_mem>>)
    %add3A_56 = arith.constant 0 : i32
    %add3A_57 = arith.addi %mul3A_2, %add3A_56 : i32
    %dma_start3A_58 = arith.constant 0 : i32
    %dma_start3A_59 = arith.constant 0 : i32
    %dma_start3A_60 = tpu.memref_slice %arg16[%dma_start3A_58, %dma_start3A_59] : memref<3x32xi32, #tpu.memory_space<vmem>> -> memref<1x32xi32, #tpu.memory_space<vmem>>
    %dma_start3A_61 = tpu.memref_squeeze %dma_start3A_60 : memref<1x32xi32, #tpu.memory_space<vmem>> -> memref<32xi32, #tpu.memory_space<vmem>>
    %dma_start3A_62 = tpu.memref_slice %arg6[%add3A_57] : memref<320000xi32, #tpu.memory_space<hbm>> -> memref<32xi32, #tpu.memory_space<hbm>>
    %dma_start3A_63 = arith.constant 0 : i32
    %dma_start3A_64 = tpu.memref_slice %arg16[%dma_start3A_58, %dma_start3A_63] : memref<3x32xi32, #tpu.memory_space<vmem>> -> memref<1x32xi32, #tpu.memory_space<vmem>>
    %dma_start3A_65 = tpu.memref_squeeze %dma_start3A_64 : memref<1x32xi32, #tpu.memory_space<vmem>> -> memref<32xi32, #tpu.memory_space<vmem>>
    %dma_start3A_66 = tpu.memref_slice %arg6[%add3A_57] : memref<320000xi32, #tpu.memory_space<hbm>> -> memref<32xi32, #tpu.memory_space<hbm>>
    tpu.enqueue_dma source(%dma_start3A_66 : memref<32xi32, #tpu.memory_space<hbm>>) target(%dma_start3A_65 : memref<32xi32, #tpu.memory_space<vmem>>) target_semaphore(%arg19 : memref<!tpu.dma_semaphore, #tpu.memory_space<semaphore_mem>>)
    %add3A_67 = arith.constant 0 : i32
    %add3A_68 = arith.addi %mul3A_2, %add3A_67 : i32
    %add3A_69 = arith.constant 32 : i32
    %add3A_70 = arith.addi %add3A_68, %add3A_69 : i32
    %dma_start3A_71 = arith.constant 0 : i32
    %dma_start3A_72 = arith.constant 0 : i32
    %dma_start3A_73 = tpu.memref_slice %arg17[%dma_start3A_71, %dma_start3A_72] : memref<3x48xi32, #tpu.memory_space<vmem>> -> memref<1x48xi32, #tpu.memory_space<vmem>>
    %dma_start3A_74 = tpu.memref_squeeze %dma_start3A_73 : memref<1x48xi32, #tpu.memory_space<vmem>> -> memref<48xi32, #tpu.memory_space<vmem>>
    %dma_start3A_75 = tpu.memref_slice %arg6[%add3A_70] : memref<320000xi32, #tpu.memory_space<hbm>> -> memref<48xi32, #tpu.memory_space<hbm>>
    %dma_start3A_76 = arith.constant 0 : i32
    %dma_start3A_77 = tpu.memref_slice %arg17[%dma_start3A_71, %dma_start3A_76] : memref<3x48xi32, #tpu.memory_space<vmem>> -> memref<1x48xi32, #tpu.memory_space<vmem>>
    %dma_start3A_78 = tpu.memref_squeeze %dma_start3A_77 : memref<1x48xi32, #tpu.memory_space<vmem>> -> memref<48xi32, #tpu.memory_space<vmem>>
    %dma_start3A_79 = tpu.memref_slice %arg6[%add3A_70] : memref<320000xi32, #tpu.memory_space<hbm>> -> memref<48xi32, #tpu.memory_space<hbm>>
    tpu.enqueue_dma source(%dma_start3A_79 : memref<48xi32, #tpu.memory_space<hbm>>) target(%dma_start3A_78 : memref<48xi32, #tpu.memory_space<vmem>>) target_semaphore(%arg19 : memref<!tpu.dma_semaphore, #tpu.memory_space<semaphore_mem>>)
    %add3A_80 = arith.constant 80 : i32
    %add3A_81 = arith.addi %mul3A_2, %add3A_80 : i32
    %dma_start3A_82 = arith.constant 1 : i32
    %dma_start3A_83 = arith.constant 0 : i32
    %dma_start3A_84 = tpu.memref_slice %arg12[%dma_start3A_82, %dma_start3A_83] : memref<3x80xi32, #tpu.memory_space<vmem>> -> memref<1x80xi32, #tpu.memory_space<vmem>>
    %dma_start3A_85 = tpu.memref_squeeze %dma_start3A_84 : memref<1x80xi32, #tpu.memory_space<vmem>> -> memref<80xi32, #tpu.memory_space<vmem>>
    %dma_start3A_86 = tpu.memref_slice %arg5[%add3A_81] : memref<320000xi32, #tpu.memory_space<hbm>> -> memref<80xi32, #tpu.memory_space<hbm>>
    %dma_start3A_87 = arith.constant 0 : i32
    %dma_start3A_88 = tpu.memref_slice %arg12[%dma_start3A_82, %dma_start3A_87] : memref<3x80xi32, #tpu.memory_space<vmem>> -> memref<1x80xi32, #tpu.memory_space<vmem>>
    %dma_start3A_89 = tpu.memref_squeeze %dma_start3A_88 : memref<1x80xi32, #tpu.memory_space<vmem>> -> memref<80xi32, #tpu.memory_space<vmem>>
    %dma_start3A_90 = tpu.memref_slice %arg5[%add3A_81] : memref<320000xi32, #tpu.memory_space<hbm>> -> memref<80xi32, #tpu.memory_space<hbm>>
    tpu.enqueue_dma source(%dma_start3A_90 : memref<80xi32, #tpu.memory_space<hbm>>) target(%dma_start3A_89 : memref<80xi32, #tpu.memory_space<vmem>>) target_semaphore(%arg19 : memref<!tpu.dma_semaphore, #tpu.memory_space<semaphore_mem>>)
    %add3A_91 = arith.constant 80 : i32
    %add3A_92 = arith.addi %mul3A_2, %add3A_91 : i32
    %dma_start3A_93 = arith.constant 1 : i32
    %dma_start3A_94 = arith.constant 0 : i32
    %dma_start3A_95 = tpu.memref_slice %arg13[%dma_start3A_93, %dma_start3A_94] : memref<3x80xi32, #tpu.memory_space<vmem>> -> memref<1x80xi32, #tpu.memory_space<vmem>>
    %dma_start3A_96 = tpu.memref_squeeze %dma_start3A_95 : memref<1x80xi32, #tpu.memory_space<vmem>> -> memref<80xi32, #tpu.memory_space<vmem>>
    %dma_start3A_97 = tpu.memref_slice %arg6[%add3A_92] : memref<320000xi32, #tpu.memory_space<hbm>> -> memref<80xi32, #tpu.memory_space<hbm>>
    %dma_start3A_98 = arith.constant 0 : i32
    %dma_start3A_99 = tpu.memref_slice %arg13[%dma_start3A_93, %dma_start3A_98] : memref<3x80xi32, #tpu.memory_space<vmem>> -> memref<1x80xi32, #tpu.memory_space<vmem>>
    %dma_start3A_100 = tpu.memref_squeeze %dma_start3A_99 : memref<1x80xi32, #tpu.memory_space<vmem>> -> memref<80xi32, #tpu.memory_space<vmem>>
    %dma_start3A_101 = tpu.memref_slice %arg6[%add3A_92] : memref<320000xi32, #tpu.memory_space<hbm>> -> memref<80xi32, #tpu.memory_space<hbm>>
    tpu.enqueue_dma source(%dma_start3A_101 : memref<80xi32, #tpu.memory_space<hbm>>) target(%dma_start3A_100 : memref<80xi32, #tpu.memory_space<vmem>>) target_semaphore(%arg19 : memref<!tpu.dma_semaphore, #tpu.memory_space<semaphore_mem>>)
    %add3A_102 = arith.constant 80 : i32
    %add3A_103 = arith.addi %mul3A_2, %add3A_102 : i32
    %dma_start3A_104 = arith.constant 1 : i32
    %dma_start3A_105 = arith.constant 0 : i32
    %dma_start3A_106 = tpu.memref_slice %arg16[%dma_start3A_104, %dma_start3A_105] : memref<3x32xi32, #tpu.memory_space<vmem>> -> memref<1x32xi32, #tpu.memory_space<vmem>>
    %dma_start3A_107 = tpu.memref_squeeze %dma_start3A_106 : memref<1x32xi32, #tpu.memory_space<vmem>> -> memref<32xi32, #tpu.memory_space<vmem>>
    %dma_start3A_108 = tpu.memref_slice %arg6[%add3A_103] : memref<320000xi32, #tpu.memory_space<hbm>> -> memref<32xi32, #tpu.memory_space<hbm>>
    %dma_start3A_109 = arith.constant 0 : i32
    %dma_start3A_110 = tpu.memref_slice %arg16[%dma_start3A_104, %dma_start3A_109] : memref<3x32xi32, #tpu.memory_space<vmem>> -> memref<1x32xi32, #tpu.memory_space<vmem>>
    %dma_start3A_111 = tpu.memref_squeeze %dma_start3A_110 : memref<1x32xi32, #tpu.memory_space<vmem>> -> memref<32xi32, #tpu.memory_space<vmem>>
    %dma_start3A_112 = tpu.memref_slice %arg6[%add3A_103] : memref<320000xi32, #tpu.memory_space<hbm>> -> memref<32xi32, #tpu.memory_space<hbm>>
    tpu.enqueue_dma source(%dma_start3A_112 : memref<32xi32, #tpu.memory_space<hbm>>) target(%dma_start3A_111 : memref<32xi32, #tpu.memory_space<vmem>>) target_semaphore(%arg19 : memref<!tpu.dma_semaphore, #tpu.memory_space<semaphore_mem>>)
    %add3A_113 = arith.constant 80 : i32
    %add3A_114 = arith.addi %mul3A_2, %add3A_113 : i32
    %add3A_115 = arith.constant 32 : i32
    %add3A_116 = arith.addi %add3A_114, %add3A_115 : i32
    %dma_start3A_117 = arith.constant 1 : i32
    %dma_start3A_118 = arith.constant 0 : i32
    %dma_start3A_119 = tpu.memref_slice %arg17[%dma_start3A_117, %dma_start3A_118] : memref<3x48xi32, #tpu.memory_space<vmem>> -> memref<1x48xi32, #tpu.memory_space<vmem>>
    %dma_start3A_120 = tpu.memref_squeeze %dma_start3A_119 : memref<1x48xi32, #tpu.memory_space<vmem>> -> memref<48xi32, #tpu.memory_space<vmem>>
    %dma_start3A_121 = tpu.memref_slice %arg6[%add3A_116] : memref<320000xi32, #tpu.memory_space<hbm>> -> memref<48xi32, #tpu.memory_space<hbm>>
    %dma_start3A_122 = arith.constant 0 : i32
    %dma_start3A_123 = tpu.memref_slice %arg17[%dma_start3A_117, %dma_start3A_122] : memref<3x48xi32, #tpu.memory_space<vmem>> -> memref<1x48xi32, #tpu.memory_space<vmem>>
    %dma_start3A_124 = tpu.memref_squeeze %dma_start3A_123 : memref<1x48xi32, #tpu.memory_space<vmem>> -> memref<48xi32, #tpu.memory_space<vmem>>
    %dma_start3A_125 = tpu.memref_slice %arg6[%add3A_116] : memref<320000xi32, #tpu.memory_space<hbm>> -> memref<48xi32, #tpu.memory_space<hbm>>
    tpu.enqueue_dma source(%dma_start3A_125 : memref<48xi32, #tpu.memory_space<hbm>>) target(%dma_start3A_124 : memref<48xi32, #tpu.memory_space<vmem>>) target_semaphore(%arg19 : memref<!tpu.dma_semaphore, #tpu.memory_space<semaphore_mem>>)
    %dma_wait3A = arith.constant 0 : i32
    %dma_wait3A_126 = arith.constant 0 : i32
    %dma_wait3A_127 = tpu.memref_slice %arg12[%dma_wait3A, %dma_wait3A_126] : memref<3x80xi32, #tpu.memory_space<vmem>> -> memref<1x80xi32, #tpu.memory_space<vmem>>
    %dma_wait3A_128 = tpu.memref_squeeze %dma_wait3A_127 : memref<1x80xi32, #tpu.memory_space<vmem>> -> memref<80xi32, #tpu.memory_space<vmem>>
    %dma_wait3A_129 = tpu.memref_slice %arg5[%mul3A_2] : memref<320000xi32, #tpu.memory_space<hbm>> -> memref<80xi32, #tpu.memory_space<hbm>>
    %dma_wait3A_130 = arith.constant 0 : i32
    %dma_wait3A_131 = tpu.memref_slice %arg12[%dma_wait3A, %dma_wait3A_130] : memref<3x80xi32, #tpu.memory_space<vmem>> -> memref<1x80xi32, #tpu.memory_space<vmem>>
    %dma_wait3A_132 = tpu.memref_squeeze %dma_wait3A_131 : memref<1x80xi32, #tpu.memory_space<vmem>> -> memref<80xi32, #tpu.memory_space<vmem>>
    %dma_wait3A_133 = tpu.memref_slice %arg5[%mul3A_2] : memref<320000xi32, #tpu.memory_space<hbm>> -> memref<80xi32, #tpu.memory_space<hbm>>
    tpu.wait_dma2 semaphore(%arg19 : memref<!tpu.dma_semaphore, #tpu.memory_space<semaphore_mem>>) src(%dma_wait3A_133 : memref<80xi32, #tpu.memory_space<hbm>>) dst(%dma_wait3A_132 : memref<80xi32, #tpu.memory_space<vmem>>)
    %dma_wait3A_134 = arith.constant 0 : i32
    %dma_wait3A_135 = arith.constant 0 : i32
    %dma_wait3A_136 = tpu.memref_slice %arg13[%dma_wait3A_134, %dma_wait3A_135] : memref<3x80xi32, #tpu.memory_space<vmem>> -> memref<1x80xi32, #tpu.memory_space<vmem>>
    %dma_wait3A_137 = tpu.memref_squeeze %dma_wait3A_136 : memref<1x80xi32, #tpu.memory_space<vmem>> -> memref<80xi32, #tpu.memory_space<vmem>>
    %dma_wait3A_138 = tpu.memref_slice %arg6[%mul3A_2] : memref<320000xi32, #tpu.memory_space<hbm>> -> memref<80xi32, #tpu.memory_space<hbm>>
    %dma_wait3A_139 = arith.constant 0 : i32
    %dma_wait3A_140 = tpu.memref_slice %arg13[%dma_wait3A_134, %dma_wait3A_139] : memref<3x80xi32, #tpu.memory_space<vmem>> -> memref<1x80xi32, #tpu.memory_space<vmem>>
    %dma_wait3A_141 = tpu.memref_squeeze %dma_wait3A_140 : memref<1x80xi32, #tpu.memory_space<vmem>> -> memref<80xi32, #tpu.memory_space<vmem>>
    %dma_wait3A_142 = tpu.memref_slice %arg6[%mul3A_2] : memref<320000xi32, #tpu.memory_space<hbm>> -> memref<80xi32, #tpu.memory_space<hbm>>
    tpu.wait_dma2 semaphore(%arg19 : memref<!tpu.dma_semaphore, #tpu.memory_space<semaphore_mem>>) src(%dma_wait3A_142 : memref<80xi32, #tpu.memory_space<hbm>>) dst(%dma_wait3A_141 : memref<80xi32, #tpu.memory_space<vmem>>)
    %dma_wait3A_143 = arith.constant 0 : i32
    %dma_wait3A_144 = arith.constant 0 : i32
    %dma_wait3A_145 = tpu.memref_slice %arg16[%dma_wait3A_143, %dma_wait3A_144] : memref<3x32xi32, #tpu.memory_space<vmem>> -> memref<1x32xi32, #tpu.memory_space<vmem>>
    %dma_wait3A_146 = tpu.memref_squeeze %dma_wait3A_145 : memref<1x32xi32, #tpu.memory_space<vmem>> -> memref<32xi32, #tpu.memory_space<vmem>>
    %dma_wait3A_147 = tpu.memref_slice %arg6[%mul3A_2] : memref<320000xi32, #tpu.memory_space<hbm>> -> memref<32xi32, #tpu.memory_space<hbm>>
    %dma_wait3A_148 = arith.constant 0 : i32
    %dma_wait3A_149 = tpu.memref_slice %arg16[%dma_wait3A_143, %dma_wait3A_148] : memref<3x32xi32, #tpu.memory_space<vmem>> -> memref<1x32xi32, #tpu.memory_space<vmem>>
    %dma_wait3A_150 = tpu.memref_squeeze %dma_wait3A_149 : memref<1x32xi32, #tpu.memory_space<vmem>> -> memref<32xi32, #tpu.memory_space<vmem>>
    %dma_wait3A_151 = tpu.memref_slice %arg6[%mul3A_2] : memref<320000xi32, #tpu.memory_space<hbm>> -> memref<32xi32, #tpu.memory_space<hbm>>
    tpu.wait_dma2 semaphore(%arg19 : memref<!tpu.dma_semaphore, #tpu.memory_space<semaphore_mem>>) src(%dma_wait3A_151 : memref<32xi32, #tpu.memory_space<hbm>>) dst(%dma_wait3A_150 : memref<32xi32, #tpu.memory_space<vmem>>)
    %dma_wait3A_152 = arith.constant 0 : i32
    %dma_wait3A_153 = arith.constant 0 : i32
    %dma_wait3A_154 = tpu.memref_slice %arg17[%dma_wait3A_152, %dma_wait3A_153] : memref<3x48xi32, #tpu.memory_space<vmem>> -> memref<1x48xi32, #tpu.memory_space<vmem>>
    %dma_wait3A_155 = tpu.memref_squeeze %dma_wait3A_154 : memref<1x48xi32, #tpu.memory_space<vmem>> -> memref<48xi32, #tpu.memory_space<vmem>>
    %dma_wait3A_156 = tpu.memref_slice %arg6[%mul3A_2] : memref<320000xi32, #tpu.memory_space<hbm>> -> memref<48xi32, #tpu.memory_space<hbm>>
    %dma_wait3A_157 = arith.constant 0 : i32
    %dma_wait3A_158 = tpu.memref_slice %arg17[%dma_wait3A_152, %dma_wait3A_157] : memref<3x48xi32, #tpu.memory_space<vmem>> -> memref<1x48xi32, #tpu.memory_space<vmem>>
    %dma_wait3A_159 = tpu.memref_squeeze %dma_wait3A_158 : memref<1x48xi32, #tpu.memory_space<vmem>> -> memref<48xi32, #tpu.memory_space<vmem>>
    %dma_wait3A_160 = tpu.memref_slice %arg6[%mul3A_2] : memref<320000xi32, #tpu.memory_space<hbm>> -> memref<48xi32, #tpu.memory_space<hbm>>
    tpu.wait_dma2 semaphore(%arg19 : memref<!tpu.dma_semaphore, #tpu.memory_space<semaphore_mem>>) src(%dma_wait3A_160 : memref<48xi32, #tpu.memory_space<hbm>>) dst(%dma_wait3A_159 : memref<48xi32, #tpu.memory_space<vmem>>)
    %dma_start3A_161 = arith.constant 0 : i32
    %dma_start3A_162 = arith.constant 0 : i32
    %dma_start3A_163 = arith.constant 0 : i32
    %dma_start3A_164 = tpu.memref_slice %arg14[%dma_start3A_162, %dma_start3A_163] : memref<2x80xf32, #tpu.memory_space<vmem>> -> memref<1x80xf32, #tpu.memory_space<vmem>>
    %dma_start3A_165 = tpu.memref_squeeze %dma_start3A_164 : memref<1x80xf32, #tpu.memory_space<vmem>> -> memref<80xf32, #tpu.memory_space<vmem>>
    %dma_start3A_166 = arith.constant 0 : i32
    %dma_start3A_167 = tpu.memref_slice %arg12[%dma_start3A_161, %dma_start3A_166] : memref<3x80xi32, #tpu.memory_space<vmem>> -> memref<1x80xi32, #tpu.memory_space<vmem>>
    %dma_start3A_168 = tpu.memref_squeeze %dma_start3A_167 : memref<1x80xi32, #tpu.memory_space<vmem>> -> memref<80xi32, #tpu.memory_space<vmem>>
    %dma_start3A_169 = arith.constant 0 : i32
    %dma_start3A_170 = tpu.memref_slice %arg3[%dma_start3A_169] : memref<10000xf32, #tpu.memory_space<hbm>> -> memref<10000xf32, #tpu.memory_space<hbm>>
    tpu.enqueue_indirect_dma source(%dma_start3A_170 : memref<10000xf32, #tpu.memory_space<hbm>>) target(%dma_start3A_165 : memref<80xf32, #tpu.memory_space<vmem>>) offsets(%dma_start3A_168 : memref<80xi32, #tpu.memory_space<vmem>>) semaphore(%arg20 : memref<!tpu.dma_semaphore, #tpu.memory_space<semaphore_mem>>)
    %dma_start3A_171 = arith.constant 0 : i32
    %dma_start3A_172 = arith.constant 0 : i32
    %dma_start3A_173 = arith.constant 0 : i32
    %dma_start3A_174 = tpu.memref_slice %arg15[%dma_start3A_172, %dma_start3A_173] : memref<2x80xf32, #tpu.memory_space<vmem>> -> memref<1x80xf32, #tpu.memory_space<vmem>>
    %dma_start3A_175 = tpu.memref_squeeze %dma_start3A_174 : memref<1x80xf32, #tpu.memory_space<vmem>> -> memref<80xf32, #tpu.memory_space<vmem>>
    %dma_start3A_176 = arith.constant 0 : i32
    %dma_start3A_177 = tpu.memref_slice %arg13[%dma_start3A_171, %dma_start3A_176] : memref<3x80xi32, #tpu.memory_space<vmem>> -> memref<1x80xi32, #tpu.memory_space<vmem>>
    %dma_start3A_178 = tpu.memref_squeeze %dma_start3A_177 : memref<1x80xi32, #tpu.memory_space<vmem>> -> memref<80xi32, #tpu.memory_space<vmem>>
    %dma_start3A_179 = arith.constant 0 : i32
    %dma_start3A_180 = tpu.memref_slice %arg4[%dma_start3A_179] : memref<10000xf32, #tpu.memory_space<hbm>> -> memref<10000xf32, #tpu.memory_space<hbm>>
    tpu.enqueue_indirect_dma source(%dma_start3A_180 : memref<10000xf32, #tpu.memory_space<hbm>>) target(%dma_start3A_175 : memref<80xf32, #tpu.memory_space<vmem>>) offsets(%dma_start3A_178 : memref<80xi32, #tpu.memory_space<vmem>>) semaphore(%arg20 : memref<!tpu.dma_semaphore, #tpu.memory_space<semaphore_mem>>)
    %dma_start3A_181 = arith.constant 0 : i32
    %dma_start3A_182 = arith.constant 0 : i32
    %dma_start3A_183 = arith.constant 0 : i32
    %dma_start3A_184 = tpu.memref_slice %arg11[%dma_start3A_182, %dma_start3A_183] : memref<160x128xf32, #tpu.memory_space<vmem>> -> memref<80x128xf32, #tpu.memory_space<vmem>>
    %dma_start3A_185 = arith.constant 0 : i32
    %dma_start3A_186 = tpu.memref_slice %arg12[%dma_start3A_181, %dma_start3A_185] : memref<3x80xi32, #tpu.memory_space<vmem>> -> memref<1x80xi32, #tpu.memory_space<vmem>>
    %dma_start3A_187 = tpu.memref_squeeze %dma_start3A_186 : memref<1x80xi32, #tpu.memory_space<vmem>> -> memref<80xi32, #tpu.memory_space<vmem>>
    %dma_start3A_188 = arith.constant 0 : i32
    %dma_start3A_189 = arith.constant 0 : i32
    %dma_start3A_190 = tpu.memref_slice %arg2[%dma_start3A_188, %dma_start3A_189] : memref<10000x128xf32, #tpu.memory_space<hbm>> -> memref<10000x128xf32, #tpu.memory_space<hbm>>
    tpu.enqueue_indirect_dma source(%dma_start3A_190 : memref<10000x128xf32, #tpu.memory_space<hbm>>) target(%dma_start3A_184 : memref<80x128xf32, #tpu.memory_space<vmem>>) offsets(%dma_start3A_187 : memref<80xi32, #tpu.memory_space<vmem>>) semaphore(%arg21 : memref<!tpu.dma_semaphore, #tpu.memory_space<semaphore_mem>>)
    %scan3A_191 = arith.constant 0 : i32
    %scan3A_192 = arith.constant 0 : i32
    %scan3A_193 = arith.constant 125 : i32
    %scan3A_194 = arith.addi %scan3A_192, %scan3A_193 : i32
    %scan3A_195 = arith.constant 1 : i32
    scf.for %scan3A_233 = %scan3A_192 to %scan3A_194 step %scan3A_195  : i32 {
      %rem3A_234 = arith.constant 2 : i32
      %rem3A_235 = arith.remsi %scan3A_233, %rem3A_234 : i32
      %rem3A_236 = arith.constant 3 : i32
      %rem3A_237 = arith.remsi %scan3A_233, %rem3A_236 : i32
      %dma_wait3A_238 = arith.constant 0 : i32
      %dma_wait3A_239 = tpu.memref_slice %arg14[%rem3A_235, %dma_wait3A_238] : memref<2x80xf32, #tpu.memory_space<vmem>> -> memref<1x80xf32, #tpu.memory_space<vmem>>
      %dma_wait3A_240 = tpu.memref_squeeze %dma_wait3A_239 : memref<1x80xf32, #tpu.memory_space<vmem>> -> memref<80xf32, #tpu.memory_space<vmem>>
      %dma_wait3A_241 = arith.constant 0 : i32
      %dma_wait3A_242 = tpu.memref_slice %arg12[%rem3A_237, %dma_wait3A_241] : memref<3x80xi32, #tpu.memory_space<vmem>> -> memref<1x80xi32, #tpu.memory_space<vmem>>
      %dma_wait3A_243 = tpu.memref_squeeze %dma_wait3A_242 : memref<1x80xi32, #tpu.memory_space<vmem>> -> memref<80xi32, #tpu.memory_space<vmem>>
      %dma_wait3A_244 = arith.constant 0 : i32
      %dma_wait3A_245 = tpu.memref_slice %arg3[%dma_wait3A_244] : memref<10000xf32, #tpu.memory_space<hbm>> -> memref<10000xf32, #tpu.memory_space<hbm>>
      tpu.wait_indirect_dma semaphore(%arg20 : memref<!tpu.dma_semaphore, #tpu.memory_space<semaphore_mem>>) src(%dma_wait3A_245 : memref<10000xf32, #tpu.memory_space<hbm>>) dst(%dma_wait3A_240 : memref<80xf32, #tpu.memory_space<vmem>>)
      %dma_wait3A_246 = arith.constant 0 : i32
      %dma_wait3A_247 = tpu.memref_slice %arg15[%rem3A_235, %dma_wait3A_246] : memref<2x80xf32, #tpu.memory_space<vmem>> -> memref<1x80xf32, #tpu.memory_space<vmem>>
      %dma_wait3A_248 = tpu.memref_squeeze %dma_wait3A_247 : memref<1x80xf32, #tpu.memory_space<vmem>> -> memref<80xf32, #tpu.memory_space<vmem>>
      %dma_wait3A_249 = arith.constant 0 : i32
      %dma_wait3A_250 = tpu.memref_slice %arg13[%rem3A_237, %dma_wait3A_249] : memref<3x80xi32, #tpu.memory_space<vmem>> -> memref<1x80xi32, #tpu.memory_space<vmem>>
      %dma_wait3A_251 = tpu.memref_squeeze %dma_wait3A_250 : memref<1x80xi32, #tpu.memory_space<vmem>> -> memref<80xi32, #tpu.memory_space<vmem>>
      %dma_wait3A_252 = arith.constant 0 : i32
      %dma_wait3A_253 = tpu.memref_slice %arg4[%dma_wait3A_252] : memref<10000xf32, #tpu.memory_space<hbm>> -> memref<10000xf32, #tpu.memory_space<hbm>>
      tpu.wait_indirect_dma semaphore(%arg20 : memref<!tpu.dma_semaphore, #tpu.memory_space<semaphore_mem>>) src(%dma_wait3A_253 : memref<10000xf32, #tpu.memory_space<hbm>>) dst(%dma_wait3A_248 : memref<80xf32, #tpu.memory_space<vmem>>)
      %get3A = arith.index_cast %rem3A_237 : i32 to index
      %get3A_254 = arith.constant 0 : index
      %get3A_255 = tpu.vector_load %arg13[%get3A, %get3A_254] {strides = array<i32>} : memref<3x80xi32, #tpu.memory_space<vmem>>, vector<16xi32>,
      %get3A_256 = arith.index_cast %rem3A_235 : i32 to index
      %get3A_257 = arith.constant 0 : index
      %get3A_258 = tpu.vector_load %arg14[%get3A_256, %get3A_257] {strides = array<i32>} : memref<2x80xf32, #tpu.memory_space<vmem>>, vector<16xf32>,
      %get3A_259 = arith.index_cast %rem3A_235 : i32 to index
      %get3A_260 = arith.constant 0 : index
      %get3A_261 = tpu.vector_load %arg15[%get3A_259, %get3A_260] {strides = array<i32>} : memref<2x80xf32, #tpu.memory_space<vmem>>, vector<16xf32>,
      %add3A_262 = arith.addf %get3A_258, %get3A_261 : vector<16xf32>
      %ge3A = arith.constant 0.000000e+00 : f32
      %ge3A_263 = vector.broadcast %ge3A : f32 to vector<16xf32>
      %ge3A_264 = arith.cmpf oge, %add3A_262, %ge3A_263 : vector<16xf32>
      %mul3A_265 = arith.constant 2.000000e-01 : f32
      %mul3A_266 = vector.broadcast %mul3A_265 : f32 to vector<16xf32>
      %mul3A_267 = arith.mulf %add3A_262, %mul3A_266 : vector<16xf32>
      %select_n3A = arith.select %ge3A_264, %add3A_262, %mul3A_267 : vector<16xi1>, vector<16xf32>
      %exp3A = math.exp %select_n3A : vector<16xf32>
      tpu.vector_store_idx %arg9[%get3A_255], %exp3A {add = true} : memref<10000xf32, #tpu.memory_space<vmem>>[vector<16xi32>], vector<16xf32>,
      %get3A_268 = arith.index_cast %rem3A_237 : i32 to index
      %get3A_269 = arith.constant 16 : index
      %get3A_270 = tpu.vector_load %arg13[%get3A_268, %get3A_269] {strides = array<i32>} : memref<3x80xi32, #tpu.memory_space<vmem>>, vector<16xi32>,
      %get3A_271 = arith.index_cast %rem3A_235 : i32 to index
      %get3A_272 = arith.constant 16 : index
      %get3A_273 = tpu.vector_load %arg14[%get3A_271, %get3A_272] {strides = array<i32>} : memref<2x80xf32, #tpu.memory_space<vmem>>, vector<16xf32>,
      %get3A_274 = arith.index_cast %rem3A_235 : i32 to index
      %get3A_275 = arith.constant 16 : index
      %get3A_276 = tpu.vector_load %arg15[%get3A_274, %get3A_275] {strides = array<i32>} : memref<2x80xf32, #tpu.memory_space<vmem>>, vector<16xf32>,
      %add3A_277 = arith.addf %get3A_273, %get3A_276 : vector<16xf32>
      %ge3A_278 = arith.constant 0.000000e+00 : f32
      %ge3A_279 = vector.broadcast %ge3A_278 : f32 to vector<16xf32>
      %ge3A_280 = arith.cmpf oge, %add3A_277, %ge3A_279 : vector<16xf32>
      %mul3A_281 = arith.constant 2.000000e-01 : f32
      %mul3A_282 = vector.broadcast %mul3A_281 : f32 to vector<16xf32>
      %mul3A_283 = arith.mulf %add3A_277, %mul3A_282 : vector<16xf32>
      %select_n3A_284 = arith.select %ge3A_280, %add3A_277, %mul3A_283 : vector<16xi1>, vector<16xf32>
      %exp3A_285 = math.exp %select_n3A_284 : vector<16xf32>
      tpu.vector_store_idx %arg9[%get3A_270], %exp3A_285 {add = true} : memref<10000xf32, #tpu.memory_space<vmem>>[vector<16xi32>], vector<16xf32>,
      %get3A_286 = arith.index_cast %rem3A_237 : i32 to index
      %get3A_287 = arith.constant 32 : index
      %get3A_288 = tpu.vector_load %arg13[%get3A_286, %get3A_287] {strides = array<i32>} : memref<3x80xi32, #tpu.memory_space<vmem>>, vector<16xi32>,
      %get3A_289 = arith.index_cast %rem3A_235 : i32 to index
      %get3A_290 = arith.constant 32 : index
      %get3A_291 = tpu.vector_load %arg14[%get3A_289, %get3A_290] {strides = array<i32>} : memref<2x80xf32, #tpu.memory_space<vmem>>, vector<16xf32>,
      %get3A_292 = arith.index_cast %rem3A_235 : i32 to index
      %get3A_293 = arith.constant 32 : index
      %get3A_294 = tpu.vector_load %arg15[%get3A_292, %get3A_293] {strides = array<i32>} : memref<2x80xf32, #tpu.memory_space<vmem>>, vector<16xf32>,
      %add3A_295 = arith.addf %get3A_291, %get3A_294 : vector<16xf32>
      %ge3A_296 = arith.constant 0.000000e+00 : f32
      %ge3A_297 = vector.broadcast %ge3A_296 : f32 to vector<16xf32>
      %ge3A_298 = arith.cmpf oge, %add3A_295, %ge3A_297 : vector<16xf32>
      %mul3A_299 = arith.constant 2.000000e-01 : f32
      %mul3A_300 = vector.broadcast %mul3A_299 : f32 to vector<16xf32>
      %mul3A_301 = arith.mulf %add3A_295, %mul3A_300 : vector<16xf32>
      %select_n3A_302 = arith.select %ge3A_298, %add3A_295, %mul3A_301 : vector<16xi1>, vector<16xf32>
      %exp3A_303 = math.exp %select_n3A_302 : vector<16xf32>
      tpu.vector_store_idx %arg9[%get3A_288], %exp3A_303 {add = true} : memref<10000xf32, #tpu.memory_space<vmem>>[vector<16xi32>], vector<16xf32>,
      %get3A_304 = arith.index_cast %rem3A_237 : i32 to index
      %get3A_305 = arith.constant 48 : index
      %get3A_306 = tpu.vector_load %arg13[%get3A_304, %get3A_305] {strides = array<i32>} : memref<3x80xi32, #tpu.memory_space<vmem>>, vector<16xi32>,
      %get3A_307 = arith.index_cast %rem3A_235 : i32 to index
      %get3A_308 = arith.constant 48 : index
      %get3A_309 = tpu.vector_load %arg14[%get3A_307, %get3A_308] {strides = array<i32>} : memref<2x80xf32, #tpu.memory_space<vmem>>, vector<16xf32>,
      %get3A_310 = arith.index_cast %rem3A_235 : i32 to index
      %get3A_311 = arith.constant 48 : index
      %get3A_312 = tpu.vector_load %arg15[%get3A_310, %get3A_311] {strides = array<i32>} : memref<2x80xf32, #tpu.memory_space<vmem>>, vector<16xf32>,
      %add3A_313 = arith.addf %get3A_309, %get3A_312 : vector<16xf32>
      %ge3A_314 = arith.constant 0.000000e+00 : f32
      %ge3A_315 = vector.broadcast %ge3A_314 : f32 to vector<16xf32>
      %ge3A_316 = arith.cmpf oge, %add3A_313, %ge3A_315 : vector<16xf32>
      %mul3A_317 = arith.constant 2.000000e-01 : f32
      %mul3A_318 = vector.broadcast %mul3A_317 : f32 to vector<16xf32>
      %mul3A_319 = arith.mulf %add3A_313, %mul3A_318 : vector<16xf32>
      %select_n3A_320 = arith.select %ge3A_316, %add3A_313, %mul3A_319 : vector<16xi1>, vector<16xf32>
      %exp3A_321 = math.exp %select_n3A_320 : vector<16xf32>
      tpu.vector_store_idx %arg9[%get3A_306], %exp3A_321 {add = true} : memref<10000xf32, #tpu.memory_space<vmem>>[vector<16xi32>], vector<16xf32>,
      %get3A_322 = arith.index_cast %rem3A_237 : i32 to index
      %get3A_323 = arith.constant 64 : index
      %get3A_324 = tpu.vector_load %arg13[%get3A_322, %get3A_323] {strides = array<i32>} : memref<3x80xi32, #tpu.memory_space<vmem>>, vector<16xi32>,
      %get3A_325 = arith.index_cast %rem3A_235 : i32 to index
      %get3A_326 = arith.constant 64 : index
      %get3A_327 = tpu.vector_load %arg14[%get3A_325, %get3A_326] {strides = array<i32>} : memref<2x80xf32, #tpu.memory_space<vmem>>, vector<16xf32>,
      %get3A_328 = arith.index_cast %rem3A_235 : i32 to index
      %get3A_329 = arith.constant 64 : index
      %get3A_330 = tpu.vector_load %arg15[%get3A_328, %get3A_329] {strides = array<i32>} : memref<2x80xf32, #tpu.memory_space<vmem>>, vector<16xf32>,
      %add3A_331 = arith.addf %get3A_327, %get3A_330 : vector<16xf32>
      %ge3A_332 = arith.constant 0.000000e+00 : f32
      %ge3A_333 = vector.broadcast %ge3A_332 : f32 to vector<16xf32>
      %ge3A_334 = arith.cmpf oge, %add3A_331, %ge3A_333 : vector<16xf32>
      %mul3A_335 = arith.constant 2.000000e-01 : f32
      %mul3A_336 = vector.broadcast %mul3A_335 : f32 to vector<16xf32>
      %mul3A_337 = arith.mulf %add3A_331, %mul3A_336 : vector<16xf32>
      %select_n3A_338 = arith.select %ge3A_334, %add3A_331, %mul3A_337 : vector<16xi1>, vector<16xf32>
      %exp3A_339 = math.exp %select_n3A_338 : vector<16xf32>
      tpu.vector_store_idx %arg9[%get3A_324], %exp3A_339 {add = true} : memref<10000xf32, #tpu.memory_space<vmem>>[vector<16xi32>], vector<16xf32>,
      %ge3A_340 = arith.constant 1 : i32
      %ge3A_341 = arith.cmpi sge, %scan3A_233, %ge3A_340 : i32
      %convert_element_type3A_342 = arith.extui %ge3A_341 : i1 to i32
      %cond3A_343 = arith.constant 0 : i32
      %cond3A_344 = arith.cmpi ne, %convert_element_type3A_342, %cond3A_343 : i32
      scf.if %cond3A_344 {
        %sub3A = arith.constant 1 : i32
        %sub3A_407 = arith.subi %sub3A, %rem3A_235 : i32
        %add3A_408 = arith.constant 2 : i32
        %add3A_409 = arith.addi %scan3A_233, %add3A_408 : i32
        %rem3A_410 = arith.constant 3 : i32
        %rem3A_411 = arith.remsi %add3A_409, %rem3A_410 : i32
        %mul3A_412 = arith.constant 80 : i32
        %mul3A_413 = arith.muli %sub3A_407, %mul3A_412 : i32
        %dma_wait3A_414 = arith.constant 0 : i32
        %dma_wait3A_415 = tpu.memref_slice %arg11[%mul3A_413, %dma_wait3A_414] : memref<160x128xf32, #tpu.memory_space<vmem>> -> memref<32x128xf32, #tpu.memory_space<vmem>>
        %dma_wait3A_416 = arith.constant 0 : i32
        %dma_wait3A_417 = tpu.memref_slice %arg16[%rem3A_411, %dma_wait3A_416] : memref<3x32xi32, #tpu.memory_space<vmem>> -> memref<1x32xi32, #tpu.memory_space<vmem>>
        %dma_wait3A_418 = tpu.memref_squeeze %dma_wait3A_417 : memref<1x32xi32, #tpu.memory_space<vmem>> -> memref<32xi32, #tpu.memory_space<vmem>>
        %dma_wait3A_419 = arith.constant 0 : i32
        %dma_wait3A_420 = arith.constant 0 : i32
        %dma_wait3A_421 = tpu.memref_slice %arg18[%dma_wait3A_419, %dma_wait3A_420] : memref<10000x128xf32, #tpu.memory_space<vmem_shared>> -> memref<10000x128xf32, #tpu.memory_space<vmem_shared>>
        tpu.wait_indirect_dma semaphore(%arg22 : memref<!tpu.dma_semaphore, #tpu.memory_space<semaphore_mem>>) src(%dma_wait3A_415 : memref<32x128xf32, #tpu.memory_space<vmem>>) dst(%dma_wait3A_421 : memref<10000x128xf32, #tpu.memory_space<vmem_shared>>)
        %mul3A_422 = arith.constant 80 : i32
        %mul3A_423 = arith.muli %sub3A_407, %mul3A_422 : i32
        %add3A_424 = arith.constant 32 : i32
        %add3A_425 = arith.addi %mul3A_423, %add3A_424 : i32
        %dma_wait3A_426 = arith.constant 0 : i32
        %dma_wait3A_427 = tpu.memref_slice %arg11[%add3A_425, %dma_wait3A_426] : memref<160x128xf32, #tpu.memory_space<vmem>> -> memref<48x128xf32, #tpu.memory_space<vmem>>
        %dma_wait3A_428 = arith.constant 0 : i32
        %dma_wait3A_429 = tpu.memref_slice %arg17[%rem3A_411, %dma_wait3A_428] : memref<3x48xi32, #tpu.memory_space<vmem>> -> memref<1x48xi32, #tpu.memory_space<vmem>>
        %dma_wait3A_430 = tpu.memref_squeeze %dma_wait3A_429 : memref<1x48xi32, #tpu.memory_space<vmem>> -> memref<48xi32, #tpu.memory_space<vmem>>
        %dma_wait3A_431 = arith.constant 0 : i32
        %dma_wait3A_432 = arith.constant 0 : i32
        %dma_wait3A_433 = tpu.memref_slice %arg18[%dma_wait3A_431, %dma_wait3A_432] : memref<10000x128xf32, #tpu.memory_space<vmem_shared>> -> memref<10000x128xf32, #tpu.memory_space<vmem_shared>>
        tpu.wait_indirect_dma semaphore(%arg22 : memref<!tpu.dma_semaphore, #tpu.memory_space<semaphore_mem>>) src(%dma_wait3A_427 : memref<48x128xf32, #tpu.memory_space<vmem>>) dst(%dma_wait3A_433 : memref<10000x128xf32, #tpu.memory_space<vmem_shared>>)
      } else {
      }
      %add3A_345 = arith.constant 1 : i32
      %add3A_346 = arith.addi %scan3A_233, %add3A_345 : i32
      %lt3A_347 = arith.constant 125 : i32
      %lt3A_348 = arith.cmpi slt, %add3A_346, %lt3A_347 : i32
      %convert_element_type3A_349 = arith.extui %lt3A_348 : i1 to i32
      %cond3A_350 = arith.constant 0 : i32
      %cond3A_351 = arith.cmpi ne, %convert_element_type3A_349, %cond3A_350 : i32
      scf.if %cond3A_351 {
        %dma_wait3A_407 = arith.constant 0 : i32
        %dma_wait3A_408 = arith.constant 0 : i32
        %dma_wait3A_409 = tpu.memref_slice %arg12[%dma_wait3A_407, %dma_wait3A_408] : memref<3x80xi32, #tpu.memory_space<vmem>> -> memref<1x80xi32, #tpu.memory_space<vmem>>
        %dma_wait3A_410 = tpu.memref_squeeze %dma_wait3A_409 : memref<1x80xi32, #tpu.memory_space<vmem>> -> memref<80xi32, #tpu.memory_space<vmem>>
        %dma_wait3A_411 = tpu.memref_slice %arg5[%mul3A_2] : memref<320000xi32, #tpu.memory_space<hbm>> -> memref<80xi32, #tpu.memory_space<hbm>>
        %dma_wait3A_412 = arith.constant 0 : i32
        %dma_wait3A_413 = tpu.memref_slice %arg12[%dma_wait3A_407, %dma_wait3A_412] : memref<3x80xi32, #tpu.memory_space<vmem>> -> memref<1x80xi32, #tpu.memory_space<vmem>>
        %dma_wait3A_414 = tpu.memref_squeeze %dma_wait3A_413 : memref<1x80xi32, #tpu.memory_space<vmem>> -> memref<80xi32, #tpu.memory_space<vmem>>
        %dma_wait3A_415 = tpu.memref_slice %arg5[%mul3A_2] : memref<320000xi32, #tpu.memory_space<hbm>> -> memref<80xi32, #tpu.memory_space<hbm>>
        tpu.wait_dma2 semaphore(%arg19 : memref<!tpu.dma_semaphore, #tpu.memory_space<semaphore_mem>>) src(%dma_wait3A_415 : memref<80xi32, #tpu.memory_space<hbm>>) dst(%dma_wait3A_414 : memref<80xi32, #tpu.memory_space<vmem>>)
        %dma_wait3A_416 = arith.constant 0 : i32
        %dma_wait3A_417 = arith.constant 0 : i32
        %dma_wait3A_418 = tpu.memref_slice %arg13[%dma_wait3A_416, %dma_wait3A_417] : memref<3x80xi32, #tpu.memory_space<vmem>> -> memref<1x80xi32, #tpu.memory_space<vmem>>
        %dma_wait3A_419 = tpu.memref_squeeze %dma_wait3A_418 : memref<1x80xi32, #tpu.memory_space<vmem>> -> memref<80xi32, #tpu.memory_space<vmem>>
        %dma_wait3A_420 = tpu.memref_slice %arg6[%mul3A_2] : memref<320000xi32, #tpu.memory_space<hbm>> -> memref<80xi32, #tpu.memory_space<hbm>>
        %dma_wait3A_421 = arith.constant 0 : i32
        %dma_wait3A_422 = tpu.memref_slice %arg13[%dma_wait3A_416, %dma_wait3A_421] : memref<3x80xi32, #tpu.memory_space<vmem>> -> memref<1x80xi32, #tpu.memory_space<vmem>>
        %dma_wait3A_423 = tpu.memref_squeeze %dma_wait3A_422 : memref<1x80xi32, #tpu.memory_space<vmem>> -> memref<80xi32, #tpu.memory_space<vmem>>
        %dma_wait3A_424 = tpu.memref_slice %arg6[%mul3A_2] : memref<320000xi32, #tpu.memory_space<hbm>> -> memref<80xi32, #tpu.memory_space<hbm>>
        tpu.wait_dma2 semaphore(%arg19 : memref<!tpu.dma_semaphore, #tpu.memory_space<semaphore_mem>>) src(%dma_wait3A_424 : memref<80xi32, #tpu.memory_space<hbm>>) dst(%dma_wait3A_423 : memref<80xi32, #tpu.memory_space<vmem>>)
        %dma_wait3A_425 = arith.constant 0 : i32
        %dma_wait3A_426 = arith.constant 0 : i32
        %dma_wait3A_427 = tpu.memref_slice %arg16[%dma_wait3A_425, %dma_wait3A_426] : memref<3x32xi32, #tpu.memory_space<vmem>> -> memref<1x32xi32, #tpu.memory_space<vmem>>
        %dma_wait3A_428 = tpu.memref_squeeze %dma_wait3A_427 : memref<1x32xi32, #tpu.memory_space<vmem>> -> memref<32xi32, #tpu.memory_space<vmem>>
        %dma_wait3A_429 = tpu.memref_slice %arg6[%mul3A_2] : memref<320000xi32, #tpu.memory_space<hbm>> -> memref<32xi32, #tpu.memory_space<hbm>>
        %dma_wait3A_430 = arith.constant 0 : i32
        %dma_wait3A_431 = tpu.memref_slice %arg16[%dma_wait3A_425, %dma_wait3A_430] : memref<3x32xi32, #tpu.memory_space<vmem>> -> memref<1x32xi32, #tpu.memory_space<vmem>>
        %dma_wait3A_432 = tpu.memref_squeeze %dma_wait3A_431 : memref<1x32xi32, #tpu.memory_space<vmem>> -> memref<32xi32, #tpu.memory_space<vmem>>
        %dma_wait3A_433 = tpu.memref_slice %arg6[%mul3A_2] : memref<320000xi32, #tpu.memory_space<hbm>> -> memref<32xi32, #tpu.memory_space<hbm>>
        tpu.wait_dma2 semaphore(%arg19 : memref<!tpu.dma_semaphore, #tpu.memory_space<semaphore_mem>>) src(%dma_wait3A_433 : memref<32xi32, #tpu.memory_space<hbm>>) dst(%dma_wait3A_432 : memref<32xi32, #tpu.memory_space<vmem>>)
        %dma_wait3A_434 = arith.constant 0 : i32
        %dma_wait3A_435 = arith.constant 0 : i32
        %dma_wait3A_436 = tpu.memref_slice %arg17[%dma_wait3A_434, %dma_wait3A_435] : memref<3x48xi32, #tpu.memory_space<vmem>> -> memref<1x48xi32, #tpu.memory_space<vmem>>
        %dma_wait3A_437 = tpu.memref_squeeze %dma_wait3A_436 : memref<1x48xi32, #tpu.memory_space<vmem>> -> memref<48xi32, #tpu.memory_space<vmem>>
        %dma_wait3A_438 = tpu.memref_slice %arg6[%mul3A_2] : memref<320000xi32, #tpu.memory_space<hbm>> -> memref<48xi32, #tpu.memory_space<hbm>>
        %dma_wait3A_439 = arith.constant 0 : i32
        %dma_wait3A_440 = tpu.memref_slice %arg17[%dma_wait3A_434, %dma_wait3A_439] : memref<3x48xi32, #tpu.memory_space<vmem>> -> memref<1x48xi32, #tpu.memory_space<vmem>>
        %dma_wait3A_441 = tpu.memref_squeeze %dma_wait3A_440 : memref<1x48xi32, #tpu.memory_space<vmem>> -> memref<48xi32, #tpu.memory_space<vmem>>
        %dma_wait3A_442 = tpu.memref_slice %arg6[%mul3A_2] : memref<320000xi32, #tpu.memory_space<hbm>> -> memref<48xi32, #tpu.memory_space<hbm>>
        tpu.wait_dma2 semaphore(%arg19 : memref<!tpu.dma_semaphore, #tpu.memory_space<semaphore_mem>>) src(%dma_wait3A_442 : memref<48xi32, #tpu.memory_space<hbm>>) dst(%dma_wait3A_441 : memref<48xi32, #tpu.memory_space<vmem>>)
        %sub3A = arith.constant 1 : i32
        %sub3A_443 = arith.subi %sub3A, %rem3A_235 : i32
        %add3A_444 = arith.constant 1 : i32
        %add3A_445 = arith.addi %scan3A_233, %add3A_444 : i32
        %rem3A_446 = arith.constant 3 : i32
        %rem3A_447 = arith.remsi %add3A_445, %rem3A_446 : i32
        %dma_start3A_448 = arith.constant 0 : i32
        %dma_start3A_449 = tpu.memref_slice %arg14[%sub3A_443, %dma_start3A_448] : memref<2x80xf32, #tpu.memory_space<vmem>> -> memref<1x80xf32, #tpu.memory_space<vmem>>
        %dma_start3A_450 = tpu.memref_squeeze %dma_start3A_449 : memref<1x80xf32, #tpu.memory_space<vmem>> -> memref<80xf32, #tpu.memory_space<vmem>>
        %dma_start3A_451 = arith.constant 0 : i32
        %dma_start3A_452 = tpu.memref_slice %arg12[%rem3A_447, %dma_start3A_451] : memref<3x80xi32, #tpu.memory_space<vmem>> -> memref<1x80xi32, #tpu.memory_space<vmem>>
        %dma_start3A_453 = tpu.memref_squeeze %dma_start3A_452 : memref<1x80xi32, #tpu.memory_space<vmem>> -> memref<80xi32, #tpu.memory_space<vmem>>
        %dma_start3A_454 = arith.constant 0 : i32
        %dma_start3A_455 = tpu.memref_slice %arg3[%dma_start3A_454] : memref<10000xf32, #tpu.memory_space<hbm>> -> memref<10000xf32, #tpu.memory_space<hbm>>
        tpu.enqueue_indirect_dma source(%dma_start3A_455 : memref<10000xf32, #tpu.memory_space<hbm>>) target(%dma_start3A_450 : memref<80xf32, #tpu.memory_space<vmem>>) offsets(%dma_start3A_453 : memref<80xi32, #tpu.memory_space<vmem>>) semaphore(%arg20 : memref<!tpu.dma_semaphore, #tpu.memory_space<semaphore_mem>>)
        %dma_start3A_456 = arith.constant 0 : i32
        %dma_start3A_457 = tpu.memref_slice %arg15[%sub3A_443, %dma_start3A_456] : memref<2x80xf32, #tpu.memory_space<vmem>> -> memref<1x80xf32, #tpu.memory_space<vmem>>
        %dma_start3A_458 = tpu.memref_squeeze %dma_start3A_457 : memref<1x80xf32, #tpu.memory_space<vmem>> -> memref<80xf32, #tpu.memory_space<vmem>>
        %dma_start3A_459 = arith.constant 0 : i32
        %dma_start3A_460 = tpu.memref_slice %arg13[%rem3A_447, %dma_start3A_459] : memref<3x80xi32, #tpu.memory_space<vmem>> -> memref<1x80xi32, #tpu.memory_space<vmem>>
        %dma_start3A_461 = tpu.memref_squeeze %dma_start3A_460 : memref<1x80xi32, #tpu.memory_space<vmem>> -> memref<80xi32, #tpu.memory_space<vmem>>
        %dma_start3A_462 = arith.constant 0 : i32
        %dma_start3A_463 = tpu.memref_slice %arg4[%dma_start3A_462] : memref<10000xf32, #tpu.memory_space<hbm>> -> memref<10000xf32, #tpu.memory_space<hbm>>
        tpu.enqueue_indirect_dma source(%dma_start3A_463 : memref<10000xf32, #tpu.memory_space<hbm>>) target(%dma_start3A_458 : memref<80xf32, #tpu.memory_space<vmem>>) offsets(%dma_start3A_461 : memref<80xi32, #tpu.memory_space<vmem>>) semaphore(%arg20 : memref<!tpu.dma_semaphore, #tpu.memory_space<semaphore_mem>>)
        %sub3A_464 = arith.constant 1 : i32
        %sub3A_465 = arith.subi %sub3A_464, %rem3A_235 : i32
        %add3A_466 = arith.constant 1 : i32
        %add3A_467 = arith.addi %scan3A_233, %add3A_466 : i32
        %rem3A_468 = arith.constant 3 : i32
        %rem3A_469 = arith.remsi %add3A_467, %rem3A_468 : i32
        %mul3A_470 = arith.constant 80 : i32
        %mul3A_471 = arith.muli %sub3A_465, %mul3A_470 : i32
        %dma_start3A_472 = arith.constant 0 : i32
        %dma_start3A_473 = tpu.memref_slice %arg11[%mul3A_471, %dma_start3A_472] : memref<160x128xf32, #tpu.memory_space<vmem>> -> memref<80x128xf32, #tpu.memory_space<vmem>>
        %dma_start3A_474 = arith.constant 0 : i32
        %dma_start3A_475 = tpu.memref_slice %arg12[%rem3A_469, %dma_start3A_474] : memref<3x80xi32, #tpu.memory_space<vmem>> -> memref<1x80xi32, #tpu.memory_space<vmem>>
        %dma_start3A_476 = tpu.memref_squeeze %dma_start3A_475 : memref<1x80xi32, #tpu.memory_space<vmem>> -> memref<80xi32, #tpu.memory_space<vmem>>
        %dma_start3A_477 = arith.constant 0 : i32
        %dma_start3A_478 = arith.constant 0 : i32
        %dma_start3A_479 = tpu.memref_slice %arg2[%dma_start3A_477, %dma_start3A_478] : memref<10000x128xf32, #tpu.memory_space<hbm>> -> memref<10000x128xf32, #tpu.memory_space<hbm>>
        tpu.enqueue_indirect_dma source(%dma_start3A_479 : memref<10000x128xf32, #tpu.memory_space<hbm>>) target(%dma_start3A_473 : memref<80x128xf32, #tpu.memory_space<vmem>>) offsets(%dma_start3A_476 : memref<80xi32, #tpu.memory_space<vmem>>) semaphore(%arg21 : memref<!tpu.dma_semaphore, #tpu.memory_space<semaphore_mem>>)
      } else {
      }
      %add3A_352 = arith.constant 2 : i32
      %add3A_353 = arith.addi %scan3A_233, %add3A_352 : i32
      %lt3A_354 = arith.constant 125 : i32
      %lt3A_355 = arith.cmpi slt, %add3A_353, %lt3A_354 : i32
      %convert_element_type3A_356 = arith.extui %lt3A_355 : i1 to i32
      %cond3A_357 = arith.constant 0 : i32
      %cond3A_358 = arith.cmpi ne, %convert_element_type3A_356, %cond3A_357 : i32
      scf.if %cond3A_358 {
        %add3A_407 = arith.constant 2 : i32
        %add3A_408 = arith.addi %scan3A_233, %add3A_407 : i32
        %add3A_409 = arith.constant 2 : i32
        %add3A_410 = arith.addi %scan3A_233, %add3A_409 : i32
        %rem3A_411 = arith.constant 3 : i32
        %rem3A_412 = arith.remsi %add3A_410, %rem3A_411 : i32
        %mul3A_413 = arith.constant 80 : i32
        %mul3A_414 = arith.muli %add3A_408, %mul3A_413 : i32
        %add3A_415 = arith.addi %mul3A_2, %mul3A_414 : i32
        %dma_start3A_416 = arith.constant 0 : i32
        %dma_start3A_417 = tpu.memref_slice %arg12[%rem3A_412, %dma_start3A_416] : memref<3x80xi32, #tpu.memory_space<vmem>> -> memref<1x80xi32, #tpu.memory_space<vmem>>
        %dma_start3A_418 = tpu.memref_squeeze %dma_start3A_417 : memref<1x80xi32, #tpu.memory_space<vmem>> -> memref<80xi32, #tpu.memory_space<vmem>>
        %dma_start3A_419 = tpu.memref_slice %arg5[%add3A_415] : memref<320000xi32, #tpu.memory_space<hbm>> -> memref<80xi32, #tpu.memory_space<hbm>>
        %dma_start3A_420 = arith.constant 0 : i32
        %dma_start3A_421 = tpu.memref_slice %arg12[%rem3A_412, %dma_start3A_420] : memref<3x80xi32, #tpu.memory_space<vmem>> -> memref<1x80xi32, #tpu.memory_space<vmem>>
        %dma_start3A_422 = tpu.memref_squeeze %dma_start3A_421 : memref<1x80xi32, #tpu.memory_space<vmem>> -> memref<80xi32, #tpu.memory_space<vmem>>
        %dma_start3A_423 = tpu.memref_slice %arg5[%add3A_415] : memref<320000xi32, #tpu.memory_space<hbm>> -> memref<80xi32, #tpu.memory_space<hbm>>
        tpu.enqueue_dma source(%dma_start3A_423 : memref<80xi32, #tpu.memory_space<hbm>>) target(%dma_start3A_422 : memref<80xi32, #tpu.memory_space<vmem>>) target_semaphore(%arg19 : memref<!tpu.dma_semaphore, #tpu.memory_space<semaphore_mem>>)
        %mul3A_424 = arith.constant 80 : i32
        %mul3A_425 = arith.muli %add3A_408, %mul3A_424 : i32
        %add3A_426 = arith.addi %mul3A_2, %mul3A_425 : i32
        %dma_start3A_427 = arith.constant 0 : i32
        %dma_start3A_428 = tpu.memref_slice %arg13[%rem3A_412, %dma_start3A_427] : memref<3x80xi32, #tpu.memory_space<vmem>> -> memref<1x80xi32, #tpu.memory_space<vmem>>
        %dma_start3A_429 = tpu.memref_squeeze %dma_start3A_428 : memref<1x80xi32, #tpu.memory_space<vmem>> -> memref<80xi32, #tpu.memory_space<vmem>>
        %dma_start3A_430 = tpu.memref_slice %arg6[%add3A_426] : memref<320000xi32, #tpu.memory_space<hbm>> -> memref<80xi32, #tpu.memory_space<hbm>>
        %dma_start3A_431 = arith.constant 0 : i32
        %dma_start3A_432 = tpu.memref_slice %arg13[%rem3A_412, %dma_start3A_431] : memref<3x80xi32, #tpu.memory_space<vmem>> -> memref<1x80xi32, #tpu.memory_space<vmem>>
        %dma_start3A_433 = tpu.memref_squeeze %dma_start3A_432 : memref<1x80xi32, #tpu.memory_space<vmem>> -> memref<80xi32, #tpu.memory_space<vmem>>
        %dma_start3A_434 = tpu.memref_slice %arg6[%add3A_426] : memref<320000xi32, #tpu.memory_space<hbm>> -> memref<80xi32, #tpu.memory_space<hbm>>
        tpu.enqueue_dma source(%dma_start3A_434 : memref<80xi32, #tpu.memory_space<hbm>>) target(%dma_start3A_433 : memref<80xi32, #tpu.memory_space<vmem>>) target_semaphore(%arg19 : memref<!tpu.dma_semaphore, #tpu.memory_space<semaphore_mem>>)
        %mul3A_435 = arith.constant 80 : i32
        %mul3A_436 = arith.muli %add3A_408, %mul3A_435 : i32
        %add3A_437 = arith.addi %mul3A_2, %mul3A_436 : i32
        %dma_start3A_438 = arith.constant 0 : i32
        %dma_start3A_439 = tpu.memref_slice %arg16[%rem3A_412, %dma_start3A_438] : memref<3x32xi32, #tpu.memory_space<vmem>> -> memref<1x32xi32, #tpu.memory_space<vmem>>
        %dma_start3A_440 = tpu.memref_squeeze %dma_start3A_439 : memref<1x32xi32, #tpu.memory_space<vmem>> -> memref<32xi32, #tpu.memory_space<vmem>>
        %dma_start3A_441 = tpu.memref_slice %arg6[%add3A_437] : memref<320000xi32, #tpu.memory_space<hbm>> -> memref<32xi32, #tpu.memory_space<hbm>>
        %dma_start3A_442 = arith.constant 0 : i32
        %dma_start3A_443 = tpu.memref_slice %arg16[%rem3A_412, %dma_start3A_442] : memref<3x32xi32, #tpu.memory_space<vmem>> -> memref<1x32xi32, #tpu.memory_space<vmem>>
        %dma_start3A_444 = tpu.memref_squeeze %dma_start3A_443 : memref<1x32xi32, #tpu.memory_space<vmem>> -> memref<32xi32, #tpu.memory_space<vmem>>
        %dma_start3A_445 = tpu.memref_slice %arg6[%add3A_437] : memref<320000xi32, #tpu.memory_space<hbm>> -> memref<32xi32, #tpu.memory_space<hbm>>
        tpu.enqueue_dma source(%dma_start3A_445 : memref<32xi32, #tpu.memory_space<hbm>>) target(%dma_start3A_444 : memref<32xi32, #tpu.memory_space<vmem>>) target_semaphore(%arg19 : memref<!tpu.dma_semaphore, #tpu.memory_space<semaphore_mem>>)
        %mul3A_446 = arith.constant 80 : i32
        %mul3A_447 = arith.muli %add3A_408, %mul3A_446 : i32
        %add3A_448 = arith.addi %mul3A_2, %mul3A_447 : i32
        %add3A_449 = arith.constant 32 : i32
        %add3A_450 = arith.addi %add3A_448, %add3A_449 : i32
        %dma_start3A_451 = arith.constant 0 : i32
        %dma_start3A_452 = tpu.memref_slice %arg17[%rem3A_412, %dma_start3A_451] : memref<3x48xi32, #tpu.memory_space<vmem>> -> memref<1x48xi32, #tpu.memory_space<vmem>>
        %dma_start3A_453 = tpu.memref_squeeze %dma_start3A_452 : memref<1x48xi32, #tpu.memory_space<vmem>> -> memref<48xi32, #tpu.memory_space<vmem>>
        %dma_start3A_454 = tpu.memref_slice %arg6[%add3A_450] : memref<320000xi32, #tpu.memory_space<hbm>> -> memref<48xi32, #tpu.memory_space<hbm>>
        %dma_start3A_455 = arith.constant 0 : i32
        %dma_start3A_456 = tpu.memref_slice %arg17[%rem3A_412, %dma_start3A_455] : memref<3x48xi32, #tpu.memory_space<vmem>> -> memref<1x48xi32, #tpu.memory_space<vmem>>
        %dma_start3A_457 = tpu.memref_squeeze %dma_start3A_456 : memref<1x48xi32, #tpu.memory_space<vmem>> -> memref<48xi32, #tpu.memory_space<vmem>>
        %dma_start3A_458 = tpu.memref_slice %arg6[%add3A_450] : memref<320000xi32, #tpu.memory_space<hbm>> -> memref<48xi32, #tpu.memory_space<hbm>>
        tpu.enqueue_dma source(%dma_start3A_458 : memref<48xi32, #tpu.memory_space<hbm>>) target(%dma_start3A_457 : memref<48xi32, #tpu.memory_space<vmem>>) target_semaphore(%arg19 : memref<!tpu.dma_semaphore, #tpu.memory_space<semaphore_mem>>)
      } else {
      }
      %mul3A_359 = arith.constant 80 : i32
      %mul3A_360 = arith.muli %rem3A_235, %mul3A_359 : i32
      %dma_wait3A_361 = arith.constant 0 : i32
      %dma_wait3A_362 = tpu.memref_slice %arg11[%mul3A_360, %dma_wait3A_361] : memref<160x128xf32, #tpu.memory_space<vmem>> -> memref<80x128xf32, #tpu.memory_space<vmem>>
      %dma_wait3A_363 = arith.constant 0 : i32
      %dma_wait3A_364 = tpu.memref_slice %arg12[%rem3A_237, %dma_wait3A_363] : memref<3x80xi32, #tpu.memory_space<vmem>> -> memref<1x80xi32, #tpu.memory_space<vmem>>
      %dma_wait3A_365 = tpu.memref_squeeze %dma_wait3A_364 : memref<1x80xi32, #tpu.memory_space<vmem>> -> memref<80xi32, #tpu.memory_space<vmem>>
      %dma_wait3A_366 = arith.constant 0 : i32
      %dma_wait3A_367 = arith.constant 0 : i32
      %dma_wait3A_368 = tpu.memref_slice %arg2[%dma_wait3A_366, %dma_wait3A_367] : memref<10000x128xf32, #tpu.memory_space<hbm>> -> memref<10000x128xf32, #tpu.memory_space<hbm>>
      tpu.wait_indirect_dma semaphore(%arg21 : memref<!tpu.dma_semaphore, #tpu.memory_space<semaphore_mem>>) src(%dma_wait3A_368 : memref<10000x128xf32, #tpu.memory_space<hbm>>) dst(%dma_wait3A_362 : memref<80x128xf32, #tpu.memory_space<vmem>>)
      %parallel_loop3A = arith.constant 0 : i32
      %parallel_loop3A_369 = arith.constant 16 : i32
      %parallel_loop3A_370 = arith.constant 1 : i32
      scf.for %parallel_loop3A_407 = %parallel_loop3A to %parallel_loop3A_369 step %parallel_loop3A_370  : i32 {
        %parallel_loop3A_408 = arith.constant 80 : i32
        %parallel_loop3A_409 = arith.muli %rem3A_235, %parallel_loop3A_408 : i32
        %parallel_loop3A_410 = arith.constant 0 : i32
        %parallel_loop3A_411 = arith.addi %parallel_loop3A_409, %parallel_loop3A_410 : i32
        %parallel_loop3A_412 = arith.addi %parallel_loop3A_411, %parallel_loop3A_407 : i32
        %parallel_loop3A_413 = arith.constant 0 : i32
        %parallel_loop3A_414 = vector.broadcast %parallel_loop3A_413 : i32 to vector<16xi32>
        %parallel_loop3A_415 = vector.broadcast %parallel_loop3A_407 : i32 to vector<16xi32>
        %parallel_loop3A_416 = arith.addi %parallel_loop3A_414, %parallel_loop3A_415 : vector<16xi32>
        %parallel_loop3A_417 = arith.constant 0 : i32
        %parallel_loop3A_418 = vector.broadcast %parallel_loop3A_417 : i32 to vector<16xi32>
        %parallel_loop3A_419 = arith.cmpi slt, %parallel_loop3A_416, %parallel_loop3A_418 : vector<16xi32>
        %parallel_loop3A_420 = arith.constant 16 : i32
        %parallel_loop3A_421 = vector.broadcast %parallel_loop3A_420 : i32 to vector<16xi32>
        %parallel_loop3A_422 = arith.addi %parallel_loop3A_416, %parallel_loop3A_421 : vector<16xi32>
        %parallel_loop3A_423 = arith.select %parallel_loop3A_419, %parallel_loop3A_422, %parallel_loop3A_416 : vector<16xi1>, vector<16xi32>
        %parallel_loop3A_424 = vector.shape_cast %parallel_loop3A_423 : vector<16xi32> to vector<16x1xi32>
        %parallel_loop3A_425 = vector.shape_cast %parallel_loop3A_424 : vector<16x1xi32> to vector<16xi32>
        %parallel_loop3A_426 = tpu.dynamic_gather %exp3A[%parallel_loop3A_425] in [0] : vector<16xf32>, vector<16xi32> -> vector<16xf32>
        %parallel_loop3A_427 = arith.index_cast %parallel_loop3A_412 : i32 to index
        %parallel_loop3A_428 = arith.constant 0 : index
        %parallel_loop3A_429 = tpu.vector_load %arg11[%parallel_loop3A_427, %parallel_loop3A_428] {strides = array<i32>} : memref<160x128xf32, #tpu.memory_space<vmem>>, vector<16xf32>,
        %parallel_loop3A_430 = arith.mulf %parallel_loop3A_429, %parallel_loop3A_426 : vector<16xf32>
        %parallel_loop3A_431 = arith.index_cast %parallel_loop3A_412 : i32 to index
        %parallel_loop3A_432 = arith.constant 0 : index
        %parallel_loop3A_433 = tpu.vector_load %arg11[%parallel_loop3A_431, %parallel_loop3A_432] {strides = array<i32>} : memref<160x128xf32, #tpu.memory_space<vmem>>, vector<16xf32>,
        tpu.vector_store %arg11[%parallel_loop3A_431, %parallel_loop3A_432], %parallel_loop3A_430 {strides = array<i32>} : memref<160x128xf32, #tpu.memory_space<vmem>>, vector<16xf32>,
        %parallel_loop3A_434 = arith.index_cast %parallel_loop3A_412 : i32 to index
        %parallel_loop3A_435 = arith.constant 16 : index
        %parallel_loop3A_436 = tpu.vector_load %arg11[%parallel_loop3A_434, %parallel_loop3A_435] {strides = array<i32>} : memref<160x128xf32, #tpu.memory_space<vmem>>, vector<16xf32>,
        %parallel_loop3A_437 = arith.mulf %parallel_loop3A_436, %parallel_loop3A_426 : vector<16xf32>
        %parallel_loop3A_438 = arith.index_cast %parallel_loop3A_412 : i32 to index
        %parallel_loop3A_439 = arith.constant 16 : index
        %parallel_loop3A_440 = tpu.vector_load %arg11[%parallel_loop3A_438, %parallel_loop3A_439] {strides = array<i32>} : memref<160x128xf32, #tpu.memory_space<vmem>>, vector<16xf32>,
        tpu.vector_store %arg11[%parallel_loop3A_438, %parallel_loop3A_439], %parallel_loop3A_437 {strides = array<i32>} : memref<160x128xf32, #tpu.memory_space<vmem>>, vector<16xf32>,
        %parallel_loop3A_441 = arith.index_cast %parallel_loop3A_412 : i32 to index
        %parallel_loop3A_442 = arith.constant 32 : index
        %parallel_loop3A_443 = tpu.vector_load %arg11[%parallel_loop3A_441, %parallel_loop3A_442] {strides = array<i32>} : memref<160x128xf32, #tpu.memory_space<vmem>>, vector<16xf32>,
        %parallel_loop3A_444 = arith.mulf %parallel_loop3A_443, %parallel_loop3A_426 : vector<16xf32>
        %parallel_loop3A_445 = arith.index_cast %parallel_loop3A_412 : i32 to index
        %parallel_loop3A_446 = arith.constant 32 : index
        %parallel_loop3A_447 = tpu.vector_load %arg11[%parallel_loop3A_445, %parallel_loop3A_446] {strides = array<i32>} : memref<160x128xf32, #tpu.memory_space<vmem>>, vector<16xf32>,
        tpu.vector_store %arg11[%parallel_loop3A_445, %parallel_loop3A_446], %parallel_loop3A_444 {strides = array<i32>} : memref<160x128xf32, #tpu.memory_space<vmem>>, vector<16xf32>,
        %parallel_loop3A_448 = arith.index_cast %parallel_loop3A_412 : i32 to index
        %parallel_loop3A_449 = arith.constant 48 : index
        %parallel_loop3A_450 = tpu.vector_load %arg11[%parallel_loop3A_448, %parallel_loop3A_449] {strides = array<i32>} : memref<160x128xf32, #tpu.memory_space<vmem>>, vector<16xf32>,
        %parallel_loop3A_451 = arith.mulf %parallel_loop3A_450, %parallel_loop3A_426 : vector<16xf32>
        %parallel_loop3A_452 = arith.index_cast %parallel_loop3A_412 : i32 to index
        %parallel_loop3A_453 = arith.constant 48 : index
        %parallel_loop3A_454 = tpu.vector_load %arg11[%parallel_loop3A_452, %parallel_loop3A_453] {strides = array<i32>} : memref<160x128xf32, #tpu.memory_space<vmem>>, vector<16xf32>,
        tpu.vector_store %arg11[%parallel_loop3A_452, %parallel_loop3A_453], %parallel_loop3A_451 {strides = array<i32>} : memref<160x128xf32, #tpu.memory_space<vmem>>, vector<16xf32>,
        %parallel_loop3A_455 = arith.index_cast %parallel_loop3A_412 : i32 to index
        %parallel_loop3A_456 = arith.constant 64 : index
        %parallel_loop3A_457 = tpu.vector_load %arg11[%parallel_loop3A_455, %parallel_loop3A_456] {strides = array<i32>} : memref<160x128xf32, #tpu.memory_space<vmem>>, vector<16xf32>,
        %parallel_loop3A_458 = arith.mulf %parallel_loop3A_457, %parallel_loop3A_426 : vector<16xf32>
        %parallel_loop3A_459 = arith.index_cast %parallel_loop3A_412 : i32 to index
        %parallel_loop3A_460 = arith.constant 64 : index
        %parallel_loop3A_461 = tpu.vector_load %arg11[%parallel_loop3A_459, %parallel_loop3A_460] {strides = array<i32>} : memref<160x128xf32, #tpu.memory_space<vmem>>, vector<16xf32>,
        tpu.vector_store %arg11[%parallel_loop3A_459, %parallel_loop3A_460], %parallel_loop3A_458 {strides = array<i32>} : memref<160x128xf32, #tpu.memory_space<vmem>>, vector<16xf32>,
        %parallel_loop3A_462 = arith.index_cast %parallel_loop3A_412 : i32 to index
        %parallel_loop3A_463 = arith.constant 80 : index
        %parallel_loop3A_464 = tpu.vector_load %arg11[%parallel_loop3A_462, %parallel_loop3A_463] {strides = array<i32>} : memref<160x128xf32, #tpu.memory_space<vmem>>, vector<16xf32>,
        %parallel_loop3A_465 = arith.mulf %parallel_loop3A_464, %parallel_loop3A_426 : vector<16xf32>
        %parallel_loop3A_466 = arith.index_cast %parallel_loop3A_412 : i32 to index
        %parallel_loop3A_467 = arith.constant 80 : index
        %parallel_loop3A_468 = tpu.vector_load %arg11[%parallel_loop3A_466, %parallel_loop3A_467] {strides = array<i32>} : memref<160x128xf32, #tpu.memory_space<vmem>>, vector<16xf32>,
        tpu.vector_store %arg11[%parallel_loop3A_466, %parallel_loop3A_467], %parallel_loop3A_465 {strides = array<i32>} : memref<160x128xf32, #tpu.memory_space<vmem>>, vector<16xf32>,
        %parallel_loop3A_469 = arith.index_cast %parallel_loop3A_412 : i32 to index
        %parallel_loop3A_470 = arith.constant 96 : index
        %parallel_loop3A_471 = tpu.vector_load %arg11[%parallel_loop3A_469, %parallel_loop3A_470] {strides = array<i32>} : memref<160x128xf32, #tpu.memory_space<vmem>>, vector<16xf32>,
        %parallel_loop3A_472 = arith.mulf %parallel_loop3A_471, %parallel_loop3A_426 : vector<16xf32>
        %parallel_loop3A_473 = arith.index_cast %parallel_loop3A_412 : i32 to index
        %parallel_loop3A_474 = arith.constant 96 : index
        %parallel_loop3A_475 = tpu.vector_load %arg11[%parallel_loop3A_473, %parallel_loop3A_474] {strides = array<i32>} : memref<160x128xf32, #tpu.memory_space<vmem>>, vector<16xf32>,
        tpu.vector_store %arg11[%parallel_loop3A_473, %parallel_loop3A_474], %parallel_loop3A_472 {strides = array<i32>} : memref<160x128xf32, #tpu.memory_space<vmem>>, vector<16xf32>,
        %parallel_loop3A_476 = arith.index_cast %parallel_loop3A_412 : i32 to index
        %parallel_loop3A_477 = arith.constant 112 : index
        %parallel_loop3A_478 = tpu.vector_load %arg11[%parallel_loop3A_476, %parallel_loop3A_477] {strides = array<i32>} : memref<160x128xf32, #tpu.memory_space<vmem>>, vector<16xf32>,
        %parallel_loop3A_479 = arith.mulf %parallel_loop3A_478, %parallel_loop3A_426 : vector<16xf32>
        %parallel_loop3A_480 = arith.index_cast %parallel_loop3A_412 : i32 to index
        %parallel_loop3A_481 = arith.constant 112 : index
        %parallel_loop3A_482 = tpu.vector_load %arg11[%parallel_loop3A_480, %parallel_loop3A_481] {strides = array<i32>} : memref<160x128xf32, #tpu.memory_space<vmem>>, vector<16xf32>,
        tpu.vector_store %arg11[%parallel_loop3A_480, %parallel_loop3A_481], %parallel_loop3A_479 {strides = array<i32>} : memref<160x128xf32, #tpu.memory_space<vmem>>, vector<16xf32>,
      } {sc.loop_unroll_factor = 8 : i64, sc.parallel_access}
      %parallel_loop3A_371 = arith.constant 0 : i32
      %parallel_loop3A_372 = arith.constant 16 : i32
      %parallel_loop3A_373 = arith.constant 1 : i32
      scf.for %parallel_loop3A_407 = %parallel_loop3A_371 to %parallel_loop3A_372 step %parallel_loop3A_373  : i32 {
        %parallel_loop3A_408 = arith.constant 80 : i32
        %parallel_loop3A_409 = arith.muli %rem3A_235, %parallel_loop3A_408 : i32
        %parallel_loop3A_410 = arith.constant 16 : i32
        %parallel_loop3A_411 = arith.addi %parallel_loop3A_409, %parallel_loop3A_410 : i32
        %parallel_loop3A_412 = arith.addi %parallel_loop3A_411, %parallel_loop3A_407 : i32
        %parallel_loop3A_413 = arith.constant 0 : i32
        %parallel_loop3A_414 = vector.broadcast %parallel_loop3A_413 : i32 to vector<16xi32>
        %parallel_loop3A_415 = vector.broadcast %parallel_loop3A_407 : i32 to vector<16xi32>
        %parallel_loop3A_416 = arith.addi %parallel_loop3A_414, %parallel_loop3A_415 : vector<16xi32>
        %parallel_loop3A_417 = arith.constant 0 : i32
        %parallel_loop3A_418 = vector.broadcast %parallel_loop3A_417 : i32 to vector<16xi32>
        %parallel_loop3A_419 = arith.cmpi slt, %parallel_loop3A_416, %parallel_loop3A_418 : vector<16xi32>
        %parallel_loop3A_420 = arith.constant 16 : i32
        %parallel_loop3A_421 = vector.broadcast %parallel_loop3A_420 : i32 to vector<16xi32>
        %parallel_loop3A_422 = arith.addi %parallel_loop3A_416, %parallel_loop3A_421 : vector<16xi32>
        %parallel_loop3A_423 = arith.select %parallel_loop3A_419, %parallel_loop3A_422, %parallel_loop3A_416 : vector<16xi1>, vector<16xi32>
        %parallel_loop3A_424 = vector.shape_cast %parallel_loop3A_423 : vector<16xi32> to vector<16x1xi32>
        %parallel_loop3A_425 = vector.shape_cast %parallel_loop3A_424 : vector<16x1xi32> to vector<16xi32>
        %parallel_loop3A_426 = tpu.dynamic_gather %exp3A_285[%parallel_loop3A_425] in [0] : vector<16xf32>, vector<16xi32> -> vector<16xf32>
        %parallel_loop3A_427 = arith.index_cast %parallel_loop3A_412 : i32 to index
        %parallel_loop3A_428 = arith.constant 0 : index
        %parallel_loop3A_429 = tpu.vector_load %arg11[%parallel_loop3A_427, %parallel_loop3A_428] {strides = array<i32>} : memref<160x128xf32, #tpu.memory_space<vmem>>, vector<16xf32>,
        %parallel_loop3A_430 = arith.mulf %parallel_loop3A_429, %parallel_loop3A_426 : vector<16xf32>
        %parallel_loop3A_431 = arith.index_cast %parallel_loop3A_412 : i32 to index
        %parallel_loop3A_432 = arith.constant 0 : index
        %parallel_loop3A_433 = tpu.vector_load %arg11[%parallel_loop3A_431, %parallel_loop3A_432] {strides = array<i32>} : memref<160x128xf32, #tpu.memory_space<vmem>>, vector<16xf32>,
        tpu.vector_store %arg11[%parallel_loop3A_431, %parallel_loop3A_432], %parallel_loop3A_430 {strides = array<i32>} : memref<160x128xf32, #tpu.memory_space<vmem>>, vector<16xf32>,
        %parallel_loop3A_434 = arith.index_cast %parallel_loop3A_412 : i32 to index
        %parallel_loop3A_435 = arith.constant 16 : index
        %parallel_loop3A_436 = tpu.vector_load %arg11[%parallel_loop3A_434, %parallel_loop3A_435] {strides = array<i32>} : memref<160x128xf32, #tpu.memory_space<vmem>>, vector<16xf32>,
        %parallel_loop3A_437 = arith.mulf %parallel_loop3A_436, %parallel_loop3A_426 : vector<16xf32>
        %parallel_loop3A_438 = arith.index_cast %parallel_loop3A_412 : i32 to index
        %parallel_loop3A_439 = arith.constant 16 : index
        %parallel_loop3A_440 = tpu.vector_load %arg11[%parallel_loop3A_438, %parallel_loop3A_439] {strides = array<i32>} : memref<160x128xf32, #tpu.memory_space<vmem>>, vector<16xf32>,
        tpu.vector_store %arg11[%parallel_loop3A_438, %parallel_loop3A_439], %parallel_loop3A_437 {strides = array<i32>} : memref<160x128xf32, #tpu.memory_space<vmem>>, vector<16xf32>,
        %parallel_loop3A_441 = arith.index_cast %parallel_loop3A_412 : i32 to index
        %parallel_loop3A_442 = arith.constant 32 : index
        %parallel_loop3A_443 = tpu.vector_load %arg11[%parallel_loop3A_441, %parallel_loop3A_442] {strides = array<i32>} : memref<160x128xf32, #tpu.memory_space<vmem>>, vector<16xf32>,
        %parallel_loop3A_444 = arith.mulf %parallel_loop3A_443, %parallel_loop3A_426 : vector<16xf32>
        %parallel_loop3A_445 = arith.index_cast %parallel_loop3A_412 : i32 to index
        %parallel_loop3A_446 = arith.constant 32 : index
        %parallel_loop3A_447 = tpu.vector_load %arg11[%parallel_loop3A_445, %parallel_loop3A_446] {strides = array<i32>} : memref<160x128xf32, #tpu.memory_space<vmem>>, vector<16xf32>,
        tpu.vector_store %arg11[%parallel_loop3A_445, %parallel_loop3A_446], %parallel_loop3A_444 {strides = array<i32>} : memref<160x128xf32, #tpu.memory_space<vmem>>, vector<16xf32>,
        %parallel_loop3A_448 = arith.index_cast %parallel_loop3A_412 : i32 to index
        %parallel_loop3A_449 = arith.constant 48 : index
        %parallel_loop3A_450 = tpu.vector_load %arg11[%parallel_loop3A_448, %parallel_loop3A_449] {strides = array<i32>} : memref<160x128xf32, #tpu.memory_space<vmem>>, vector<16xf32>,
        %parallel_loop3A_451 = arith.mulf %parallel_loop3A_450, %parallel_loop3A_426 : vector<16xf32>
        %parallel_loop3A_452 = arith.index_cast %parallel_loop3A_412 : i32 to index
        %parallel_loop3A_453 = arith.constant 48 : index
        %parallel_loop3A_454 = tpu.vector_load %arg11[%parallel_loop3A_452, %parallel_loop3A_453] {strides = array<i32>} : memref<160x128xf32, #tpu.memory_space<vmem>>, vector<16xf32>,
        tpu.vector_store %arg11[%parallel_loop3A_452, %parallel_loop3A_453], %parallel_loop3A_451 {strides = array<i32>} : memref<160x128xf32, #tpu.memory_space<vmem>>, vector<16xf32>,
        %parallel_loop3A_455 = arith.index_cast %parallel_loop3A_412 : i32 to index
        %parallel_loop3A_456 = arith.constant 64 : index
        %parallel_loop3A_457 = tpu.vector_load %arg11[%parallel_loop3A_455, %parallel_loop3A_456] {strides = array<i32>} : memref<160x128xf32, #tpu.memory_space<vmem>>, vector<16xf32>,
        %parallel_loop3A_458 = arith.mulf %parallel_loop3A_457, %parallel_loop3A_426 : vector<16xf32>
        %parallel_loop3A_459 = arith.index_cast %parallel_loop3A_412 : i32 to index
        %parallel_loop3A_460 = arith.constant 64 : index
        %parallel_loop3A_461 = tpu.vector_load %arg11[%parallel_loop3A_459, %parallel_loop3A_460] {strides = array<i32>} : memref<160x128xf32, #tpu.memory_space<vmem>>, vector<16xf32>,
        tpu.vector_store %arg11[%parallel_loop3A_459, %parallel_loop3A_460], %parallel_loop3A_458 {strides = array<i32>} : memref<160x128xf32, #tpu.memory_space<vmem>>, vector<16xf32>,
        %parallel_loop3A_462 = arith.index_cast %parallel_loop3A_412 : i32 to index
        %parallel_loop3A_463 = arith.constant 80 : index
        %parallel_loop3A_464 = tpu.vector_load %arg11[%parallel_loop3A_462, %parallel_loop3A_463] {strides = array<i32>} : memref<160x128xf32, #tpu.memory_space<vmem>>, vector<16xf32>,
        %parallel_loop3A_465 = arith.mulf %parallel_loop3A_464, %parallel_loop3A_426 : vector<16xf32>
        %parallel_loop3A_466 = arith.index_cast %parallel_loop3A_412 : i32 to index
        %parallel_loop3A_467 = arith.constant 80 : index
        %parallel_loop3A_468 = tpu.vector_load %arg11[%parallel_loop3A_466, %parallel_loop3A_467] {strides = array<i32>} : memref<160x128xf32, #tpu.memory_space<vmem>>, vector<16xf32>,
        tpu.vector_store %arg11[%parallel_loop3A_466, %parallel_loop3A_467], %parallel_loop3A_465 {strides = array<i32>} : memref<160x128xf32, #tpu.memory_space<vmem>>, vector<16xf32>,
        %parallel_loop3A_469 = arith.index_cast %parallel_loop3A_412 : i32 to index
        %parallel_loop3A_470 = arith.constant 96 : index
        %parallel_loop3A_471 = tpu.vector_load %arg11[%parallel_loop3A_469, %parallel_loop3A_470] {strides = array<i32>} : memref<160x128xf32, #tpu.memory_space<vmem>>, vector<16xf32>,
        %parallel_loop3A_472 = arith.mulf %parallel_loop3A_471, %parallel_loop3A_426 : vector<16xf32>
        %parallel_loop3A_473 = arith.index_cast %parallel_loop3A_412 : i32 to index
        %parallel_loop3A_474 = arith.constant 96 : index
        %parallel_loop3A_475 = tpu.vector_load %arg11[%parallel_loop3A_473, %parallel_loop3A_474] {strides = array<i32>} : memref<160x128xf32, #tpu.memory_space<vmem>>, vector<16xf32>,
        tpu.vector_store %arg11[%parallel_loop3A_473, %parallel_loop3A_474], %parallel_loop3A_472 {strides = array<i32>} : memref<160x128xf32, #tpu.memory_space<vmem>>, vector<16xf32>,
        %parallel_loop3A_476 = arith.index_cast %parallel_loop3A_412 : i32 to index
        %parallel_loop3A_477 = arith.constant 112 : index
        %parallel_loop3A_478 = tpu.vector_load %arg11[%parallel_loop3A_476, %parallel_loop3A_477] {strides = array<i32>} : memref<160x128xf32, #tpu.memory_space<vmem>>, vector<16xf32>,
        %parallel_loop3A_479 = arith.mulf %parallel_loop3A_478, %parallel_loop3A_426 : vector<16xf32>
        %parallel_loop3A_480 = arith.index_cast %parallel_loop3A_412 : i32 to index
        %parallel_loop3A_481 = arith.constant 112 : index
        %parallel_loop3A_482 = tpu.vector_load %arg11[%parallel_loop3A_480, %parallel_loop3A_481] {strides = array<i32>} : memref<160x128xf32, #tpu.memory_space<vmem>>, vector<16xf32>,
        tpu.vector_store %arg11[%parallel_loop3A_480, %parallel_loop3A_481], %parallel_loop3A_479 {strides = array<i32>} : memref<160x128xf32, #tpu.memory_space<vmem>>, vector<16xf32>,
      } {sc.loop_unroll_factor = 8 : i64, sc.parallel_access}
      %mul3A_374 = arith.constant 80 : i32
      %mul3A_375 = arith.muli %rem3A_235, %mul3A_374 : i32
      %add3A_376 = arith.constant 0 : i32
      %add3A_377 = arith.addi %mul3A_375, %add3A_376 : i32
      %dma_start3A_378 = arith.constant 0 : i32
      %dma_start3A_379 = tpu.memref_slice %arg11[%add3A_377, %dma_start3A_378] : memref<160x128xf32, #tpu.memory_space<vmem>> -> memref<32x128xf32, #tpu.memory_space<vmem>>
      %dma_start3A_380 = arith.constant 0 : i32
      %dma_start3A_381 = tpu.memref_slice %arg16[%rem3A_237, %dma_start3A_380] : memref<3x32xi32, #tpu.memory_space<vmem>> -> memref<1x32xi32, #tpu.memory_space<vmem>>
      %dma_start3A_382 = tpu.memref_squeeze %dma_start3A_381 : memref<1x32xi32, #tpu.memory_space<vmem>> -> memref<32xi32, #tpu.memory_space<vmem>>
      %dma_start3A_383 = arith.constant 0 : i32
      %dma_start3A_384 = arith.constant 0 : i32
      %dma_start3A_385 = tpu.memref_slice %arg18[%dma_start3A_383, %dma_start3A_384] : memref<10000x128xf32, #tpu.memory_space<vmem_shared>> -> memref<10000x128xf32, #tpu.memory_space<vmem_shared>>
      tpu.enqueue_indirect_dma source(%dma_start3A_379 : memref<32x128xf32, #tpu.memory_space<vmem>>) target(%dma_start3A_385 : memref<10000x128xf32, #tpu.memory_space<vmem_shared>>) offsets(%dma_start3A_382 : memref<32xi32, #tpu.memory_space<vmem>>) semaphore(%arg22 : memref<!tpu.dma_semaphore, #tpu.memory_space<semaphore_mem>>) {add = true}
      %parallel_loop3A_386 = arith.constant 0 : i32
      %parallel_loop3A_387 = arith.constant 16 : i32
      %parallel_loop3A_388 = arith.constant 1 : i32
      scf.for %parallel_loop3A_407 = %parallel_loop3A_386 to %parallel_loop3A_387 step %parallel_loop3A_388  : i32 {
        %parallel_loop3A_408 = arith.constant 80 : i32
        %parallel_loop3A_409 = arith.muli %rem3A_235, %parallel_loop3A_408 : i32
        %parallel_loop3A_410 = arith.constant 32 : i32
        %parallel_loop3A_411 = arith.addi %parallel_loop3A_409, %parallel_loop3A_410 : i32
        %parallel_loop3A_412 = arith.addi %parallel_loop3A_411, %parallel_loop3A_407 : i32
        %parallel_loop3A_413 = arith.constant 0 : i32
        %parallel_loop3A_414 = vector.broadcast %parallel_loop3A_413 : i32 to vector<16xi32>
        %parallel_loop3A_415 = vector.broadcast %parallel_loop3A_407 : i32 to vector<16xi32>
        %parallel_loop3A_416 = arith.addi %parallel_loop3A_414, %parallel_loop3A_415 : vector<16xi32>
        %parallel_loop3A_417 = arith.constant 0 : i32
        %parallel_loop3A_418 = vector.broadcast %parallel_loop3A_417 : i32 to vector<16xi32>
        %parallel_loop3A_419 = arith.cmpi slt, %parallel_loop3A_416, %parallel_loop3A_418 : vector<16xi32>
        %parallel_loop3A_420 = arith.constant 16 : i32
        %parallel_loop3A_421 = vector.broadcast %parallel_loop3A_420 : i32 to vector<16xi32>
        %parallel_loop3A_422 = arith.addi %parallel_loop3A_416, %parallel_loop3A_421 : vector<16xi32>
        %parallel_loop3A_423 = arith.select %parallel_loop3A_419, %parallel_loop3A_422, %parallel_loop3A_416 : vector<16xi1>, vector<16xi32>
        %parallel_loop3A_424 = vector.shape_cast %parallel_loop3A_423 : vector<16xi32> to vector<16x1xi32>
        %parallel_loop3A_425 = vector.shape_cast %parallel_loop3A_424 : vector<16x1xi32> to vector<16xi32>
        %parallel_loop3A_426 = tpu.dynamic_gather %exp3A_303[%parallel_loop3A_425] in [0] : vector<16xf32>, vector<16xi32> -> vector<16xf32>
        %parallel_loop3A_427 = arith.index_cast %parallel_loop3A_412 : i32 to index
        %parallel_loop3A_428 = arith.constant 0 : index
        %parallel_loop3A_429 = tpu.vector_load %arg11[%parallel_loop3A_427, %parallel_loop3A_428] {strides = array<i32>} : memref<160x128xf32, #tpu.memory_space<vmem>>, vector<16xf32>,
        %parallel_loop3A_430 = arith.mulf %parallel_loop3A_429, %parallel_loop3A_426 : vector<16xf32>
        %parallel_loop3A_431 = arith.index_cast %parallel_loop3A_412 : i32 to index
        %parallel_loop3A_432 = arith.constant 0 : index
        %parallel_loop3A_433 = tpu.vector_load %arg11[%parallel_loop3A_431, %parallel_loop3A_432] {strides = array<i32>} : memref<160x128xf32, #tpu.memory_space<vmem>>, vector<16xf32>,
        tpu.vector_store %arg11[%parallel_loop3A_431, %parallel_loop3A_432], %parallel_loop3A_430 {strides = array<i32>} : memref<160x128xf32, #tpu.memory_space<vmem>>, vector<16xf32>,
        %parallel_loop3A_434 = arith.index_cast %parallel_loop3A_412 : i32 to index
        %parallel_loop3A_435 = arith.constant 16 : index
        %parallel_loop3A_436 = tpu.vector_load %arg11[%parallel_loop3A_434, %parallel_loop3A_435] {strides = array<i32>} : memref<160x128xf32, #tpu.memory_space<vmem>>, vector<16xf32>,
        %parallel_loop3A_437 = arith.mulf %parallel_loop3A_436, %parallel_loop3A_426 : vector<16xf32>
        %parallel_loop3A_438 = arith.index_cast %parallel_loop3A_412 : i32 to index
        %parallel_loop3A_439 = arith.constant 16 : index
        %parallel_loop3A_440 = tpu.vector_load %arg11[%parallel_loop3A_438, %parallel_loop3A_439] {strides = array<i32>} : memref<160x128xf32, #tpu.memory_space<vmem>>, vector<16xf32>,
        tpu.vector_store %arg11[%parallel_loop3A_438, %parallel_loop3A_439], %parallel_loop3A_437 {strides = array<i32>} : memref<160x128xf32, #tpu.memory_space<vmem>>, vector<16xf32>,
        %parallel_loop3A_441 = arith.index_cast %parallel_loop3A_412 : i32 to index
        %parallel_loop3A_442 = arith.constant 32 : index
        %parallel_loop3A_443 = tpu.vector_load %arg11[%parallel_loop3A_441, %parallel_loop3A_442] {strides = array<i32>} : memref<160x128xf32, #tpu.memory_space<vmem>>, vector<16xf32>,
        %parallel_loop3A_444 = arith.mulf %parallel_loop3A_443, %parallel_loop3A_426 : vector<16xf32>
        %parallel_loop3A_445 = arith.index_cast %parallel_loop3A_412 : i32 to index
        %parallel_loop3A_446 = arith.constant 32 : index
        %parallel_loop3A_447 = tpu.vector_load %arg11[%parallel_loop3A_445, %parallel_loop3A_446] {strides = array<i32>} : memref<160x128xf32, #tpu.memory_space<vmem>>, vector<16xf32>,
        tpu.vector_store %arg11[%parallel_loop3A_445, %parallel_loop3A_446], %parallel_loop3A_444 {strides = array<i32>} : memref<160x128xf32, #tpu.memory_space<vmem>>, vector<16xf32>,
        %parallel_loop3A_448 = arith.index_cast %parallel_loop3A_412 : i32 to index
        %parallel_loop3A_449 = arith.constant 48 : index
        %parallel_loop3A_450 = tpu.vector_load %arg11[%parallel_loop3A_448, %parallel_loop3A_449] {strides = array<i32>} : memref<160x128xf32, #tpu.memory_space<vmem>>, vector<16xf32>,
        %parallel_loop3A_451 = arith.mulf %parallel_loop3A_450, %parallel_loop3A_426 : vector<16xf32>
        %parallel_loop3A_452 = arith.index_cast %parallel_loop3A_412 : i32 to index
        %parallel_loop3A_453 = arith.constant 48 : index
        %parallel_loop3A_454 = tpu.vector_load %arg11[%parallel_loop3A_452, %parallel_loop3A_453] {strides = array<i32>} : memref<160x128xf32, #tpu.memory_space<vmem>>, vector<16xf32>,
        tpu.vector_store %arg11[%parallel_loop3A_452, %parallel_loop3A_453], %parallel_loop3A_451 {strides = array<i32>} : memref<160x128xf32, #tpu.memory_space<vmem>>, vector<16xf32>,
        %parallel_loop3A_455 = arith.index_cast %parallel_loop3A_412 : i32 to index
        %parallel_loop3A_456 = arith.constant 64 : index
        %parallel_loop3A_457 = tpu.vector_load %arg11[%parallel_loop3A_455, %parallel_loop3A_456] {strides = array<i32>} : memref<160x128xf32, #tpu.memory_space<vmem>>, vector<16xf32>,
        %parallel_loop3A_458 = arith.mulf %parallel_loop3A_457, %parallel_loop3A_426 : vector<16xf32>
        %parallel_loop3A_459 = arith.index_cast %parallel_loop3A_412 : i32 to index
        %parallel_loop3A_460 = arith.constant 64 : index
        %parallel_loop3A_461 = tpu.vector_load %arg11[%parallel_loop3A_459, %parallel_loop3A_460] {strides = array<i32>} : memref<160x128xf32, #tpu.memory_space<vmem>>, vector<16xf32>,
        tpu.vector_store %arg11[%parallel_loop3A_459, %parallel_loop3A_460], %parallel_loop3A_458 {strides = array<i32>} : memref<160x128xf32, #tpu.memory_space<vmem>>, vector<16xf32>,
        %parallel_loop3A_462 = arith.index_cast %parallel_loop3A_412 : i32 to index
        %parallel_loop3A_463 = arith.constant 80 : index
        %parallel_loop3A_464 = tpu.vector_load %arg11[%parallel_loop3A_462, %parallel_loop3A_463] {strides = array<i32>} : memref<160x128xf32, #tpu.memory_space<vmem>>, vector<16xf32>,
        %parallel_loop3A_465 = arith.mulf %parallel_loop3A_464, %parallel_loop3A_426 : vector<16xf32>
        %parallel_loop3A_466 = arith.index_cast %parallel_loop3A_412 : i32 to index
        %parallel_loop3A_467 = arith.constant 80 : index
        %parallel_loop3A_468 = tpu.vector_load %arg11[%parallel_loop3A_466, %parallel_loop3A_467] {strides = array<i32>} : memref<160x128xf32, #tpu.memory_space<vmem>>, vector<16xf32>,
        tpu.vector_store %arg11[%parallel_loop3A_466, %parallel_loop3A_467], %parallel_loop3A_465 {strides = array<i32>} : memref<160x128xf32, #tpu.memory_space<vmem>>, vector<16xf32>,
        %parallel_loop3A_469 = arith.index_cast %parallel_loop3A_412 : i32 to index
        %parallel_loop3A_470 = arith.constant 96 : index
        %parallel_loop3A_471 = tpu.vector_load %arg11[%parallel_loop3A_469, %parallel_loop3A_470] {strides = array<i32>} : memref<160x128xf32, #tpu.memory_space<vmem>>, vector<16xf32>,
        %parallel_loop3A_472 = arith.mulf %parallel_loop3A_471, %parallel_loop3A_426 : vector<16xf32>
        %parallel_loop3A_473 = arith.index_cast %parallel_loop3A_412 : i32 to index
        %parallel_loop3A_474 = arith.constant 96 : index
        %parallel_loop3A_475 = tpu.vector_load %arg11[%parallel_loop3A_473, %parallel_loop3A_474] {strides = array<i32>} : memref<160x128xf32, #tpu.memory_space<vmem>>, vector<16xf32>,
        tpu.vector_store %arg11[%parallel_loop3A_473, %parallel_loop3A_474], %parallel_loop3A_472 {strides = array<i32>} : memref<160x128xf32, #tpu.memory_space<vmem>>, vector<16xf32>,
        %parallel_loop3A_476 = arith.index_cast %parallel_loop3A_412 : i32 to index
        %parallel_loop3A_477 = arith.constant 112 : index
        %parallel_loop3A_478 = tpu.vector_load %arg11[%parallel_loop3A_476, %parallel_loop3A_477] {strides = array<i32>} : memref<160x128xf32, #tpu.memory_space<vmem>>, vector<16xf32>,
        %parallel_loop3A_479 = arith.mulf %parallel_loop3A_478, %parallel_loop3A_426 : vector<16xf32>
        %parallel_loop3A_480 = arith.index_cast %parallel_loop3A_412 : i32 to index
        %parallel_loop3A_481 = arith.constant 112 : index
        %parallel_loop3A_482 = tpu.vector_load %arg11[%parallel_loop3A_480, %parallel_loop3A_481] {strides = array<i32>} : memref<160x128xf32, #tpu.memory_space<vmem>>, vector<16xf32>,
        tpu.vector_store %arg11[%parallel_loop3A_480, %parallel_loop3A_481], %parallel_loop3A_479 {strides = array<i32>} : memref<160x128xf32, #tpu.memory_space<vmem>>, vector<16xf32>,
      } {sc.loop_unroll_factor = 8 : i64, sc.parallel_access}
      %parallel_loop3A_389 = arith.constant 0 : i32
      %parallel_loop3A_390 = arith.constant 16 : i32
      %parallel_loop3A_391 = arith.constant 1 : i32
      scf.for %parallel_loop3A_407 = %parallel_loop3A_389 to %parallel_loop3A_390 step %parallel_loop3A_391  : i32 {
        %parallel_loop3A_408 = arith.constant 80 : i32
        %parallel_loop3A_409 = arith.muli %rem3A_235, %parallel_loop3A_408 : i32
        %parallel_loop3A_410 = arith.constant 48 : i32
        %parallel_loop3A_411 = arith.addi %parallel_loop3A_409, %parallel_loop3A_410 : i32
        %parallel_loop3A_412 = arith.addi %parallel_loop3A_411, %parallel_loop3A_407 : i32
        %parallel_loop3A_413 = arith.constant 0 : i32
        %parallel_loop3A_414 = vector.broadcast %parallel_loop3A_413 : i32 to vector<16xi32>
        %parallel_loop3A_415 = vector.broadcast %parallel_loop3A_407 : i32 to vector<16xi32>
        %parallel_loop3A_416 = arith.addi %parallel_loop3A_414, %parallel_loop3A_415 : vector<16xi32>
        %parallel_loop3A_417 = arith.constant 0 : i32
        %parallel_loop3A_418 = vector.broadcast %parallel_loop3A_417 : i32 to vector<16xi32>
        %parallel_loop3A_419 = arith.cmpi slt, %parallel_loop3A_416, %parallel_loop3A_418 : vector<16xi32>
        %parallel_loop3A_420 = arith.constant 16 : i32
        %parallel_loop3A_421 = vector.broadcast %parallel_loop3A_420 : i32 to vector<16xi32>
        %parallel_loop3A_422 = arith.addi %parallel_loop3A_416, %parallel_loop3A_421 : vector<16xi32>
        %parallel_loop3A_423 = arith.select %parallel_loop3A_419, %parallel_loop3A_422, %parallel_loop3A_416 : vector<16xi1>, vector<16xi32>
        %parallel_loop3A_424 = vector.shape_cast %parallel_loop3A_423 : vector<16xi32> to vector<16x1xi32>
        %parallel_loop3A_425 = vector.shape_cast %parallel_loop3A_424 : vector<16x1xi32> to vector<16xi32>
        %parallel_loop3A_426 = tpu.dynamic_gather %exp3A_321[%parallel_loop3A_425] in [0] : vector<16xf32>, vector<16xi32> -> vector<16xf32>
        %parallel_loop3A_427 = arith.index_cast %parallel_loop3A_412 : i32 to index
        %parallel_loop3A_428 = arith.constant 0 : index
        %parallel_loop3A_429 = tpu.vector_load %arg11[%parallel_loop3A_427, %parallel_loop3A_428] {strides = array<i32>} : memref<160x128xf32, #tpu.memory_space<vmem>>, vector<16xf32>,
        %parallel_loop3A_430 = arith.mulf %parallel_loop3A_429, %parallel_loop3A_426 : vector<16xf32>
        %parallel_loop3A_431 = arith.index_cast %parallel_loop3A_412 : i32 to index
        %parallel_loop3A_432 = arith.constant 0 : index
        %parallel_loop3A_433 = tpu.vector_load %arg11[%parallel_loop3A_431, %parallel_loop3A_432] {strides = array<i32>} : memref<160x128xf32, #tpu.memory_space<vmem>>, vector<16xf32>,
        tpu.vector_store %arg11[%parallel_loop3A_431, %parallel_loop3A_432], %parallel_loop3A_430 {strides = array<i32>} : memref<160x128xf32, #tpu.memory_space<vmem>>, vector<16xf32>,
        %parallel_loop3A_434 = arith.index_cast %parallel_loop3A_412 : i32 to index
        %parallel_loop3A_435 = arith.constant 16 : index
        %parallel_loop3A_436 = tpu.vector_load %arg11[%parallel_loop3A_434, %parallel_loop3A_435] {strides = array<i32>} : memref<160x128xf32, #tpu.memory_space<vmem>>, vector<16xf32>,
        %parallel_loop3A_437 = arith.mulf %parallel_loop3A_436, %parallel_loop3A_426 : vector<16xf32>
        %parallel_loop3A_438 = arith.index_cast %parallel_loop3A_412 : i32 to index
        %parallel_loop3A_439 = arith.constant 16 : index
        %parallel_loop3A_440 = tpu.vector_load %arg11[%parallel_loop3A_438, %parallel_loop3A_439] {strides = array<i32>} : memref<160x128xf32, #tpu.memory_space<vmem>>, vector<16xf32>,
        tpu.vector_store %arg11[%parallel_loop3A_438, %parallel_loop3A_439], %parallel_loop3A_437 {strides = array<i32>} : memref<160x128xf32, #tpu.memory_space<vmem>>, vector<16xf32>,
        %parallel_loop3A_441 = arith.index_cast %parallel_loop3A_412 : i32 to index
        %parallel_loop3A_442 = arith.constant 32 : index
        %parallel_loop3A_443 = tpu.vector_load %arg11[%parallel_loop3A_441, %parallel_loop3A_442] {strides = array<i32>} : memref<160x128xf32, #tpu.memory_space<vmem>>, vector<16xf32>,
        %parallel_loop3A_444 = arith.mulf %parallel_loop3A_443, %parallel_loop3A_426 : vector<16xf32>
        %parallel_loop3A_445 = arith.index_cast %parallel_loop3A_412 : i32 to index
        %parallel_loop3A_446 = arith.constant 32 : index
        %parallel_loop3A_447 = tpu.vector_load %arg11[%parallel_loop3A_445, %parallel_loop3A_446] {strides = array<i32>} : memref<160x128xf32, #tpu.memory_space<vmem>>, vector<16xf32>,
        tpu.vector_store %arg11[%parallel_loop3A_445, %parallel_loop3A_446], %parallel_loop3A_444 {strides = array<i32>} : memref<160x128xf32, #tpu.memory_space<vmem>>, vector<16xf32>,
        %parallel_loop3A_448 = arith.index_cast %parallel_loop3A_412 : i32 to index
        %parallel_loop3A_449 = arith.constant 48 : index
        %parallel_loop3A_450 = tpu.vector_load %arg11[%parallel_loop3A_448, %parallel_loop3A_449] {strides = array<i32>} : memref<160x128xf32, #tpu.memory_space<vmem>>, vector<16xf32>,
        %parallel_loop3A_451 = arith.mulf %parallel_loop3A_450, %parallel_loop3A_426 : vector<16xf32>
        %parallel_loop3A_452 = arith.index_cast %parallel_loop3A_412 : i32 to index
        %parallel_loop3A_453 = arith.constant 48 : index
        %parallel_loop3A_454 = tpu.vector_load %arg11[%parallel_loop3A_452, %parallel_loop3A_453] {strides = array<i32>} : memref<160x128xf32, #tpu.memory_space<vmem>>, vector<16xf32>,
        tpu.vector_store %arg11[%parallel_loop3A_452, %parallel_loop3A_453], %parallel_loop3A_451 {strides = array<i32>} : memref<160x128xf32, #tpu.memory_space<vmem>>, vector<16xf32>,
        %parallel_loop3A_455 = arith.index_cast %parallel_loop3A_412 : i32 to index
        %parallel_loop3A_456 = arith.constant 64 : index
        %parallel_loop3A_457 = tpu.vector_load %arg11[%parallel_loop3A_455, %parallel_loop3A_456] {strides = array<i32>} : memref<160x128xf32, #tpu.memory_space<vmem>>, vector<16xf32>,
        %parallel_loop3A_458 = arith.mulf %parallel_loop3A_457, %parallel_loop3A_426 : vector<16xf32>
        %parallel_loop3A_459 = arith.index_cast %parallel_loop3A_412 : i32 to index
        %parallel_loop3A_460 = arith.constant 64 : index
        %parallel_loop3A_461 = tpu.vector_load %arg11[%parallel_loop3A_459, %parallel_loop3A_460] {strides = array<i32>} : memref<160x128xf32, #tpu.memory_space<vmem>>, vector<16xf32>,
        tpu.vector_store %arg11[%parallel_loop3A_459, %parallel_loop3A_460], %parallel_loop3A_458 {strides = array<i32>} : memref<160x128xf32, #tpu.memory_space<vmem>>, vector<16xf32>,
        %parallel_loop3A_462 = arith.index_cast %parallel_loop3A_412 : i32 to index
        %parallel_loop3A_463 = arith.constant 80 : index
        %parallel_loop3A_464 = tpu.vector_load %arg11[%parallel_loop3A_462, %parallel_loop3A_463] {strides = array<i32>} : memref<160x128xf32, #tpu.memory_space<vmem>>, vector<16xf32>,
        %parallel_loop3A_465 = arith.mulf %parallel_loop3A_464, %parallel_loop3A_426 : vector<16xf32>
        %parallel_loop3A_466 = arith.index_cast %parallel_loop3A_412 : i32 to index
        %parallel_loop3A_467 = arith.constant 80 : index
        %parallel_loop3A_468 = tpu.vector_load %arg11[%parallel_loop3A_466, %parallel_loop3A_467] {strides = array<i32>} : memref<160x128xf32, #tpu.memory_space<vmem>>, vector<16xf32>,
        tpu.vector_store %arg11[%parallel_loop3A_466, %parallel_loop3A_467], %parallel_loop3A_465 {strides = array<i32>} : memref<160x128xf32, #tpu.memory_space<vmem>>, vector<16xf32>,
        %parallel_loop3A_469 = arith.index_cast %parallel_loop3A_412 : i32 to index
        %parallel_loop3A_470 = arith.constant 96 : index
        %parallel_loop3A_471 = tpu.vector_load %arg11[%parallel_loop3A_469, %parallel_loop3A_470] {strides = array<i32>} : memref<160x128xf32, #tpu.memory_space<vmem>>, vector<16xf32>,
        %parallel_loop3A_472 = arith.mulf %parallel_loop3A_471, %parallel_loop3A_426 : vector<16xf32>
        %parallel_loop3A_473 = arith.index_cast %parallel_loop3A_412 : i32 to index
        %parallel_loop3A_474 = arith.constant 96 : index
        %parallel_loop3A_475 = tpu.vector_load %arg11[%parallel_loop3A_473, %parallel_loop3A_474] {strides = array<i32>} : memref<160x128xf32, #tpu.memory_space<vmem>>, vector<16xf32>,
        tpu.vector_store %arg11[%parallel_loop3A_473, %parallel_loop3A_474], %parallel_loop3A_472 {strides = array<i32>} : memref<160x128xf32, #tpu.memory_space<vmem>>, vector<16xf32>,
        %parallel_loop3A_476 = arith.index_cast %parallel_loop3A_412 : i32 to index
        %parallel_loop3A_477 = arith.constant 112 : index
        %parallel_loop3A_478 = tpu.vector_load %arg11[%parallel_loop3A_476, %parallel_loop3A_477] {strides = array<i32>} : memref<160x128xf32, #tpu.memory_space<vmem>>, vector<16xf32>,
        %parallel_loop3A_479 = arith.mulf %parallel_loop3A_478, %parallel_loop3A_426 : vector<16xf32>
        %parallel_loop3A_480 = arith.index_cast %parallel_loop3A_412 : i32 to index
        %parallel_loop3A_481 = arith.constant 112 : index
        %parallel_loop3A_482 = tpu.vector_load %arg11[%parallel_loop3A_480, %parallel_loop3A_481] {strides = array<i32>} : memref<160x128xf32, #tpu.memory_space<vmem>>, vector<16xf32>,
        tpu.vector_store %arg11[%parallel_loop3A_480, %parallel_loop3A_481], %parallel_loop3A_479 {strides = array<i32>} : memref<160x128xf32, #tpu.memory_space<vmem>>, vector<16xf32>,
      } {sc.loop_unroll_factor = 8 : i64, sc.parallel_access}
      %parallel_loop3A_392 = arith.constant 0 : i32
      %parallel_loop3A_393 = arith.constant 16 : i32
      %parallel_loop3A_394 = arith.constant 1 : i32
      scf.for %parallel_loop3A_407 = %parallel_loop3A_392 to %parallel_loop3A_393 step %parallel_loop3A_394  : i32 {
        %parallel_loop3A_408 = arith.constant 80 : i32
        %parallel_loop3A_409 = arith.muli %rem3A_235, %parallel_loop3A_408 : i32
        %parallel_loop3A_410 = arith.constant 64 : i32
        %parallel_loop3A_411 = arith.addi %parallel_loop3A_409, %parallel_loop3A_410 : i32
        %parallel_loop3A_412 = arith.addi %parallel_loop3A_411, %parallel_loop3A_407 : i32
        %parallel_loop3A_413 = arith.constant 0 : i32
        %parallel_loop3A_414 = vector.broadcast %parallel_loop3A_413 : i32 to vector<16xi32>
        %parallel_loop3A_415 = vector.broadcast %parallel_loop3A_407 : i32 to vector<16xi32>
        %parallel_loop3A_416 = arith.addi %parallel_loop3A_414, %parallel_loop3A_415 : vector<16xi32>
        %parallel_loop3A_417 = arith.constant 0 : i32
        %parallel_loop3A_418 = vector.broadcast %parallel_loop3A_417 : i32 to vector<16xi32>
        %parallel_loop3A_419 = arith.cmpi slt, %parallel_loop3A_416, %parallel_loop3A_418 : vector<16xi32>
        %parallel_loop3A_420 = arith.constant 16 : i32
        %parallel_loop3A_421 = vector.broadcast %parallel_loop3A_420 : i32 to vector<16xi32>
        %parallel_loop3A_422 = arith.addi %parallel_loop3A_416, %parallel_loop3A_421 : vector<16xi32>
        %parallel_loop3A_423 = arith.select %parallel_loop3A_419, %parallel_loop3A_422, %parallel_loop3A_416 : vector<16xi1>, vector<16xi32>
        %parallel_loop3A_424 = vector.shape_cast %parallel_loop3A_423 : vector<16xi32> to vector<16x1xi32>
        %parallel_loop3A_425 = vector.shape_cast %parallel_loop3A_424 : vector<16x1xi32> to vector<16xi32>
        %parallel_loop3A_426 = tpu.dynamic_gather %exp3A_339[%parallel_loop3A_425] in [0] : vector<16xf32>, vector<16xi32> -> vector<16xf32>
        %parallel_loop3A_427 = arith.index_cast %parallel_loop3A_412 : i32 to index
        %parallel_loop3A_428 = arith.constant 0 : index
        %parallel_loop3A_429 = tpu.vector_load %arg11[%parallel_loop3A_427, %parallel_loop3A_428] {strides = array<i32>} : memref<160x128xf32, #tpu.memory_space<vmem>>, vector<16xf32>,
        %parallel_loop3A_430 = arith.mulf %parallel_loop3A_429, %parallel_loop3A_426 : vector<16xf32>
        %parallel_loop3A_431 = arith.index_cast %parallel_loop3A_412 : i32 to index
        %parallel_loop3A_432 = arith.constant 0 : index
        %parallel_loop3A_433 = tpu.vector_load %arg11[%parallel_loop3A_431, %parallel_loop3A_432] {strides = array<i32>} : memref<160x128xf32, #tpu.memory_space<vmem>>, vector<16xf32>,
        tpu.vector_store %arg11[%parallel_loop3A_431, %parallel_loop3A_432], %parallel_loop3A_430 {strides = array<i32>} : memref<160x128xf32, #tpu.memory_space<vmem>>, vector<16xf32>,
        %parallel_loop3A_434 = arith.index_cast %parallel_loop3A_412 : i32 to index
        %parallel_loop3A_435 = arith.constant 16 : index
        %parallel_loop3A_436 = tpu.vector_load %arg11[%parallel_loop3A_434, %parallel_loop3A_435] {strides = array<i32>} : memref<160x128xf32, #tpu.memory_space<vmem>>, vector<16xf32>,
        %parallel_loop3A_437 = arith.mulf %parallel_loop3A_436, %parallel_loop3A_426 : vector<16xf32>
        %parallel_loop3A_438 = arith.index_cast %parallel_loop3A_412 : i32 to index
        %parallel_loop3A_439 = arith.constant 16 : index
        %parallel_loop3A_440 = tpu.vector_load %arg11[%parallel_loop3A_438, %parallel_loop3A_439] {strides = array<i32>} : memref<160x128xf32, #tpu.memory_space<vmem>>, vector<16xf32>,
        tpu.vector_store %arg11[%parallel_loop3A_438, %parallel_loop3A_439], %parallel_loop3A_437 {strides = array<i32>} : memref<160x128xf32, #tpu.memory_space<vmem>>, vector<16xf32>,
        %parallel_loop3A_441 = arith.index_cast %parallel_loop3A_412 : i32 to index
        %parallel_loop3A_442 = arith.constant 32 : index
        %parallel_loop3A_443 = tpu.vector_load %arg11[%parallel_loop3A_441, %parallel_loop3A_442] {strides = array<i32>} : memref<160x128xf32, #tpu.memory_space<vmem>>, vector<16xf32>,
        %parallel_loop3A_444 = arith.mulf %parallel_loop3A_443, %parallel_loop3A_426 : vector<16xf32>
        %parallel_loop3A_445 = arith.index_cast %parallel_loop3A_412 : i32 to index
        %parallel_loop3A_446 = arith.constant 32 : index
        %parallel_loop3A_447 = tpu.vector_load %arg11[%parallel_loop3A_445, %parallel_loop3A_446] {strides = array<i32>} : memref<160x128xf32, #tpu.memory_space<vmem>>, vector<16xf32>,
        tpu.vector_store %arg11[%parallel_loop3A_445, %parallel_loop3A_446], %parallel_loop3A_444 {strides = array<i32>} : memref<160x128xf32, #tpu.memory_space<vmem>>, vector<16xf32>,
        %parallel_loop3A_448 = arith.index_cast %parallel_loop3A_412 : i32 to index
        %parallel_loop3A_449 = arith.constant 48 : index
        %parallel_loop3A_450 = tpu.vector_load %arg11[%parallel_loop3A_448, %parallel_loop3A_449] {strides = array<i32>} : memref<160x128xf32, #tpu.memory_space<vmem>>, vector<16xf32>,
        %parallel_loop3A_451 = arith.mulf %parallel_loop3A_450, %parallel_loop3A_426 : vector<16xf32>
        %parallel_loop3A_452 = arith.index_cast %parallel_loop3A_412 : i32 to index
        %parallel_loop3A_453 = arith.constant 48 : index
        %parallel_loop3A_454 = tpu.vector_load %arg11[%parallel_loop3A_452, %parallel_loop3A_453] {strides = array<i32>} : memref<160x128xf32, #tpu.memory_space<vmem>>, vector<16xf32>,
        tpu.vector_store %arg11[%parallel_loop3A_452, %parallel_loop3A_453], %parallel_loop3A_451 {strides = array<i32>} : memref<160x128xf32, #tpu.memory_space<vmem>>, vector<16xf32>,
        %parallel_loop3A_455 = arith.index_cast %parallel_loop3A_412 : i32 to index
        %parallel_loop3A_456 = arith.constant 64 : index
        %parallel_loop3A_457 = tpu.vector_load %arg11[%parallel_loop3A_455, %parallel_loop3A_456] {strides = array<i32>} : memref<160x128xf32, #tpu.memory_space<vmem>>, vector<16xf32>,
        %parallel_loop3A_458 = arith.mulf %parallel_loop3A_457, %parallel_loop3A_426 : vector<16xf32>
        %parallel_loop3A_459 = arith.index_cast %parallel_loop3A_412 : i32 to index
        %parallel_loop3A_460 = arith.constant 64 : index
        %parallel_loop3A_461 = tpu.vector_load %arg11[%parallel_loop3A_459, %parallel_loop3A_460] {strides = array<i32>} : memref<160x128xf32, #tpu.memory_space<vmem>>, vector<16xf32>,
        tpu.vector_store %arg11[%parallel_loop3A_459, %parallel_loop3A_460], %parallel_loop3A_458 {strides = array<i32>} : memref<160x128xf32, #tpu.memory_space<vmem>>, vector<16xf32>,
        %parallel_loop3A_462 = arith.index_cast %parallel_loop3A_412 : i32 to index
        %parallel_loop3A_463 = arith.constant 80 : index
        %parallel_loop3A_464 = tpu.vector_load %arg11[%parallel_loop3A_462, %parallel_loop3A_463] {strides = array<i32>} : memref<160x128xf32, #tpu.memory_space<vmem>>, vector<16xf32>,
        %parallel_loop3A_465 = arith.mulf %parallel_loop3A_464, %parallel_loop3A_426 : vector<16xf32>
        %parallel_loop3A_466 = arith.index_cast %parallel_loop3A_412 : i32 to index
        %parallel_loop3A_467 = arith.constant 80 : index
        %parallel_loop3A_468 = tpu.vector_load %arg11[%parallel_loop3A_466, %parallel_loop3A_467] {strides = array<i32>} : memref<160x128xf32, #tpu.memory_space<vmem>>, vector<16xf32>,
        tpu.vector_store %arg11[%parallel_loop3A_466, %parallel_loop3A_467], %parallel_loop3A_465 {strides = array<i32>} : memref<160x128xf32, #tpu.memory_space<vmem>>, vector<16xf32>,
        %parallel_loop3A_469 = arith.index_cast %parallel_loop3A_412 : i32 to index
        %parallel_loop3A_470 = arith.constant 96 : index
        %parallel_loop3A_471 = tpu.vector_load %arg11[%parallel_loop3A_469, %parallel_loop3A_470] {strides = array<i32>} : memref<160x128xf32, #tpu.memory_space<vmem>>, vector<16xf32>,
        %parallel_loop3A_472 = arith.mulf %parallel_loop3A_471, %parallel_loop3A_426 : vector<16xf32>
        %parallel_loop3A_473 = arith.index_cast %parallel_loop3A_412 : i32 to index
        %parallel_loop3A_474 = arith.constant 96 : index
        %parallel_loop3A_475 = tpu.vector_load %arg11[%parallel_loop3A_473, %parallel_loop3A_474] {strides = array<i32>} : memref<160x128xf32, #tpu.memory_space<vmem>>, vector<16xf32>,
        tpu.vector_store %arg11[%parallel_loop3A_473, %parallel_loop3A_474], %parallel_loop3A_472 {strides = array<i32>} : memref<160x128xf32, #tpu.memory_space<vmem>>, vector<16xf32>,
        %parallel_loop3A_476 = arith.index_cast %parallel_loop3A_412 : i32 to index
        %parallel_loop3A_477 = arith.constant 112 : index
        %parallel_loop3A_478 = tpu.vector_load %arg11[%parallel_loop3A_476, %parallel_loop3A_477] {strides = array<i32>} : memref<160x128xf32, #tpu.memory_space<vmem>>, vector<16xf32>,
        %parallel_loop3A_479 = arith.mulf %parallel_loop3A_478, %parallel_loop3A_426 : vector<16xf32>
        %parallel_loop3A_480 = arith.index_cast %parallel_loop3A_412 : i32 to index
        %parallel_loop3A_481 = arith.constant 112 : index
        %parallel_loop3A_482 = tpu.vector_load %arg11[%parallel_loop3A_480, %parallel_loop3A_481] {strides = array<i32>} : memref<160x128xf32, #tpu.memory_space<vmem>>, vector<16xf32>,
        tpu.vector_store %arg11[%parallel_loop3A_480, %parallel_loop3A_481], %parallel_loop3A_479 {strides = array<i32>} : memref<160x128xf32, #tpu.memory_space<vmem>>, vector<16xf32>,
      } {sc.loop_unroll_factor = 8 : i64, sc.parallel_access}
      %mul3A_395 = arith.constant 80 : i32
      %mul3A_396 = arith.muli %rem3A_235, %mul3A_395 : i32
      %add3A_397 = arith.constant 32 : i32
      %add3A_398 = arith.addi %mul3A_396, %add3A_397 : i32
      %dma_start3A_399 = arith.constant 0 : i32
      %dma_start3A_400 = tpu.memref_slice %arg11[%add3A_398, %dma_start3A_399] : memref<160x128xf32, #tpu.memory_space<vmem>> -> memref<48x128xf32, #tpu.memory_space<vmem>>
      %dma_start3A_401 = arith.constant 0 : i32
      %dma_start3A_402 = tpu.memref_slice %arg17[%rem3A_237, %dma_start3A_401] : memref<3x48xi32, #tpu.memory_space<vmem>> -> memref<1x48xi32, #tpu.memory_space<vmem>>
      %dma_start3A_403 = tpu.memref_squeeze %dma_start3A_402 : memref<1x48xi32, #tpu.memory_space<vmem>> -> memref<48xi32, #tpu.memory_space<vmem>>
      %dma_start3A_404 = arith.constant 0 : i32
      %dma_start3A_405 = arith.constant 0 : i32
      %dma_start3A_406 = tpu.memref_slice %arg18[%dma_start3A_404, %dma_start3A_405] : memref<10000x128xf32, #tpu.memory_space<vmem_shared>> -> memref<10000x128xf32, #tpu.memory_space<vmem_shared>>
      tpu.enqueue_indirect_dma source(%dma_start3A_400 : memref<48x128xf32, #tpu.memory_space<vmem>>) target(%dma_start3A_406 : memref<10000x128xf32, #tpu.memory_space<vmem_shared>>) offsets(%dma_start3A_403 : memref<48xi32, #tpu.memory_space<vmem>>) semaphore(%arg22 : memref<!tpu.dma_semaphore, #tpu.memory_space<semaphore_mem>>) {add = true}
    }
    %scan3A_196 = arith.constant 125 : i32
    %rem3A = arith.constant 124 : i32
    %rem3A_197 = arith.constant 2 : i32
    %rem3A_198 = arith.remsi %rem3A, %rem3A_197 : i32
    %rem3A_199 = arith.constant 124 : i32
    %rem3A_200 = arith.constant 3 : i32
    %rem3A_201 = arith.remsi %rem3A_199, %rem3A_200 : i32
    %mul3A_202 = arith.constant 80 : i32
    %mul3A_203 = arith.muli %rem3A_198, %mul3A_202 : i32
    %dma_wait3A_204 = arith.constant 0 : i32
    %dma_wait3A_205 = tpu.memref_slice %arg11[%mul3A_203, %dma_wait3A_204] : memref<160x128xf32, #tpu.memory_space<vmem>> -> memref<32x128xf32, #tpu.memory_space<vmem>>
    %dma_wait3A_206 = arith.constant 0 : i32
    %dma_wait3A_207 = tpu.memref_slice %arg16[%rem3A_201, %dma_wait3A_206] : memref<3x32xi32, #tpu.memory_space<vmem>> -> memref<1x32xi32, #tpu.memory_space<vmem>>
    %dma_wait3A_208 = tpu.memref_squeeze %dma_wait3A_207 : memref<1x32xi32, #tpu.memory_space<vmem>> -> memref<32xi32, #tpu.memory_space<vmem>>
    %dma_wait3A_209 = arith.constant 0 : i32
    %dma_wait3A_210 = arith.constant 0 : i32
    %dma_wait3A_211 = tpu.memref_slice %arg18[%dma_wait3A_209, %dma_wait3A_210] : memref<10000x128xf32, #tpu.memory_space<vmem_shared>> -> memref<10000x128xf32, #tpu.memory_space<vmem_shared>>
    tpu.wait_indirect_dma semaphore(%arg22 : memref<!tpu.dma_semaphore, #tpu.memory_space<semaphore_mem>>) src(%dma_wait3A_205 : memref<32x128xf32, #tpu.memory_space<vmem>>) dst(%dma_wait3A_211 : memref<10000x128xf32, #tpu.memory_space<vmem_shared>>)
    %mul3A_212 = arith.constant 80 : i32
    %mul3A_213 = arith.muli %rem3A_198, %mul3A_212 : i32
    %add3A_214 = arith.constant 32 : i32
    %add3A_215 = arith.addi %mul3A_213, %add3A_214 : i32
    %dma_wait3A_216 = arith.constant 0 : i32
    %dma_wait3A_217 = tpu.memref_slice %arg11[%add3A_215, %dma_wait3A_216] : memref<160x128xf32, #tpu.memory_space<vmem>> -> memref<48x128xf32, #tpu.memory_space<vmem>>
    %dma_wait3A_218 = arith.constant 0 : i32
    %dma_wait3A_219 = tpu.memref_slice %arg17[%rem3A_201, %dma_wait3A_218] : memref<3x48xi32, #tpu.memory_space<vmem>> -> memref<1x48xi32, #tpu.memory_space<vmem>>
    %dma_wait3A_220 = tpu.memref_squeeze %dma_wait3A_219 : memref<1x48xi32, #tpu.memory_space<vmem>> -> memref<48xi32, #tpu.memory_space<vmem>>
    %dma_wait3A_221 = arith.constant 0 : i32
    %dma_wait3A_222 = arith.constant 0 : i32
    %dma_wait3A_223 = tpu.memref_slice %arg18[%dma_wait3A_221, %dma_wait3A_222] : memref<10000x128xf32, #tpu.memory_space<vmem_shared>> -> memref<10000x128xf32, #tpu.memory_space<vmem_shared>>
    tpu.wait_indirect_dma semaphore(%arg22 : memref<!tpu.dma_semaphore, #tpu.memory_space<semaphore_mem>>) src(%dma_wait3A_217 : memref<48x128xf32, #tpu.memory_space<vmem>>) dst(%dma_wait3A_223 : memref<10000x128xf32, #tpu.memory_space<vmem_shared>>)
    %barrier3A_224 = arith.constant 0 : index
    tpu.barrier barrier_id(%barrier3A_224)
    %lt3A = arith.constant 15 : i32
    %lt3A_225 = arith.cmpi slt, %arg1, %lt3A : i32
    %convert_element_type3A = arith.extui %lt3A_225 : i1 to i32
    %cond3A = arith.constant 0 : i32
    %cond3A_226 = arith.cmpi ne, %convert_element_type3A, %cond3A : i32
    scf.if %cond3A_226 {
      %mul3A_233 = arith.constant 624 : i32
      %mul3A_234 = arith.muli %arg1, %mul3A_233 : i32
      %mul3A_235 = arith.constant 624 : i32
      %mul3A_236 = arith.muli %arg1, %mul3A_235 : i32
      "tpu.region"() ({
        %run_scoped3A = tpu.sem_alloc : memref<!tpu.dma_semaphore, #tpu.memory_space<semaphore_mem>>
        %dma_start3A_237 = arith.constant 0 : i32
        %dma_start3A_238 = tpu.memref_slice %arg7[%arg0, %mul3A_236, %dma_start3A_237] : memref<2x10000x128xf32, #tpu.memory_space<hbm>> -> memref<1x624x128xf32, #tpu.memory_space<hbm>>
        %dma_start3A_239 = tpu.memref_squeeze %dma_start3A_238 : memref<1x624x128xf32, #tpu.memory_space<hbm>> -> memref<624x128xf32, #tpu.memory_space<hbm>>
        %dma_start3A_240 = arith.constant 0 : i32
        %dma_start3A_241 = tpu.memref_slice %arg18[%mul3A_234, %dma_start3A_240] : memref<10000x128xf32, #tpu.memory_space<vmem_shared>> -> memref<624x128xf32, #tpu.memory_space<vmem_shared>>
        tpu.enqueue_dma source(%dma_start3A_241 : memref<624x128xf32, #tpu.memory_space<vmem_shared>>) target(%dma_start3A_239 : memref<624x128xf32, #tpu.memory_space<hbm>>) target_semaphore(%run_scoped3A : memref<!tpu.dma_semaphore, #tpu.memory_space<semaphore_mem>>)
        %dma_wait3A_242 = arith.constant 0 : i32
        %dma_wait3A_243 = tpu.memref_slice %arg7[%arg0, %mul3A_236, %dma_wait3A_242] : memref<2x10000x128xf32, #tpu.memory_space<hbm>> -> memref<1x624x128xf32, #tpu.memory_space<hbm>>
        %dma_wait3A_244 = tpu.memref_squeeze %dma_wait3A_243 : memref<1x624x128xf32, #tpu.memory_space<hbm>> -> memref<624x128xf32, #tpu.memory_space<hbm>>
        %dma_wait3A_245 = arith.constant 0 : i32
        %dma_wait3A_246 = tpu.memref_slice %arg18[%mul3A_234, %dma_wait3A_245] : memref<10000x128xf32, #tpu.memory_space<vmem_shared>> -> memref<624x128xf32, #tpu.memory_space<vmem_shared>>
        tpu.wait_dma2 semaphore(%run_scoped3A : memref<!tpu.dma_semaphore, #tpu.memory_space<semaphore_mem>>) src(%dma_wait3A_246 : memref<624x128xf32, #tpu.memory_space<vmem_shared>>) dst(%dma_wait3A_244 : memref<624x128xf32, #tpu.memory_space<hbm>>)
        tpu.yield
      }) : () -> ()
    } else {
    }
    %eq3A = arith.constant 15 : i32
    %eq3A_227 = arith.cmpi eq, %arg1, %eq3A : i32
    %convert_element_type3A_228 = arith.extui %eq3A_227 : i1 to i32
    %cond3A_229 = arith.constant 0 : i32
    %cond3A_230 = arith.cmpi ne, %convert_element_type3A_228, %cond3A_229 : i32
    scf.if %cond3A_230 {
      "tpu.region"() ({
        %run_scoped3A = tpu.sem_alloc : memref<!tpu.dma_semaphore, #tpu.memory_space<semaphore_mem>>
        %dma_start3A_233 = arith.constant 9360 : i32
        %dma_start3A_234 = arith.constant 0 : i32
        %dma_start3A_235 = tpu.memref_slice %arg7[%arg0, %dma_start3A_233, %dma_start3A_234] : memref<2x10000x128xf32, #tpu.memory_space<hbm>> -> memref<1x640x128xf32, #tpu.memory_space<hbm>>
        %dma_start3A_236 = tpu.memref_squeeze %dma_start3A_235 : memref<1x640x128xf32, #tpu.memory_space<hbm>> -> memref<640x128xf32, #tpu.memory_space<hbm>>
        %dma_start3A_237 = arith.constant 9360 : i32
        %dma_start3A_238 = arith.constant 0 : i32
        %dma_start3A_239 = tpu.memref_slice %arg18[%dma_start3A_237, %dma_start3A_238] : memref<10000x128xf32, #tpu.memory_space<vmem_shared>> -> memref<640x128xf32, #tpu.memory_space<vmem_shared>>
        tpu.enqueue_dma source(%dma_start3A_239 : memref<640x128xf32, #tpu.memory_space<vmem_shared>>) target(%dma_start3A_236 : memref<640x128xf32, #tpu.memory_space<hbm>>) target_semaphore(%run_scoped3A : memref<!tpu.dma_semaphore, #tpu.memory_space<semaphore_mem>>)
        %dma_wait3A_240 = arith.constant 9360 : i32
        %dma_wait3A_241 = arith.constant 0 : i32
        %dma_wait3A_242 = tpu.memref_slice %arg7[%arg0, %dma_wait3A_240, %dma_wait3A_241] : memref<2x10000x128xf32, #tpu.memory_space<hbm>> -> memref<1x640x128xf32, #tpu.memory_space<hbm>>
        %dma_wait3A_243 = tpu.memref_squeeze %dma_wait3A_242 : memref<1x640x128xf32, #tpu.memory_space<hbm>> -> memref<640x128xf32, #tpu.memory_space<hbm>>
        %dma_wait3A_244 = arith.constant 9360 : i32
        %dma_wait3A_245 = arith.constant 0 : i32
        %dma_wait3A_246 = tpu.memref_slice %arg18[%dma_wait3A_244, %dma_wait3A_245] : memref<10000x128xf32, #tpu.memory_space<vmem_shared>> -> memref<640x128xf32, #tpu.memory_space<vmem_shared>>
        tpu.wait_dma2 semaphore(%run_scoped3A : memref<!tpu.dma_semaphore, #tpu.memory_space<semaphore_mem>>) src(%dma_wait3A_246 : memref<640x128xf32, #tpu.memory_space<vmem_shared>>) dst(%dma_wait3A_243 : memref<640x128xf32, #tpu.memory_space<hbm>>)
        tpu.yield
      }) : () -> ()
    } else {
    }
    %mul3A_231 = arith.constant 10000 : i32
    %mul3A_232 = arith.muli %add3A, %mul3A_231 : i32
    "tpu.region"() ({
      %run_scoped3A = tpu.sem_alloc : memref<!tpu.dma_semaphore, #tpu.memory_space<semaphore_mem>>
      %dma_start3A_233 = tpu.memref_slice %arg8[%mul3A_232] : memref<320000xf32, #tpu.memory_space<hbm>> -> memref<10000xf32, #tpu.memory_space<hbm>>
      %dma_start3A_234 = tpu.memref_slice %arg8[%mul3A_232] : memref<320000xf32, #tpu.memory_space<hbm>> -> memref<10000xf32, #tpu.memory_space<hbm>>
      tpu.enqueue_dma source(%arg9 : memref<10000xf32, #tpu.memory_space<vmem>>) target(%dma_start3A_234 : memref<10000xf32, #tpu.memory_space<hbm>>) target_semaphore(%run_scoped3A : memref<!tpu.dma_semaphore, #tpu.memory_space<semaphore_mem>>)
      %dma_wait3A_235 = tpu.memref_slice %arg8[%mul3A_232] : memref<320000xf32, #tpu.memory_space<hbm>> -> memref<10000xf32, #tpu.memory_space<hbm>>
      %dma_wait3A_236 = tpu.memref_slice %arg8[%mul3A_232] : memref<320000xf32, #tpu.memory_space<hbm>> -> memref<10000xf32, #tpu.memory_space<hbm>>
      tpu.wait_dma2 semaphore(%run_scoped3A : memref<!tpu.dma_semaphore, #tpu.memory_space<semaphore_mem>>) src(%arg9 : memref<10000xf32, #tpu.memory_space<vmem>>) dst(%dma_wait3A_236 : memref<10000xf32, #tpu.memory_space<hbm>>)
      tpu.yield
    }) : () -> ()
    return
  }
}

module attributes {stable_mosaic.version = 14 : i64} {
  func.func @body(%arg0: i32, %arg1: memref<1280x127xf32, #tpu.memory_space<vmem>>, %arg2: memref<1280x1xf32, #tpu.memory_space<vmem>>, %arg3: memref<128x128xf32, #tpu.memory_space<vmem>>, %arg4: memref<128x2xf32, #tpu.memory_space<vmem>>, %arg5: memref<1280x128xf32, #tpu.memory_space<vmem>>, %arg6: memref<1280x2xf32, #tpu.memory_space<vmem>>) attributes {dimension_semantics = [#tpu.dimension_semantics<arbitrary>], iteration_bounds = array<i64: 8>, scalar_prefetch = 0 : i64, scratch_operands = 0 : i64, tpu.core_type = #tpu.core_type<tc>, window_params = [{transform_indices = @transform_0, window_bounds = array<i64: 1280, 127>}, {transform_indices = @transform_1, window_bounds = array<i64: 1280, 1>}, {pipeline_mode = #tpu.pipeline_mode<synchronous>, transform_indices = @transform_2, window_bounds = array<i64: 128, 128>}, {pipeline_mode = #tpu.pipeline_mode<synchronous>, transform_indices = @transform_3, window_bounds = array<i64: 128, 2>}, {transform_indices = @transform_4, window_bounds = array<i64: 1280, 128>}, {transform_indices = @transform_5, window_bounds = array<i64: 1280, 2>}]} {
    %get3A = arith.constant 0 : index
    %get3A_0 = arith.constant 0 : index
    %get3A_1 = vector.load %arg3[%get3A, %get3A_0] : memref<128x128xf32, #tpu.memory_space<vmem>>, vector<128x128xf32>
    %get3A_2 = arith.constant 0 : index
    %get3A_3 = arith.constant 0 : index
    %get3A_4 = vector.load %arg1[%get3A_2, %get3A_3] : memref<1280x127xf32, #tpu.memory_space<vmem>>, vector<1280x127xf32>
    %slice3A = vector.extract_strided_slice %get3A_1 {offsets = [0, 0], sizes = [127, 128], strides = [1, 1]} : vector<128x128xf32> to vector<127x128xf32>
    %dot_general3A = arith.constant dense<0.000000e+00> : vector<1280x128xf32>
    %dot_general3A_5 = tpu.matmul %get3A_4, %slice3A, %dot_general3A {dimension_numbers = #tpu.dot_dimension_numbers<[1], [0], [0], [1], [0, 0, 1, 1], [], []>, transpose_lhs_hint = false} : vector<1280x127xf32>, vector<127x128xf32>, vector<1280x128xf32> -> vector<1280x128xf32>
    %get3A_6 = arith.constant 0 : index
    %get3A_7 = arith.constant 0 : index
    %get3A_8 = vector.load %arg2[%get3A_6, %get3A_7] : memref<1280x1xf32, #tpu.memory_space<vmem>>, vector<1280x1xf32>
    %slice3A_9 = vector.extract_strided_slice %get3A_1 {offsets = [127, 0], sizes = [1, 128], strides = [1, 1]} : vector<128x128xf32> to vector<1x128xf32>
    %mul3A = vector.broadcast %get3A_8 : vector<1280x1xf32> to vector<1280x128xf32>
    %mul3A_10 = vector.broadcast %slice3A_9 : vector<1x128xf32> to vector<1280x128xf32>
    %mul3A_11 = arith.mulf %mul3A, %mul3A_10 : vector<1280x128xf32>
    %add3A = arith.addf %dot_general3A_5, %mul3A_11 : vector<1280x128xf32>
    %swap3A = arith.constant 0 : index
    %swap3A_12 = arith.constant 0 : index
    %swap3A_13 = vector.load %arg5[%swap3A, %swap3A_12] : memref<1280x128xf32, #tpu.memory_space<vmem>>, vector<1280x128xf32>
    tpu.vector_store %arg5[%swap3A, %swap3A_12], %add3A {strides = array<i32>} : memref<1280x128xf32, #tpu.memory_space<vmem>>, vector<1280x128xf32>,
    %get3A_14 = arith.constant 0 : index
    %get3A_15 = arith.constant 0 : index
    %get3A_16 = vector.load %arg4[%get3A_14, %get3A_15] : memref<128x2xf32, #tpu.memory_space<vmem>>, vector<128x2xf32>
    %dot_general3A_17 = arith.constant dense<0.000000e+00> : vector<1280x2xf32>
    %dot_general3A_18 = tpu.matmul %add3A, %get3A_16, %dot_general3A_17 {dimension_numbers = #tpu.dot_dimension_numbers<[1], [0], [0], [1], [0, 0, 1, 1], [], []>, transpose_lhs_hint = false} : vector<1280x128xf32>, vector<128x2xf32>, vector<1280x2xf32> -> vector<1280x2xf32>
    %swap3A_19 = arith.constant 0 : index
    %swap3A_20 = arith.constant 0 : index
    %swap3A_21 = vector.load %arg6[%swap3A_19, %swap3A_20] : memref<1280x2xf32, #tpu.memory_space<vmem>>, vector<1280x2xf32>
    tpu.vector_store %arg6[%swap3A_19, %swap3A_20], %dot_general3A_18 {strides = array<i32>} : memref<1280x2xf32, #tpu.memory_space<vmem>>, vector<1280x2xf32>,
    return
  }
  func.func @transform_0(%arg0: i32) -> (i32, i32) {
    %c0_i32 = arith.constant 0 : i32
    %c0_i32_0 = arith.constant 0 : i32
    return %arg0, %c0_i32 : i32, i32
  }
  func.func @transform_1(%arg0: i32) -> (i32, i32) {
    %c0_i32 = arith.constant 0 : i32
    %c0_i32_0 = arith.constant 0 : i32
    return %arg0, %c0_i32 : i32, i32
  }
  func.func @transform_2(%arg0: i32) -> (i32, i32) {
    %c0_i32 = arith.constant 0 : i32
    %c0_i32_0 = arith.constant 0 : i32
    %c0_i32_1 = arith.constant 0 : i32
    return %c0_i32, %c0_i32_0 : i32, i32
  }
  func.func @transform_3(%arg0: i32) -> (i32, i32) {
    %c0_i32 = arith.constant 0 : i32
    %c0_i32_0 = arith.constant 0 : i32
    %c0_i32_1 = arith.constant 0 : i32
    return %c0_i32, %c0_i32_0 : i32, i32
  }
  func.func @transform_4(%arg0: i32) -> (i32, i32) {
    %c0_i32 = arith.constant 0 : i32
    %c0_i32_0 = arith.constant 0 : i32
    return %arg0, %c0_i32 : i32, i32
  }
  func.func @transform_5(%arg0: i32) -> (i32, i32) {
    %c0_i32 = arith.constant 0 : i32
    %c0_i32_0 = arith.constant 0 : i32
    return %arg0, %c0_i32 : i32, i32
  }
}

module attributes {stable_mosaic.version = 14 : i64} {
  func.func @body(%arg0: i32, %arg1: memref<2x1280x128xf32, #tpu.memory_space<vmem>>, %arg2: memref<32x1280xf32, #tpu.memory_space<vmem>>, %arg3: memref<1x128xf32, #tpu.memory_space<vmem>>, %arg4: memref<128x128xf32, #tpu.memory_space<vmem>>, %arg5: memref<128x2xf32, #tpu.memory_space<vmem>>, %arg6: memref<1280x128xf32, #tpu.memory_space<vmem>>, %arg7: memref<1280x2xf32, #tpu.memory_space<vmem>>) attributes {dimension_semantics = [#tpu.dimension_semantics<arbitrary>], iteration_bounds = array<i64: 8>, scalar_prefetch = 0 : i64, scratch_operands = 0 : i64, tpu.core_type = #tpu.core_type<tc>, window_params = [{transform_indices = @transform_0, window_bounds = array<i64: 2, 1280, 128>}, {transform_indices = @transform_1, window_bounds = array<i64: 32, 1280>}, {pipeline_mode = #tpu.pipeline_mode<synchronous>, transform_indices = @transform_2, window_bounds = array<i64: 1, 128>}, {pipeline_mode = #tpu.pipeline_mode<synchronous>, transform_indices = @transform_3, window_bounds = array<i64: 128, 128>}, {pipeline_mode = #tpu.pipeline_mode<synchronous>, transform_indices = @transform_4, window_bounds = array<i64: 128, 2>}, {transform_indices = @transform_5, window_bounds = array<i64: 1280, 128>}, {transform_indices = @transform_6, window_bounds = array<i64: 1280, 2>}]} {
    %get3A = arith.constant 0 : index
    %get3A_0 = arith.constant 0 : index
    %get3A_1 = vector.load %arg2[%get3A, %get3A_0] : memref<32x1280xf32, #tpu.memory_space<vmem>>, vector<32x1280xf32>
    %reduce_sum3A = arith.constant dense<0.000000e+00> : vector<1280xf32>
    %reduce_sum3A_2 = vector.multi_reduction <add>, %get3A_1, %reduce_sum3A [0] : vector<32x1280xf32> to vector<1280xf32>
    %get3A_3 = arith.constant 0 : index
    %get3A_4 = arith.constant 0 : index
    %get3A_5 = arith.constant 0 : index
    %get3A_6 = vector.load %arg1[%get3A_3, %get3A_4, %get3A_5] : memref<2x1280x128xf32, #tpu.memory_space<vmem>>, vector<1x1280x128xf32>
    %get3A_7 = vector.shape_cast %get3A_6 : vector<1x1280x128xf32> to vector<1280x128xf32>
    %get3A_8 = arith.constant 1 : index
    %get3A_9 = arith.constant 0 : index
    %get3A_10 = arith.constant 0 : index
    %get3A_11 = vector.load %arg1[%get3A_8, %get3A_9, %get3A_10] : memref<2x1280x128xf32, #tpu.memory_space<vmem>>, vector<1x1280x128xf32>
    %get3A_12 = vector.shape_cast %get3A_11 : vector<1x1280x128xf32> to vector<1280x128xf32>
    %add3A = arith.addf %get3A_7, %get3A_12 : vector<1280x128xf32>
    %broadcast_in_dim3A = vector.shape_cast %reduce_sum3A_2 : vector<1280xf32> to vector<1280x1xf32>
    %add3A_13 = arith.constant 9.99999971E-10 : f32
    %add3A_14 = vector.broadcast %add3A_13 : f32 to vector<1280x1xf32>
    %add3A_15 = arith.addf %broadcast_in_dim3A, %add3A_14 : vector<1280x1xf32>
    %div3A = vector.broadcast %add3A_15 : vector<1280x1xf32> to vector<1280x128xf32>
    %div3A_16 = arith.divf %add3A, %div3A : vector<1280x128xf32>
    %get3A_17 = arith.constant 0 : index
    %get3A_18 = arith.constant 0 : index
    %get3A_19 = vector.load %arg3[%get3A_17, %get3A_18] : memref<1x128xf32, #tpu.memory_space<vmem>>, vector<1x128xf32>
    %add3A_20 = vector.broadcast %get3A_19 : vector<1x128xf32> to vector<1280x128xf32>
    %add3A_21 = arith.addf %div3A_16, %add3A_20 : vector<1280x128xf32>
    %get3A_22 = arith.constant 0 : index
    %get3A_23 = arith.constant 0 : index
    %get3A_24 = vector.load %arg4[%get3A_22, %get3A_23] : memref<128x128xf32, #tpu.memory_space<vmem>>, vector<128x128xf32>
    %dot_general3A = arith.constant dense<0.000000e+00> : vector<1280x128xf32>
    %dot_general3A_25 = tpu.matmul %add3A_21, %get3A_24, %dot_general3A {dimension_numbers = #tpu.dot_dimension_numbers<[1], [0], [0], [1], [0, 0, 1, 1], [], []>, transpose_lhs_hint = false} : vector<1280x128xf32>, vector<128x128xf32>, vector<1280x128xf32> -> vector<1280x128xf32>
    %swap3A = arith.constant 0 : index
    %swap3A_26 = arith.constant 0 : index
    %swap3A_27 = vector.load %arg6[%swap3A, %swap3A_26] : memref<1280x128xf32, #tpu.memory_space<vmem>>, vector<1280x128xf32>
    tpu.vector_store %arg6[%swap3A, %swap3A_26], %dot_general3A_25 {strides = array<i32>} : memref<1280x128xf32, #tpu.memory_space<vmem>>, vector<1280x128xf32>,
    %get3A_28 = arith.constant 0 : index
    %get3A_29 = arith.constant 0 : index
    %get3A_30 = vector.load %arg5[%get3A_28, %get3A_29] : memref<128x2xf32, #tpu.memory_space<vmem>>, vector<128x2xf32>
    %dot_general3A_31 = arith.constant dense<0.000000e+00> : vector<1280x2xf32>
    %dot_general3A_32 = tpu.matmul %dot_general3A_25, %get3A_30, %dot_general3A_31 {dimension_numbers = #tpu.dot_dimension_numbers<[1], [0], [0], [1], [0, 0, 1, 1], [], []>, transpose_lhs_hint = false} : vector<1280x128xf32>, vector<128x2xf32>, vector<1280x2xf32> -> vector<1280x2xf32>
    %swap3A_33 = arith.constant 0 : index
    %swap3A_34 = arith.constant 0 : index
    %swap3A_35 = vector.load %arg7[%swap3A_33, %swap3A_34] : memref<1280x2xf32, #tpu.memory_space<vmem>>, vector<1280x2xf32>
    tpu.vector_store %arg7[%swap3A_33, %swap3A_34], %dot_general3A_32 {strides = array<i32>} : memref<1280x2xf32, #tpu.memory_space<vmem>>, vector<1280x2xf32>,
    return
  }
  func.func @transform_0(%arg0: i32) -> (i32, i32, i32) {
    %c0_i32 = arith.constant 0 : i32
    %c0_i32_0 = arith.constant 0 : i32
    %c0_i32_1 = arith.constant 0 : i32
    return %c0_i32, %arg0, %c0_i32_0 : i32, i32, i32
  }
  func.func @transform_1(%arg0: i32) -> (i32, i32) {
    %c0_i32 = arith.constant 0 : i32
    %c0_i32_0 = arith.constant 0 : i32
    return %c0_i32, %arg0 : i32, i32
  }
  func.func @transform_2(%arg0: i32) -> (i32, i32) {
    %c0_i32 = arith.constant 0 : i32
    %c0_i32_0 = arith.constant 0 : i32
    %c0_i32_1 = arith.constant 0 : i32
    return %c0_i32, %c0_i32_0 : i32, i32
  }
  func.func @transform_3(%arg0: i32) -> (i32, i32) {
    %c0_i32 = arith.constant 0 : i32
    %c0_i32_0 = arith.constant 0 : i32
    %c0_i32_1 = arith.constant 0 : i32
    return %c0_i32, %c0_i32_0 : i32, i32
  }
  func.func @transform_4(%arg0: i32) -> (i32, i32) {
    %c0_i32 = arith.constant 0 : i32
    %c0_i32_0 = arith.constant 0 : i32
    %c0_i32_1 = arith.constant 0 : i32
    return %c0_i32, %c0_i32_0 : i32, i32
  }
  func.func @transform_5(%arg0: i32) -> (i32, i32) {
    %c0_i32 = arith.constant 0 : i32
    %c0_i32_0 = arith.constant 0 : i32
    return %arg0, %c0_i32 : i32, i32
  }
  func.func @transform_6(%arg0: i32) -> (i32, i32) {
    %c0_i32 = arith.constant 0 : i32
    %c0_i32_0 = arith.constant 0 : i32
    return %arg0, %c0_i32 : i32, i32
  }
}

module attributes {stable_mosaic.version = 14 : i64} {
  func.func @body(%arg0: i32, %arg1: memref<2x1280x128xf32, #tpu.memory_space<vmem>>, %arg2: memref<32x1280xf32, #tpu.memory_space<vmem>>, %arg3: memref<1x128xf32, #tpu.memory_space<vmem>>, %arg4: memref<1280x128xf32, #tpu.memory_space<vmem>>) attributes {dimension_semantics = [#tpu.dimension_semantics<arbitrary>], iteration_bounds = array<i64: 8>, scalar_prefetch = 0 : i64, scratch_operands = 0 : i64, tpu.core_type = #tpu.core_type<tc>, window_params = [{transform_indices = @transform_0, window_bounds = array<i64: 2, 1280, 128>}, {transform_indices = @transform_1, window_bounds = array<i64: 32, 1280>}, {pipeline_mode = #tpu.pipeline_mode<synchronous>, transform_indices = @transform_2, window_bounds = array<i64: 1, 128>}, {transform_indices = @transform_3, window_bounds = array<i64: 1280, 128>}]} {
    %get3A = arith.constant 0 : index
    %get3A_0 = arith.constant 0 : index
    %get3A_1 = vector.load %arg2[%get3A, %get3A_0] : memref<32x1280xf32, #tpu.memory_space<vmem>>, vector<32x1280xf32>
    %reduce_sum3A = arith.constant dense<0.000000e+00> : vector<1280xf32>
    %reduce_sum3A_2 = vector.multi_reduction <add>, %get3A_1, %reduce_sum3A [0] : vector<32x1280xf32> to vector<1280xf32>
    %get3A_3 = arith.constant 0 : index
    %get3A_4 = arith.constant 0 : index
    %get3A_5 = arith.constant 0 : index
    %get3A_6 = vector.load %arg1[%get3A_3, %get3A_4, %get3A_5] : memref<2x1280x128xf32, #tpu.memory_space<vmem>>, vector<1x1280x128xf32>
    %get3A_7 = vector.shape_cast %get3A_6 : vector<1x1280x128xf32> to vector<1280x128xf32>
    %get3A_8 = arith.constant 1 : index
    %get3A_9 = arith.constant 0 : index
    %get3A_10 = arith.constant 0 : index
    %get3A_11 = vector.load %arg1[%get3A_8, %get3A_9, %get3A_10] : memref<2x1280x128xf32, #tpu.memory_space<vmem>>, vector<1x1280x128xf32>
    %get3A_12 = vector.shape_cast %get3A_11 : vector<1x1280x128xf32> to vector<1280x128xf32>
    %add3A = arith.addf %get3A_7, %get3A_12 : vector<1280x128xf32>
    %broadcast_in_dim3A = vector.shape_cast %reduce_sum3A_2 : vector<1280xf32> to vector<1280x1xf32>
    %add3A_13 = arith.constant 9.99999971E-10 : f32
    %add3A_14 = vector.broadcast %add3A_13 : f32 to vector<1280x1xf32>
    %add3A_15 = arith.addf %broadcast_in_dim3A, %add3A_14 : vector<1280x1xf32>
    %div3A = vector.broadcast %add3A_15 : vector<1280x1xf32> to vector<1280x128xf32>
    %div3A_16 = arith.divf %add3A, %div3A : vector<1280x128xf32>
    %get3A_17 = arith.constant 0 : index
    %get3A_18 = arith.constant 0 : index
    %get3A_19 = vector.load %arg3[%get3A_17, %get3A_18] : memref<1x128xf32, #tpu.memory_space<vmem>>, vector<1x128xf32>
    %add3A_20 = vector.broadcast %get3A_19 : vector<1x128xf32> to vector<1280x128xf32>
    %add3A_21 = arith.addf %div3A_16, %add3A_20 : vector<1280x128xf32>
    %swap3A = arith.constant 0 : index
    %swap3A_22 = arith.constant 0 : index
    %swap3A_23 = vector.load %arg4[%swap3A, %swap3A_22] : memref<1280x128xf32, #tpu.memory_space<vmem>>, vector<1280x128xf32>
    tpu.vector_store %arg4[%swap3A, %swap3A_22], %add3A_21 {strides = array<i32>} : memref<1280x128xf32, #tpu.memory_space<vmem>>, vector<1280x128xf32>,
    return
  }
  func.func @transform_0(%arg0: i32) -> (i32, i32, i32) {
    %c0_i32 = arith.constant 0 : i32
    %c0_i32_0 = arith.constant 0 : i32
    %c0_i32_1 = arith.constant 0 : i32
    return %c0_i32, %arg0, %c0_i32_0 : i32, i32, i32
  }
  func.func @transform_1(%arg0: i32) -> (i32, i32) {
    %c0_i32 = arith.constant 0 : i32
    %c0_i32_0 = arith.constant 0 : i32
    return %c0_i32, %arg0 : i32, i32
  }
  func.func @transform_2(%arg0: i32) -> (i32, i32) {
    %c0_i32 = arith.constant 0 : i32
    %c0_i32_0 = arith.constant 0 : i32
    %c0_i32_1 = arith.constant 0 : i32
    return %c0_i32, %c0_i32_0 : i32, i32
  }
  func.func @transform_3(%arg0: i32) -> (i32, i32) {
    %c0_i32 = arith.constant 0 : i32
    %c0_i32_0 = arith.constant 0 : i32
    return %arg0, %c0_i32 : i32, i32
  }
}

</mosaic_0001>

<sc_bundles>
// kernel: kernel.10.cloned.1.call-start
scs
__scs_entry_jumppad:
0x0: {  	(pc) =	sbr.rel $0x88, $3  }
0x1: {  	(tag) =	ssettag $0x0;
	lr =	simm.s32 $0x1  }
0x2: {  	[smem:$0x3F96] =	sst lr;
	_ =	strace $0xD0000000  }
0x3: {  	_ = 	snop  }
0x4: {  	_ = 	snop  }
0x5: {  	_ = 	snop  }
0x6: {  	_ = 	snop  }
0x7: {  	_ = 	snop  }
__scs_overlays_trampoline_lowered:
0x8: {  	[smem:$0x3FA5] =	sst s0  }
0x9: {  	[smem:$0x3FA6] =	sst s1  }
0xa: {  	[smem:$0x3FA7] =	sst s2  }
0xb: {  	[smem:$0x3FA8] =	sst s3  }
0xc: {  	[smem:$0x3FA9] =	sst s4  }
0xd: {  	[smem:$0x3FAA] =	sst s5  }
0xe: {  	[smem:$0x3FAB] =	sst s6  }
0xf: {  	[smem:$0x3FAC] =	sst s7  }
0x10: {  	[smem:$0x3FAD] =	sst s8  }
0x11: {  	[smem:$0x3FAE] =	sst s9;
	s0 =	simm.s32 @!p0 $0x0  }
0x12: {  	s1 =	sld [smem:$0x3F94];
	s0 =	simm.s32 @p0 $0x1  }
0x13: {  	[smem:$0x3FAF] =	sst s0;
	s0 =	simm.s32 @!p1 $0x0  }
0x14: {  	s2 =	sld [smem:$0x3F93];
	s0 =	simm.s32 @p1 $0x1  }
0x15: {  	[smem:$0x3FB0] =	sst s0;
	s0 =	simm.s32 @!p2 $0x0  }
0x16: {  	s3 =	sld [smem:$0x3FDB];
	s0 =	simm.s32 @p2 $0x1  }
0x17: {  	s4 =	simm.s32 $0x1BF5;
	[smem:$0x3FB2] =	sst s0  }
0x18: {  	s0 =	sld [smem:$0x3F95];
	_ =	swait.ge [sflag:s4], $0x0  }
0x19: {  	s7 =	sld [smem:$0x3F96]  }
0x1a: {  	s8 =	sadd.s32 $0xFFFFE003, lr  }
0x1b: {  	s9 =	sadd.s32 $0xFFFFFEF7, lr;
	s5 =	simm.s32 $0xFFFFFFFF;
	p2 =	slt.u32 s8, $0xFFFFF086  }
0x1c: {  	p1 =	slt.u32 s9, $0xF7A;
	s5 =	simm.s32 @!p2 $0x0  }
0x1d: {  	s5 =	simm.s32 @p1 $0x1;
	p0 =	seq.s32 s7, s2  }
0x1e: {  	s7 =	smul.u32 @!p0 $0xF7A, s2;
	p2 =	seq.s32 @!p0 s5, $0x0  }
0x1f: {  	s9 =	smul.u32 $0xF7A, s1;
	s8 =	simm.s32 @!p0 $0x1BF5;
	p2 =	por !p2, p0  }
0x20: {  	[sflag:s8] =	ssyncset.s32 @!p0 $0xFFFFF086;
	s6 =	sadd.s32 @!p0 s3, s7;
	s7 =	simm.s32 @!p0 $0x108  }
0x21: {  	s3 =	sadd.s32 s3, s9;
	s6 =	sadd.s32 @!p0 $0x88, s6;
	s7 =	simm.s32 @p2 $0x1082  }
0x22: {  	[simem:s7], [sflag:s8] =	dma.local @!p0 [hbm:s6], $0xF7A  }
0x23: {  	s9 =	sor.u32 $0xD0000000, s2;
	s6 =	simm.s32 $0x108;
	_ =	swait.ge @!p0 [sflag:s8], $0x0  }
0x24: {  	s3 =	sadd.s32 $0x88, s3;
	s6 =	simm.s32 @!p1 $0x1082;
	[sflag:s4] =	ssyncset.s32 $0xFFFFF086  }
0x25: {  	[simem:s6], [sflag:s4] =	dma.local [hbm:s3], $0xF7A  }
0x26: {  	[smem:$0x3F96] =	sst s1;
	(tag) =	ssettag s2;
	_ =	strace s9  }
0x27: {  	s1 =	sld [smem:$0x3FA6]  }
0x28: {  	s2 =	sld [smem:$0x3FA7]  }
0x29: {  	s4 =	sld [smem:$0x3FA9]  }
0x2a: {  	p0 =	seq.s32 s5, $0x0;
	s5 =	sld [smem:$0x3FAA]  }
0x2b: {  	s6 =	sld [smem:$0x3FAB]  }
0x2c: {  	s7 =	sld [smem:$0x3FAC]  }
0x2d: {  	s3 =	simm.s32 $0x108;
	s8 =	sld [smem:$0x3FAD]  }
0x2e: {  	s3 =	simm.s32 @!p0 $0x1082;
	s9 =	sld [smem:$0x3FAE]  }
0x2f: {  	lr =	sadd.s32 s0, s3;
	s0 =	sld [smem:$0x3FA5]  }
0x30: {  	s3 =	sld [smem:$0x3FA8]  }
0x31: {  	[smem:$0x3FB1] =	sst s10  }
0x32: {  	s10 =	sld [smem:$0x3FAF];
	_ =	sdelay $0x3  }
0x33: {  	p0 =	seq.s32 s10, $0x1;
	s10 =	sld [smem:$0x3FB1];
	_ =	sdelay $0x3  }
0x34: {  	[smem:$0x3FB1] =	sst s10  }
0x35: {  	s10 =	sld [smem:$0x3FB0];
	_ =	sdelay $0x3  }
0x36: {  	p1 =	seq.s32 s10, $0x1;
	s10 =	sld [smem:$0x3FB1];
	_ =	sdelay $0x3  }
0x37: {  	[smem:$0x3FB1] =	sst s10  }
0x38: {  	s10 =	sld [smem:$0x3FB2]  }
0x39: {  	_ = 	snop;
	(pc) =	sbr.ind lr, $3  }
0x3a: {  	_ = 	snop  }
0x3b: {  	_ = 	snop  }
0x3c: {  	p2 =	seq.s32 s10, $0x1;
	s10 =	sld [smem:$0x3FB1]  }
0x3d: {  	_ =	shalt  }
0x3e: {  	_ =	shalt  }
0x3f: {  	_ =	shalt  }
0x40: {  	_ =	shalt  }
0x41: {  	_ =	shalt  }
0x42: {  	_ =	shalt  }
0x43: {  	_ =	shalt  }
0x44: {  	_ =	shalt  }
0x45: {  	_ =	shalt  }
0x46: {  	_ =	shalt  }
0x47: {  	_ =	shalt  }
0x48: {  	_ =	shalt  }
0x49: {  	_ =	shalt  }
0x4a: {  	_ =	shalt  }
0x4b: {  	_ =	shalt  }
0x4c: {  	_ =	shalt  }
0x4d: {  	_ =	shalt  }
0x4e: {  	_ =	shalt  }
0x4f: {  	_ =	shalt  }
0x50: {  	_ =	shalt  }
0x51: {  	_ =	shalt  }
0x52: {  	_ =	shalt  }
0x53: {  	_ =	shalt  }
0x54: {  	_ =	shalt  }
0x55: {  	_ =	shalt  }
0x56: {  	_ =	shalt  }
0x57: {  	_ =	shalt  }
0x58: {  	_ =	shalt  }
0x59: {  	_ =	shalt  }
0x5a: {  	_ =	shalt  }
0x5b: {  	_ =	shalt  }
0x5c: {  	_ =	shalt  }
0x5d: {  	_ =	shalt  }
0x5e: {  	_ =	shalt  }
0x5f: {  	_ =	shalt  }
0x60: {  	_ =	shalt  }
0x61: {  	_ =	shalt  }
0x62: {  	_ =	shalt  }
0x63: {  	_ =	shalt  }
0x64: {  	_ =	shalt  }
0x65: {  	_ =	shalt  }
0x66: {  	_ =	shalt  }
0x67: {  	_ =	shalt  }
0x68: {  	_ =	shalt  }
0x69: {  	_ =	shalt  }
0x6a: {  	_ =	shalt  }
0x6b: {  	_ =	shalt  }
0x6c: {  	_ =	shalt  }
0x6d: {  	_ =	shalt  }
0x6e: {  	_ =	shalt  }
0x6f: {  	_ =	shalt  }
0x70: {  	_ =	shalt  }
0x71: {  	_ =	shalt  }
0x72: {  	_ =	shalt  }
0x73: {  	_ =	shalt  }
0x74: {  	_ =	shalt  }
0x75: {  	_ =	shalt  }
0x76: {  	_ =	shalt  }
0x77: {  	_ =	shalt  }
0x78: {  	_ =	shalt  }
0x79: {  	_ =	shalt  }
0x7a: {  	_ =	shalt  }
0x7b: {  	_ =	shalt  }
0x7c: {  	_ =	shalt  }
0x7d: {  	_ =	shalt  }
0x7e: {  	_ =	shalt  }
0x7f: {  	_ =	shalt  }
0x80: {  	_ =	shalt  }
0x81: {  	_ =	shalt  }
0x82: {  	_ =	shalt  }
0x83: {  	_ =	shalt  }
0x84: {  	_ =	shalt  }
0x85: {  	_ =	shalt  }
0x86: {  	_ =	shalt  }
0x87: {  	_ =	shalt  }
.Lfunc_end0:
.L_simem_size_0:
called_computation.1_lowered:
.L_overlay_start_0:
0x88: {  	s2 =	sld [smem:$0x3FD9]  }
0x89: {  	s3 =	sld [smem:$0x3FFE];
	_ =	sdelay $0x1  }
0x8a: {  	s1 =	srdreg.scid  }
0x8b: {  	s0 =	sand.u32 $0x1, s1  }
0x8c: {  	s17 =	sshll.u32 s0, $0xA;
	s2 =	sadd.s32 s3, s2  }
0x8d: {  	s2 =	sadd.s32 s2, s17  }
0x8e: {  	[smem:$0x3FBD] =	sst s2  }
0x8f: {  	_ = 	snop  }
0x90: {  	s2 =	sld [smem:$0x3FD0];
	(tm) =	ssettm $0x1  }
0x91: {  	s18 =	sld [smem:$0x3FFB];
	_ =	sdelay $0x3  }
0x92: {  	_ =	strace s18  }
0x93: {  	s3 =	sld [smem:$0x3FFC];
	_ =	sdelay $0x3  }
0x94: {  	_ =	strace s3  }
0x95: {  	s3 =	sld [smem:$0x3FFD];
	_ =	sdelay $0x3  }
0x96: {  	_ =	strace s3  }
0x97: {  	_ =	strace $0x8FFFFFFF  }
0x98: {  	s19 =	sld [smem:$0x3FDB];
	_ =	sdelay $0x1  }
0x99: {  	s4 =	simm.s32 $_scs_section_size  }
0x9a: {  	s5 =	simm.s32 $_size__tile_overlayer_lowered;
	s6 =	simm.s32 $_tile_overlayer_lowered  }
0x9b: {  	s22 =	simm.s32 $0x1BFF;
	s21 =	sshll.u32 s6, $0x1;
	s3 =	sadd.s32 s4, s19  }
0x9c: {  	s7 =	simm.s32 $0x0;
	s20 =	sshll.u32 s5, $0x1;
	s5 =	sadd.s32 s21, s3  }
0x9d: {  	[timem:s7], [sflag:s22] =	dma.local [hbm:s5], s20  }
0x9e: {  	_ =	swait.ge [sflag:s22], s20  }
0x9f: {  	s4 =	ssub.s32 $0x0, s20;
	[sflag:s22] =	ssyncset.done $0x0  }
0xa0: {  	[sflag:s22] =	ssyncadd.s32 s4;
	_ =	sdelay $0x1  }
0xa1: {  	s23 =	simm.s32 $0x1B8B  }
0xa2: {  	_ =	swait.ge [sflag:s23], $0x1  }
0xa3: {  	[sflag:s23] =	ssyncset.done $0x0  }
0xa4: {  	s25 =	simm.s32 $0x1B8E;
	s24 =	sld [smem:$0x3FFE];
	[sflag:s23] =	ssyncadd.s32 $0xFFFFFFFF  }
0xa5: {  	s26 =	simm.s32 $execute0_lowered;
	[smem:$0x3FD2] =	sst s25  }
0xa6: {  	s5 =	sshll.u32 s26, $0x1;
	_ =	strace $0x80000049;
	[dreg:$0x1] =	wrdreg $0xFFFFFFFF  }
0xa7: {  	s28 =	simm.s32 $_size_execute0_lowered;
	s3 =	sadd.s32 s3, s5;
	[dreg:$0x0] =	wrdreg $0x0  }
0xa8: {  	s5 =	sshll.u32 s28, $0x1;
	[dreg:$0x2] =	wrdreg s3  }
0xa9: {  	[dreg:$0x3] =	wrdreg s5  }
0xaa: {  	[dreg:$0x4] =	wrdreg $0xC0  }
0xab: {  	_ =	task [dreg:s7], $0x5FFFF  }
0xac: {  	[dreg:$0x1] =	wrdreg $0xFFFFFFFF  }
0xad: {  	[dreg:$0x0] =	wrdreg $0x60  }
0xae: {  	[dreg:$0x2] =	wrdreg s2  }
0xaf: {  	[dreg:$0x3] =	wrdreg s24  }
0xb0: {  	[dreg:$0x4] =	wrdreg $0x81800  }
0xb1: {  	[dreg:$0x5] =	wrdreg $0x9  }
0xb2: {  	_ =	task.clear_ibuf [dreg:s7], $0x6FFFF;
	_ =	strace $0x90000049  }
0xb3: {  	s29 =	simm.s32 $0x9;
	_ =	strace $0x8000004B  }
0xb4: {  	_ =	swait.ge [sflag:s29], $0x1  }
0xb5: {  	[sflag:s29] =	ssyncadd.s32 $0xFFFFFFFF  }
0xb6: {  	_ =	strace $0x9000004B  }
0xb7: {  	_ =	sfence  }
0xb8: {  	s30 =	sld [smem:$0x0];
	_ =	sdelay $0x2  }
0xb9: {  	s31 =	sshll.u32 s1, $0xD;
	s1 =	sshrl.u32 s1, $0x2  }
0xba: {  	s3 =	sand.u32 $0x4000, s31;
	s1 =	sadd.s32 s1, s30  }
0xbb: {  	s0 =	sor.u32 s3, s0;
	s1 =	sshll.u32 s1, $0x11  }
0xbc: {  	s0 =	sor.u32 s1, s0  }
0xbd: {  	s0 =	sadd.s32 $0x8F2B, s0  }
0xbe: {  	[sflag:s0] =	ssyncadd.remote.s32 $0x1  }
0xbf: {  	_ =	sfence.sel $0xFFFF  }
0xc0: {  	[dreg:$0x0] =	wrdreg $0xFFFFFFFF;
	(pc) =	sbr.abs _section_cstart, $3  }
0xc1: {  	[dreg:$0x1] =	wrdreg $0xFFFFFFFF  }
0xc2: {  	_ =	task.clear_ibuf [dreg:s7], $0x2FFFF;
	_ =	strace $0x9FFFFFFF  }
0xc3: {  	(tm) =	ssettm $0x7FFFFFFF  }
tec
execute0_lowered:
.L_overlay_start_1:
0x0: {  	(tag) =	ssettag $0x1  }
0x1: {  	s1 =	rddreg [dreg:$0x0]  }
0x2: {  	s0 =	rddreg [dreg:$0x1]  }
0x3: {  	s2 =	rddreg [dreg:$0x2];
	s3 =	srdreg.scid  }
0x4: {  	s4 =	simm.s32 $0x0;
	s17 =	stileid.u32;
	s28 =	simm.s32 $0x2780  }
0x5: {  	s29 =	simm.s32 $0x5;
	s30 =	simm.s32 $0x7780;
	s31 =	simm.s32 $0x0  }
0x6: {  	s3 =	sand.u32 $0x1, s3;
	[smem:$0x7FF] =	sst s4;
	s7 =	sadd.s32 $0x15200, s0  }
0x7: {  	s8 =	sadd.s32 $0xB400, s0;
	s10 =	smul.u32 $0x4E200, s17;
	s9 =	sadd.s32 $0x1600, s0  }
0x8: {  	s11 =	sadd.s32 $0x1FC00, s0;
	s18 =	smul.u32 $0x13800, s17;
	p0 =	seq.s32 s17, $0xF  }
0x9: {  	s5 =	sshll.u32 s3, $0x4;
	_ =	strace $0x8000004A;
	s12 =	ssub.s32 $0x2, s3  }
0xa: {  	s3 =	smul.u32 $0x138800, s3;
	s6 =	sor.u32 s17, s5;
	s5 =	sadd.s32 $0x15800, s0  }
0xb: {  	s14 =	sshrl.u32 s12, $0x1;
	s10 =	sshrl.u32 s10, $0x2;
	s6 =	smul.u32 $0x2710, s6  }
0xc: {  	s12 =	ssub.s32 s12, s14;
	s10 =	sadd.s32 s10, s2;
	s22 =	sadd.s32 s18, s3  }
0xd: {  	s3 =	sshrl.u32 s3, $0x3;
	s25 =	sadd.s32 $0x3E80, s10;
	[dreg:$0x4] =	wrdreg s10  }
0xe: {  	s14 =	simm.s32 $0x30;
	s26 =	sadd.s32 $0x7D00, s10;
	[dreg:$0x5] =	wrdreg s25  }
0xf: {  	s15 =	sadd.s32 $0xBB80, s10;
	s10 =	sadd.s32 $0xFA00, s10;
	[dreg:$0x6] =	wrdreg s26  }
0x10: {  	s3 =	sadd.s32 s11, s3;
	s13 =	sshrl.u32 s6, $0x3;
	[dreg:$0x7] =	wrdreg s15  }
0x11: {  	[dreg:$0x8] =	wrdreg s10;
	s15 =	smul.u32 $0x4E000, s17;
	s3 =	sadd.s32 $0x24900, s3  }
0x12: {  	s25 =	smax.u32 s12, $0x1;
	s12 =	simm.s32 $0x3;
	[dreg:$0xd] =	wrdreg s3  }
0x13: {  	s0 =	sadd.s32 s13, s0;
	s16 =	sadd.s32 s8, s13;
	[dreg:$0xf] =	wrdreg s25  }
0x14: {  	s3 =	sadd.s32 $0x124800, s2;
	[dreg:$0x9] =	wrdreg s16;
	s16 =	sadd.s32 s9, s13  }
0x15: {  	s13 =	sadd.s32 $0xA, s13;
	s23 =	sshrl.u32 s15, $0x2;
	s0 =	sadd.s32 $0x15E00, s0  }
0x16: {  	s15 =	simm.s32 $0x4;
	s20 =	sadd.s32 $0x4, s16;
	[dreg:$0xe] =	wrdreg s0  }
0x17: {  	s21 =	sadd.s32 s8, s13;
	s19 =	sadd.s32 s9, s13;
	[dreg:$0xa] =	wrdreg s20  }
0x18: {  	s13 =	sshrl.u32 s22, $0x3;
	s0 =	sshrl.u32 @p0 s3, $0x3;
	[dreg:$0xb] =	wrdreg s21  }
0x19: {  	s26 =	sadd.s32 $0xE, s16;
	s3 =	simm.s32 $0x50;
	[dreg:$0x10] =	wrdreg s0  }
0x1a: {  	s24 =	sadd.s32 s11, s13;
	s11 =	sadd.s32 s23, s2;
	[dreg:$0x12] =	wrdreg s26  }
0x1b: {  	s13 =	simm.s32 $0x20;
	[dreg:$0xc] =	wrdreg s24;
	s0 =	sshrl.u32 @!p0 s11, $0x3  }
0x1c: {  	v0 =	vimm.f32 $0.0e+00;
	s11 =	simm.s32 $0x2;
	[dreg:$0x11] =	wrdreg s0;
	s0 =	simm.s32 $0x1  }
.LBB2_1:
0x1d: {  	s17 =	simm.s32 $0x0  }
.LBB2_2:
0x1e: {  	p1 =	sne.s32 s17, $0x9C00  }
.Ltmp0:
0x1f: {  	_ = 	snop;
	(pc) =	sbr.rel @p1 .LBB2_2-.Ltmp0, $3  }
0x20: {  	_ =	sdelay $0x1  }
0x21: {  	s18 =	sshra.s32 s17, $0x2  }
0x22: {  	s17 =	sadd.s32 $0x40, s17;
	[tilespmem:s18+$0x0] =	vst v0  }
0x23: {  	s17 =	simm.s32 $0x0;
	s18 =	simm.s32 $0x200  }
.LBB2_4:
0x24: {  	p1 =	sne.s32 s18, $0xF800;
	[tilespmem:s17+$0x27F0] =	vst v0  }
0x25: {  	[tilespmem:s17+$0x2780] =	vst v0  }
0x26: {  	[tilespmem:s17+$0x2790] =	vst v0  }
.Ltmp1:
0x27: {  	[tilespmem:s17+$0x27A0] =	vst v0;
	(pc) =	sbr.rel @p1 .LBB2_4-.Ltmp1, $4  }
0x28: {  	[tilespmem:s17+$0x27B0] =	vst v0  }
0x29: {  	[tilespmem:s17+$0x27C0] =	vst v0  }
0x2a: {  	[tilespmem:s17+$0x27D0] =	vst v0  }
0x2b: {  	[tilespmem:s17+$0x27E0] =	vst v0;
	s17 =	sshra.s32 s18, $0x2;
	s18 =	sadd.s32 $0x200, s18  }
0x2c: {  	[tilespmem:s17+$0x27F0] =	vst v0  }
0x2d: {  	[tilespmem:s17+$0x2780] =	vst v0  }
0x2e: {  	[tilespmem:s17+$0x2790] =	vst v0  }
0x2f: {  	[tilespmem:s17+$0x27A0] =	vst v0  }
0x30: {  	[tilespmem:s17+$0x27B0] =	vst v0  }
0x31: {  	[tilespmem:s17+$0x27C0] =	vst v0  }
0x32: {  	[tilespmem:s17+$0x27D0] =	vst v0  }
0x33: {  	[tilespmem:s17+$0x27E0] =	vst v0;
	s10 =	rddreg [dreg:$0x4]  }
0x34: {  	[spmem:s10] =	stream.linear.scatter [tilespmem:s28], [sflag:$0x5], $0x3E80, $0x38;
	[tilespmem:$0x1BA00] =	vst v63  }
0x35: {  	_ =	swait.ge [sflag:s29], $0x3E80  }
0x36: {  	[sflag:s29] =	ssyncset.done $0x0  }
0x37: {  	s17 =	rddreg [dreg:$0x5];
	[sflag:s29] =	ssyncadd.s32 $0xFFFFC180  }
0x38: {  	[spmem:s17] =	stream.linear.scatter [tilespmem:s28], [sflag:$0x5], $0x3E80, $0x38;
	[tilespmem:$0x1BA00] =	vst v63  }
0x39: {  	_ =	swait.ge [sflag:s29], $0x3E80  }
0x3a: {  	[sflag:s29] =	ssyncset.done $0x0  }
0x3b: {  	s18 =	rddreg [dreg:$0x6];
	[sflag:s29] =	ssyncadd.s32 $0xFFFFC180  }
0x3c: {  	[spmem:s18] =	stream.linear.scatter [tilespmem:s28], [sflag:$0x5], $0x3E80, $0x38;
	[tilespmem:$0x1BA00] =	vst v63  }
0x3d: {  	_ =	swait.ge [sflag:s29], $0x3E80  }
0x3e: {  	[sflag:s29] =	ssyncset.done $0x0  }
0x3f: {  	s20 =	rddreg [dreg:$0x7];
	[sflag:s29] =	ssyncadd.s32 $0xFFFFC180  }
0x40: {  	[spmem:s20] =	stream.linear.scatter [tilespmem:s28], [sflag:$0x5], $0x3E80, $0x38;
	[tilespmem:$0x1BA00] =	vst v63  }
0x41: {  	_ =	swait.ge [sflag:s29], $0x3E80  }
0x42: {  	[sflag:s29] =	ssyncset.done $0x0  }
0x43: {  	s21 =	rddreg [dreg:$0x8];
	[sflag:s29] =	ssyncadd.s32 $0xFFFFC180  }
0x44: {  	[spmem:s21] =	stream.linear.scatter [tilespmem:s28], [sflag:$0x5], $0x3E80, $0x38;
	[tilespmem:$0x1BA00] =	vst v63  }
0x45: {  	_ =	swait.ge [sflag:s29], $0x3E80  }
0x46: {  	[sflag:s29] =	ssyncset.done $0x0  }
0x47: {  	[sflag:s29] =	ssyncadd.s32 $0xFFFFC180  }
0x48: {  	[bflag:$0x0] =	sbarrier.arrive $0xFFFF  }
0x49: {  	s20 =	simm.s32 $0x0;
	s22 =	rddreg [dreg:$0x9]  }
0x4a: {  	[tilespmem:s30], [sflag:$0x1] =	stream.linear.gather [hbm4b:s22+s20], $0x50, $0x38;
	[tilespmem:$0x1BA00] =	vst v63  }
0x4b: {  	s17 =	simm.s32 $0x7980  }
0x4c: {  	[tilespmem:s17], [sflag:$0x1] =	stream.linear.gather [hbm4b:s16+s20], $0x50, $0x38;
	[tilespmem:$0x1BA00] =	vst v63  }
0x4d: {  	s23 =	simm.s32 $0x7D80  }
0x4e: {  	[tilespmem:s23], [sflag:$0x1] =	stream.linear.gather [hbm4b:s16+s20], $0x20, $0x38;
	[tilespmem:$0x1BA00] =	vst v63  }
0x4f: {  	s18 =	simm.s32 $0x7F80;
	s24 =	rddreg [dreg:$0xa]  }
0x50: {  	[tilespmem:s18], [sflag:$0x1] =	stream.linear.gather [hbm4b:s24+s20], $0x30, $0x38;
	[tilespmem:$0x1BA00] =	vst v63  }
0x51: {  	s26 =	simm.s32 $0x7800;
	s25 =	rddreg [dreg:$0xb]  }
0x52: {  	[tilespmem:s26], [sflag:$0x1] =	stream.linear.gather [hbm4b:s25+s20], $0x50, $0x38;
	[tilespmem:$0x1BA00] =	vst v63  }
0x53: {  	s21 =	simm.s32 $0x7A00  }
0x54: {  	[tilespmem:s21], [sflag:$0x1] =	stream.linear.gather [hbm4b:s19+s20], $0x50, $0x38;
	[tilespmem:$0x1BA00] =	vst v63  }
0x55: {  	s22 =	simm.s32 $0x7E00  }
0x56: {  	[tilespmem:s22], [sflag:$0x1] =	stream.linear.gather [hbm4b:s19+s20], $0x20, $0x38;
	[tilespmem:$0x1BA00] =	vst v63  }
0x57: {  	s23 =	rddreg [dreg:$0x12];
	s24 =	simm.s32 $0x8000  }
0x58: {  	[tilespmem:s24], [sflag:$0x1] =	stream.linear.gather [hbm4b:s23+s20], $0x30, $0x38;
	[tilespmem:$0x1BA00] =	vst v63  }
0x59: {  	_ =	swait.ge [sflag:s0], $0x50  }
0x5a: {  	[sflag:s0] =	ssyncset.done $0x0  }
0x5b: {  	[sflag:s0] =	ssyncadd.s32 $0xFFFFFFB0  }
0x5c: {  	_ =	swait.ge [sflag:s0], $0x50  }
0x5d: {  	[sflag:s0] =	ssyncset.done $0x0  }
0x5e: {  	[sflag:s0] =	ssyncadd.s32 $0xFFFFFFB0  }
0x5f: {  	_ =	swait.ge [sflag:s0], $0x20  }
0x60: {  	[sflag:s0] =	ssyncset.done $0x0  }
0x61: {  	[sflag:s0] =	ssyncadd.s32 $0xFFFFFFE0  }
0x62: {  	_ =	swait.ge [sflag:s0], $0x30  }
0x63: {  	[sflag:s0] =	ssyncset.done $0x0  }
0x64: {  	s25 =	simm.s32 $0x7B80;
	[sflag:s0] =	ssyncadd.s32 $0xFFFFFFD0  }
0x65: {  	[tilespmem:s25], [sflag:$0x2] =	stream.indirect.gather [hbm4b:s5+s3], $0x1, s30, s3, $0xb8;
	[tilespmem:$0x1BA00] =	vst v63  }
0x66: {  	s26 =	simm.s32 $0x7C80  }
0x67: {  	[tilespmem:s26], [sflag:$0x2] =	stream.indirect.gather [hbm4b:s7+s3], $0x1, s17, s3, $0xb8;
	[tilespmem:$0x1BA00] =	vst v63  }
0x68: {  	_ = 	snop  }
0x69: {  	[tilespmem:s28], [sflag:$0x3] =	stream.indirect.gather [hbm4b:s1+s3], $0x80, s30, s3, $0xb8;
	[tilespmem:$0x1BA00] =	vst v63  }
.LBB2_6:
0x6a: {  	_ =	swait.ge [sflag:s11], $0x50  }
0x6b: {  	[sflag:s11] =	ssyncset.done $0x0  }
0x6c: {  	[sflag:s11] =	ssyncadd.s32 $0xFFFFFFB0  }
0x6d: {  	_ =	swait.ge [sflag:s11], $0x50  }
0x6e: {  	s21 =	sand.u32 $0x1, s20;
	[sflag:s11] =	ssyncset.done $0x0  }
0x6f: {  	s18 =	sshll.u32 s21, $0x7;
	[sflag:s11] =	ssyncadd.s32 $0xFFFFFFB0  }
0x70: {  	v1 =	vld [tilespmem:s18+$0x7B80]  }
0x71: {  	v2 =	vld [tilespmem:s18+$0x7C80];
	_ =	sdelay $0x4  }
0x72: {  	s17 =	smul.u32 $0xAB, s20;
	v1 =	vadd.f32 v2, v1;
	_ =	sdelay $0x1  }
0x73: {  	s17 =	sshrl.u32 s17, $0x9;
	v2 =	vmul.f32 $2.000000030e-01, v1  }
0x74: {  	s17 =	sand.u32 $0x7F, s17;
	vm0 =	vge.f32 v1, $0.0e+00  }
0x75: {  	s17 =	smul.u32 $0x3, s17;
	v1 =	vsel vm0, v1, v2  }
0x76: {  	v1 =	vmul.f32 $1.442695020e+00, v1  }
0x77: {  	s17 =	ssub.s32 s20, s17  }
0x78: {  	s17 =	sand.u32 $0xFF, s17;
	(erf) = vpow2.f32 v1  }
0x79: {  	s17 =	sshll.u32 s17, $0x7  }
0x7a: {  	v1 =	vld [tilespmem:s17+$0x7980];
	_ =	sdelay $0x6  }
0x7b: {  	v5 =	vpop (erf)  }
0x7c: {  	[tilespmem:v1+s4+$0x0] =	vst.idx.add.f32.msk $0xffff, v5  }
0x7d: {  	v1 =	vld [tilespmem:s18+$0x7B90]  }
0x7e: {  	v2 =	vld [tilespmem:s18+$0x7C90];
	_ =	sdelay $0x4  }
0x7f: {  	v1 =	vadd.f32 v2, v1;
	_ =	sdelay $0x1  }
0x80: {  	v2 =	vmul.f32 $2.000000030e-01, v1  }
0x81: {  	vm12 =	vge.f32 v1, $0.0e+00  }
0x82: {  	v1 =	vsel vm12, v1, v2  }
0x83: {  	v1 =	vmul.f32 $1.442695020e+00, v1;
	_ =	sdelay $0x1  }
0x84: {  	(erf) = vpow2.f32 v1;
	_ =	sdelay $0x1  }
0x85: {  	v1 =	vld [tilespmem:s17+$0x7990];
	_ =	sdelay $0x6  }
0x86: {  	v4 =	vpop (erf)  }
0x87: {  	[tilespmem:v1+s4+$0x0] =	vst.idx.add.f32.msk $0xffff, v4  }
0x88: {  	v1 =	vld [tilespmem:s18+$0x7BA0]  }
0x89: {  	v2 =	vld [tilespmem:s18+$0x7CA0];
	_ =	sdelay $0x4  }
0x8a: {  	v1 =	vadd.f32 v2, v1;
	_ =	sdelay $0x1  }
0x8b: {  	v2 =	vmul.f32 $2.000000030e-01, v1  }
0x8c: {  	vm13 =	vge.f32 v1, $0.0e+00  }
0x8d: {  	v1 =	vsel vm13, v1, v2  }
0x8e: {  	v1 =	vmul.f32 $1.442695020e+00, v1;
	_ =	sdelay $0x1  }
0x8f: {  	(erf) = vpow2.f32 v1;
	_ =	sdelay $0x1  }
0x90: {  	v1 =	vld [tilespmem:s17+$0x79A0];
	_ =	sdelay $0x6  }
0x91: {  	v3 =	vpop (erf)  }
0x92: {  	[tilespmem:v1+s4+$0x0] =	vst.idx.add.f32.msk $0xffff, v3  }
0x93: {  	v1 =	vld [tilespmem:s18+$0x7BB0]  }
0x94: {  	v2 =	vld [tilespmem:s18+$0x7CB0];
	_ =	sdelay $0x4  }
0x95: {  	v1 =	vadd.f32 v2, v1;
	_ =	sdelay $0x1  }
0x96: {  	v2 =	vmul.f32 $2.000000030e-01, v1  }
0x97: {  	vm14 =	vge.f32 v1, $0.0e+00  }
0x98: {  	v1 =	vsel vm14, v1, v2  }
0x99: {  	v1 =	vmul.f32 $1.442695020e+00, v1;
	_ =	sdelay $0x1  }
0x9a: {  	(erf) = vpow2.f32 v1;
	_ =	sdelay $0x1  }
0x9b: {  	v1 =	vld [tilespmem:s17+$0x79B0];
	_ =	sdelay $0x6  }
0x9c: {  	v2 =	vpop (erf)  }
0x9d: {  	[tilespmem:v1+s4+$0x0] =	vst.idx.add.f32.msk $0xffff, v2  }
0x9e: {  	v1 =	vld [tilespmem:s18+$0x7BC0]  }
0x9f: {  	v6 =	vld [tilespmem:s18+$0x7CC0];
	_ =	sdelay $0x4  }
0xa0: {  	v1 =	vadd.f32 v6, v1;
	_ =	sdelay $0x1  }
0xa1: {  	v6 =	vmul.f32 $2.000000030e-01, v1  }
0xa2: {  	vm15 =	vge.f32 v1, $0.0e+00  }
0xa3: {  	v1 =	vsel vm15, v1, v6  }
0xa4: {  	v1 =	vmul.f32 $1.442695020e+00, v1;
	_ =	sdelay $0x1  }
0xa5: {  	(erf) = vpow2.f32 v1;
	_ =	sdelay $0x1  }
0xa6: {  	v6 =	vld [tilespmem:s17+$0x79C0];
	_ =	sdelay $0x6  }
0xa7: {  	p1 =	seq.s32 s20, $0x0;
	v1 =	vpop (erf)  }
0xa8: {  	p2 =	seq.s32 @!p1 s20, $0x7C;
	s18 =	simm.s32 @!p1 $0x4;
	[tilespmem:v6+s4+$0x0] =	vst.idx.add.f32.msk $0xffff, v1  }
0xa9: {  	p2 =	por p1, !p2;
	_ =	swait.ge @!p1 [sflag:s18], $0x1000  }
.Ltmp2:
0xaa: {  	[sflag:s18] =	ssyncset.done @!p1 $0x0;
	(pc) =	sbr.rel @!p2 .LBB2_8-.Ltmp2, $4  }
0xab: {  	[sflag:s18] =	ssyncadd.s32 @!p1 $0xFFFFF000  }
0xac: {  	_ =	swait.ge @!p1 [sflag:s18], $0x1800  }
0xad: {  	[sflag:s18] =	ssyncset.done @!p1 $0x0  }
0xae: {  	[sflag:s18] =	ssyncadd.s32 @!p1 $0xFFFFE800;
	s18 =	simm.s32 @!p1 $0x7D  }
0xaf: {  	s18 =	sadd.s32 @!p1 $0x1, s20;
	_ =	swait.ge [sflag:s0], $0x50  }
0xb0: {  	s18 =	simm.s32 @p1 $0x1;
	[sflag:s0] =	ssyncset.done $0x0  }
0xb1: {  	[sflag:s0] =	ssyncadd.s32 $0xFFFFFFB0;
	s22 =	smul.u32 $0xAB, s18  }
0xb2: {  	_ =	swait.ge [sflag:s0], $0x50  }
0xb3: {  	[sflag:s0] =	ssyncset.done $0x0;
	s22 =	sshrl.u32 s22, $0x9  }
0xb4: {  	[sflag:s0] =	ssyncadd.s32 $0xFFFFFFB0;
	s22 =	sand.u32 $0x7F, s22  }
0xb5: {  	_ =	swait.ge [sflag:s0], $0x20;
	s22 =	smul.u32 $0x3, s22  }
0xb6: {  	[sflag:s0] =	ssyncset.done $0x0  }
0xb7: {  	s23 =	sxor.u32 $0x1, s21;
	[sflag:s0] =	ssyncadd.s32 $0xFFFFFFE0;
	s22 =	ssub.s32 s18, s22  }
0xb8: {  	s24 =	sshll.u32 s23, $0x7;
	_ =	swait.ge [sflag:s0], $0x30;
	s22 =	sand.u32 $0xFF, s22  }
0xb9: {  	p1 =	sgt.u32 s20, $0x7A;
	[sflag:s0] =	ssyncset.done $0x0;
	s22 =	sshll.u32 s22, $0x7  }
0xba: {  	s25 =	sadd.s32 $0x7B80, s24;
	[sflag:s0] =	ssyncadd.s32 $0xFFFFFFD0;
	s26 =	sadd.s32 $0x7780, s22  }
0xbb: {  	[tilespmem:s25], [sflag:$0x2] =	stream.indirect.gather [hbm4b:s5+s3], $0x1, s26, s3, $0xb8;
	[tilespmem:$0x1BA00] =	vst v63  }
0xbc: {  	s24 =	sadd.s32 $0x7C80, s24;
	s22 =	sadd.s32 $0x7980, s22;
	s25 =	smul.u32 $0xA000, s23  }
0xbd: {  	[tilespmem:s24], [sflag:$0x2] =	stream.indirect.gather [hbm4b:s7+s3], $0x1, s22, s3, $0xb8;
	[tilespmem:$0x1BA00] =	vst v63  }
0xbe: {  	s20 =	sadd.s32 @!p1 $0x2, s20;
	s22 =	sshrl.u32 s25, $0x2  }
0xbf: {  	s23 =	smul.u32 @!p1 $0xAB, s20;
	s22 =	sadd.s32 $0x2780, s22  }
0xc0: {  	[tilespmem:s22], [sflag:$0x3] =	stream.indirect.gather [hbm4b:s1+s3], $0x80, s26, s3, $0xb8;
	[tilespmem:$0x1BA00] =	vst v63  }
0xc1: {  	s22 =	sshrl.u32 @!p1 s23, $0x9  }
0xc2: {  	s22 =	sand.u32 @!p1 $0x7F, s22  }
0xc3: {  	s22 =	smul.u32 @!p1 $0x3, s22  }
0xc4: {  	s23 =	smul.u32 @!p1 $0x50, s20  }
0xc5: {  	s20 =	ssub.s32 @!p1 s20, s22  }
0xc6: {  	s22 =	sadd.s32 @!p1 s6, s23;
	s20 =	sand.u32 @!p1 $0xFF, s20  }
0xc7: {  	s22 =	sshrl.u32 @!p1 s22, $0x3;
	s20 =	sshll.u32 @!p1 s20, $0x7  }
0xc8: {  	s25 =	simm.s32 @!p1 $0x0;
	s24 =	sadd.s32 @!p1 s8, s22;
	s23 =	sadd.s32 @!p1 $0x7780, s20  }
0xc9: {  	[tilespmem:s23], [sflag:$0x1] =	stream.linear.gather @!p1 [hbm4b:s24+s25], $0x50, $0x38;
	[tilespmem:$0x1BA00] =	vst v63  }
0xca: {  	s22 =	sadd.s32 @!p1 s9, s22;
	s23 =	sadd.s32 @!p1 $0x7980, s20  }
0xcb: {  	[tilespmem:s23], [sflag:$0x1] =	stream.linear.gather @!p1 [hbm4b:s22+s25], $0x50, $0x38;
	[tilespmem:$0x1BA00] =	vst v63  }
0xcc: {  	s23 =	sadd.s32 @!p1 $0x7D80, s20  }
0xcd: {  	[tilespmem:s23], [sflag:$0x1] =	stream.linear.gather @!p1 [hbm4b:s22+s25], $0x20, $0x38;
	[tilespmem:$0x1BA00] =	vst v63  }
0xce: {  	s20 =	sadd.s32 @!p1 $0x7F80, s20;
	s22 =	sadd.s32 @!p1 $0x4, s22  }
0xcf: {  	[tilespmem:s20], [sflag:$0x1] =	stream.linear.gather @!p1 [hbm4b:s22+s25], $0x30, $0x38;
	[tilespmem:$0x1BA00] =	vst v63  }
.LBB2_8:
0xd0: {  	_ =	swait.ge [sflag:s12], $0x2800  }
0xd1: {  	s20 =	smul.u32 $0x50, s21;
	[sflag:s12] =	ssyncset.done $0x0  }
0xd2: {  	s22 =	simm.s32 $0x0;
	p1 =	por $0x1, $0x1;
	[sflag:s12] =	ssyncadd.s32 $0xFFFFD800  }
.LBB2_9:
0xd3: {  	s23 =	sor.u32 s20, s22  }
0xd4: {  	s23 =	sshll.u32 s23, $0x7  }
0xd5: {  	s23 =	sand.u32 $0x3FFFFF80, s23  }
0xd6: {  	v6 =	vld [tilespmem:s23+$0x2780]  }
0xd7: {  	v7 =	vld [tilespmem:s23+$0x2790]  }
0xd8: {  	v8 =	vmov s22;
	v9 =	vld [tilespmem:s23+$0x27A0]  }
0xd9: {  	v8 =	vperm.xlane v5, v8;
	v10 =	vld [tilespmem:s23+$0x27B0]  }
0xda: {  	s24 =	sor.u32 $0x1, s22;
	v11 =	vld [tilespmem:s23+$0x27C0]  }
0xdb: {  	s25 =	sor.u32 s20, s24;
	v12 =	vld [tilespmem:s23+$0x27D0];
	v6 =	vmul.f32 v6, v8  }
0xdc: {  	s25 =	sshll.u32 s25, $0x7;
	v13 =	vld [tilespmem:s23+$0x27E0];
	v7 =	vmul.f32 v7, v8  }
0xdd: {  	v45 =	vld [tilespmem:s23+$0x27F0];
	s25 =	sand.u32 $0x3FFFFF80, s25;
	[tilespmem:s23+$0x2780] =	vst v6;
	v6 =	vmul.f32 v9, v8  }
0xde: {  	v46 =	vld [tilespmem:s25+$0x2780];
	[tilespmem:s23+$0x2790] =	vst v7;
	v7 =	vmul.f32 v10, v8  }
0xdf: {  	v47 =	vld [tilespmem:s25+$0x2790];
	[tilespmem:s23+$0x27A0] =	vst v6;
	v6 =	vmul.f32 v11, v8  }
0xe0: {  	v48 =	vmov s24;
	v14 =	vld [tilespmem:s25+$0x27A0];
	[tilespmem:s23+$0x27B0] =	vst v7;
	v7 =	vmul.f32 v12, v8  }
0xe1: {  	v49 =	vld [tilespmem:s25+$0x27B0];
	v12 =	vperm.xlane v5, v48;
	[tilespmem:s23+$0x27C0] =	vst v6;
	v6 =	vmul.f32 v13, v8  }
0xe2: {  	s10 =	sor.u32 $0x2, s22;
	v50 =	vld [tilespmem:s25+$0x27C0];
	[tilespmem:s23+$0x27D0] =	vst v7;
	v7 =	vmul.f32 v45, v8  }
0xe3: {  	s26 =	sor.u32 s20, s10;
	v51 =	vld [tilespmem:s25+$0x27D0];
	[tilespmem:s23+$0x27E0] =	vst v6;
	v6 =	vmul.f32 v46, v12  }
0xe4: {  	s26 =	sshll.u32 s26, $0x7;
	v52 =	vld [tilespmem:s25+$0x27E0];
	[tilespmem:s23+$0x27F0] =	vst v7;
	v7 =	vmul.f32 v47, v12  }
0xe5: {  	v53 =	vld [tilespmem:s25+$0x27F0];
	s23 =	sand.u32 $0x3FFFFF80, s26;
	[tilespmem:s25+$0x2780] =	vst v6;
	v6 =	vmul.f32 v14, v12  }
0xe6: {  	v54 =	vld [tilespmem:s23+$0x2780];
	[tilespmem:s25+$0x2790] =	vst v7;
	v7 =	vmul.f32 v49, v12  }
0xe7: {  	v55 =	vld [tilespmem:s23+$0x2790];
	[tilespmem:s25+$0x27A0] =	vst v6;
	v6 =	vmul.f32 v50, v12  }
0xe8: {  	v56 =	vmov s10;
	v57 =	vld [tilespmem:s23+$0x27A0];
	[tilespmem:s25+$0x27B0] =	vst v7;
	v7 =	vmul.f32 v51, v12  }
0xe9: {  	v9 =	vperm.xlane v5, v56;
	v58 =	vld [tilespmem:s23+$0x27B0];
	[tilespmem:s25+$0x27C0] =	vst v6;
	v6 =	vmul.f32 v52, v12  }
0xea: {  	s24 =	sor.u32 $0x3, s22;
	v59 =	vld [tilespmem:s23+$0x27C0];
	[tilespmem:s25+$0x27D0] =	vst v7;
	v7 =	vmul.f32 v53, v12  }
0xeb: {  	s10 =	sor.u32 s20, s24;
	v60 =	vld [tilespmem:s23+$0x27D0];
	[tilespmem:s25+$0x27E0] =	vst v6;
	v6 =	vmul.f32 v54, v9  }
0xec: {  	s26 =	sshll.u32 s10, $0x7;
	v61 =	vld [tilespmem:s23+$0x27E0];
	[tilespmem:s25+$0x27F0] =	vst v7;
	v7 =	vmul.f32 v55, v9  }
0xed: {  	v62 =	vld [tilespmem:s23+$0x27F0];
	s25 =	sand.u32 $0x3FFFFF80, s26;
	[tilespmem:s23+$0x2780] =	vst v6;
	v6 =	vmul.f32 v57, v9  }
0xee: {  	v63 =	vld [tilespmem:s25+$0x2780];
	[tilespmem:s23+$0x2790] =	vst v7;
	v7 =	vmul.f32 v58, v9  }
0xef: {  	v16 =	vld [tilespmem:s25+$0x2790];
	[tilespmem:s23+$0x27A0] =	vst v6;
	v6 =	vmul.f32 v59, v9  }
0xf0: {  	v17 =	vmov s24;
	v18 =	vld [tilespmem:s25+$0x27A0];
	[tilespmem:s23+$0x27B0] =	vst v7;
	v7 =	vmul.f32 v60, v9  }
0xf1: {  	v19 =	vperm.xlane v5, v17;
	v20 =	vld [tilespmem:s25+$0x27B0];
	[tilespmem:s23+$0x27C0] =	vst v6;
	v6 =	vmul.f32 v61, v9  }
0xf2: {  	s24 =	sor.u32 $0x4, s22;
	v21 =	vld [tilespmem:s25+$0x27C0];
	[tilespmem:s23+$0x27D0] =	vst v7;
	v7 =	vmul.f32 v62, v9  }
0xf3: {  	s10 =	sor.u32 s20, s24;
	v22 =	vld [tilespmem:s25+$0x27D0];
	[tilespmem:s23+$0x27E0] =	vst v6;
	v6 =	vmul.f32 v63, v19  }
0xf4: {  	s26 =	sshll.u32 s10, $0x7;
	v23 =	vld [tilespmem:s25+$0x27E0];
	[tilespmem:s23+$0x27F0] =	vst v7;
	v7 =	vmul.f32 v16, v19  }
0xf5: {  	v24 =	vld [tilespmem:s25+$0x27F0];
	s23 =	sand.u32 $0x3FFFFF80, s26;
	[tilespmem:s25+$0x2780] =	vst v6;
	v6 =	vmul.f32 v18, v19  }
0xf6: {  	v25 =	vld [tilespmem:s23+$0x2780];
	[tilespmem:s25+$0x2790] =	vst v7;
	v7 =	vmul.f32 v20, v19  }
0xf7: {  	v26 =	vld [tilespmem:s23+$0x2790];
	[tilespmem:s25+$0x27A0] =	vst v6;
	v6 =	vmul.f32 v21, v19  }
0xf8: {  	v27 =	vmov s24;
	v28 =	vld [tilespmem:s23+$0x27A0];
	[tilespmem:s25+$0x27B0] =	vst v7;
	v7 =	vmul.f32 v22, v19  }
0xf9: {  	v10 =	vperm.xlane v5, v27;
	v29 =	vld [tilespmem:s23+$0x27B0];
	[tilespmem:s25+$0x27C0] =	vst v6;
	v6 =	vmul.f32 v23, v19  }
0xfa: {  	s24 =	sor.u32 $0x5, s22;
	v30 =	vld [tilespmem:s23+$0x27C0];
	[tilespmem:s25+$0x27D0] =	vst v7;
	v7 =	vmul.f32 v24, v19  }
0xfb: {  	s10 =	sor.u32 s20, s24;
	v31 =	vld [tilespmem:s23+$0x27D0];
	[tilespmem:s25+$0x27E0] =	vst v6;
	v6 =	vmul.f32 v25, v10  }
0xfc: {  	s26 =	sshll.u32 s10, $0x7;
	v32 =	vld [tilespmem:s23+$0x27E0];
	[tilespmem:s25+$0x27F0] =	vst v7;
	v7 =	vmul.f32 v26, v10  }
0xfd: {  	v33 =	vld [tilespmem:s23+$0x27F0];
	s25 =	sand.u32 $0x3FFFFF80, s26;
	[tilespmem:s23+$0x2780] =	vst v6;
	v6 =	vmul.f32 v28, v10  }
0xfe: {  	v34 =	vld [tilespmem:s25+$0x2780];
	[tilespmem:s23+$0x2790] =	vst v7;
	v7 =	vmul.f32 v29, v10  }
0xff: {  	v35 =	vld [tilespmem:s25+$0x2790];
	[tilespmem:s23+$0x27A0] =	vst v6;
	v6 =	vmul.f32 v30, v10  }
0x100: {  	v36 =	vmov s24;
	v37 =	vld [tilespmem:s25+$0x27A0];
	[tilespmem:s23+$0x27B0] =	vst v7;
	v7 =	vmul.f32 v31, v10  }
0x101: {  	v38 =	vperm.xlane v5, v36;
	v39 =	vld [tilespmem:s25+$0x27B0];
	[tilespmem:s23+$0x27C0] =	vst v6;
	v6 =	vmul.f32 v32, v10  }
0x102: {  	s24 =	sor.u32 $0x6, s22;
	v40 =	vld [tilespmem:s25+$0x27C0];
	[tilespmem:s23+$0x27D0] =	vst v7;
	v7 =	vmul.f32 v33, v10  }
0x103: {  	s10 =	sor.u32 s20, s24;
	v41 =	vld [tilespmem:s25+$0x27D0];
	[tilespmem:s23+$0x27E0] =	vst v6;
	v6 =	vmul.f32 v34, v38  }
0x104: {  	s26 =	sshll.u32 s10, $0x7;
	v42 =	vld [tilespmem:s25+$0x27E0];
	[tilespmem:s23+$0x27F0] =	vst v7;
	v7 =	vmul.f32 v35, v38  }
0x105: {  	v43 =	vld [tilespmem:s25+$0x27F0];
	s23 =	sand.u32 $0x3FFFFF80, s26;
	[tilespmem:s25+$0x2780] =	vst v6;
	v6 =	vmul.f32 v37, v38  }
0x106: {  	v44 =	vld [tilespmem:s23+$0x2780];
	[tilespmem:s25+$0x2790] =	vst v7;
	v7 =	vmul.f32 v39, v38  }
0x107: {  	v45 =	vld [tilespmem:s23+$0x2790];
	[tilespmem:s25+$0x27A0] =	vst v6;
	v6 =	vmul.f32 v40, v38  }
0x108: {  	v46 =	vmov s24;
	v47 =	vld [tilespmem:s23+$0x27A0];
	[tilespmem:s25+$0x27B0] =	vst v7;
	v7 =	vmul.f32 v41, v38  }
0x109: {  	v48 =	vperm.xlane v5, v46;
	v49 =	vld [tilespmem:s23+$0x27B0];
	[tilespmem:s25+$0x27C0] =	vst v6;
	v6 =	vmul.f32 v42, v38  }
0x10a: {  	s10 =	sor.u32 $0x7, s22;
	v50 =	vld [tilespmem:s23+$0x27C0];
	[tilespmem:s25+$0x27D0] =	vst v7;
	v7 =	vmul.f32 v43, v38  }
0x10b: {  	s26 =	sor.u32 s20, s10;
	v51 =	vld [tilespmem:s23+$0x27D0];
	[tilespmem:s25+$0x27E0] =	vst v6;
	v6 =	vmul.f32 v44, v48  }
0x10c: {  	v52 =	vld [tilespmem:s23+$0x27E0];
	s24 =	sshll.u32 s26, $0x7;
	[tilespmem:s25+$0x27F0] =	vst v7;
	v7 =	vmul.f32 v45, v48  }
0x10d: {  	v53 =	vld [tilespmem:s23+$0x27F0];
	s24 =	sand.u32 $0x3FFFFF80, s24;
	[tilespmem:s23+$0x2780] =	vst v6;
	v6 =	vmul.f32 v47, v48  }
0x10e: {  	v54 =	vld [tilespmem:s24+$0x2780];
	[tilespmem:s23+$0x2790] =	vst v7;
	v7 =	vmul.f32 v49, v48  }
0x10f: {  	v55 =	vld [tilespmem:s24+$0x2790];
	[tilespmem:s23+$0x27A0] =	vst v6;
	v6 =	vmul.f32 v50, v48  }
0x110: {  	v56 =	vmov s10;
	v57 =	vld [tilespmem:s24+$0x27A0];
	[tilespmem:s23+$0x27B0] =	vst v7;
	v7 =	vmul.f32 v51, v48  }
0x111: {  	v58 =	vperm.xlane v5, v56;
	v59 =	vld [tilespmem:s24+$0x27B0];
	[tilespmem:s23+$0x27C0] =	vst v6;
	v6 =	vmul.f32 v52, v48  }
0x112: {  	v60 =	vld [tilespmem:s24+$0x27C0];
	[tilespmem:s23+$0x27D0] =	vst v7;
	v7 =	vmul.f32 v53, v48  }
0x113: {  	v61 =	vld [tilespmem:s24+$0x27D0];
	[tilespmem:s23+$0x27E0] =	vst v6;
	v6 =	vmul.f32 v54, v58  }
0x114: {  	v62 =	vld [tilespmem:s24+$0x27E0];
	[tilespmem:s23+$0x27F0] =	vst v7;
	v7 =	vmul.f32 v55, v58  }
0x115: {  	v63 =	vld [tilespmem:s24+$0x27F0];
	[tilespmem:s24+$0x2780] =	vst v6;
	v6 =	vmul.f32 v57, v58  }
0x116: {  	[tilespmem:s24+$0x2790] =	vst v7;
	v7 =	vmul.f32 v59, v58  }
0x117: {  	p2 =	por p1, p1;
	[tilespmem:s24+$0x27A0] =	vst v6;
	v6 =	vmul.f32 v60, v58  }
.Ltmp3:
0x118: {  	[tilespmem:s24+$0x27B0] =	vst v7;
	v7 =	vmul.f32 v61, v58;
	(pc) =	sbr.rel @p2 .LBB2_9-.Ltmp3, $4  }
0x119: {  	[tilespmem:s24+$0x27C0] =	vst v6;
	v6 =	vmul.f32 v62, v58  }
0x11a: {  	[tilespmem:s24+$0x27D0] =	vst v7;
	v7 =	vmul.f32 v63, v58  }
0x11b: {  	[tilespmem:s24+$0x27E0] =	vst v6  }
0x11c: {  	p1 =	por $0x0, $0x0;
	s22 =	simm.s32 $0x8;
	[tilespmem:s24+$0x27F0] =	vst v7  }
0x11d: {  	s22 =	sadd.s32 $0x10, s20;
	s23 =	simm.s32 $0x0;
	p1 =	por $0x1, $0x1  }
.LBB2_11:
0x11e: {  	s24 =	sor.u32 s22, s23  }
0x11f: {  	s24 =	sshll.u32 s24, $0x7  }
0x120: {  	s24 =	sand.u32 $0x3FFFFF80, s24  }
0x121: {  	v5 =	vld [tilespmem:s24+$0x2780]  }
0x122: {  	v6 =	vld [tilespmem:s24+$0x2790]  }
0x123: {  	v7 =	vmov s23;
	v8 =	vld [tilespmem:s24+$0x27A0]  }
0x124: {  	v7 =	vperm.xlane v4, v7;
	v9 =	vld [tilespmem:s24+$0x27B0]  }
0x125: {  	s25 =	sor.u32 $0x1, s23;
	v10 =	vld [tilespmem:s24+$0x27C0]  }
0x126: {  	s26 =	sor.u32 s22, s25;
	v11 =	vld [tilespmem:s24+$0x27D0];
	v5 =	vmul.f32 v5, v7  }
0x127: {  	s26 =	sshll.u32 s26, $0x7;
	v12 =	vld [tilespmem:s24+$0x27E0];
	v6 =	vmul.f32 v6, v7  }
0x128: {  	v54 =	vld [tilespmem:s24+$0x27F0];
	s26 =	sand.u32 $0x3FFFFF80, s26;
	[tilespmem:s24+$0x2780] =	vst v5;
	v5 =	vmul.f32 v8, v7  }
0x129: {  	v55 =	vld [tilespmem:s26+$0x2780];
	[tilespmem:s24+$0x2790] =	vst v6;
	v6 =	vmul.f32 v9, v7  }
0x12a: {  	v56 =	vld [tilespmem:s26+$0x2790];
	[tilespmem:s24+$0x27A0] =	vst v5;
	v5 =	vmul.f32 v10, v7  }
0x12b: {  	v57 =	vmov s25;
	v13 =	vld [tilespmem:s26+$0x27A0];
	[tilespmem:s24+$0x27B0] =	vst v6;
	v6 =	vmul.f32 v11, v7  }
0x12c: {  	v58 =	vld [tilespmem:s26+$0x27B0];
	v11 =	vperm.xlane v4, v57;
	[tilespmem:s24+$0x27C0] =	vst v5;
	v5 =	vmul.f32 v12, v7  }
0x12d: {  	s25 =	sor.u32 $0x2, s23;
	[tilespmem:s24+$0x27D0] =	vst v6;
	v6 =	vmul.f32 v54, v7;
	v7 =	vld [tilespmem:s26+$0x27C0]  }
0x12e: {  	s10 =	sor.u32 s22, s25;
	v59 =	vld [tilespmem:s26+$0x27D0];
	[tilespmem:s24+$0x27E0] =	vst v5;
	v5 =	vmul.f32 v55, v11  }
0x12f: {  	s10 =	sshll.u32 s10, $0x7;
	v60 =	vld [tilespmem:s26+$0x27E0];
	[tilespmem:s24+$0x27F0] =	vst v6;
	v6 =	vmul.f32 v56, v11  }
0x130: {  	v61 =	vld [tilespmem:s26+$0x27F0];
	s10 =	sand.u32 $0x3FFFFF80, s10;
	[tilespmem:s26+$0x2780] =	vst v5;
	v5 =	vmul.f32 v13, v11  }
0x131: {  	v62 =	vld [tilespmem:s10+$0x2780];
	[tilespmem:s26+$0x2790] =	vst v6;
	v6 =	vmul.f32 v58, v11  }
0x132: {  	[tilespmem:s26+$0x27A0] =	vst v5;
	v5 =	vmul.f32 v7, v11;
	v7 =	vld [tilespmem:s10+$0x2790]  }
0x133: {  	v63 =	vmov s25;
	v16 =	vld [tilespmem:s10+$0x27A0];
	[tilespmem:s26+$0x27B0] =	vst v6;
	v6 =	vmul.f32 v59, v11  }
0x134: {  	v17 =	vld [tilespmem:s10+$0x27B0];
	v8 =	vperm.xlane v4, v63;
	[tilespmem:s26+$0x27C0] =	vst v5;
	v5 =	vmul.f32 v60, v11  }
0x135: {  	v18 =	vld [tilespmem:s10+$0x27C0];
	s24 =	sor.u32 $0x3, s23;
	[tilespmem:s26+$0x27D0] =	vst v6;
	v6 =	vmul.f32 v61, v11  }
0x136: {  	v19 =	vld [tilespmem:s10+$0x27D0];
	s25 =	sor.u32 s22, s24;
	[tilespmem:s26+$0x27E0] =	vst v5;
	v5 =	vmul.f32 v62, v8  }
0x137: {  	s25 =	sshll.u32 s25, $0x7;
	[tilespmem:s26+$0x27F0] =	vst v6;
	v6 =	vmul.f32 v7, v8;
	v7 =	vld [tilespmem:s10+$0x27E0]  }
0x138: {  	v20 =	vld [tilespmem:s10+$0x27F0];
	s25 =	sand.u32 $0x3FFFFF80, s25;
	[tilespmem:s10+$0x2780] =	vst v5;
	v5 =	vmul.f32 v16, v8  }
0x139: {  	v21 =	vld [tilespmem:s25+$0x2780];
	[tilespmem:s10+$0x2790] =	vst v6;
	v6 =	vmul.f32 v17, v8  }
0x13a: {  	v22 =	vld [tilespmem:s25+$0x2790];
	[tilespmem:s10+$0x27A0] =	vst v5;
	v5 =	vmul.f32 v18, v8  }
0x13b: {  	v23 =	vmov s24;
	v24 =	vld [tilespmem:s25+$0x27A0];
	[tilespmem:s10+$0x27B0] =	vst v6;
	v6 =	vmul.f32 v19, v8  }
0x13c: {  	v25 =	vld [tilespmem:s25+$0x27B0];
	[tilespmem:s10+$0x27C0] =	vst v5;
	v5 =	vmul.f32 v7, v8;
	v7 =	vperm.xlane v4, v23  }
0x13d: {  	s24 =	sor.u32 $0x4, s23;
	v26 =	vld [tilespmem:s25+$0x27C0];
	[tilespmem:s10+$0x27D0] =	vst v6;
	v6 =	vmul.f32 v20, v8  }
0x13e: {  	v27 =	vld [tilespmem:s25+$0x27D0];
	s26 =	sor.u32 s22, s24;
	[tilespmem:s10+$0x27E0] =	vst v5;
	v5 =	vmul.f32 v21, v7  }
0x13f: {  	v28 =	vld [tilespmem:s25+$0x27E0];
	s26 =	sshll.u32 s26, $0x7;
	[tilespmem:s10+$0x27F0] =	vst v6;
	v6 =	vmul.f32 v22, v7  }
0x140: {  	v29 =	vld [tilespmem:s25+$0x27F0];
	s10 =	sand.u32 $0x3FFFFF80, s26;
	[tilespmem:s25+$0x2780] =	vst v5;
	v5 =	vmul.f32 v24, v7  }
0x141: {  	v30 =	vld [tilespmem:s10+$0x2780];
	[tilespmem:s25+$0x2790] =	vst v6;
	v6 =	vmul.f32 v25, v7  }
0x142: {  	v31 =	vld [tilespmem:s10+$0x2790];
	[tilespmem:s25+$0x27A0] =	vst v5;
	v5 =	vmul.f32 v26, v7  }
0x143: {  	v32 =	vmov s24;
	v33 =	vld [tilespmem:s10+$0x27A0];
	[tilespmem:s25+$0x27B0] =	vst v6;
	v6 =	vmul.f32 v27, v7  }
0x144: {  	v9 =	vperm.xlane v4, v32;
	v34 =	vld [tilespmem:s10+$0x27B0];
	[tilespmem:s25+$0x27C0] =	vst v5;
	v5 =	vmul.f32 v28, v7  }
0x145: {  	s24 =	sor.u32 $0x5, s23;
	[tilespmem:s25+$0x27D0] =	vst v6;
	v6 =	vmul.f32 v29, v7;
	v7 =	vld [tilespmem:s10+$0x27C0]  }
0x146: {  	s26 =	sor.u32 s22, s24;
	v35 =	vld [tilespmem:s10+$0x27D0];
	[tilespmem:s25+$0x27E0] =	vst v5;
	v5 =	vmul.f32 v30, v9  }
0x147: {  	v36 =	vld [tilespmem:s10+$0x27E0];
	s26 =	sshll.u32 s26, $0x7;
	[tilespmem:s25+$0x27F0] =	vst v6;
	v6 =	vmul.f32 v31, v9  }
0x148: {  	v37 =	vld [tilespmem:s10+$0x27F0];
	s25 =	sand.u32 $0x3FFFFF80, s26;
	[tilespmem:s10+$0x2780] =	vst v5;
	v5 =	vmul.f32 v33, v9  }
0x149: {  	v38 =	vld [tilespmem:s25+$0x2780];
	[tilespmem:s10+$0x2790] =	vst v6;
	v6 =	vmul.f32 v34, v9  }
0x14a: {  	[tilespmem:s10+$0x27A0] =	vst v5;
	v5 =	vmul.f32 v7, v9;
	v7 =	vld [tilespmem:s25+$0x2790]  }
0x14b: {  	v39 =	vmov s24;
	v40 =	vld [tilespmem:s25+$0x27A0];
	[tilespmem:s10+$0x27B0] =	vst v6;
	v6 =	vmul.f32 v35, v9  }
0x14c: {  	v41 =	vperm.xlane v4, v39;
	v42 =	vld [tilespmem:s25+$0x27B0];
	[tilespmem:s10+$0x27C0] =	vst v5;
	v5 =	vmul.f32 v36, v9  }
0x14d: {  	s24 =	sor.u32 $0x6, s23;
	v43 =	vld [tilespmem:s25+$0x27C0];
	[tilespmem:s10+$0x27D0] =	vst v6;
	v6 =	vmul.f32 v37, v9  }
0x14e: {  	s26 =	sor.u32 s22, s24;
	v44 =	vld [tilespmem:s25+$0x27D0];
	[tilespmem:s10+$0x27E0] =	vst v5;
	v5 =	vmul.f32 v38, v41  }
0x14f: {  	s26 =	sshll.u32 s26, $0x7;
	[tilespmem:s10+$0x27F0] =	vst v6;
	v6 =	vmul.f32 v7, v41;
	v7 =	vld [tilespmem:s25+$0x27E0]  }
0x150: {  	v45 =	vld [tilespmem:s25+$0x27F0];
	s10 =	sand.u32 $0x3FFFFF80, s26;
	[tilespmem:s25+$0x2780] =	vst v5;
	v5 =	vmul.f32 v40, v41  }
0x151: {  	v46 =	vld [tilespmem:s10+$0x2780];
	[tilespmem:s25+$0x2790] =	vst v6;
	v6 =	vmul.f32 v42, v41  }
0x152: {  	v47 =	vld [tilespmem:s10+$0x2790];
	[tilespmem:s25+$0x27A0] =	vst v5;
	v5 =	vmul.f32 v43, v41  }
0x153: {  	v48 =	vmov s24;
	v49 =	vld [tilespmem:s10+$0x27A0];
	[tilespmem:s25+$0x27B0] =	vst v6;
	v6 =	vmul.f32 v44, v41  }
0x154: {  	v50 =	vld [tilespmem:s10+$0x27B0];
	[tilespmem:s25+$0x27C0] =	vst v5;
	v5 =	vmul.f32 v7, v41;
	v7 =	vperm.xlane v4, v48  }
0x155: {  	s23 =	sor.u32 $0x7, s23;
	v51 =	vld [tilespmem:s10+$0x27C0];
	[tilespmem:s25+$0x27D0] =	vst v6;
	v6 =	vmul.f32 v45, v41  }
0x156: {  	s26 =	sor.u32 s22, s23;
	v52 =	vld [tilespmem:s10+$0x27D0];
	[tilespmem:s25+$0x27E0] =	vst v5;
	v5 =	vmul.f32 v46, v7  }
0x157: {  	v53 =	vld [tilespmem:s10+$0x27E0];
	s24 =	sshll.u32 s26, $0x7;
	[tilespmem:s25+$0x27F0] =	vst v6;
	v6 =	vmul.f32 v47, v7  }
0x158: {  	v54 =	vld [tilespmem:s10+$0x27F0];
	s24 =	sand.u32 $0x3FFFFF80, s24;
	[tilespmem:s10+$0x2780] =	vst v5;
	v5 =	vmul.f32 v49, v7  }
0x159: {  	v55 =	vld [tilespmem:s24+$0x2780];
	[tilespmem:s10+$0x2790] =	vst v6;
	v6 =	vmul.f32 v50, v7  }
0x15a: {  	v56 =	vld [tilespmem:s24+$0x2790];
	[tilespmem:s10+$0x27A0] =	vst v5;
	v5 =	vmul.f32 v51, v7  }
0x15b: {  	v57 =	vmov s23;
	v58 =	vld [tilespmem:s24+$0x27A0];
	[tilespmem:s10+$0x27B0] =	vst v6;
	v6 =	vmul.f32 v52, v7  }
0x15c: {  	v59 =	vperm.xlane v4, v57;
	v60 =	vld [tilespmem:s24+$0x27B0];
	[tilespmem:s10+$0x27C0] =	vst v5;
	v5 =	vmul.f32 v53, v7  }
0x15d: {  	[tilespmem:s10+$0x27D0] =	vst v6;
	v6 =	vmul.f32 v54, v7;
	v7 =	vld [tilespmem:s24+$0x27C0]  }
0x15e: {  	v61 =	vld [tilespmem:s24+$0x27D0];
	[tilespmem:s10+$0x27E0] =	vst v5;
	v5 =	vmul.f32 v55, v59  }
0x15f: {  	v62 =	vld [tilespmem:s24+$0x27E0];
	[tilespmem:s10+$0x27F0] =	vst v6;
	v6 =	vmul.f32 v56, v59  }
0x160: {  	v63 =	vld [tilespmem:s24+$0x27F0];
	[tilespmem:s24+$0x2780] =	vst v5;
	v5 =	vmul.f32 v58, v59  }
0x161: {  	[tilespmem:s24+$0x2790] =	vst v6;
	v6 =	vmul.f32 v60, v59  }
0x162: {  	p2 =	por p1, p1;
	[tilespmem:s24+$0x27A0] =	vst v5;
	v5 =	vmul.f32 v7, v59  }
.Ltmp4:
0x163: {  	[tilespmem:s24+$0x27B0] =	vst v6;
	v6 =	vmul.f32 v61, v59;
	(pc) =	sbr.rel @p2 .LBB2_11-.Ltmp4, $4  }
0x164: {  	[tilespmem:s24+$0x27C0] =	vst v5;
	v5 =	vmul.f32 v62, v59  }
0x165: {  	[tilespmem:s24+$0x27D0] =	vst v6;
	v6 =	vmul.f32 v63, v59  }
0x166: {  	[tilespmem:s24+$0x27E0] =	vst v5  }
0x167: {  	p1 =	por $0x0, $0x0;
	s23 =	simm.s32 $0x8;
	[tilespmem:s24+$0x27F0] =	vst v6  }
0x168: {  	s10 =	smul.u32 $0xA000, s21;
	_ =	sdelay $0x1  }
0x169: {  	s21 =	sshrl.u32 s10, $0x2  }
0x16a: {  	s22 =	sadd.s32 $0x7D80, s17;
	s10 =	sadd.s32 $0x2780, s21  }
0x16b: {  	[spmem:s2] =	stream.indirect.scatter.add.f32 [tilespmem:s10], [sflag:$0x4], $0x80, s22, s13, $0xb8;
	[tilespmem:$0x1BA00] =	vst v63  }
0x16c: {  	s23 =	simm.s32 $0x0;
	p1 =	por $0x1, $0x1;
	s22 =	sadd.s32 $0x20, s20  }
.LBB2_13:
0x16d: {  	s10 =	sor.u32 s22, s23  }
0x16e: {  	s10 =	sshll.u32 s10, $0x7  }
0x16f: {  	s10 =	sand.u32 $0x3FFFFF80, s10  }
0x170: {  	v4 =	vld [tilespmem:s10+$0x2780]  }
0x171: {  	v5 =	vld [tilespmem:s10+$0x2790]  }
0x172: {  	v6 =	vmov s23;
	v7 =	vld [tilespmem:s10+$0x27A0]  }
0x173: {  	v6 =	vperm.xlane v3, v6;
	v8 =	vld [tilespmem:s10+$0x27B0]  }
0x174: {  	s24 =	sor.u32 $0x1, s23;
	v9 =	vld [tilespmem:s10+$0x27C0]  }
0x175: {  	s25 =	sor.u32 s22, s24;
	v10 =	vld [tilespmem:s10+$0x27D0];
	v4 =	vmul.f32 v4, v6  }
0x176: {  	s25 =	sshll.u32 s25, $0x7;
	v11 =	vld [tilespmem:s10+$0x27E0];
	v5 =	vmul.f32 v5, v6  }
0x177: {  	v45 =	vld [tilespmem:s10+$0x27F0];
	s25 =	sand.u32 $0x3FFFFF80, s25;
	[tilespmem:s10+$0x2780] =	vst v4;
	v4 =	vmul.f32 v7, v6  }
0x178: {  	v46 =	vld [tilespmem:s25+$0x2780];
	[tilespmem:s10+$0x2790] =	vst v5;
	v5 =	vmul.f32 v8, v6  }
0x179: {  	v47 =	vld [tilespmem:s25+$0x2790];
	[tilespmem:s10+$0x27A0] =	vst v4;
	v4 =	vmul.f32 v9, v6  }
0x17a: {  	v48 =	vmov s24;
	v12 =	vld [tilespmem:s25+$0x27A0];
	[tilespmem:s10+$0x27B0] =	vst v5;
	v5 =	vmul.f32 v10, v6  }
0x17b: {  	v49 =	vld [tilespmem:s25+$0x27B0];
	v10 =	vperm.xlane v3, v48;
	[tilespmem:s10+$0x27C0] =	vst v4;
	v4 =	vmul.f32 v11, v6  }
0x17c: {  	s24 =	sor.u32 $0x2, s23;
	v50 =	vld [tilespmem:s25+$0x27C0];
	[tilespmem:s10+$0x27D0] =	vst v5;
	v5 =	vmul.f32 v45, v6  }
0x17d: {  	s26 =	sor.u32 s22, s24;
	v51 =	vld [tilespmem:s25+$0x27D0];
	[tilespmem:s10+$0x27E0] =	vst v4;
	v4 =	vmul.f32 v46, v10  }
0x17e: {  	s26 =	sshll.u32 s26, $0x7;
	v52 =	vld [tilespmem:s25+$0x27E0];
	[tilespmem:s10+$0x27F0] =	vst v5;
	v5 =	vmul.f32 v47, v10  }
0x17f: {  	v53 =	vld [tilespmem:s25+$0x27F0];
	s10 =	sand.u32 $0x3FFFFF80, s26;
	[tilespmem:s25+$0x2780] =	vst v4;
	v4 =	vmul.f32 v12, v10  }
0x180: {  	v54 =	vld [tilespmem:s10+$0x2780];
	[tilespmem:s25+$0x2790] =	vst v5;
	v5 =	vmul.f32 v49, v10  }
0x181: {  	v55 =	vld [tilespmem:s10+$0x2790];
	[tilespmem:s25+$0x27A0] =	vst v4;
	v4 =	vmul.f32 v50, v10  }
0x182: {  	v56 =	vmov s24;
	v57 =	vld [tilespmem:s10+$0x27A0];
	[tilespmem:s25+$0x27B0] =	vst v5;
	v5 =	vmul.f32 v51, v10  }
0x183: {  	v7 =	vperm.xlane v3, v56;
	v58 =	vld [tilespmem:s10+$0x27B0];
	[tilespmem:s25+$0x27C0] =	vst v4;
	v4 =	vmul.f32 v52, v10  }
0x184: {  	s24 =	sor.u32 $0x3, s23;
	v59 =	vld [tilespmem:s10+$0x27C0];
	[tilespmem:s25+$0x27D0] =	vst v5;
	v5 =	vmul.f32 v53, v10  }
0x185: {  	s26 =	sor.u32 s22, s24;
	v60 =	vld [tilespmem:s10+$0x27D0];
	[tilespmem:s25+$0x27E0] =	vst v4;
	v4 =	vmul.f32 v54, v7  }
0x186: {  	v61 =	vld [tilespmem:s10+$0x27E0];
	s26 =	sshll.u32 s26, $0x7;
	[tilespmem:s25+$0x27F0] =	vst v5;
	v5 =	vmul.f32 v55, v7  }
0x187: {  	v62 =	vld [tilespmem:s10+$0x27F0];
	s25 =	sand.u32 $0x3FFFFF80, s26;
	[tilespmem:s10+$0x2780] =	vst v4;
	v4 =	vmul.f32 v57, v7  }
0x188: {  	v63 =	vld [tilespmem:s25+$0x2780];
	[tilespmem:s10+$0x2790] =	vst v5;
	v5 =	vmul.f32 v58, v7  }
0x189: {  	v16 =	vld [tilespmem:s25+$0x2790];
	[tilespmem:s10+$0x27A0] =	vst v4;
	v4 =	vmul.f32 v59, v7  }
0x18a: {  	v17 =	vmov s24;
	v18 =	vld [tilespmem:s25+$0x27A0];
	[tilespmem:s10+$0x27B0] =	vst v5;
	v5 =	vmul.f32 v60, v7  }
0x18b: {  	v19 =	vperm.xlane v3, v17;
	v20 =	vld [tilespmem:s25+$0x27B0];
	[tilespmem:s10+$0x27C0] =	vst v4;
	v4 =	vmul.f32 v61, v7  }
0x18c: {  	s24 =	sor.u32 $0x4, s23;
	v21 =	vld [tilespmem:s25+$0x27C0];
	[tilespmem:s10+$0x27D0] =	vst v5;
	v5 =	vmul.f32 v62, v7  }
0x18d: {  	s26 =	sor.u32 s22, s24;
	v22 =	vld [tilespmem:s25+$0x27D0];
	[tilespmem:s10+$0x27E0] =	vst v4;
	v4 =	vmul.f32 v63, v19  }
0x18e: {  	v23 =	vld [tilespmem:s25+$0x27E0];
	s26 =	sshll.u32 s26, $0x7;
	[tilespmem:s10+$0x27F0] =	vst v5;
	v5 =	vmul.f32 v16, v19  }
0x18f: {  	v24 =	vld [tilespmem:s25+$0x27F0];
	s10 =	sand.u32 $0x3FFFFF80, s26;
	[tilespmem:s25+$0x2780] =	vst v4;
	v4 =	vmul.f32 v18, v19  }
0x190: {  	v25 =	vld [tilespmem:s10+$0x2780];
	[tilespmem:s25+$0x2790] =	vst v5;
	v5 =	vmul.f32 v20, v19  }
0x191: {  	v26 =	vld [tilespmem:s10+$0x2790];
	[tilespmem:s25+$0x27A0] =	vst v4;
	v4 =	vmul.f32 v21, v19  }
0x192: {  	v27 =	vmov s24;
	v28 =	vld [tilespmem:s10+$0x27A0];
	[tilespmem:s25+$0x27B0] =	vst v5;
	v5 =	vmul.f32 v22, v19  }
0x193: {  	v8 =	vperm.xlane v3, v27;
	v29 =	vld [tilespmem:s10+$0x27B0];
	[tilespmem:s25+$0x27C0] =	vst v4;
	v4 =	vmul.f32 v23, v19  }
0x194: {  	s24 =	sor.u32 $0x5, s23;
	v30 =	vld [tilespmem:s10+$0x27C0];
	[tilespmem:s25+$0x27D0] =	vst v5;
	v5 =	vmul.f32 v24, v19  }
0x195: {  	s26 =	sor.u32 s22, s24;
	v31 =	vld [tilespmem:s10+$0x27D0];
	[tilespmem:s25+$0x27E0] =	vst v4;
	v4 =	vmul.f32 v25, v8  }
0x196: {  	v32 =	vld [tilespmem:s10+$0x27E0];
	s26 =	sshll.u32 s26, $0x7;
	[tilespmem:s25+$0x27F0] =	vst v5;
	v5 =	vmul.f32 v26, v8  }
0x197: {  	v33 =	vld [tilespmem:s10+$0x27F0];
	s25 =	sand.u32 $0x3FFFFF80, s26;
	[tilespmem:s10+$0x2780] =	vst v4;
	v4 =	vmul.f32 v28, v8  }
0x198: {  	v34 =	vld [tilespmem:s25+$0x2780];
	[tilespmem:s10+$0x2790] =	vst v5;
	v5 =	vmul.f32 v29, v8  }
0x199: {  	v35 =	vld [tilespmem:s25+$0x2790];
	[tilespmem:s10+$0x27A0] =	vst v4;
	v4 =	vmul.f32 v30, v8  }
0x19a: {  	v36 =	vmov s24;
	v37 =	vld [tilespmem:s25+$0x27A0];
	[tilespmem:s10+$0x27B0] =	vst v5;
	v5 =	vmul.f32 v31, v8  }
0x19b: {  	v38 =	vperm.xlane v3, v36;
	v39 =	vld [tilespmem:s25+$0x27B0];
	[tilespmem:s10+$0x27C0] =	vst v4;
	v4 =	vmul.f32 v32, v8  }
0x19c: {  	s24 =	sor.u32 $0x6, s23;
	v40 =	vld [tilespmem:s25+$0x27C0];
	[tilespmem:s10+$0x27D0] =	vst v5;
	v5 =	vmul.f32 v33, v8  }
0x19d: {  	s26 =	sor.u32 s22, s24;
	v41 =	vld [tilespmem:s25+$0x27D0];
	[tilespmem:s10+$0x27E0] =	vst v4;
	v4 =	vmul.f32 v34, v38  }
0x19e: {  	v42 =	vld [tilespmem:s25+$0x27E0];
	s26 =	sshll.u32 s26, $0x7;
	[tilespmem:s10+$0x27F0] =	vst v5;
	v5 =	vmul.f32 v35, v38  }
0x19f: {  	v43 =	vld [tilespmem:s25+$0x27F0];
	s10 =	sand.u32 $0x3FFFFF80, s26;
	[tilespmem:s25+$0x2780] =	vst v4;
	v4 =	vmul.f32 v37, v38  }
0x1a0: {  	v44 =	vld [tilespmem:s10+$0x2780];
	[tilespmem:s25+$0x2790] =	vst v5;
	v5 =	vmul.f32 v39, v38  }
0x1a1: {  	v45 =	vld [tilespmem:s10+$0x2790];
	[tilespmem:s25+$0x27A0] =	vst v4;
	v4 =	vmul.f32 v40, v38  }
0x1a2: {  	v46 =	vmov s24;
	v47 =	vld [tilespmem:s10+$0x27A0];
	[tilespmem:s25+$0x27B0] =	vst v5;
	v5 =	vmul.f32 v41, v38  }
0x1a3: {  	v48 =	vperm.xlane v3, v46;
	v49 =	vld [tilespmem:s10+$0x27B0];
	[tilespmem:s25+$0x27C0] =	vst v4;
	v4 =	vmul.f32 v42, v38  }
0x1a4: {  	s23 =	sor.u32 $0x7, s23;
	v50 =	vld [tilespmem:s10+$0x27C0];
	[tilespmem:s25+$0x27D0] =	vst v5;
	v5 =	vmul.f32 v43, v38  }
0x1a5: {  	s26 =	sor.u32 s22, s23;
	v51 =	vld [tilespmem:s10+$0x27D0];
	[tilespmem:s25+$0x27E0] =	vst v4;
	v4 =	vmul.f32 v44, v48  }
0x1a6: {  	v52 =	vld [tilespmem:s10+$0x27E0];
	s24 =	sshll.u32 s26, $0x7;
	[tilespmem:s25+$0x27F0] =	vst v5;
	v5 =	vmul.f32 v45, v48  }
0x1a7: {  	v53 =	vld [tilespmem:s10+$0x27F0];
	s24 =	sand.u32 $0x3FFFFF80, s24;
	[tilespmem:s10+$0x2780] =	vst v4;
	v4 =	vmul.f32 v47, v48  }
0x1a8: {  	v54 =	vld [tilespmem:s24+$0x2780];
	[tilespmem:s10+$0x2790] =	vst v5;
	v5 =	vmul.f32 v49, v48  }
0x1a9: {  	v55 =	vld [tilespmem:s24+$0x2790];
	[tilespmem:s10+$0x27A0] =	vst v4;
	v4 =	vmul.f32 v50, v48  }
0x1aa: {  	v56 =	vmov s23;
	v57 =	vld [tilespmem:s24+$0x27A0];
	[tilespmem:s10+$0x27B0] =	vst v5;
	v5 =	vmul.f32 v51, v48  }
0x1ab: {  	v58 =	vperm.xlane v3, v56;
	v59 =	vld [tilespmem:s24+$0x27B0];
	[tilespmem:s10+$0x27C0] =	vst v4;
	v4 =	vmul.f32 v52, v48  }
0x1ac: {  	v60 =	vld [tilespmem:s24+$0x27C0];
	[tilespmem:s10+$0x27D0] =	vst v5;
	v5 =	vmul.f32 v53, v48  }
0x1ad: {  	v61 =	vld [tilespmem:s24+$0x27D0];
	[tilespmem:s10+$0x27E0] =	vst v4;
	v4 =	vmul.f32 v54, v58  }
0x1ae: {  	v62 =	vld [tilespmem:s24+$0x27E0];
	[tilespmem:s10+$0x27F0] =	vst v5;
	v5 =	vmul.f32 v55, v58  }
0x1af: {  	v63 =	vld [tilespmem:s24+$0x27F0];
	[tilespmem:s24+$0x2780] =	vst v4;
	v4 =	vmul.f32 v57, v58  }
0x1b0: {  	[tilespmem:s24+$0x2790] =	vst v5;
	v5 =	vmul.f32 v59, v58  }
0x1b1: {  	p2 =	por p1, p1;
	[tilespmem:s24+$0x27A0] =	vst v4;
	v4 =	vmul.f32 v60, v58  }
.Ltmp5:
0x1b2: {  	[tilespmem:s24+$0x27B0] =	vst v5;
	v5 =	vmul.f32 v61, v58;
	(pc) =	sbr.rel @p2 .LBB2_13-.Ltmp5, $4  }
0x1b3: {  	[tilespmem:s24+$0x27C0] =	vst v4;
	v4 =	vmul.f32 v62, v58  }
0x1b4: {  	[tilespmem:s24+$0x27D0] =	vst v5;
	v5 =	vmul.f32 v63, v58  }
0x1b5: {  	[tilespmem:s24+$0x27E0] =	vst v4  }
0x1b6: {  	p1 =	por $0x0, $0x0;
	s23 =	simm.s32 $0x8;
	[tilespmem:s24+$0x27F0] =	vst v5  }
0x1b7: {  	s22 =	sadd.s32 $0x30, s20;
	s23 =	simm.s32 $0x0;
	p1 =	por $0x1, $0x1  }
.LBB2_15:
0x1b8: {  	s10 =	sor.u32 s22, s23  }
0x1b9: {  	s10 =	sshll.u32 s10, $0x7  }
0x1ba: {  	s10 =	sand.u32 $0x3FFFFF80, s10  }
0x1bb: {  	v3 =	vld [tilespmem:s10+$0x2780]  }
0x1bc: {  	v4 =	vld [tilespmem:s10+$0x2790]  }
0x1bd: {  	v5 =	vmov s23;
	v7 =	vld [tilespmem:s10+$0x27B0]  }
0x1be: {  	v5 =	vperm.xlane v2, v5;
	v6 =	vld [tilespmem:s10+$0x27A0]  }
0x1bf: {  	s24 =	sor.u32 $0x1, s23;
	v9 =	vld [tilespmem:s10+$0x27D0]  }
0x1c0: {  	s25 =	sor.u32 s22, s24;
	v8 =	vld [tilespmem:s10+$0x27C0];
	v3 =	vmul.f32 v3, v5  }
0x1c1: {  	s25 =	sshll.u32 s25, $0x7;
	v18 =	vld [tilespmem:s10+$0x27F0];
	v4 =	vmul.f32 v4, v5  }
0x1c2: {  	v10 =	vld [tilespmem:s10+$0x27E0];
	s25 =	sand.u32 $0x3FFFFF80, s25;
	v19 =	vmul.f32 v7, v5;
	[tilespmem:s10+$0x2780] =	vst v3  }
0x1c3: {  	v21 =	vld [tilespmem:s25+$0x2790];
	v3 =	vmul.f32 v6, v5;
	[tilespmem:s10+$0x2790] =	vst v4  }
0x1c4: {  	v20 =	vld [tilespmem:s25+$0x2780];
	v22 =	vmul.f32 v9, v5;
	[tilespmem:s10+$0x27B0] =	vst v19  }
0x1c5: {  	v23 =	vmov s24;
	v24 =	vld [tilespmem:s25+$0x27B0];
	[tilespmem:s10+$0x27A0] =	vst v3;
	v3 =	vmul.f32 v8, v5  }
0x1c6: {  	v11 =	vld [tilespmem:s25+$0x27A0];
	v9 =	vperm.xlane v2, v23;
	v25 =	vmul.f32 v18, v5;
	[tilespmem:s10+$0x27D0] =	vst v22  }
0x1c7: {  	s24 =	sor.u32 $0x2, s23;
	v27 =	vld [tilespmem:s25+$0x27D0];
	[tilespmem:s10+$0x27C0] =	vst v3;
	v3 =	vmul.f32 v10, v5  }
0x1c8: {  	s26 =	sor.u32 s22, s24;
	v26 =	vld [tilespmem:s25+$0x27C0];
	[tilespmem:s10+$0x27F0] =	vst v25;
	v28 =	vmul.f32 v21, v9  }
0x1c9: {  	s26 =	sshll.u32 s26, $0x7;
	v30 =	vld [tilespmem:s25+$0x27F0];
	[tilespmem:s10+$0x27E0] =	vst v3;
	v3 =	vmul.f32 v20, v9  }
0x1ca: {  	v29 =	vld [tilespmem:s25+$0x27E0];
	v31 =	vmul.f32 v24, v9;
	[tilespmem:s25+$0x2790] =	vst v28;
	s10 =	sand.u32 $0x3FFFFF80, s26  }
0x1cb: {  	v33 =	vld [tilespmem:s10+$0x2790];
	[tilespmem:s25+$0x2780] =	vst v3;
	v3 =	vmul.f32 v11, v9  }
0x1cc: {  	v34 =	vmul.f32 v27, v9;
	[tilespmem:s25+$0x27B0] =	vst v31;
	v32 =	vld [tilespmem:s10+$0x2780]  }
0x1cd: {  	v35 =	vmov s24;
	v37 =	vld [tilespmem:s10+$0x27B0];
	[tilespmem:s25+$0x27A0] =	vst v3;
	v3 =	vmul.f32 v26, v9  }
0x1ce: {  	v6 =	vperm.xlane v2, v35;
	v38 =	vmul.f32 v30, v9;
	[tilespmem:s25+$0x27D0] =	vst v34;
	v36 =	vld [tilespmem:s10+$0x27A0]  }
0x1cf: {  	s24 =	sor.u32 $0x3, s23;
	v40 =	vld [tilespmem:s10+$0x27D0];
	[tilespmem:s25+$0x27C0] =	vst v3;
	v3 =	vmul.f32 v29, v9  }
0x1d0: {  	[tilespmem:s25+$0x27F0] =	vst v38;
	s26 =	sor.u32 s22, s24;
	v39 =	vld [tilespmem:s10+$0x27C0];
	v41 =	vmul.f32 v33, v6  }
0x1d1: {  	s26 =	sshll.u32 s26, $0x7;
	v43 =	vld [tilespmem:s10+$0x27F0];
	[tilespmem:s25+$0x27E0] =	vst v3;
	v3 =	vmul.f32 v32, v6  }
0x1d2: {  	v42 =	vld [tilespmem:s10+$0x27E0];
	v44 =	vmul.f32 v37, v6;
	s25 =	sand.u32 $0x3FFFFF80, s26;
	[tilespmem:s10+$0x2790] =	vst v41  }
0x1d3: {  	v46 =	vld [tilespmem:s25+$0x2790];
	[tilespmem:s10+$0x2780] =	vst v3;
	v3 =	vmul.f32 v36, v6  }
0x1d4: {  	v47 =	vmul.f32 v40, v6;
	[tilespmem:s10+$0x27B0] =	vst v44;
	v45 =	vld [tilespmem:s25+$0x2780]  }
0x1d5: {  	v48 =	vmov s24;
	v51 =	vld [tilespmem:s25+$0x27B0];
	[tilespmem:s10+$0x27A0] =	vst v3;
	v3 =	vmul.f32 v39, v6  }
0x1d6: {  	v50 =	vperm.xlane v2, v48;
	v52 =	vmul.f32 v43, v6;
	[tilespmem:s10+$0x27D0] =	vst v47;
	v49 =	vld [tilespmem:s25+$0x27A0]  }
0x1d7: {  	s24 =	sor.u32 $0x4, s23;
	v54 =	vld [tilespmem:s25+$0x27D0];
	[tilespmem:s10+$0x27C0] =	vst v3;
	v3 =	vmul.f32 v42, v6  }
0x1d8: {  	s26 =	sor.u32 s22, s24;
	[tilespmem:s10+$0x27F0] =	vst v52;
	v53 =	vld [tilespmem:s25+$0x27C0];
	v55 =	vmul.f32 v46, v50  }
0x1d9: {  	s26 =	sshll.u32 s26, $0x7;
	v57 =	vld [tilespmem:s25+$0x27F0];
	[tilespmem:s10+$0x27E0] =	vst v3;
	v3 =	vmul.f32 v45, v50  }
0x1da: {  	v56 =	vld [tilespmem:s25+$0x27E0];
	v58 =	vmul.f32 v51, v50;
	s10 =	sand.u32 $0x3FFFFF80, s26;
	[tilespmem:s25+$0x2790] =	vst v55  }
0x1db: {  	v60 =	vld [tilespmem:s10+$0x2790];
	[tilespmem:s25+$0x2780] =	vst v3;
	v3 =	vmul.f32 v49, v50  }
0x1dc: {  	v61 =	vmul.f32 v54, v50;
	[tilespmem:s25+$0x27B0] =	vst v58;
	v59 =	vld [tilespmem:s10+$0x2780]  }
0x1dd: {  	v62 =	vmov s24;
	v12 =	vld [tilespmem:s10+$0x27B0];
	[tilespmem:s25+$0x27A0] =	vst v3;
	v3 =	vmul.f32 v53, v50  }
0x1de: {  	v7 =	vperm.xlane v2, v62;
	v13 =	vmul.f32 v57, v50;
	[tilespmem:s25+$0x27D0] =	vst v61;
	v63 =	vld [tilespmem:s10+$0x27A0]  }
0x1df: {  	s24 =	sor.u32 $0x5, s23;
	v15 =	vld [tilespmem:s10+$0x27D0];
	[tilespmem:s25+$0x27C0] =	vst v3;
	v3 =	vmul.f32 v56, v50  }
0x1e0: {  	s26 =	sor.u32 s22, s24;
	[tilespmem:s25+$0x27F0] =	vst v13;
	v14 =	vld [tilespmem:s10+$0x27C0];
	v16 =	vmul.f32 v60, v7  }
0x1e1: {  	s26 =	sshll.u32 s26, $0x7;
	v18 =	vld [tilespmem:s10+$0x27F0];
	[tilespmem:s25+$0x27E0] =	vst v3;
	v3 =	vmul.f32 v59, v7  }
0x1e2: {  	v17 =	vld [tilespmem:s10+$0x27E0];
	v19 =	vmul.f32 v12, v7;
	s25 =	sand.u32 $0x3FFFFF80, s26;
	[tilespmem:s10+$0x2790] =	vst v16  }
0x1e3: {  	v21 =	vld [tilespmem:s25+$0x2790];
	[tilespmem:s10+$0x2780] =	vst v3;
	v3 =	vmul.f32 v63, v7  }
0x1e4: {  	v22 =	vmul.f32 v15, v7;
	[tilespmem:s10+$0x27B0] =	vst v19;
	v20 =	vld [tilespmem:s25+$0x2780]  }
0x1e5: {  	v23 =	vmov s24;
	v26 =	vld [tilespmem:s25+$0x27B0];
	[tilespmem:s10+$0x27A0] =	vst v3;
	v3 =	vmul.f32 v14, v7  }
0x1e6: {  	v25 =	vperm.xlane v2, v23;
	v27 =	vmul.f32 v18, v7;
	[tilespmem:s10+$0x27D0] =	vst v22;
	v24 =	vld [tilespmem:s25+$0x27A0]  }
0x1e7: {  	s24 =	sor.u32 $0x6, s23;
	v29 =	vld [tilespmem:s25+$0x27D0];
	[tilespmem:s10+$0x27C0] =	vst v3;
	v3 =	vmul.f32 v17, v7  }
0x1e8: {  	s26 =	sor.u32 s22, s24;
	[tilespmem:s10+$0x27F0] =	vst v27;
	v28 =	vld [tilespmem:s25+$0x27C0];
	v30 =	vmul.f32 v21, v25  }
0x1e9: {  	s26 =	sshll.u32 s26, $0x7;
	v32 =	vld [tilespmem:s25+$0x27F0];
	[tilespmem:s10+$0x27E0] =	vst v3;
	v3 =	vmul.f32 v20, v25  }
0x1ea: {  	v31 =	vld [tilespmem:s25+$0x27E0];
	v33 =	vmul.f32 v26, v25;
	s10 =	sand.u32 $0x3FFFFF80, s26;
	[tilespmem:s25+$0x2790] =	vst v30  }
0x1eb: {  	v35 =	vld [tilespmem:s10+$0x2790];
	[tilespmem:s25+$0x2780] =	vst v3;
	v3 =	vmul.f32 v24, v25  }
0x1ec: {  	v36 =	vmul.f32 v29, v25;
	[tilespmem:s25+$0x27B0] =	vst v33;
	v34 =	vld [tilespmem:s10+$0x2780]  }
0x1ed: {  	v37 =	vmov s24;
	v40 =	vld [tilespmem:s10+$0x27B0];
	[tilespmem:s25+$0x27A0] =	vst v3;
	v3 =	vmul.f32 v28, v25  }
0x1ee: {  	v39 =	vperm.xlane v2, v37;
	v41 =	vmul.f32 v32, v25;
	[tilespmem:s25+$0x27D0] =	vst v36;
	v38 =	vld [tilespmem:s10+$0x27A0]  }
0x1ef: {  	s23 =	sor.u32 $0x7, s23;
	v43 =	vld [tilespmem:s10+$0x27D0];
	[tilespmem:s25+$0x27C0] =	vst v3;
	v3 =	vmul.f32 v31, v25  }
0x1f0: {  	s26 =	sor.u32 s22, s23;
	[tilespmem:s25+$0x27F0] =	vst v41;
	v42 =	vld [tilespmem:s10+$0x27C0];
	v44 =	vmul.f32 v35, v39  }
0x1f1: {  	s24 =	sshll.u32 s26, $0x7;
	v46 =	vld [tilespmem:s10+$0x27F0];
	[tilespmem:s25+$0x27E0] =	vst v3;
	v3 =	vmul.f32 v34, v39  }
0x1f2: {  	v45 =	vld [tilespmem:s10+$0x27E0];
	s24 =	sand.u32 $0x3FFFFF80, s24;
	v47 =	vmul.f32 v40, v39;
	[tilespmem:s10+$0x2790] =	vst v44  }
0x1f3: {  	v49 =	vld [tilespmem:s24+$0x2790];
	[tilespmem:s10+$0x2780] =	vst v3;
	v3 =	vmul.f32 v38, v39  }
0x1f4: {  	v48 =	vld [tilespmem:s24+$0x2780];
	v50 =	vmul.f32 v43, v39;
	[tilespmem:s10+$0x27B0] =	vst v47  }
0x1f5: {  	v51 =	vmov s23;
	v54 =	vld [tilespmem:s24+$0x27B0];
	[tilespmem:s10+$0x27A0] =	vst v3;
	v3 =	vmul.f32 v42, v39  }
0x1f6: {  	v53 =	vperm.xlane v2, v51;
	v52 =	vld [tilespmem:s24+$0x27A0];
	v55 =	vmul.f32 v46, v39;
	[tilespmem:s10+$0x27D0] =	vst v50  }
0x1f7: {  	v57 =	vld [tilespmem:s24+$0x27D0];
	[tilespmem:s10+$0x27C0] =	vst v3;
	v3 =	vmul.f32 v45, v39  }
0x1f8: {  	v56 =	vld [tilespmem:s24+$0x27C0];
	[tilespmem:s10+$0x27F0] =	vst v55;
	v58 =	vmul.f32 v49, v53  }
0x1f9: {  	v60 =	vld [tilespmem:s24+$0x27F0];
	[tilespmem:s10+$0x27E0] =	vst v3;
	v3 =	vmul.f32 v48, v53  }
0x1fa: {  	v59 =	vld [tilespmem:s24+$0x27E0];
	v61 =	vmul.f32 v54, v53;
	[tilespmem:s24+$0x2790] =	vst v58  }
0x1fb: {  	[tilespmem:s24+$0x2780] =	vst v3;
	v3 =	vmul.f32 v52, v53  }
0x1fc: {  	p2 =	por p1, p1;
	v62 =	vmul.f32 v57, v53;
	[tilespmem:s24+$0x27B0] =	vst v61  }
.Ltmp6:
0x1fd: {  	[tilespmem:s24+$0x27A0] =	vst v3;
	v3 =	vmul.f32 v56, v53;
	(pc) =	sbr.rel @p2 .LBB2_15-.Ltmp6, $4  }
0x1fe: {  	v63 =	vmul.f32 v60, v53;
	[tilespmem:s24+$0x27D0] =	vst v62  }
0x1ff: {  	[tilespmem:s24+$0x27C0] =	vst v3;
	v3 =	vmul.f32 v59, v53  }
0x200: {  	[tilespmem:s24+$0x27F0] =	vst v63  }
0x201: {  	p1 =	por $0x0, $0x0;
	s23 =	simm.s32 $0x8;
	[tilespmem:s24+$0x27E0] =	vst v3  }
0x202: {  	s20 =	sadd.s32 $0x40, s20;
	s22 =	simm.s32 $0x0;
	p1 =	por $0x1, $0x1  }
.LBB2_17:
0x203: {  	s10 =	sor.u32 s20, s22  }
0x204: {  	s10 =	sshll.u32 s10, $0x7  }
0x205: {  	s10 =	sand.u32 $0x3FFFFF80, s10  }
0x206: {  	v2 =	vld [tilespmem:s10+$0x2780]  }
0x207: {  	v3 =	vld [tilespmem:s10+$0x2790]  }
0x208: {  	v4 =	vmov s22;
	v5 =	vld [tilespmem:s10+$0x27A0]  }
0x209: {  	v4 =	vperm.xlane v1, v4;
	v6 =	vld [tilespmem:s10+$0x27B0]  }
0x20a: {  	s23 =	sor.u32 $0x1, s22;
	v7 =	vld [tilespmem:s10+$0x27C0]  }
0x20b: {  	s24 =	sor.u32 s20, s23;
	v8 =	vld [tilespmem:s10+$0x27D0];
	v2 =	vmul.f32 v2, v4  }
0x20c: {  	s24 =	sshll.u32 s24, $0x7;
	v9 =	vld [tilespmem:s10+$0x27E0];
	v3 =	vmul.f32 v3, v4  }
0x20d: {  	v49 =	vld [tilespmem:s10+$0x27F0];
	s24 =	sand.u32 $0x3FFFFF80, s24;
	[tilespmem:s10+$0x2780] =	vst v2;
	v2 =	vmul.f32 v5, v4  }
0x20e: {  	v50 =	vld [tilespmem:s24+$0x2780];
	[tilespmem:s10+$0x2790] =	vst v3;
	v3 =	vmul.f32 v6, v4  }
0x20f: {  	v51 =	vld [tilespmem:s24+$0x2790];
	[tilespmem:s10+$0x27A0] =	vst v2;
	v2 =	vmul.f32 v7, v4  }
0x210: {  	v52 =	vmov s23;
	v10 =	vld [tilespmem:s24+$0x27A0];
	[tilespmem:s10+$0x27B0] =	vst v3;
	v3 =	vmul.f32 v8, v4  }
0x211: {  	v53 =	vld [tilespmem:s24+$0x27B0];
	v8 =	vperm.xlane v1, v52;
	[tilespmem:s10+$0x27C0] =	vst v2;
	v2 =	vmul.f32 v9, v4  }
0x212: {  	s26 =	sor.u32 $0x2, s22;
	v54 =	vld [tilespmem:s24+$0x27C0];
	[tilespmem:s10+$0x27D0] =	vst v3;
	v3 =	vmul.f32 v49, v4  }
0x213: {  	s25 =	sor.u32 s20, s26;
	v55 =	vld [tilespmem:s24+$0x27D0];
	[tilespmem:s10+$0x27E0] =	vst v2;
	v2 =	vmul.f32 v50, v8  }
0x214: {  	s25 =	sshll.u32 s25, $0x7;
	v56 =	vld [tilespmem:s24+$0x27E0];
	[tilespmem:s10+$0x27F0] =	vst v3;
	v3 =	vmul.f32 v51, v8  }
0x215: {  	v57 =	vld [tilespmem:s24+$0x27F0];
	s10 =	sand.u32 $0x3FFFFF80, s25;
	[tilespmem:s24+$0x2780] =	vst v2;
	v2 =	vmul.f32 v10, v8  }
0x216: {  	v58 =	vld [tilespmem:s10+$0x2780];
	[tilespmem:s24+$0x2790] =	vst v3;
	v3 =	vmul.f32 v53, v8  }
0x217: {  	v59 =	vld [tilespmem:s10+$0x2790];
	[tilespmem:s24+$0x27A0] =	vst v2;
	v2 =	vmul.f32 v54, v8  }
0x218: {  	v60 =	vmov s26;
	v61 =	vld [tilespmem:s10+$0x27A0];
	[tilespmem:s24+$0x27B0] =	vst v3;
	v3 =	vmul.f32 v55, v8  }
0x219: {  	v5 =	vperm.xlane v1, v60;
	v62 =	vld [tilespmem:s10+$0x27B0];
	[tilespmem:s24+$0x27C0] =	vst v2;
	v2 =	vmul.f32 v56, v8  }
0x21a: {  	s23 =	sor.u32 $0x3, s22;
	v63 =	vld [tilespmem:s10+$0x27C0];
	[tilespmem:s24+$0x27D0] =	vst v3;
	v3 =	vmul.f32 v57, v8  }
0x21b: {  	s26 =	sor.u32 s20, s23;
	v12 =	vld [tilespmem:s10+$0x27D0];
	[tilespmem:s24+$0x27E0] =	vst v2;
	v2 =	vmul.f32 v58, v5  }
0x21c: {  	s25 =	sshll.u32 s26, $0x7;
	v13 =	vld [tilespmem:s10+$0x27E0];
	[tilespmem:s24+$0x27F0] =	vst v3;
	v3 =	vmul.f32 v59, v5  }
0x21d: {  	v14 =	vld [tilespmem:s10+$0x27F0];
	s24 =	sand.u32 $0x3FFFFF80, s25;
	[tilespmem:s10+$0x2780] =	vst v2;
	v2 =	vmul.f32 v61, v5  }
0x21e: {  	v15 =	vld [tilespmem:s24+$0x2780];
	[tilespmem:s10+$0x2790] =	vst v3;
	v3 =	vmul.f32 v62, v5  }
0x21f: {  	v16 =	vld [tilespmem:s24+$0x2790];
	[tilespmem:s10+$0x27A0] =	vst v2;
	v2 =	vmul.f32 v63, v5  }
0x220: {  	v17 =	vmov s23;
	v18 =	vld [tilespmem:s24+$0x27A0];
	[tilespmem:s10+$0x27B0] =	vst v3;
	v3 =	vmul.f32 v12, v5  }
0x221: {  	v19 =	vperm.xlane v1, v17;
	v20 =	vld [tilespmem:s24+$0x27B0];
	[tilespmem:s10+$0x27C0] =	vst v2;
	v2 =	vmul.f32 v13, v5  }
0x222: {  	s23 =	sor.u32 $0x4, s22;
	v21 =	vld [tilespmem:s24+$0x27C0];
	[tilespmem:s10+$0x27D0] =	vst v3;
	v3 =	vmul.f32 v14, v5  }
0x223: {  	s26 =	sor.u32 s20, s23;
	v22 =	vld [tilespmem:s24+$0x27D0];
	[tilespmem:s10+$0x27E0] =	vst v2;
	v2 =	vmul.f32 v15, v19  }
0x224: {  	s25 =	sshll.u32 s26, $0x7;
	v23 =	vld [tilespmem:s24+$0x27E0];
	[tilespmem:s10+$0x27F0] =	vst v3;
	v3 =	vmul.f32 v16, v19  }
0x225: {  	v24 =	vld [tilespmem:s24+$0x27F0];
	s10 =	sand.u32 $0x3FFFFF80, s25;
	[tilespmem:s24+$0x2780] =	vst v2;
	v2 =	vmul.f32 v18, v19  }
0x226: {  	v25 =	vld [tilespmem:s10+$0x2780];
	[tilespmem:s24+$0x2790] =	vst v3;
	v3 =	vmul.f32 v20, v19  }
0x227: {  	v26 =	vld [tilespmem:s10+$0x2790];
	[tilespmem:s24+$0x27A0] =	vst v2;
	v2 =	vmul.f32 v21, v19  }
0x228: {  	v27 =	vmov s23;
	v28 =	vld [tilespmem:s10+$0x27A0];
	[tilespmem:s24+$0x27B0] =	vst v3;
	v3 =	vmul.f32 v22, v19  }
0x229: {  	v6 =	vperm.xlane v1, v27;
	v29 =	vld [tilespmem:s10+$0x27B0];
	[tilespmem:s24+$0x27C0] =	vst v2;
	v2 =	vmul.f32 v23, v19  }
0x22a: {  	s23 =	sor.u32 $0x5, s22;
	v30 =	vld [tilespmem:s10+$0x27C0];
	[tilespmem:s24+$0x27D0] =	vst v3;
	v3 =	vmul.f32 v24, v19  }
0x22b: {  	s26 =	sor.u32 s20, s23;
	v31 =	vld [tilespmem:s10+$0x27D0];
	[tilespmem:s24+$0x27E0] =	vst v2;
	v2 =	vmul.f32 v25, v6  }
0x22c: {  	s25 =	sshll.u32 s26, $0x7;
	v32 =	vld [tilespmem:s10+$0x27E0];
	[tilespmem:s24+$0x27F0] =	vst v3;
	v3 =	vmul.f32 v26, v6  }
0x22d: {  	v33 =	vld [tilespmem:s10+$0x27F0];
	s24 =	sand.u32 $0x3FFFFF80, s25;
	[tilespmem:s10+$0x2780] =	vst v2;
	v2 =	vmul.f32 v28, v6  }
0x22e: {  	v34 =	vld [tilespmem:s24+$0x2780];
	[tilespmem:s10+$0x2790] =	vst v3;
	v3 =	vmul.f32 v29, v6  }
0x22f: {  	v35 =	vld [tilespmem:s24+$0x2790];
	[tilespmem:s10+$0x27A0] =	vst v2;
	v2 =	vmul.f32 v30, v6  }
0x230: {  	v36 =	vmov s23;
	v37 =	vld [tilespmem:s24+$0x27A0];
	[tilespmem:s10+$0x27B0] =	vst v3;
	v3 =	vmul.f32 v31, v6  }
0x231: {  	v38 =	vperm.xlane v1, v36;
	v39 =	vld [tilespmem:s24+$0x27B0];
	[tilespmem:s10+$0x27C0] =	vst v2;
	v2 =	vmul.f32 v32, v6  }
0x232: {  	s23 =	sor.u32 $0x6, s22;
	v40 =	vld [tilespmem:s24+$0x27C0];
	[tilespmem:s10+$0x27D0] =	vst v3;
	v3 =	vmul.f32 v33, v6  }
0x233: {  	s26 =	sor.u32 s20, s23;
	v41 =	vld [tilespmem:s24+$0x27D0];
	[tilespmem:s10+$0x27E0] =	vst v2;
	v2 =	vmul.f32 v34, v38  }
0x234: {  	s26 =	sshll.u32 s26, $0x7;
	v42 =	vld [tilespmem:s24+$0x27E0];
	[tilespmem:s10+$0x27F0] =	vst v3;
	v3 =	vmul.f32 v35, v38  }
0x235: {  	v43 =	vld [tilespmem:s24+$0x27F0];
	s10 =	sand.u32 $0x3FFFFF80, s26;
	[tilespmem:s24+$0x2780] =	vst v2;
	v2 =	vmul.f32 v37, v38  }
0x236: {  	v44 =	vld [tilespmem:s10+$0x2780];
	[tilespmem:s24+$0x2790] =	vst v3;
	v3 =	vmul.f32 v39, v38  }
0x237: {  	v45 =	vld [tilespmem:s10+$0x2790];
	[tilespmem:s24+$0x27A0] =	vst v2;
	v2 =	vmul.f32 v40, v38  }
0x238: {  	v46 =	vmov s23;
	v47 =	vld [tilespmem:s10+$0x27A0];
	[tilespmem:s24+$0x27B0] =	vst v3;
	v3 =	vmul.f32 v41, v38  }
0x239: {  	v48 =	vperm.xlane v1, v46;
	v49 =	vld [tilespmem:s10+$0x27B0];
	[tilespmem:s24+$0x27C0] =	vst v2;
	v2 =	vmul.f32 v42, v38  }
0x23a: {  	s25 =	sor.u32 $0x7, s22;
	v50 =	vld [tilespmem:s10+$0x27C0];
	[tilespmem:s24+$0x27D0] =	vst v3;
	v3 =	vmul.f32 v43, v38  }
0x23b: {  	s26 =	sor.u32 s20, s25;
	v51 =	vld [tilespmem:s10+$0x27D0];
	[tilespmem:s24+$0x27E0] =	vst v2;
	v2 =	vmul.f32 v44, v48  }
0x23c: {  	v52 =	vld [tilespmem:s10+$0x27E0];
	s23 =	sshll.u32 s26, $0x7;
	[tilespmem:s24+$0x27F0] =	vst v3;
	v3 =	vmul.f32 v45, v48  }
0x23d: {  	v53 =	vld [tilespmem:s10+$0x27F0];
	s23 =	sand.u32 $0x3FFFFF80, s23;
	[tilespmem:s10+$0x2780] =	vst v2;
	v2 =	vmul.f32 v47, v48  }
0x23e: {  	v54 =	vld [tilespmem:s23+$0x2780];
	[tilespmem:s10+$0x2790] =	vst v3;
	v3 =	vmul.f32 v49, v48  }
0x23f: {  	v55 =	vld [tilespmem:s23+$0x2790];
	[tilespmem:s10+$0x27A0] =	vst v2;
	v2 =	vmul.f32 v50, v48  }
0x240: {  	v56 =	vmov s25;
	v57 =	vld [tilespmem:s23+$0x27A0];
	[tilespmem:s10+$0x27B0] =	vst v3;
	v3 =	vmul.f32 v51, v48  }
0x241: {  	v58 =	vperm.xlane v1, v56;
	v59 =	vld [tilespmem:s23+$0x27B0];
	[tilespmem:s10+$0x27C0] =	vst v2;
	v2 =	vmul.f32 v52, v48  }
0x242: {  	v60 =	vld [tilespmem:s23+$0x27C0];
	[tilespmem:s10+$0x27D0] =	vst v3;
	v3 =	vmul.f32 v53, v48  }
0x243: {  	v61 =	vld [tilespmem:s23+$0x27D0];
	[tilespmem:s10+$0x27E0] =	vst v2;
	v2 =	vmul.f32 v54, v58  }
0x244: {  	v62 =	vld [tilespmem:s23+$0x27E0];
	[tilespmem:s10+$0x27F0] =	vst v3;
	v3 =	vmul.f32 v55, v58  }
0x245: {  	v63 =	vld [tilespmem:s23+$0x27F0];
	[tilespmem:s23+$0x2780] =	vst v2;
	v2 =	vmul.f32 v57, v58  }
0x246: {  	[tilespmem:s23+$0x2790] =	vst v3;
	v3 =	vmul.f32 v59, v58  }
0x247: {  	p2 =	por p1, p1;
	[tilespmem:s23+$0x27A0] =	vst v2;
	v2 =	vmul.f32 v60, v58  }
.Ltmp7:
0x248: {  	[tilespmem:s23+$0x27B0] =	vst v3;
	v3 =	vmul.f32 v61, v58;
	(pc) =	sbr.rel @p2 .LBB2_17-.Ltmp7, $4  }
0x249: {  	[tilespmem:s23+$0x27C0] =	vst v2;
	v2 =	vmul.f32 v62, v58  }
0x24a: {  	[tilespmem:s23+$0x27D0] =	vst v3;
	v3 =	vmul.f32 v63, v58  }
0x24b: {  	[tilespmem:s23+$0x27E0] =	vst v2  }
0x24c: {  	p1 =	por $0x0, $0x0;
	s22 =	simm.s32 $0x8;
	[tilespmem:s23+$0x27F0] =	vst v3  }
0x24d: {  	p1 =	slt.u32 s18, $0x7D  }
.Ltmp8:
0x24e: {  	_ = 	snop;
	(pc) =	sbr.rel @p1 .LBB2_6-.Ltmp8, $3  }
0x24f: {  	_ =	sdelay $0x1  }
0x250: {  	s10 =	sadd.s32 $0x3780, s21;
	s17 =	sadd.s32 $0x7F80, s17;
	s20 =	smov.u32 s18  }
0x251: {  	[spmem:s2] =	stream.indirect.scatter.add.f32 [tilespmem:s10], [sflag:$0x4], $0x80, s17, s14, $0xb8;
	[tilespmem:$0x1BA00] =	vst v63  }
0x252: {  	_ =	swait.ge [sflag:s15], $0x1000  }
0x253: {  	[sflag:s15] =	ssyncset.done $0x0  }
0x254: {  	[sflag:s15] =	ssyncadd.s32 $0xFFFFF000  }
0x255: {  	_ =	swait.ge [sflag:s15], $0x1800  }
0x256: {  	[sflag:s15] =	ssyncset.done $0x0  }
0x257: {  	[sflag:s15] =	ssyncadd.s32 $0xFFFFE800  }
0x258: {  	[bflag:$0x0] =	sbarrier.arrive $0xFFFF  }
0x259: {  	s17 =	rddreg [dreg:$0xd]  }
0x25a: {  	s10 =	simm.s32 @p0 $0x1FC5;
	s18 =	rddreg [dreg:$0x10]  }
0x25b: {  	[hbm:s17], [sflag:s10] =	dma.local @p0 [spmem:s18], $0x2800  }
0x25c: {  	s10 =	simm.s32 @p0 $0x5  }
0x25d: {  	s17 =	stileid.u32;
	_ =	swait.ge @p0 [sflag:s10], $0x2800  }
0x25e: {  	s17 =	sshll.u32 @!p0 s17, $0x6;
	[sflag:s10] =	ssyncset.done @p0 $0x0;
	s18 =	rddreg [dreg:$0x11]  }
0x25f: {  	[sflag:s10] =	ssyncadd.s32 @p0 $0xFFFFD800;
	s10 =	sor.u32 @!p0 $0x1C05, s17;
	s17 =	rddreg [dreg:$0xc]  }
0x260: {  	[hbm:s17], [sflag:s10] =	dma.local @!p0 [spmem:s18], $0x2700  }
0x261: {  	s10 =	simm.s32 @!p0 $0x5  }
0x262: {  	_ =	swait.ge @!p0 [sflag:s10], $0x2700  }
0x263: {  	[sflag:s10] =	ssyncset.done @!p0 $0x0  }
0x264: {  	s25 =	rddreg [dreg:$0xe];
	[sflag:s10] =	ssyncadd.s32 @!p0 $0xFFFFD900  }
0x265: {  	[hbm4b:s25+s4] =	stream.linear.scatter [tilespmem:s4], [sflag:$0x5], $0x2710, $0x38;
	[tilespmem:$0x1BA00] =	vst v63  }
0x266: {  	_ =	swait.ge [sflag:s29], $0x2710  }
0x267: {  	s31 =	sadd.s32 $0x1, s31;
	s26 =	rddreg [dreg:$0xf]  }
0x268: {  	p1 =	sne.s32 s31, s26  }
.Ltmp9:
0x269: {  	_ = 	snop;
	(pc) =	sbr.rel @p1 .LBB2_1-.Ltmp9, $3  }
0x26a: {  	_ =	sdelay $0x1  }
0x26b: {  	[sflag:s29] =	ssyncset.done $0x0  }
0x26c: {  	[sflag:s29] =	ssyncadd.s32 $0xFFFFD8F0  }
0x26d: {  	_ =	sfence.sel $0x180000  }
0x26e: {  	[bflag:$0x0] =	sbarrier.arrive $0xFFFF  }
0x26f: {  	_ =	strace $0x9000004A  }
0x270: {  	s0 =	stileid.u32;
	[bflag:$0x2] =	sbarrier.arrive $0xFFFF  }
0x271: {  	p0 =	sne.s32 s0, $0x0;
	s0 =	rddreg [dreg:$0x3]  }
0x272: {  	s0 =	sadd.s32 @!p0 $0x100000, s0  }
0x273: {  	[sflag:s0] =	ssyncadd.tile.s32 @!p0 $0x1;
	_ =	shalt  }
.Lfunc_end2:
_tile_overlayer_lowered:
.L_overlay_start_2:
0x274: {  	(tag) =	ssettag $0x2  }
0x275: {  	s0 =	rddreg [dreg:$0x0];
	s2 =	stileid.u32  }
0x276: {  	s1 =	rddreg [dreg:$0x1];
	p0 =	sne.s32 s2, $0x0  }
0x277: {  	s3 =	rddreg [dreg:$0x2];
	[bflag:$0x3] =	sbarrier.arrive $0xFFFF;
	s2 =	simm.s32 @!p0 $0x1C05  }
0x278: {  	[timem:s3], [sflag:s2] =	dma.local @!p0 [hbm:s0], s1  }
0x279: {  	s0 =	simm.s32 @!p0 $0x5  }
0x27a: {  	_ =	swait.ge @!p0 [sflag:s0], s1  }
0x27b: {  	s1 =	ssub.s32 @!p0 $0x0, s1;
	[sflag:s0] =	ssyncset.done @!p0 $0x0  }
0x27c: {  	[sflag:s0] =	ssyncadd.s32 @!p0 s1  }
0x27d: {  	[bflag:$0x3] =	sbarrier.arrive $0xFFFF  }
0x27e: {  	_ =	shalt  }

// kernel: kernel.7.cloned.1.call-start
scs
__scs_entry_jumppad:
0x0: {  	(pc) =	sbr.rel $0x88, $3  }
0x1: {  	(tag) =	ssettag $0x0;
	lr =	simm.s32 $0x1  }
0x2: {  	[smem:$0x3F96] =	sst lr;
	_ =	strace $0xD0000000  }
0x3: {  	_ = 	snop  }
0x4: {  	_ = 	snop  }
0x5: {  	_ = 	snop  }
0x6: {  	_ = 	snop  }
0x7: {  	_ = 	snop  }
__scs_overlays_trampoline_lowered:
0x8: {  	[smem:$0x3FA5] =	sst s0  }
0x9: {  	[smem:$0x3FA6] =	sst s1  }
0xa: {  	[smem:$0x3FA7] =	sst s2  }
0xb: {  	[smem:$0x3FA8] =	sst s3  }
0xc: {  	[smem:$0x3FA9] =	sst s4  }
0xd: {  	[smem:$0x3FAA] =	sst s5  }
0xe: {  	[smem:$0x3FAB] =	sst s6  }
0xf: {  	[smem:$0x3FAC] =	sst s7  }
0x10: {  	[smem:$0x3FAD] =	sst s8  }
0x11: {  	[smem:$0x3FAE] =	sst s9;
	s0 =	simm.s32 @!p0 $0x0  }
0x12: {  	s1 =	sld [smem:$0x3F94];
	s0 =	simm.s32 @p0 $0x1  }
0x13: {  	[smem:$0x3FAF] =	sst s0;
	s0 =	simm.s32 @!p1 $0x0  }
0x14: {  	s2 =	sld [smem:$0x3F93];
	s0 =	simm.s32 @p1 $0x1  }
0x15: {  	[smem:$0x3FB0] =	sst s0;
	s0 =	simm.s32 @!p2 $0x0  }
0x16: {  	s3 =	sld [smem:$0x3FDB];
	s0 =	simm.s32 @p2 $0x1  }
0x17: {  	s4 =	simm.s32 $0x1BF5;
	[smem:$0x3FB2] =	sst s0  }
0x18: {  	s0 =	sld [smem:$0x3F95];
	_ =	swait.ge [sflag:s4], $0x0  }
0x19: {  	s7 =	sld [smem:$0x3F96]  }
0x1a: {  	s8 =	sadd.s32 $0xFFFFE003, lr  }
0x1b: {  	s9 =	sadd.s32 $0xFFFFFEF7, lr;
	s5 =	simm.s32 $0xFFFFFFFF;
	p2 =	slt.u32 s8, $0xFFFFF086  }
0x1c: {  	p1 =	slt.u32 s9, $0xF7A;
	s5 =	simm.s32 @!p2 $0x0  }
0x1d: {  	s5 =	simm.s32 @p1 $0x1;
	p0 =	seq.s32 s7, s2  }
0x1e: {  	s7 =	smul.u32 @!p0 $0xF7A, s2;
	p2 =	seq.s32 @!p0 s5, $0x0  }
0x1f: {  	s9 =	smul.u32 $0xF7A, s1;
	s8 =	simm.s32 @!p0 $0x1BF5;
	p2 =	por !p2, p0  }
0x20: {  	[sflag:s8] =	ssyncset.s32 @!p0 $0xFFFFF086;
	s6 =	sadd.s32 @!p0 s3, s7;
	s7 =	simm.s32 @!p0 $0x108  }
0x21: {  	s3 =	sadd.s32 s3, s9;
	s6 =	sadd.s32 @!p0 $0x88, s6;
	s7 =	simm.s32 @p2 $0x1082  }
0x22: {  	[simem:s7], [sflag:s8] =	dma.local @!p0 [hbm:s6], $0xF7A  }
0x23: {  	s9 =	sor.u32 $0xD0000000, s2;
	s6 =	simm.s32 $0x108;
	_ =	swait.ge @!p0 [sflag:s8], $0x0  }
0x24: {  	s3 =	sadd.s32 $0x88, s3;
	s6 =	simm.s32 @!p1 $0x1082;
	[sflag:s4] =	ssyncset.s32 $0xFFFFF086  }
0x25: {  	[simem:s6], [sflag:s4] =	dma.local [hbm:s3], $0xF7A  }
0x26: {  	[smem:$0x3F96] =	sst s1;
	(tag) =	ssettag s2;
	_ =	strace s9  }
0x27: {  	s1 =	sld [smem:$0x3FA6]  }
0x28: {  	s2 =	sld [smem:$0x3FA7]  }
0x29: {  	s4 =	sld [smem:$0x3FA9]  }
0x2a: {  	p0 =	seq.s32 s5, $0x0;
	s5 =	sld [smem:$0x3FAA]  }
0x2b: {  	s6 =	sld [smem:$0x3FAB]  }
0x2c: {  	s7 =	sld [smem:$0x3FAC]  }
0x2d: {  	s3 =	simm.s32 $0x108;
	s8 =	sld [smem:$0x3FAD]  }
0x2e: {  	s3 =	simm.s32 @!p0 $0x1082;
	s9 =	sld [smem:$0x3FAE]  }
0x2f: {  	lr =	sadd.s32 s0, s3;
	s0 =	sld [smem:$0x3FA5]  }
0x30: {  	s3 =	sld [smem:$0x3FA8]  }
0x31: {  	[smem:$0x3FB1] =	sst s10  }
0x32: {  	s10 =	sld [smem:$0x3FAF];
	_ =	sdelay $0x3  }
0x33: {  	p0 =	seq.s32 s10, $0x1;
	s10 =	sld [smem:$0x3FB1];
	_ =	sdelay $0x3  }
0x34: {  	[smem:$0x3FB1] =	sst s10  }
0x35: {  	s10 =	sld [smem:$0x3FB0];
	_ =	sdelay $0x3  }
0x36: {  	p1 =	seq.s32 s10, $0x1;
	s10 =	sld [smem:$0x3FB1];
	_ =	sdelay $0x3  }
0x37: {  	[smem:$0x3FB1] =	sst s10  }
0x38: {  	s10 =	sld [smem:$0x3FB2]  }
0x39: {  	_ = 	snop;
	(pc) =	sbr.ind lr, $3  }
0x3a: {  	_ = 	snop  }
0x3b: {  	_ = 	snop  }
0x3c: {  	p2 =	seq.s32 s10, $0x1;
	s10 =	sld [smem:$0x3FB1]  }
0x3d: {  	_ =	shalt  }
0x3e: {  	_ =	shalt  }
0x3f: {  	_ =	shalt  }
0x40: {  	_ =	shalt  }
0x41: {  	_ =	shalt  }
0x42: {  	_ =	shalt  }
0x43: {  	_ =	shalt  }
0x44: {  	_ =	shalt  }
0x45: {  	_ =	shalt  }
0x46: {  	_ =	shalt  }
0x47: {  	_ =	shalt  }
0x48: {  	_ =	shalt  }
0x49: {  	_ =	shalt  }
0x4a: {  	_ =	shalt  }
0x4b: {  	_ =	shalt  }
0x4c: {  	_ =	shalt  }
0x4d: {  	_ =	shalt  }
0x4e: {  	_ =	shalt  }
0x4f: {  	_ =	shalt  }
0x50: {  	_ =	shalt  }
0x51: {  	_ =	shalt  }
0x52: {  	_ =	shalt  }
0x53: {  	_ =	shalt  }
0x54: {  	_ =	shalt  }
0x55: {  	_ =	shalt  }
0x56: {  	_ =	shalt  }
0x57: {  	_ =	shalt  }
0x58: {  	_ =	shalt  }
0x59: {  	_ =	shalt  }
0x5a: {  	_ =	shalt  }
0x5b: {  	_ =	shalt  }
0x5c: {  	_ =	shalt  }
0x5d: {  	_ =	shalt  }
0x5e: {  	_ =	shalt  }
0x5f: {  	_ =	shalt  }
0x60: {  	_ =	shalt  }
0x61: {  	_ =	shalt  }
0x62: {  	_ =	shalt  }
0x63: {  	_ =	shalt  }
0x64: {  	_ =	shalt  }
0x65: {  	_ =	shalt  }
0x66: {  	_ =	shalt  }
0x67: {  	_ =	shalt  }
0x68: {  	_ =	shalt  }
0x69: {  	_ =	shalt  }
0x6a: {  	_ =	shalt  }
0x6b: {  	_ =	shalt  }
0x6c: {  	_ =	shalt  }
0x6d: {  	_ =	shalt  }
0x6e: {  	_ =	shalt  }
0x6f: {  	_ =	shalt  }
0x70: {  	_ =	shalt  }
0x71: {  	_ =	shalt  }
0x72: {  	_ =	shalt  }
0x73: {  	_ =	shalt  }
0x74: {  	_ =	shalt  }
0x75: {  	_ =	shalt  }
0x76: {  	_ =	shalt  }
0x77: {  	_ =	shalt  }
0x78: {  	_ =	shalt  }
0x79: {  	_ =	shalt  }
0x7a: {  	_ =	shalt  }
0x7b: {  	_ =	shalt  }
0x7c: {  	_ =	shalt  }
0x7d: {  	_ =	shalt  }
0x7e: {  	_ =	shalt  }
0x7f: {  	_ =	shalt  }
0x80: {  	_ =	shalt  }
0x81: {  	_ =	shalt  }
0x82: {  	_ =	shalt  }
0x83: {  	_ =	shalt  }
0x84: {  	_ =	shalt  }
0x85: {  	_ =	shalt  }
0x86: {  	_ =	shalt  }
0x87: {  	_ =	shalt  }
.Lfunc_end0:
.L_simem_size_0:
called_computation_lowered:
.L_overlay_start_0:
0x88: {  	s2 =	sld [smem:$0x3FD9]  }
0x89: {  	s3 =	sld [smem:$0x3FFE];
	_ =	sdelay $0x1  }
0x8a: {  	s1 =	srdreg.scid  }
0x8b: {  	s0 =	sand.u32 $0x1, s1  }
0x8c: {  	s17 =	sshll.u32 s0, $0xA;
	s2 =	sadd.s32 s3, s2  }
0x8d: {  	s2 =	sadd.s32 s2, s17  }
0x8e: {  	[smem:$0x3FBD] =	sst s2  }
0x8f: {  	_ = 	snop  }
0x90: {  	s2 =	sld [smem:$0x3FD0];
	(tm) =	ssettm $0x1  }
0x91: {  	s18 =	sld [smem:$0x3FFB];
	_ =	sdelay $0x3  }
0x92: {  	_ =	strace s18  }
0x93: {  	s3 =	sld [smem:$0x3FFC];
	_ =	sdelay $0x3  }
0x94: {  	_ =	strace s3  }
0x95: {  	s3 =	sld [smem:$0x3FFD];
	_ =	sdelay $0x3  }
0x96: {  	_ =	strace s3  }
0x97: {  	_ =	strace $0x8FFFFFFF  }
0x98: {  	s19 =	sld [smem:$0x3FDB];
	_ =	sdelay $0x1  }
0x99: {  	s4 =	simm.s32 $_scs_section_size  }
0x9a: {  	s5 =	simm.s32 $_size__tile_overlayer_lowered;
	s6 =	simm.s32 $_tile_overlayer_lowered  }
0x9b: {  	s22 =	simm.s32 $0x1BFF;
	s21 =	sshll.u32 s6, $0x1;
	s3 =	sadd.s32 s4, s19  }
0x9c: {  	s7 =	simm.s32 $0x0;
	s20 =	sshll.u32 s5, $0x1;
	s5 =	sadd.s32 s21, s3  }
0x9d: {  	[timem:s7], [sflag:s22] =	dma.local [hbm:s5], s20  }
0x9e: {  	_ =	swait.ge [sflag:s22], s20  }
0x9f: {  	s4 =	ssub.s32 $0x0, s20;
	[sflag:s22] =	ssyncset.done $0x0  }
0xa0: {  	[sflag:s22] =	ssyncadd.s32 s4;
	_ =	sdelay $0x1  }
0xa1: {  	s23 =	simm.s32 $0x1B8B  }
0xa2: {  	_ =	swait.ge [sflag:s23], $0x1  }
0xa3: {  	[sflag:s23] =	ssyncset.done $0x0  }
0xa4: {  	s25 =	simm.s32 $0x1B8E;
	s24 =	sld [smem:$0x3FFE];
	[sflag:s23] =	ssyncadd.s32 $0xFFFFFFFF  }
0xa5: {  	s26 =	simm.s32 $execute0_lowered;
	[smem:$0x3FD2] =	sst s25  }
0xa6: {  	s5 =	sshll.u32 s26, $0x1;
	_ =	strace $0x80000046;
	[dreg:$0x1] =	wrdreg $0xFFFFFFFF  }
0xa7: {  	s28 =	simm.s32 $_size_execute0_lowered;
	s3 =	sadd.s32 s3, s5;
	[dreg:$0x0] =	wrdreg $0x0  }
0xa8: {  	s5 =	sshll.u32 s28, $0x1;
	[dreg:$0x2] =	wrdreg s3  }
0xa9: {  	[dreg:$0x3] =	wrdreg s5  }
0xaa: {  	[dreg:$0x4] =	wrdreg $0xC0  }
0xab: {  	_ =	task [dreg:s7], $0x5FFFF  }
0xac: {  	[dreg:$0x1] =	wrdreg $0xFFFFFFFF  }
0xad: {  	[dreg:$0x0] =	wrdreg $0x60  }
0xae: {  	[dreg:$0x2] =	wrdreg s2  }
0xaf: {  	[dreg:$0x3] =	wrdreg s24  }
0xb0: {  	[dreg:$0x4] =	wrdreg $0x81800  }
0xb1: {  	[dreg:$0x5] =	wrdreg $0x9  }
0xb2: {  	_ =	task.clear_ibuf [dreg:s7], $0x6FFFF;
	_ =	strace $0x90000046  }
0xb3: {  	s29 =	simm.s32 $0x9;
	_ =	strace $0x80000048  }
0xb4: {  	_ =	swait.ge [sflag:s29], $0x1  }
0xb5: {  	[sflag:s29] =	ssyncadd.s32 $0xFFFFFFFF  }
0xb6: {  	_ =	strace $0x90000048  }
0xb7: {  	_ =	sfence  }
0xb8: {  	s30 =	sld [smem:$0x0];
	_ =	sdelay $0x2  }
0xb9: {  	s31 =	sshll.u32 s1, $0xD;
	s1 =	sshrl.u32 s1, $0x2  }
0xba: {  	s3 =	sand.u32 $0x4000, s31;
	s1 =	sadd.s32 s1, s30  }
0xbb: {  	s0 =	sor.u32 s3, s0;
	s1 =	sshll.u32 s1, $0x11  }
0xbc: {  	s0 =	sor.u32 s1, s0  }
0xbd: {  	s0 =	sadd.s32 $0x8F2B, s0  }
0xbe: {  	[sflag:s0] =	ssyncadd.remote.s32 $0x1  }
0xbf: {  	_ =	sfence.sel $0xFFFF  }
0xc0: {  	[dreg:$0x0] =	wrdreg $0xFFFFFFFF;
	(pc) =	sbr.abs _section_cstart, $3  }
0xc1: {  	[dreg:$0x1] =	wrdreg $0xFFFFFFFF  }
0xc2: {  	_ =	task.clear_ibuf [dreg:s7], $0x2FFFF;
	_ =	strace $0x9FFFFFFF  }
0xc3: {  	(tm) =	ssettm $0x7FFFFFFF  }
tec
execute0_lowered:
.L_overlay_start_1:
0x0: {  	(tag) =	ssettag $0x1  }
0x1: {  	s1 =	rddreg [dreg:$0x0]  }
0x2: {  	s0 =	rddreg [dreg:$0x1]  }
0x3: {  	s2 =	rddreg [dreg:$0x2];
	s3 =	srdreg.scid  }
0x4: {  	s4 =	simm.s32 $0x0;
	s17 =	stileid.u32;
	s28 =	simm.s32 $0x2780  }
0x5: {  	s29 =	simm.s32 $0x5;
	s30 =	simm.s32 $0x7780;
	s31 =	simm.s32 $0x0  }
0x6: {  	s3 =	sand.u32 $0x1, s3;
	[smem:$0x7FF] =	sst s4;
	s7 =	sadd.s32 $0x15200, s0  }
0x7: {  	s8 =	sadd.s32 $0xB400, s0;
	s10 =	smul.u32 $0x4E200, s17;
	s9 =	sadd.s32 $0x1600, s0  }
0x8: {  	s11 =	sadd.s32 $0x1FC00, s0;
	s18 =	smul.u32 $0x13800, s17;
	p0 =	seq.s32 s17, $0xF  }
0x9: {  	s5 =	sshll.u32 s3, $0x4;
	_ =	strace $0x80000047;
	s12 =	ssub.s32 $0x2, s3  }
0xa: {  	s3 =	smul.u32 $0x138800, s3;
	s6 =	sor.u32 s17, s5;
	s5 =	sadd.s32 $0x15800, s0  }
0xb: {  	s14 =	sshrl.u32 s12, $0x1;
	s10 =	sshrl.u32 s10, $0x2;
	s6 =	smul.u32 $0x2710, s6  }
0xc: {  	s12 =	ssub.s32 s12, s14;
	s10 =	sadd.s32 s10, s2;
	s22 =	sadd.s32 s18, s3  }
0xd: {  	s3 =	sshrl.u32 s3, $0x3;
	s25 =	sadd.s32 $0x3E80, s10;
	[dreg:$0x4] =	wrdreg s10  }
0xe: {  	s14 =	simm.s32 $0x30;
	s26 =	sadd.s32 $0x7D00, s10;
	[dreg:$0x5] =	wrdreg s25  }
0xf: {  	s15 =	sadd.s32 $0xBB80, s10;
	s10 =	sadd.s32 $0xFA00, s10;
	[dreg:$0x6] =	wrdreg s26  }
0x10: {  	s3 =	sadd.s32 s11, s3;
	s13 =	sshrl.u32 s6, $0x3;
	[dreg:$0x7] =	wrdreg s15  }
0x11: {  	[dreg:$0x8] =	wrdreg s10;
	s15 =	smul.u32 $0x4E000, s17;
	s3 =	sadd.s32 $0x24900, s3  }
0x12: {  	s25 =	smax.u32 s12, $0x1;
	s12 =	simm.s32 $0x3;
	[dreg:$0xd] =	wrdreg s3  }
0x13: {  	s0 =	sadd.s32 s13, s0;
	s16 =	sadd.s32 s8, s13;
	[dreg:$0xf] =	wrdreg s25  }
0x14: {  	s3 =	sadd.s32 $0x124800, s2;
	[dreg:$0x9] =	wrdreg s16;
	s16 =	sadd.s32 s9, s13  }
0x15: {  	s13 =	sadd.s32 $0xA, s13;
	s23 =	sshrl.u32 s15, $0x2;
	s0 =	sadd.s32 $0x15E00, s0  }
0x16: {  	s15 =	simm.s32 $0x4;
	s20 =	sadd.s32 $0x4, s16;
	[dreg:$0xe] =	wrdreg s0  }
0x17: {  	s21 =	sadd.s32 s8, s13;
	s19 =	sadd.s32 s9, s13;
	[dreg:$0xa] =	wrdreg s20  }
0x18: {  	s13 =	sshrl.u32 s22, $0x3;
	s0 =	sshrl.u32 @p0 s3, $0x3;
	[dreg:$0xb] =	wrdreg s21  }
0x19: {  	s26 =	sadd.s32 $0xE, s16;
	s3 =	simm.s32 $0x50;
	[dreg:$0x10] =	wrdreg s0  }
0x1a: {  	s24 =	sadd.s32 s11, s13;
	s11 =	sadd.s32 s23, s2;
	[dreg:$0x12] =	wrdreg s26  }
0x1b: {  	s13 =	simm.s32 $0x20;
	[dreg:$0xc] =	wrdreg s24;
	s0 =	sshrl.u32 @!p0 s11, $0x3  }
0x1c: {  	v0 =	vimm.f32 $0.0e+00;
	s11 =	simm.s32 $0x2;
	[dreg:$0x11] =	wrdreg s0;
	s0 =	simm.s32 $0x1  }
.LBB2_1:
0x1d: {  	s17 =	simm.s32 $0x0  }
.LBB2_2:
0x1e: {  	p1 =	sne.s32 s17, $0x9C00  }
.Ltmp0:
0x1f: {  	_ = 	snop;
	(pc) =	sbr.rel @p1 .LBB2_2-.Ltmp0, $3  }
0x20: {  	_ =	sdelay $0x1  }
0x21: {  	s18 =	sshra.s32 s17, $0x2  }
0x22: {  	s17 =	sadd.s32 $0x40, s17;
	[tilespmem:s18+$0x0] =	vst v0  }
0x23: {  	s17 =	simm.s32 $0x0;
	s18 =	simm.s32 $0x200  }
.LBB2_4:
0x24: {  	p1 =	sne.s32 s18, $0xF800;
	[tilespmem:s17+$0x27F0] =	vst v0  }
0x25: {  	[tilespmem:s17+$0x2780] =	vst v0  }
0x26: {  	[tilespmem:s17+$0x2790] =	vst v0  }
.Ltmp1:
0x27: {  	[tilespmem:s17+$0x27A0] =	vst v0;
	(pc) =	sbr.rel @p1 .LBB2_4-.Ltmp1, $4  }
0x28: {  	[tilespmem:s17+$0x27B0] =	vst v0  }
0x29: {  	[tilespmem:s17+$0x27C0] =	vst v0  }
0x2a: {  	[tilespmem:s17+$0x27D0] =	vst v0  }
0x2b: {  	[tilespmem:s17+$0x27E0] =	vst v0;
	s17 =	sshra.s32 s18, $0x2;
	s18 =	sadd.s32 $0x200, s18  }
0x2c: {  	[tilespmem:s17+$0x27F0] =	vst v0  }
0x2d: {  	[tilespmem:s17+$0x2780] =	vst v0  }
0x2e: {  	[tilespmem:s17+$0x2790] =	vst v0  }
0x2f: {  	[tilespmem:s17+$0x27A0] =	vst v0  }
0x30: {  	[tilespmem:s17+$0x27B0] =	vst v0  }
0x31: {  	[tilespmem:s17+$0x27C0] =	vst v0  }
0x32: {  	[tilespmem:s17+$0x27D0] =	vst v0  }
0x33: {  	[tilespmem:s17+$0x27E0] =	vst v0;
	s10 =	rddreg [dreg:$0x4]  }
0x34: {  	[spmem:s10] =	stream.linear.scatter [tilespmem:s28], [sflag:$0x5], $0x3E80, $0x38;
	[tilespmem:$0x1BA00] =	vst v63  }
0x35: {  	_ =	swait.ge [sflag:s29], $0x3E80  }
0x36: {  	[sflag:s29] =	ssyncset.done $0x0  }
0x37: {  	s17 =	rddreg [dreg:$0x5];
	[sflag:s29] =	ssyncadd.s32 $0xFFFFC180  }
0x38: {  	[spmem:s17] =	stream.linear.scatter [tilespmem:s28], [sflag:$0x5], $0x3E80, $0x38;
	[tilespmem:$0x1BA00] =	vst v63  }
0x39: {  	_ =	swait.ge [sflag:s29], $0x3E80  }
0x3a: {  	[sflag:s29] =	ssyncset.done $0x0  }
0x3b: {  	s18 =	rddreg [dreg:$0x6];
	[sflag:s29] =	ssyncadd.s32 $0xFFFFC180  }
0x3c: {  	[spmem:s18] =	stream.linear.scatter [tilespmem:s28], [sflag:$0x5], $0x3E80, $0x38;
	[tilespmem:$0x1BA00] =	vst v63  }
0x3d: {  	_ =	swait.ge [sflag:s29], $0x3E80  }
0x3e: {  	[sflag:s29] =	ssyncset.done $0x0  }
0x3f: {  	s20 =	rddreg [dreg:$0x7];
	[sflag:s29] =	ssyncadd.s32 $0xFFFFC180  }
0x40: {  	[spmem:s20] =	stream.linear.scatter [tilespmem:s28], [sflag:$0x5], $0x3E80, $0x38;
	[tilespmem:$0x1BA00] =	vst v63  }
0x41: {  	_ =	swait.ge [sflag:s29], $0x3E80  }
0x42: {  	[sflag:s29] =	ssyncset.done $0x0  }
0x43: {  	s21 =	rddreg [dreg:$0x8];
	[sflag:s29] =	ssyncadd.s32 $0xFFFFC180  }
0x44: {  	[spmem:s21] =	stream.linear.scatter [tilespmem:s28], [sflag:$0x5], $0x3E80, $0x38;
	[tilespmem:$0x1BA00] =	vst v63  }
0x45: {  	_ =	swait.ge [sflag:s29], $0x3E80  }
0x46: {  	[sflag:s29] =	ssyncset.done $0x0  }
0x47: {  	[sflag:s29] =	ssyncadd.s32 $0xFFFFC180  }
0x48: {  	[bflag:$0x0] =	sbarrier.arrive $0xFFFF  }
0x49: {  	s20 =	simm.s32 $0x0;
	s22 =	rddreg [dreg:$0x9]  }
0x4a: {  	[tilespmem:s30], [sflag:$0x1] =	stream.linear.gather [hbm4b:s22+s20], $0x50, $0x38;
	[tilespmem:$0x1BA00] =	vst v63  }
0x4b: {  	s17 =	simm.s32 $0x7980  }
0x4c: {  	[tilespmem:s17], [sflag:$0x1] =	stream.linear.gather [hbm4b:s16+s20], $0x50, $0x38;
	[tilespmem:$0x1BA00] =	vst v63  }
0x4d: {  	s23 =	simm.s32 $0x7D80  }
0x4e: {  	[tilespmem:s23], [sflag:$0x1] =	stream.linear.gather [hbm4b:s16+s20], $0x20, $0x38;
	[tilespmem:$0x1BA00] =	vst v63  }
0x4f: {  	s18 =	simm.s32 $0x7F80;
	s24 =	rddreg [dreg:$0xa]  }
0x50: {  	[tilespmem:s18], [sflag:$0x1] =	stream.linear.gather [hbm4b:s24+s20], $0x30, $0x38;
	[tilespmem:$0x1BA00] =	vst v63  }
0x51: {  	s26 =	simm.s32 $0x7800;
	s25 =	rddreg [dreg:$0xb]  }
0x52: {  	[tilespmem:s26], [sflag:$0x1] =	stream.linear.gather [hbm4b:s25+s20], $0x50, $0x38;
	[tilespmem:$0x1BA00] =	vst v63  }
0x53: {  	s21 =	simm.s32 $0x7A00  }
0x54: {  	[tilespmem:s21], [sflag:$0x1] =	stream.linear.gather [hbm4b:s19+s20], $0x50, $0x38;
	[tilespmem:$0x1BA00] =	vst v63  }
0x55: {  	s22 =	simm.s32 $0x7E00  }
0x56: {  	[tilespmem:s22], [sflag:$0x1] =	stream.linear.gather [hbm4b:s19+s20], $0x20, $0x38;
	[tilespmem:$0x1BA00] =	vst v63  }
0x57: {  	s23 =	rddreg [dreg:$0x12];
	s24 =	simm.s32 $0x8000  }
0x58: {  	[tilespmem:s24], [sflag:$0x1] =	stream.linear.gather [hbm4b:s23+s20], $0x30, $0x38;
	[tilespmem:$0x1BA00] =	vst v63  }
0x59: {  	_ =	swait.ge [sflag:s0], $0x50  }
0x5a: {  	[sflag:s0] =	ssyncset.done $0x0  }
0x5b: {  	[sflag:s0] =	ssyncadd.s32 $0xFFFFFFB0  }
0x5c: {  	_ =	swait.ge [sflag:s0], $0x50  }
0x5d: {  	[sflag:s0] =	ssyncset.done $0x0  }
0x5e: {  	[sflag:s0] =	ssyncadd.s32 $0xFFFFFFB0  }
0x5f: {  	_ =	swait.ge [sflag:s0], $0x20  }
0x60: {  	[sflag:s0] =	ssyncset.done $0x0  }
0x61: {  	[sflag:s0] =	ssyncadd.s32 $0xFFFFFFE0  }
0x62: {  	_ =	swait.ge [sflag:s0], $0x30  }
0x63: {  	[sflag:s0] =	ssyncset.done $0x0  }
0x64: {  	s25 =	simm.s32 $0x7B80;
	[sflag:s0] =	ssyncadd.s32 $0xFFFFFFD0  }
0x65: {  	[tilespmem:s25], [sflag:$0x2] =	stream.indirect.gather [hbm4b:s5+s3], $0x1, s30, s3, $0xb8;
	[tilespmem:$0x1BA00] =	vst v63  }
0x66: {  	s26 =	simm.s32 $0x7C80  }
0x67: {  	[tilespmem:s26], [sflag:$0x2] =	stream.indirect.gather [hbm4b:s7+s3], $0x1, s17, s3, $0xb8;
	[tilespmem:$0x1BA00] =	vst v63  }
0x68: {  	_ = 	snop  }
0x69: {  	[tilespmem:s28], [sflag:$0x3] =	stream.indirect.gather [hbm4b:s1+s3], $0x80, s30, s3, $0xb8;
	[tilespmem:$0x1BA00] =	vst v63  }
.LBB2_6:
0x6a: {  	_ =	swait.ge [sflag:s11], $0x50  }
0x6b: {  	[sflag:s11] =	ssyncset.done $0x0  }
0x6c: {  	[sflag:s11] =	ssyncadd.s32 $0xFFFFFFB0  }
0x6d: {  	_ =	swait.ge [sflag:s11], $0x50  }
0x6e: {  	s21 =	sand.u32 $0x1, s20;
	[sflag:s11] =	ssyncset.done $0x0  }
0x6f: {  	s18 =	sshll.u32 s21, $0x7;
	[sflag:s11] =	ssyncadd.s32 $0xFFFFFFB0  }
0x70: {  	v1 =	vld [tilespmem:s18+$0x7B80]  }
0x71: {  	v2 =	vld [tilespmem:s18+$0x7C80];
	_ =	sdelay $0x4  }
0x72: {  	s17 =	smul.u32 $0xAB, s20;
	v1 =	vadd.f32 v2, v1;
	_ =	sdelay $0x1  }
0x73: {  	s17 =	sshrl.u32 s17, $0x9;
	v2 =	vmul.f32 $2.000000030e-01, v1  }
0x74: {  	s17 =	sand.u32 $0x7F, s17;
	vm0 =	vge.f32 v1, $0.0e+00  }
0x75: {  	s17 =	smul.u32 $0x3, s17;
	v1 =	vsel vm0, v1, v2  }
0x76: {  	v1 =	vmul.f32 $1.442695020e+00, v1  }
0x77: {  	s17 =	ssub.s32 s20, s17  }
0x78: {  	s17 =	sand.u32 $0xFF, s17;
	(erf) = vpow2.f32 v1  }
0x79: {  	s17 =	sshll.u32 s17, $0x7  }
0x7a: {  	v1 =	vld [tilespmem:s17+$0x7980];
	_ =	sdelay $0x6  }
0x7b: {  	v5 =	vpop (erf)  }
0x7c: {  	[tilespmem:v1+s4+$0x0] =	vst.idx.add.f32.msk $0xffff, v5  }
0x7d: {  	v1 =	vld [tilespmem:s18+$0x7B90]  }
0x7e: {  	v2 =	vld [tilespmem:s18+$0x7C90];
	_ =	sdelay $0x4  }
0x7f: {  	v1 =	vadd.f32 v2, v1;
	_ =	sdelay $0x1  }
0x80: {  	v2 =	vmul.f32 $2.000000030e-01, v1  }
0x81: {  	vm12 =	vge.f32 v1, $0.0e+00  }
0x82: {  	v1 =	vsel vm12, v1, v2  }
0x83: {  	v1 =	vmul.f32 $1.442695020e+00, v1;
	_ =	sdelay $0x1  }
0x84: {  	(erf) = vpow2.f32 v1;
	_ =	sdelay $0x1  }
0x85: {  	v1 =	vld [tilespmem:s17+$0x7990];
	_ =	sdelay $0x6  }
0x86: {  	v4 =	vpop (erf)  }
0x87: {  	[tilespmem:v1+s4+$0x0] =	vst.idx.add.f32.msk $0xffff, v4  }
0x88: {  	v1 =	vld [tilespmem:s18+$0x7BA0]  }
0x89: {  	v2 =	vld [tilespmem:s18+$0x7CA0];
	_ =	sdelay $0x4  }
0x8a: {  	v1 =	vadd.f32 v2, v1;
	_ =	sdelay $0x1  }
0x8b: {  	v2 =	vmul.f32 $2.000000030e-01, v1  }
0x8c: {  	vm13 =	vge.f32 v1, $0.0e+00  }
0x8d: {  	v1 =	vsel vm13, v1, v2  }
0x8e: {  	v1 =	vmul.f32 $1.442695020e+00, v1;
	_ =	sdelay $0x1  }
0x8f: {  	(erf) = vpow2.f32 v1;
	_ =	sdelay $0x1  }
0x90: {  	v1 =	vld [tilespmem:s17+$0x79A0];
	_ =	sdelay $0x6  }
0x91: {  	v3 =	vpop (erf)  }
0x92: {  	[tilespmem:v1+s4+$0x0] =	vst.idx.add.f32.msk $0xffff, v3  }
0x93: {  	v1 =	vld [tilespmem:s18+$0x7BB0]  }
0x94: {  	v2 =	vld [tilespmem:s18+$0x7CB0];
	_ =	sdelay $0x4  }
0x95: {  	v1 =	vadd.f32 v2, v1;
	_ =	sdelay $0x1  }
0x96: {  	v2 =	vmul.f32 $2.000000030e-01, v1  }
0x97: {  	vm14 =	vge.f32 v1, $0.0e+00  }
0x98: {  	v1 =	vsel vm14, v1, v2  }
0x99: {  	v1 =	vmul.f32 $1.442695020e+00, v1;
	_ =	sdelay $0x1  }
0x9a: {  	(erf) = vpow2.f32 v1;
	_ =	sdelay $0x1  }
0x9b: {  	v1 =	vld [tilespmem:s17+$0x79B0];
	_ =	sdelay $0x6  }
0x9c: {  	v2 =	vpop (erf)  }
0x9d: {  	[tilespmem:v1+s4+$0x0] =	vst.idx.add.f32.msk $0xffff, v2  }
0x9e: {  	v1 =	vld [tilespmem:s18+$0x7BC0]  }
0x9f: {  	v6 =	vld [tilespmem:s18+$0x7CC0];
	_ =	sdelay $0x4  }
0xa0: {  	v1 =	vadd.f32 v6, v1;
	_ =	sdelay $0x1  }
0xa1: {  	v6 =	vmul.f32 $2.000000030e-01, v1  }
0xa2: {  	vm15 =	vge.f32 v1, $0.0e+00  }
0xa3: {  	v1 =	vsel vm15, v1, v6  }
0xa4: {  	v1 =	vmul.f32 $1.442695020e+00, v1;
	_ =	sdelay $0x1  }
0xa5: {  	(erf) = vpow2.f32 v1;
	_ =	sdelay $0x1  }
0xa6: {  	v6 =	vld [tilespmem:s17+$0x79C0];
	_ =	sdelay $0x6  }
0xa7: {  	p1 =	seq.s32 s20, $0x0;
	v1 =	vpop (erf)  }
0xa8: {  	p2 =	seq.s32 @!p1 s20, $0x7C;
	s18 =	simm.s32 @!p1 $0x4;
	[tilespmem:v6+s4+$0x0] =	vst.idx.add.f32.msk $0xffff, v1  }
0xa9: {  	p2 =	por p1, !p2;
	_ =	swait.ge @!p1 [sflag:s18], $0x1000  }
.Ltmp2:
0xaa: {  	[sflag:s18] =	ssyncset.done @!p1 $0x0;
	(pc) =	sbr.rel @!p2 .LBB2_8-.Ltmp2, $4  }
0xab: {  	[sflag:s18] =	ssyncadd.s32 @!p1 $0xFFFFF000  }
0xac: {  	_ =	swait.ge @!p1 [sflag:s18], $0x1800  }
0xad: {  	[sflag:s18] =	ssyncset.done @!p1 $0x0  }
0xae: {  	[sflag:s18] =	ssyncadd.s32 @!p1 $0xFFFFE800;
	s18 =	simm.s32 @!p1 $0x7D  }
0xaf: {  	s18 =	sadd.s32 @!p1 $0x1, s20;
	_ =	swait.ge [sflag:s0], $0x50  }
0xb0: {  	s18 =	simm.s32 @p1 $0x1;
	[sflag:s0] =	ssyncset.done $0x0  }
0xb1: {  	[sflag:s0] =	ssyncadd.s32 $0xFFFFFFB0;
	s22 =	smul.u32 $0xAB, s18  }
0xb2: {  	_ =	swait.ge [sflag:s0], $0x50  }
0xb3: {  	[sflag:s0] =	ssyncset.done $0x0;
	s22 =	sshrl.u32 s22, $0x9  }
0xb4: {  	[sflag:s0] =	ssyncadd.s32 $0xFFFFFFB0;
	s22 =	sand.u32 $0x7F, s22  }
0xb5: {  	_ =	swait.ge [sflag:s0], $0x20;
	s22 =	smul.u32 $0x3, s22  }
0xb6: {  	[sflag:s0] =	ssyncset.done $0x0  }
0xb7: {  	s23 =	sxor.u32 $0x1, s21;
	[sflag:s0] =	ssyncadd.s32 $0xFFFFFFE0;
	s22 =	ssub.s32 s18, s22  }
0xb8: {  	s24 =	sshll.u32 s23, $0x7;
	_ =	swait.ge [sflag:s0], $0x30;
	s22 =	sand.u32 $0xFF, s22  }
0xb9: {  	p1 =	sgt.u32 s20, $0x7A;
	[sflag:s0] =	ssyncset.done $0x0;
	s22 =	sshll.u32 s22, $0x7  }
0xba: {  	s25 =	sadd.s32 $0x7B80, s24;
	[sflag:s0] =	ssyncadd.s32 $0xFFFFFFD0;
	s26 =	sadd.s32 $0x7780, s22  }
0xbb: {  	[tilespmem:s25], [sflag:$0x2] =	stream.indirect.gather [hbm4b:s5+s3], $0x1, s26, s3, $0xb8;
	[tilespmem:$0x1BA00] =	vst v63  }
0xbc: {  	s24 =	sadd.s32 $0x7C80, s24;
	s22 =	sadd.s32 $0x7980, s22;
	s25 =	smul.u32 $0xA000, s23  }
0xbd: {  	[tilespmem:s24], [sflag:$0x2] =	stream.indirect.gather [hbm4b:s7+s3], $0x1, s22, s3, $0xb8;
	[tilespmem:$0x1BA00] =	vst v63  }
0xbe: {  	s20 =	sadd.s32 @!p1 $0x2, s20;
	s22 =	sshrl.u32 s25, $0x2  }
0xbf: {  	s23 =	smul.u32 @!p1 $0xAB, s20;
	s22 =	sadd.s32 $0x2780, s22  }
0xc0: {  	[tilespmem:s22], [sflag:$0x3] =	stream.indirect.gather [hbm4b:s1+s3], $0x80, s26, s3, $0xb8;
	[tilespmem:$0x1BA00] =	vst v63  }
0xc1: {  	s22 =	sshrl.u32 @!p1 s23, $0x9  }
0xc2: {  	s22 =	sand.u32 @!p1 $0x7F, s22  }
0xc3: {  	s22 =	smul.u32 @!p1 $0x3, s22  }
0xc4: {  	s23 =	smul.u32 @!p1 $0x50, s20  }
0xc5: {  	s20 =	ssub.s32 @!p1 s20, s22  }
0xc6: {  	s22 =	sadd.s32 @!p1 s6, s23;
	s20 =	sand.u32 @!p1 $0xFF, s20  }
0xc7: {  	s22 =	sshrl.u32 @!p1 s22, $0x3;
	s20 =	sshll.u32 @!p1 s20, $0x7  }
0xc8: {  	s25 =	simm.s32 @!p1 $0x0;
	s24 =	sadd.s32 @!p1 s8, s22;
	s23 =	sadd.s32 @!p1 $0x7780, s20  }
0xc9: {  	[tilespmem:s23], [sflag:$0x1] =	stream.linear.gather @!p1 [hbm4b:s24+s25], $0x50, $0x38;
	[tilespmem:$0x1BA00] =	vst v63  }
0xca: {  	s22 =	sadd.s32 @!p1 s9, s22;
	s23 =	sadd.s32 @!p1 $0x7980, s20  }
0xcb: {  	[tilespmem:s23], [sflag:$0x1] =	stream.linear.gather @!p1 [hbm4b:s22+s25], $0x50, $0x38;
	[tilespmem:$0x1BA00] =	vst v63  }
0xcc: {  	s23 =	sadd.s32 @!p1 $0x7D80, s20  }
0xcd: {  	[tilespmem:s23], [sflag:$0x1] =	stream.linear.gather @!p1 [hbm4b:s22+s25], $0x20, $0x38;
	[tilespmem:$0x1BA00] =	vst v63  }
0xce: {  	s20 =	sadd.s32 @!p1 $0x7F80, s20;
	s22 =	sadd.s32 @!p1 $0x4, s22  }
0xcf: {  	[tilespmem:s20], [sflag:$0x1] =	stream.linear.gather @!p1 [hbm4b:s22+s25], $0x30, $0x38;
	[tilespmem:$0x1BA00] =	vst v63  }
.LBB2_8:
0xd0: {  	_ =	swait.ge [sflag:s12], $0x2800  }
0xd1: {  	s20 =	smul.u32 $0x50, s21;
	[sflag:s12] =	ssyncset.done $0x0  }
0xd2: {  	s22 =	simm.s32 $0x0;
	p1 =	por $0x1, $0x1;
	[sflag:s12] =	ssyncadd.s32 $0xFFFFD800  }
.LBB2_9:
0xd3: {  	s23 =	sor.u32 s20, s22  }
0xd4: {  	s23 =	sshll.u32 s23, $0x7  }
0xd5: {  	s23 =	sand.u32 $0x3FFFFF80, s23  }
0xd6: {  	v6 =	vld [tilespmem:s23+$0x2780]  }
0xd7: {  	v7 =	vld [tilespmem:s23+$0x2790]  }
0xd8: {  	v8 =	vmov s22;
	v9 =	vld [tilespmem:s23+$0x27A0]  }
0xd9: {  	v8 =	vperm.xlane v5, v8;
	v10 =	vld [tilespmem:s23+$0x27B0]  }
0xda: {  	s24 =	sor.u32 $0x1, s22;
	v11 =	vld [tilespmem:s23+$0x27C0]  }
0xdb: {  	s25 =	sor.u32 s20, s24;
	v12 =	vld [tilespmem:s23+$0x27D0];
	v6 =	vmul.f32 v6, v8  }
0xdc: {  	s25 =	sshll.u32 s25, $0x7;
	v13 =	vld [tilespmem:s23+$0x27E0];
	v7 =	vmul.f32 v7, v8  }
0xdd: {  	v45 =	vld [tilespmem:s23+$0x27F0];
	s25 =	sand.u32 $0x3FFFFF80, s25;
	[tilespmem:s23+$0x2780] =	vst v6;
	v6 =	vmul.f32 v9, v8  }
0xde: {  	v46 =	vld [tilespmem:s25+$0x2780];
	[tilespmem:s23+$0x2790] =	vst v7;
	v7 =	vmul.f32 v10, v8  }
0xdf: {  	v47 =	vld [tilespmem:s25+$0x2790];
	[tilespmem:s23+$0x27A0] =	vst v6;
	v6 =	vmul.f32 v11, v8  }
0xe0: {  	v48 =	vmov s24;
	v14 =	vld [tilespmem:s25+$0x27A0];
	[tilespmem:s23+$0x27B0] =	vst v7;
	v7 =	vmul.f32 v12, v8  }
0xe1: {  	v49 =	vld [tilespmem:s25+$0x27B0];
	v12 =	vperm.xlane v5, v48;
	[tilespmem:s23+$0x27C0] =	vst v6;
	v6 =	vmul.f32 v13, v8  }
0xe2: {  	s10 =	sor.u32 $0x2, s22;
	v50 =	vld [tilespmem:s25+$0x27C0];
	[tilespmem:s23+$0x27D0] =	vst v7;
	v7 =	vmul.f32 v45, v8  }
0xe3: {  	s26 =	sor.u32 s20, s10;
	v51 =	vld [tilespmem:s25+$0x27D0];
	[tilespmem:s23+$0x27E0] =	vst v6;
	v6 =	vmul.f32 v46, v12  }
0xe4: {  	s26 =	sshll.u32 s26, $0x7;
	v52 =	vld [tilespmem:s25+$0x27E0];
	[tilespmem:s23+$0x27F0] =	vst v7;
	v7 =	vmul.f32 v47, v12  }
0xe5: {  	v53 =	vld [tilespmem:s25+$0x27F0];
	s23 =	sand.u32 $0x3FFFFF80, s26;
	[tilespmem:s25+$0x2780] =	vst v6;
	v6 =	vmul.f32 v14, v12  }
0xe6: {  	v54 =	vld [tilespmem:s23+$0x2780];
	[tilespmem:s25+$0x2790] =	vst v7;
	v7 =	vmul.f32 v49, v12  }
0xe7: {  	v55 =	vld [tilespmem:s23+$0x2790];
	[tilespmem:s25+$0x27A0] =	vst v6;
	v6 =	vmul.f32 v50, v12  }
0xe8: {  	v56 =	vmov s10;
	v57 =	vld [tilespmem:s23+$0x27A0];
	[tilespmem:s25+$0x27B0] =	vst v7;
	v7 =	vmul.f32 v51, v12  }
0xe9: {  	v9 =	vperm.xlane v5, v56;
	v58 =	vld [tilespmem:s23+$0x27B0];
	[tilespmem:s25+$0x27C0] =	vst v6;
	v6 =	vmul.f32 v52, v12  }
0xea: {  	s24 =	sor.u32 $0x3, s22;
	v59 =	vld [tilespmem:s23+$0x27C0];
	[tilespmem:s25+$0x27D0] =	vst v7;
	v7 =	vmul.f32 v53, v12  }
0xeb: {  	s10 =	sor.u32 s20, s24;
	v60 =	vld [tilespmem:s23+$0x27D0];
	[tilespmem:s25+$0x27E0] =	vst v6;
	v6 =	vmul.f32 v54, v9  }
0xec: {  	s26 =	sshll.u32 s10, $0x7;
	v61 =	vld [tilespmem:s23+$0x27E0];
	[tilespmem:s25+$0x27F0] =	vst v7;
	v7 =	vmul.f32 v55, v9  }
0xed: {  	v62 =	vld [tilespmem:s23+$0x27F0];
	s25 =	sand.u32 $0x3FFFFF80, s26;
	[tilespmem:s23+$0x2780] =	vst v6;
	v6 =	vmul.f32 v57, v9  }
0xee: {  	v63 =	vld [tilespmem:s25+$0x2780];
	[tilespmem:s23+$0x2790] =	vst v7;
	v7 =	vmul.f32 v58, v9  }
0xef: {  	v16 =	vld [tilespmem:s25+$0x2790];
	[tilespmem:s23+$0x27A0] =	vst v6;
	v6 =	vmul.f32 v59, v9  }
0xf0: {  	v17 =	vmov s24;
	v18 =	vld [tilespmem:s25+$0x27A0];
	[tilespmem:s23+$0x27B0] =	vst v7;
	v7 =	vmul.f32 v60, v9  }
0xf1: {  	v19 =	vperm.xlane v5, v17;
	v20 =	vld [tilespmem:s25+$0x27B0];
	[tilespmem:s23+$0x27C0] =	vst v6;
	v6 =	vmul.f32 v61, v9  }
0xf2: {  	s24 =	sor.u32 $0x4, s22;
	v21 =	vld [tilespmem:s25+$0x27C0];
	[tilespmem:s23+$0x27D0] =	vst v7;
	v7 =	vmul.f32 v62, v9  }
0xf3: {  	s10 =	sor.u32 s20, s24;
	v22 =	vld [tilespmem:s25+$0x27D0];
	[tilespmem:s23+$0x27E0] =	vst v6;
	v6 =	vmul.f32 v63, v19  }
0xf4: {  	s26 =	sshll.u32 s10, $0x7;
	v23 =	vld [tilespmem:s25+$0x27E0];
	[tilespmem:s23+$0x27F0] =	vst v7;
	v7 =	vmul.f32 v16, v19  }
0xf5: {  	v24 =	vld [tilespmem:s25+$0x27F0];
	s23 =	sand.u32 $0x3FFFFF80, s26;
	[tilespmem:s25+$0x2780] =	vst v6;
	v6 =	vmul.f32 v18, v19  }
0xf6: {  	v25 =	vld [tilespmem:s23+$0x2780];
	[tilespmem:s25+$0x2790] =	vst v7;
	v7 =	vmul.f32 v20, v19  }
0xf7: {  	v26 =	vld [tilespmem:s23+$0x2790];
	[tilespmem:s25+$0x27A0] =	vst v6;
	v6 =	vmul.f32 v21, v19  }
0xf8: {  	v27 =	vmov s24;
	v28 =	vld [tilespmem:s23+$0x27A0];
	[tilespmem:s25+$0x27B0] =	vst v7;
	v7 =	vmul.f32 v22, v19  }
0xf9: {  	v10 =	vperm.xlane v5, v27;
	v29 =	vld [tilespmem:s23+$0x27B0];
	[tilespmem:s25+$0x27C0] =	vst v6;
	v6 =	vmul.f32 v23, v19  }
0xfa: {  	s24 =	sor.u32 $0x5, s22;
	v30 =	vld [tilespmem:s23+$0x27C0];
	[tilespmem:s25+$0x27D0] =	vst v7;
	v7 =	vmul.f32 v24, v19  }
0xfb: {  	s10 =	sor.u32 s20, s24;
	v31 =	vld [tilespmem:s23+$0x27D0];
	[tilespmem:s25+$0x27E0] =	vst v6;
	v6 =	vmul.f32 v25, v10  }
0xfc: {  	s26 =	sshll.u32 s10, $0x7;
	v32 =	vld [tilespmem:s23+$0x27E0];
	[tilespmem:s25+$0x27F0] =	vst v7;
	v7 =	vmul.f32 v26, v10  }
0xfd: {  	v33 =	vld [tilespmem:s23+$0x27F0];
	s25 =	sand.u32 $0x3FFFFF80, s26;
	[tilespmem:s23+$0x2780] =	vst v6;
	v6 =	vmul.f32 v28, v10  }
0xfe: {  	v34 =	vld [tilespmem:s25+$0x2780];
	[tilespmem:s23+$0x2790] =	vst v7;
	v7 =	vmul.f32 v29, v10  }
0xff: {  	v35 =	vld [tilespmem:s25+$0x2790];
	[tilespmem:s23+$0x27A0] =	vst v6;
	v6 =	vmul.f32 v30, v10  }
0x100: {  	v36 =	vmov s24;
	v37 =	vld [tilespmem:s25+$0x27A0];
	[tilespmem:s23+$0x27B0] =	vst v7;
	v7 =	vmul.f32 v31, v10  }
0x101: {  	v38 =	vperm.xlane v5, v36;
	v39 =	vld [tilespmem:s25+$0x27B0];
	[tilespmem:s23+$0x27C0] =	vst v6;
	v6 =	vmul.f32 v32, v10  }
0x102: {  	s24 =	sor.u32 $0x6, s22;
	v40 =	vld [tilespmem:s25+$0x27C0];
	[tilespmem:s23+$0x27D0] =	vst v7;
	v7 =	vmul.f32 v33, v10  }
0x103: {  	s10 =	sor.u32 s20, s24;
	v41 =	vld [tilespmem:s25+$0x27D0];
	[tilespmem:s23+$0x27E0] =	vst v6;
	v6 =	vmul.f32 v34, v38  }
0x104: {  	s26 =	sshll.u32 s10, $0x7;
	v42 =	vld [tilespmem:s25+$0x27E0];
	[tilespmem:s23+$0x27F0] =	vst v7;
	v7 =	vmul.f32 v35, v38  }
0x105: {  	v43 =	vld [tilespmem:s25+$0x27F0];
	s23 =	sand.u32 $0x3FFFFF80, s26;
	[tilespmem:s25+$0x2780] =	vst v6;
	v6 =	vmul.f32 v37, v38  }
0x106: {  	v44 =	vld [tilespmem:s23+$0x2780];
	[tilespmem:s25+$0x2790] =	vst v7;
	v7 =	vmul.f32 v39, v38  }
0x107: {  	v45 =	vld [tilespmem:s23+$0x2790];
	[tilespmem:s25+$0x27A0] =	vst v6;
	v6 =	vmul.f32 v40, v38  }
0x108: {  	v46 =	vmov s24;
	v47 =	vld [tilespmem:s23+$0x27A0];
	[tilespmem:s25+$0x27B0] =	vst v7;
	v7 =	vmul.f32 v41, v38  }
0x109: {  	v48 =	vperm.xlane v5, v46;
	v49 =	vld [tilespmem:s23+$0x27B0];
	[tilespmem:s25+$0x27C0] =	vst v6;
	v6 =	vmul.f32 v42, v38  }
0x10a: {  	s10 =	sor.u32 $0x7, s22;
	v50 =	vld [tilespmem:s23+$0x27C0];
	[tilespmem:s25+$0x27D0] =	vst v7;
	v7 =	vmul.f32 v43, v38  }
0x10b: {  	s26 =	sor.u32 s20, s10;
	v51 =	vld [tilespmem:s23+$0x27D0];
	[tilespmem:s25+$0x27E0] =	vst v6;
	v6 =	vmul.f32 v44, v48  }
0x10c: {  	v52 =	vld [tilespmem:s23+$0x27E0];
	s24 =	sshll.u32 s26, $0x7;
	[tilespmem:s25+$0x27F0] =	vst v7;
	v7 =	vmul.f32 v45, v48  }
0x10d: {  	v53 =	vld [tilespmem:s23+$0x27F0];
	s24 =	sand.u32 $0x3FFFFF80, s24;
	[tilespmem:s23+$0x2780] =	vst v6;
	v6 =	vmul.f32 v47, v48  }
0x10e: {  	v54 =	vld [tilespmem:s24+$0x2780];
	[tilespmem:s23+$0x2790] =	vst v7;
	v7 =	vmul.f32 v49, v48  }
0x10f: {  	v55 =	vld [tilespmem:s24+$0x2790];
	[tilespmem:s23+$0x27A0] =	vst v6;
	v6 =	vmul.f32 v50, v48  }
0x110: {  	v56 =	vmov s10;
	v57 =	vld [tilespmem:s24+$0x27A0];
	[tilespmem:s23+$0x27B0] =	vst v7;
	v7 =	vmul.f32 v51, v48  }
0x111: {  	v58 =	vperm.xlane v5, v56;
	v59 =	vld [tilespmem:s24+$0x27B0];
	[tilespmem:s23+$0x27C0] =	vst v6;
	v6 =	vmul.f32 v52, v48  }
0x112: {  	v60 =	vld [tilespmem:s24+$0x27C0];
	[tilespmem:s23+$0x27D0] =	vst v7;
	v7 =	vmul.f32 v53, v48  }
0x113: {  	v61 =	vld [tilespmem:s24+$0x27D0];
	[tilespmem:s23+$0x27E0] =	vst v6;
	v6 =	vmul.f32 v54, v58  }
0x114: {  	v62 =	vld [tilespmem:s24+$0x27E0];
	[tilespmem:s23+$0x27F0] =	vst v7;
	v7 =	vmul.f32 v55, v58  }
0x115: {  	v63 =	vld [tilespmem:s24+$0x27F0];
	[tilespmem:s24+$0x2780] =	vst v6;
	v6 =	vmul.f32 v57, v58  }
0x116: {  	[tilespmem:s24+$0x2790] =	vst v7;
	v7 =	vmul.f32 v59, v58  }
0x117: {  	p2 =	por p1, p1;
	[tilespmem:s24+$0x27A0] =	vst v6;
	v6 =	vmul.f32 v60, v58  }
.Ltmp3:
0x118: {  	[tilespmem:s24+$0x27B0] =	vst v7;
	v7 =	vmul.f32 v61, v58;
	(pc) =	sbr.rel @p2 .LBB2_9-.Ltmp3, $4  }
0x119: {  	[tilespmem:s24+$0x27C0] =	vst v6;
	v6 =	vmul.f32 v62, v58  }
0x11a: {  	[tilespmem:s24+$0x27D0] =	vst v7;
	v7 =	vmul.f32 v63, v58  }
0x11b: {  	[tilespmem:s24+$0x27E0] =	vst v6  }
0x11c: {  	p1 =	por $0x0, $0x0;
	s22 =	simm.s32 $0x8;
	[tilespmem:s24+$0x27F0] =	vst v7  }
0x11d: {  	s22 =	sadd.s32 $0x10, s20;
	s23 =	simm.s32 $0x0;
	p1 =	por $0x1, $0x1  }
.LBB2_11:
0x11e: {  	s24 =	sor.u32 s22, s23  }
0x11f: {  	s24 =	sshll.u32 s24, $0x7  }
0x120: {  	s24 =	sand.u32 $0x3FFFFF80, s24  }
0x121: {  	v5 =	vld [tilespmem:s24+$0x2780]  }
0x122: {  	v6 =	vld [tilespmem:s24+$0x2790]  }
0x123: {  	v7 =	vmov s23;
	v8 =	vld [tilespmem:s24+$0x27A0]  }
0x124: {  	v7 =	vperm.xlane v4, v7;
	v9 =	vld [tilespmem:s24+$0x27B0]  }
0x125: {  	s25 =	sor.u32 $0x1, s23;
	v10 =	vld [tilespmem:s24+$0x27C0]  }
0x126: {  	s26 =	sor.u32 s22, s25;
	v11 =	vld [tilespmem:s24+$0x27D0];
	v5 =	vmul.f32 v5, v7  }
0x127: {  	s26 =	sshll.u32 s26, $0x7;
	v12 =	vld [tilespmem:s24+$0x27E0];
	v6 =	vmul.f32 v6, v7  }
0x128: {  	v54 =	vld [tilespmem:s24+$0x27F0];
	s26 =	sand.u32 $0x3FFFFF80, s26;
	[tilespmem:s24+$0x2780] =	vst v5;
	v5 =	vmul.f32 v8, v7  }
0x129: {  	v55 =	vld [tilespmem:s26+$0x2780];
	[tilespmem:s24+$0x2790] =	vst v6;
	v6 =	vmul.f32 v9, v7  }
0x12a: {  	v56 =	vld [tilespmem:s26+$0x2790];
	[tilespmem:s24+$0x27A0] =	vst v5;
	v5 =	vmul.f32 v10, v7  }
0x12b: {  	v57 =	vmov s25;
	v13 =	vld [tilespmem:s26+$0x27A0];
	[tilespmem:s24+$0x27B0] =	vst v6;
	v6 =	vmul.f32 v11, v7  }
0x12c: {  	v58 =	vld [tilespmem:s26+$0x27B0];
	v11 =	vperm.xlane v4, v57;
	[tilespmem:s24+$0x27C0] =	vst v5;
	v5 =	vmul.f32 v12, v7  }
0x12d: {  	s25 =	sor.u32 $0x2, s23;
	[tilespmem:s24+$0x27D0] =	vst v6;
	v6 =	vmul.f32 v54, v7;
	v7 =	vld [tilespmem:s26+$0x27C0]  }
0x12e: {  	s10 =	sor.u32 s22, s25;
	v59 =	vld [tilespmem:s26+$0x27D0];
	[tilespmem:s24+$0x27E0] =	vst v5;
	v5 =	vmul.f32 v55, v11  }
0x12f: {  	s10 =	sshll.u32 s10, $0x7;
	v60 =	vld [tilespmem:s26+$0x27E0];
	[tilespmem:s24+$0x27F0] =	vst v6;
	v6 =	vmul.f32 v56, v11  }
0x130: {  	v61 =	vld [tilespmem:s26+$0x27F0];
	s10 =	sand.u32 $0x3FFFFF80, s10;
	[tilespmem:s26+$0x2780] =	vst v5;
	v5 =	vmul.f32 v13, v11  }
0x131: {  	v62 =	vld [tilespmem:s10+$0x2780];
	[tilespmem:s26+$0x2790] =	vst v6;
	v6 =	vmul.f32 v58, v11  }
0x132: {  	[tilespmem:s26+$0x27A0] =	vst v5;
	v5 =	vmul.f32 v7, v11;
	v7 =	vld [tilespmem:s10+$0x2790]  }
0x133: {  	v63 =	vmov s25;
	v16 =	vld [tilespmem:s10+$0x27A0];
	[tilespmem:s26+$0x27B0] =	vst v6;
	v6 =	vmul.f32 v59, v11  }
0x134: {  	v17 =	vld [tilespmem:s10+$0x27B0];
	v8 =	vperm.xlane v4, v63;
	[tilespmem:s26+$0x27C0] =	vst v5;
	v5 =	vmul.f32 v60, v11  }
0x135: {  	v18 =	vld [tilespmem:s10+$0x27C0];
	s24 =	sor.u32 $0x3, s23;
	[tilespmem:s26+$0x27D0] =	vst v6;
	v6 =	vmul.f32 v61, v11  }
0x136: {  	v19 =	vld [tilespmem:s10+$0x27D0];
	s25 =	sor.u32 s22, s24;
	[tilespmem:s26+$0x27E0] =	vst v5;
	v5 =	vmul.f32 v62, v8  }
0x137: {  	s25 =	sshll.u32 s25, $0x7;
	[tilespmem:s26+$0x27F0] =	vst v6;
	v6 =	vmul.f32 v7, v8;
	v7 =	vld [tilespmem:s10+$0x27E0]  }
0x138: {  	v20 =	vld [tilespmem:s10+$0x27F0];
	s25 =	sand.u32 $0x3FFFFF80, s25;
	[tilespmem:s10+$0x2780] =	vst v5;
	v5 =	vmul.f32 v16, v8  }
0x139: {  	v21 =	vld [tilespmem:s25+$0x2780];
	[tilespmem:s10+$0x2790] =	vst v6;
	v6 =	vmul.f32 v17, v8  }
0x13a: {  	v22 =	vld [tilespmem:s25+$0x2790];
	[tilespmem:s10+$0x27A0] =	vst v5;
	v5 =	vmul.f32 v18, v8  }
0x13b: {  	v23 =	vmov s24;
	v24 =	vld [tilespmem:s25+$0x27A0];
	[tilespmem:s10+$0x27B0] =	vst v6;
	v6 =	vmul.f32 v19, v8  }
0x13c: {  	v25 =	vld [tilespmem:s25+$0x27B0];
	[tilespmem:s10+$0x27C0] =	vst v5;
	v5 =	vmul.f32 v7, v8;
	v7 =	vperm.xlane v4, v23  }
0x13d: {  	s24 =	sor.u32 $0x4, s23;
	v26 =	vld [tilespmem:s25+$0x27C0];
	[tilespmem:s10+$0x27D0] =	vst v6;
	v6 =	vmul.f32 v20, v8  }
0x13e: {  	v27 =	vld [tilespmem:s25+$0x27D0];
	s26 =	sor.u32 s22, s24;
	[tilespmem:s10+$0x27E0] =	vst v5;
	v5 =	vmul.f32 v21, v7  }
0x13f: {  	v28 =	vld [tilespmem:s25+$0x27E0];
	s26 =	sshll.u32 s26, $0x7;
	[tilespmem:s10+$0x27F0] =	vst v6;
	v6 =	vmul.f32 v22, v7  }
0x140: {  	v29 =	vld [tilespmem:s25+$0x27F0];
	s10 =	sand.u32 $0x3FFFFF80, s26;
	[tilespmem:s25+$0x2780] =	vst v5;
	v5 =	vmul.f32 v24, v7  }
0x141: {  	v30 =	vld [tilespmem:s10+$0x2780];
	[tilespmem:s25+$0x2790] =	vst v6;
	v6 =	vmul.f32 v25, v7  }
0x142: {  	v31 =	vld [tilespmem:s10+$0x2790];
	[tilespmem:s25+$0x27A0] =	vst v5;
	v5 =	vmul.f32 v26, v7  }
0x143: {  	v32 =	vmov s24;
	v33 =	vld [tilespmem:s10+$0x27A0];
	[tilespmem:s25+$0x27B0] =	vst v6;
	v6 =	vmul.f32 v27, v7  }
0x144: {  	v9 =	vperm.xlane v4, v32;
	v34 =	vld [tilespmem:s10+$0x27B0];
	[tilespmem:s25+$0x27C0] =	vst v5;
	v5 =	vmul.f32 v28, v7  }
0x145: {  	s24 =	sor.u32 $0x5, s23;
	[tilespmem:s25+$0x27D0] =	vst v6;
	v6 =	vmul.f32 v29, v7;
	v7 =	vld [tilespmem:s10+$0x27C0]  }
0x146: {  	s26 =	sor.u32 s22, s24;
	v35 =	vld [tilespmem:s10+$0x27D0];
	[tilespmem:s25+$0x27E0] =	vst v5;
	v5 =	vmul.f32 v30, v9  }
0x147: {  	v36 =	vld [tilespmem:s10+$0x27E0];
	s26 =	sshll.u32 s26, $0x7;
	[tilespmem:s25+$0x27F0] =	vst v6;
	v6 =	vmul.f32 v31, v9  }
0x148: {  	v37 =	vld [tilespmem:s10+$0x27F0];
	s25 =	sand.u32 $0x3FFFFF80, s26;
	[tilespmem:s10+$0x2780] =	vst v5;
	v5 =	vmul.f32 v33, v9  }
0x149: {  	v38 =	vld [tilespmem:s25+$0x2780];
	[tilespmem:s10+$0x2790] =	vst v6;
	v6 =	vmul.f32 v34, v9  }
0x14a: {  	[tilespmem:s10+$0x27A0] =	vst v5;
	v5 =	vmul.f32 v7, v9;
	v7 =	vld [tilespmem:s25+$0x2790]  }
0x14b: {  	v39 =	vmov s24;
	v40 =	vld [tilespmem:s25+$0x27A0];
	[tilespmem:s10+$0x27B0] =	vst v6;
	v6 =	vmul.f32 v35, v9  }
0x14c: {  	v41 =	vperm.xlane v4, v39;
	v42 =	vld [tilespmem:s25+$0x27B0];
	[tilespmem:s10+$0x27C0] =	vst v5;
	v5 =	vmul.f32 v36, v9  }
0x14d: {  	s24 =	sor.u32 $0x6, s23;
	v43 =	vld [tilespmem:s25+$0x27C0];
	[tilespmem:s10+$0x27D0] =	vst v6;
	v6 =	vmul.f32 v37, v9  }
0x14e: {  	s26 =	sor.u32 s22, s24;
	v44 =	vld [tilespmem:s25+$0x27D0];
	[tilespmem:s10+$0x27E0] =	vst v5;
	v5 =	vmul.f32 v38, v41  }
0x14f: {  	s26 =	sshll.u32 s26, $0x7;
	[tilespmem:s10+$0x27F0] =	vst v6;
	v6 =	vmul.f32 v7, v41;
	v7 =	vld [tilespmem:s25+$0x27E0]  }
0x150: {  	v45 =	vld [tilespmem:s25+$0x27F0];
	s10 =	sand.u32 $0x3FFFFF80, s26;
	[tilespmem:s25+$0x2780] =	vst v5;
	v5 =	vmul.f32 v40, v41  }
0x151: {  	v46 =	vld [tilespmem:s10+$0x2780];
	[tilespmem:s25+$0x2790] =	vst v6;
	v6 =	vmul.f32 v42, v41  }
0x152: {  	v47 =	vld [tilespmem:s10+$0x2790];
	[tilespmem:s25+$0x27A0] =	vst v5;
	v5 =	vmul.f32 v43, v41  }
0x153: {  	v48 =	vmov s24;
	v49 =	vld [tilespmem:s10+$0x27A0];
	[tilespmem:s25+$0x27B0] =	vst v6;
	v6 =	vmul.f32 v44, v41  }
0x154: {  	v50 =	vld [tilespmem:s10+$0x27B0];
	[tilespmem:s25+$0x27C0] =	vst v5;
	v5 =	vmul.f32 v7, v41;
	v7 =	vperm.xlane v4, v48  }
0x155: {  	s23 =	sor.u32 $0x7, s23;
	v51 =	vld [tilespmem:s10+$0x27C0];
	[tilespmem:s25+$0x27D0] =	vst v6;
	v6 =	vmul.f32 v45, v41  }
0x156: {  	s26 =	sor.u32 s22, s23;
	v52 =	vld [tilespmem:s10+$0x27D0];
	[tilespmem:s25+$0x27E0] =	vst v5;
	v5 =	vmul.f32 v46, v7  }
0x157: {  	v53 =	vld [tilespmem:s10+$0x27E0];
	s24 =	sshll.u32 s26, $0x7;
	[tilespmem:s25+$0x27F0] =	vst v6;
	v6 =	vmul.f32 v47, v7  }
0x158: {  	v54 =	vld [tilespmem:s10+$0x27F0];
	s24 =	sand.u32 $0x3FFFFF80, s24;
	[tilespmem:s10+$0x2780] =	vst v5;
	v5 =	vmul.f32 v49, v7  }
0x159: {  	v55 =	vld [tilespmem:s24+$0x2780];
	[tilespmem:s10+$0x2790] =	vst v6;
	v6 =	vmul.f32 v50, v7  }
0x15a: {  	v56 =	vld [tilespmem:s24+$0x2790];
	[tilespmem:s10+$0x27A0] =	vst v5;
	v5 =	vmul.f32 v51, v7  }
0x15b: {  	v57 =	vmov s23;
	v58 =	vld [tilespmem:s24+$0x27A0];
	[tilespmem:s10+$0x27B0] =	vst v6;
	v6 =	vmul.f32 v52, v7  }
0x15c: {  	v59 =	vperm.xlane v4, v57;
	v60 =	vld [tilespmem:s24+$0x27B0];
	[tilespmem:s10+$0x27C0] =	vst v5;
	v5 =	vmul.f32 v53, v7  }
0x15d: {  	[tilespmem:s10+$0x27D0] =	vst v6;
	v6 =	vmul.f32 v54, v7;
	v7 =	vld [tilespmem:s24+$0x27C0]  }
0x15e: {  	v61 =	vld [tilespmem:s24+$0x27D0];
	[tilespmem:s10+$0x27E0] =	vst v5;
	v5 =	vmul.f32 v55, v59  }
0x15f: {  	v62 =	vld [tilespmem:s24+$0x27E0];
	[tilespmem:s10+$0x27F0] =	vst v6;
	v6 =	vmul.f32 v56, v59  }
0x160: {  	v63 =	vld [tilespmem:s24+$0x27F0];
	[tilespmem:s24+$0x2780] =	vst v5;
	v5 =	vmul.f32 v58, v59  }
0x161: {  	[tilespmem:s24+$0x2790] =	vst v6;
	v6 =	vmul.f32 v60, v59  }
0x162: {  	p2 =	por p1, p1;
	[tilespmem:s24+$0x27A0] =	vst v5;
	v5 =	vmul.f32 v7, v59  }
.Ltmp4:
0x163: {  	[tilespmem:s24+$0x27B0] =	vst v6;
	v6 =	vmul.f32 v61, v59;
	(pc) =	sbr.rel @p2 .LBB2_11-.Ltmp4, $4  }
0x164: {  	[tilespmem:s24+$0x27C0] =	vst v5;
	v5 =	vmul.f32 v62, v59  }
0x165: {  	[tilespmem:s24+$0x27D0] =	vst v6;
	v6 =	vmul.f32 v63, v59  }
0x166: {  	[tilespmem:s24+$0x27E0] =	vst v5  }
0x167: {  	p1 =	por $0x0, $0x0;
	s23 =	simm.s32 $0x8;
	[tilespmem:s24+$0x27F0] =	vst v6  }
0x168: {  	s10 =	smul.u32 $0xA000, s21;
	_ =	sdelay $0x1  }
0x169: {  	s21 =	sshrl.u32 s10, $0x2  }
0x16a: {  	s22 =	sadd.s32 $0x7D80, s17;
	s10 =	sadd.s32 $0x2780, s21  }
0x16b: {  	[spmem:s2] =	stream.indirect.scatter.add.f32 [tilespmem:s10], [sflag:$0x4], $0x80, s22, s13, $0xb8;
	[tilespmem:$0x1BA00] =	vst v63  }
0x16c: {  	s23 =	simm.s32 $0x0;
	p1 =	por $0x1, $0x1;
	s22 =	sadd.s32 $0x20, s20  }
.LBB2_13:
0x16d: {  	s10 =	sor.u32 s22, s23  }
0x16e: {  	s10 =	sshll.u32 s10, $0x7  }
0x16f: {  	s10 =	sand.u32 $0x3FFFFF80, s10  }
0x170: {  	v4 =	vld [tilespmem:s10+$0x2780]  }
0x171: {  	v5 =	vld [tilespmem:s10+$0x2790]  }
0x172: {  	v6 =	vmov s23;
	v7 =	vld [tilespmem:s10+$0x27A0]  }
0x173: {  	v6 =	vperm.xlane v3, v6;
	v8 =	vld [tilespmem:s10+$0x27B0]  }
0x174: {  	s24 =	sor.u32 $0x1, s23;
	v9 =	vld [tilespmem:s10+$0x27C0]  }
0x175: {  	s25 =	sor.u32 s22, s24;
	v10 =	vld [tilespmem:s10+$0x27D0];
	v4 =	vmul.f32 v4, v6  }
0x176: {  	s25 =	sshll.u32 s25, $0x7;
	v11 =	vld [tilespmem:s10+$0x27E0];
	v5 =	vmul.f32 v5, v6  }
0x177: {  	v45 =	vld [tilespmem:s10+$0x27F0];
	s25 =	sand.u32 $0x3FFFFF80, s25;
	[tilespmem:s10+$0x2780] =	vst v4;
	v4 =	vmul.f32 v7, v6  }
0x178: {  	v46 =	vld [tilespmem:s25+$0x2780];
	[tilespmem:s10+$0x2790] =	vst v5;
	v5 =	vmul.f32 v8, v6  }
0x179: {  	v47 =	vld [tilespmem:s25+$0x2790];
	[tilespmem:s10+$0x27A0] =	vst v4;
	v4 =	vmul.f32 v9, v6  }
0x17a: {  	v48 =	vmov s24;
	v12 =	vld [tilespmem:s25+$0x27A0];
	[tilespmem:s10+$0x27B0] =	vst v5;
	v5 =	vmul.f32 v10, v6  }
0x17b: {  	v49 =	vld [tilespmem:s25+$0x27B0];
	v10 =	vperm.xlane v3, v48;
	[tilespmem:s10+$0x27C0] =	vst v4;
	v4 =	vmul.f32 v11, v6  }
0x17c: {  	s24 =	sor.u32 $0x2, s23;
	v50 =	vld [tilespmem:s25+$0x27C0];
	[tilespmem:s10+$0x27D0] =	vst v5;
	v5 =	vmul.f32 v45, v6  }
0x17d: {  	s26 =	sor.u32 s22, s24;
	v51 =	vld [tilespmem:s25+$0x27D0];
	[tilespmem:s10+$0x27E0] =	vst v4;
	v4 =	vmul.f32 v46, v10  }
0x17e: {  	s26 =	sshll.u32 s26, $0x7;
	v52 =	vld [tilespmem:s25+$0x27E0];
	[tilespmem:s10+$0x27F0] =	vst v5;
	v5 =	vmul.f32 v47, v10  }
0x17f: {  	v53 =	vld [tilespmem:s25+$0x27F0];
	s10 =	sand.u32 $0x3FFFFF80, s26;
	[tilespmem:s25+$0x2780] =	vst v4;
	v4 =	vmul.f32 v12, v10  }
0x180: {  	v54 =	vld [tilespmem:s10+$0x2780];
	[tilespmem:s25+$0x2790] =	vst v5;
	v5 =	vmul.f32 v49, v10  }
0x181: {  	v55 =	vld [tilespmem:s10+$0x2790];
	[tilespmem:s25+$0x27A0] =	vst v4;
	v4 =	vmul.f32 v50, v10  }
0x182: {  	v56 =	vmov s24;
	v57 =	vld [tilespmem:s10+$0x27A0];
	[tilespmem:s25+$0x27B0] =	vst v5;
	v5 =	vmul.f32 v51, v10  }
0x183: {  	v7 =	vperm.xlane v3, v56;
	v58 =	vld [tilespmem:s10+$0x27B0];
	[tilespmem:s25+$0x27C0] =	vst v4;
	v4 =	vmul.f32 v52, v10  }
0x184: {  	s24 =	sor.u32 $0x3, s23;
	v59 =	vld [tilespmem:s10+$0x27C0];
	[tilespmem:s25+$0x27D0] =	vst v5;
	v5 =	vmul.f32 v53, v10  }
0x185: {  	s26 =	sor.u32 s22, s24;
	v60 =	vld [tilespmem:s10+$0x27D0];
	[tilespmem:s25+$0x27E0] =	vst v4;
	v4 =	vmul.f32 v54, v7  }
0x186: {  	v61 =	vld [tilespmem:s10+$0x27E0];
	s26 =	sshll.u32 s26, $0x7;
	[tilespmem:s25+$0x27F0] =	vst v5;
	v5 =	vmul.f32 v55, v7  }
0x187: {  	v62 =	vld [tilespmem:s10+$0x27F0];
	s25 =	sand.u32 $0x3FFFFF80, s26;
	[tilespmem:s10+$0x2780] =	vst v4;
	v4 =	vmul.f32 v57, v7  }
0x188: {  	v63 =	vld [tilespmem:s25+$0x2780];
	[tilespmem:s10+$0x2790] =	vst v5;
	v5 =	vmul.f32 v58, v7  }
0x189: {  	v16 =	vld [tilespmem:s25+$0x2790];
	[tilespmem:s10+$0x27A0] =	vst v4;
	v4 =	vmul.f32 v59, v7  }
0x18a: {  	v17 =	vmov s24;
	v18 =	vld [tilespmem:s25+$0x27A0];
	[tilespmem:s10+$0x27B0] =	vst v5;
	v5 =	vmul.f32 v60, v7  }
0x18b: {  	v19 =	vperm.xlane v3, v17;
	v20 =	vld [tilespmem:s25+$0x27B0];
	[tilespmem:s10+$0x27C0] =	vst v4;
	v4 =	vmul.f32 v61, v7  }
0x18c: {  	s24 =	sor.u32 $0x4, s23;
	v21 =	vld [tilespmem:s25+$0x27C0];
	[tilespmem:s10+$0x27D0] =	vst v5;
	v5 =	vmul.f32 v62, v7  }
0x18d: {  	s26 =	sor.u32 s22, s24;
	v22 =	vld [tilespmem:s25+$0x27D0];
	[tilespmem:s10+$0x27E0] =	vst v4;
	v4 =	vmul.f32 v63, v19  }
0x18e: {  	v23 =	vld [tilespmem:s25+$0x27E0];
	s26 =	sshll.u32 s26, $0x7;
	[tilespmem:s10+$0x27F0] =	vst v5;
	v5 =	vmul.f32 v16, v19  }
0x18f: {  	v24 =	vld [tilespmem:s25+$0x27F0];
	s10 =	sand.u32 $0x3FFFFF80, s26;
	[tilespmem:s25+$0x2780] =	vst v4;
	v4 =	vmul.f32 v18, v19  }
0x190: {  	v25 =	vld [tilespmem:s10+$0x2780];
	[tilespmem:s25+$0x2790] =	vst v5;
	v5 =	vmul.f32 v20, v19  }
0x191: {  	v26 =	vld [tilespmem:s10+$0x2790];
	[tilespmem:s25+$0x27A0] =	vst v4;
	v4 =	vmul.f32 v21, v19  }
0x192: {  	v27 =	vmov s24;
	v28 =	vld [tilespmem:s10+$0x27A0];
	[tilespmem:s25+$0x27B0] =	vst v5;
	v5 =	vmul.f32 v22, v19  }
0x193: {  	v8 =	vperm.xlane v3, v27;
	v29 =	vld [tilespmem:s10+$0x27B0];
	[tilespmem:s25+$0x27C0] =	vst v4;
	v4 =	vmul.f32 v23, v19  }
0x194: {  	s24 =	sor.u32 $0x5, s23;
	v30 =	vld [tilespmem:s10+$0x27C0];
	[tilespmem:s25+$0x27D0] =	vst v5;
	v5 =	vmul.f32 v24, v19  }
0x195: {  	s26 =	sor.u32 s22, s24;
	v31 =	vld [tilespmem:s10+$0x27D0];
	[tilespmem:s25+$0x27E0] =	vst v4;
	v4 =	vmul.f32 v25, v8  }
0x196: {  	v32 =	vld [tilespmem:s10+$0x27E0];
	s26 =	sshll.u32 s26, $0x7;
	[tilespmem:s25+$0x27F0] =	vst v5;
	v5 =	vmul.f32 v26, v8  }
0x197: {  	v33 =	vld [tilespmem:s10+$0x27F0];
	s25 =	sand.u32 $0x3FFFFF80, s26;
	[tilespmem:s10+$0x2780] =	vst v4;
	v4 =	vmul.f32 v28, v8  }
0x198: {  	v34 =	vld [tilespmem:s25+$0x2780];
	[tilespmem:s10+$0x2790] =	vst v5;
	v5 =	vmul.f32 v29, v8  }
0x199: {  	v35 =	vld [tilespmem:s25+$0x2790];
	[tilespmem:s10+$0x27A0] =	vst v4;
	v4 =	vmul.f32 v30, v8  }
0x19a: {  	v36 =	vmov s24;
	v37 =	vld [tilespmem:s25+$0x27A0];
	[tilespmem:s10+$0x27B0] =	vst v5;
	v5 =	vmul.f32 v31, v8  }
0x19b: {  	v38 =	vperm.xlane v3, v36;
	v39 =	vld [tilespmem:s25+$0x27B0];
	[tilespmem:s10+$0x27C0] =	vst v4;
	v4 =	vmul.f32 v32, v8  }
0x19c: {  	s24 =	sor.u32 $0x6, s23;
	v40 =	vld [tilespmem:s25+$0x27C0];
	[tilespmem:s10+$0x27D0] =	vst v5;
	v5 =	vmul.f32 v33, v8  }
0x19d: {  	s26 =	sor.u32 s22, s24;
	v41 =	vld [tilespmem:s25+$0x27D0];
	[tilespmem:s10+$0x27E0] =	vst v4;
	v4 =	vmul.f32 v34, v38  }
0x19e: {  	v42 =	vld [tilespmem:s25+$0x27E0];
	s26 =	sshll.u32 s26, $0x7;
	[tilespmem:s10+$0x27F0] =	vst v5;
	v5 =	vmul.f32 v35, v38  }
0x19f: {  	v43 =	vld [tilespmem:s25+$0x27F0];
	s10 =	sand.u32 $0x3FFFFF80, s26;
	[tilespmem:s25+$0x2780] =	vst v4;
	v4 =	vmul.f32 v37, v38  }
0x1a0: {  	v44 =	vld [tilespmem:s10+$0x2780];
	[tilespmem:s25+$0x2790] =	vst v5;
	v5 =	vmul.f32 v39, v38  }
0x1a1: {  	v45 =	vld [tilespmem:s10+$0x2790];
	[tilespmem:s25+$0x27A0] =	vst v4;
	v4 =	vmul.f32 v40, v38  }
0x1a2: {  	v46 =	vmov s24;
	v47 =	vld [tilespmem:s10+$0x27A0];
	[tilespmem:s25+$0x27B0] =	vst v5;
	v5 =	vmul.f32 v41, v38  }
0x1a3: {  	v48 =	vperm.xlane v3, v46;
	v49 =	vld [tilespmem:s10+$0x27B0];
	[tilespmem:s25+$0x27C0] =	vst v4;
	v4 =	vmul.f32 v42, v38  }
0x1a4: {  	s23 =	sor.u32 $0x7, s23;
	v50 =	vld [tilespmem:s10+$0x27C0];
	[tilespmem:s25+$0x27D0] =	vst v5;
	v5 =	vmul.f32 v43, v38  }
0x1a5: {  	s26 =	sor.u32 s22, s23;
	v51 =	vld [tilespmem:s10+$0x27D0];
	[tilespmem:s25+$0x27E0] =	vst v4;
	v4 =	vmul.f32 v44, v48  }
0x1a6: {  	v52 =	vld [tilespmem:s10+$0x27E0];
	s24 =	sshll.u32 s26, $0x7;
	[tilespmem:s25+$0x27F0] =	vst v5;
	v5 =	vmul.f32 v45, v48  }
0x1a7: {  	v53 =	vld [tilespmem:s10+$0x27F0];
	s24 =	sand.u32 $0x3FFFFF80, s24;
	[tilespmem:s10+$0x2780] =	vst v4;
	v4 =	vmul.f32 v47, v48  }
0x1a8: {  	v54 =	vld [tilespmem:s24+$0x2780];
	[tilespmem:s10+$0x2790] =	vst v5;
	v5 =	vmul.f32 v49, v48  }
0x1a9: {  	v55 =	vld [tilespmem:s24+$0x2790];
	[tilespmem:s10+$0x27A0] =	vst v4;
	v4 =	vmul.f32 v50, v48  }
0x1aa: {  	v56 =	vmov s23;
	v57 =	vld [tilespmem:s24+$0x27A0];
	[tilespmem:s10+$0x27B0] =	vst v5;
	v5 =	vmul.f32 v51, v48  }
0x1ab: {  	v58 =	vperm.xlane v3, v56;
	v59 =	vld [tilespmem:s24+$0x27B0];
	[tilespmem:s10+$0x27C0] =	vst v4;
	v4 =	vmul.f32 v52, v48  }
0x1ac: {  	v60 =	vld [tilespmem:s24+$0x27C0];
	[tilespmem:s10+$0x27D0] =	vst v5;
	v5 =	vmul.f32 v53, v48  }
0x1ad: {  	v61 =	vld [tilespmem:s24+$0x27D0];
	[tilespmem:s10+$0x27E0] =	vst v4;
	v4 =	vmul.f32 v54, v58  }
0x1ae: {  	v62 =	vld [tilespmem:s24+$0x27E0];
	[tilespmem:s10+$0x27F0] =	vst v5;
	v5 =	vmul.f32 v55, v58  }
0x1af: {  	v63 =	vld [tilespmem:s24+$0x27F0];
	[tilespmem:s24+$0x2780] =	vst v4;
	v4 =	vmul.f32 v57, v58  }
0x1b0: {  	[tilespmem:s24+$0x2790] =	vst v5;
	v5 =	vmul.f32 v59, v58  }
0x1b1: {  	p2 =	por p1, p1;
	[tilespmem:s24+$0x27A0] =	vst v4;
	v4 =	vmul.f32 v60, v58  }
.Ltmp5:
0x1b2: {  	[tilespmem:s24+$0x27B0] =	vst v5;
	v5 =	vmul.f32 v61, v58;
	(pc) =	sbr.rel @p2 .LBB2_13-.Ltmp5, $4  }
0x1b3: {  	[tilespmem:s24+$0x27C0] =	vst v4;
	v4 =	vmul.f32 v62, v58  }
0x1b4: {  	[tilespmem:s24+$0x27D0] =	vst v5;
	v5 =	vmul.f32 v63, v58  }
0x1b5: {  	[tilespmem:s24+$0x27E0] =	vst v4  }
0x1b6: {  	p1 =	por $0x0, $0x0;
	s23 =	simm.s32 $0x8;
	[tilespmem:s24+$0x27F0] =	vst v5  }
0x1b7: {  	s22 =	sadd.s32 $0x30, s20;
	s23 =	simm.s32 $0x0;
	p1 =	por $0x1, $0x1  }
.LBB2_15:
0x1b8: {  	s10 =	sor.u32 s22, s23  }
0x1b9: {  	s10 =	sshll.u32 s10, $0x7  }
0x1ba: {  	s10 =	sand.u32 $0x3FFFFF80, s10  }
0x1bb: {  	v3 =	vld [tilespmem:s10+$0x2780]  }
0x1bc: {  	v4 =	vld [tilespmem:s10+$0x2790]  }
0x1bd: {  	v5 =	vmov s23;
	v7 =	vld [tilespmem:s10+$0x27B0]  }
0x1be: {  	v5 =	vperm.xlane v2, v5;
	v6 =	vld [tilespmem:s10+$0x27A0]  }
0x1bf: {  	s24 =	sor.u32 $0x1, s23;
	v9 =	vld [tilespmem:s10+$0x27D0]  }
0x1c0: {  	s25 =	sor.u32 s22, s24;
	v8 =	vld [tilespmem:s10+$0x27C0];
	v3 =	vmul.f32 v3, v5  }
0x1c1: {  	s25 =	sshll.u32 s25, $0x7;
	v18 =	vld [tilespmem:s10+$0x27F0];
	v4 =	vmul.f32 v4, v5  }
0x1c2: {  	v10 =	vld [tilespmem:s10+$0x27E0];
	s25 =	sand.u32 $0x3FFFFF80, s25;
	v19 =	vmul.f32 v7, v5;
	[tilespmem:s10+$0x2780] =	vst v3  }
0x1c3: {  	v21 =	vld [tilespmem:s25+$0x2790];
	v3 =	vmul.f32 v6, v5;
	[tilespmem:s10+$0x2790] =	vst v4  }
0x1c4: {  	v20 =	vld [tilespmem:s25+$0x2780];
	v22 =	vmul.f32 v9, v5;
	[tilespmem:s10+$0x27B0] =	vst v19  }
0x1c5: {  	v23 =	vmov s24;
	v24 =	vld [tilespmem:s25+$0x27B0];
	[tilespmem:s10+$0x27A0] =	vst v3;
	v3 =	vmul.f32 v8, v5  }
0x1c6: {  	v11 =	vld [tilespmem:s25+$0x27A0];
	v9 =	vperm.xlane v2, v23;
	v25 =	vmul.f32 v18, v5;
	[tilespmem:s10+$0x27D0] =	vst v22  }
0x1c7: {  	s24 =	sor.u32 $0x2, s23;
	v27 =	vld [tilespmem:s25+$0x27D0];
	[tilespmem:s10+$0x27C0] =	vst v3;
	v3 =	vmul.f32 v10, v5  }
0x1c8: {  	s26 =	sor.u32 s22, s24;
	v26 =	vld [tilespmem:s25+$0x27C0];
	[tilespmem:s10+$0x27F0] =	vst v25;
	v28 =	vmul.f32 v21, v9  }
0x1c9: {  	s26 =	sshll.u32 s26, $0x7;
	v30 =	vld [tilespmem:s25+$0x27F0];
	[tilespmem:s10+$0x27E0] =	vst v3;
	v3 =	vmul.f32 v20, v9  }
0x1ca: {  	v29 =	vld [tilespmem:s25+$0x27E0];
	v31 =	vmul.f32 v24, v9;
	[tilespmem:s25+$0x2790] =	vst v28;
	s10 =	sand.u32 $0x3FFFFF80, s26  }
0x1cb: {  	v33 =	vld [tilespmem:s10+$0x2790];
	[tilespmem:s25+$0x2780] =	vst v3;
	v3 =	vmul.f32 v11, v9  }
0x1cc: {  	v34 =	vmul.f32 v27, v9;
	[tilespmem:s25+$0x27B0] =	vst v31;
	v32 =	vld [tilespmem:s10+$0x2780]  }
0x1cd: {  	v35 =	vmov s24;
	v37 =	vld [tilespmem:s10+$0x27B0];
	[tilespmem:s25+$0x27A0] =	vst v3;
	v3 =	vmul.f32 v26, v9  }
0x1ce: {  	v6 =	vperm.xlane v2, v35;
	v38 =	vmul.f32 v30, v9;
	[tilespmem:s25+$0x27D0] =	vst v34;
	v36 =	vld [tilespmem:s10+$0x27A0]  }
0x1cf: {  	s24 =	sor.u32 $0x3, s23;
	v40 =	vld [tilespmem:s10+$0x27D0];
	[tilespmem:s25+$0x27C0] =	vst v3;
	v3 =	vmul.f32 v29, v9  }
0x1d0: {  	[tilespmem:s25+$0x27F0] =	vst v38;
	s26 =	sor.u32 s22, s24;
	v39 =	vld [tilespmem:s10+$0x27C0];
	v41 =	vmul.f32 v33, v6  }
0x1d1: {  	s26 =	sshll.u32 s26, $0x7;
	v43 =	vld [tilespmem:s10+$0x27F0];
	[tilespmem:s25+$0x27E0] =	vst v3;
	v3 =	vmul.f32 v32, v6  }
0x1d2: {  	v42 =	vld [tilespmem:s10+$0x27E0];
	v44 =	vmul.f32 v37, v6;
	s25 =	sand.u32 $0x3FFFFF80, s26;
	[tilespmem:s10+$0x2790] =	vst v41  }
0x1d3: {  	v46 =	vld [tilespmem:s25+$0x2790];
	[tilespmem:s10+$0x2780] =	vst v3;
	v3 =	vmul.f32 v36, v6  }
0x1d4: {  	v47 =	vmul.f32 v40, v6;
	[tilespmem:s10+$0x27B0] =	vst v44;
	v45 =	vld [tilespmem:s25+$0x2780]  }
0x1d5: {  	v48 =	vmov s24;
	v51 =	vld [tilespmem:s25+$0x27B0];
	[tilespmem:s10+$0x27A0] =	vst v3;
	v3 =	vmul.f32 v39, v6  }
0x1d6: {  	v50 =	vperm.xlane v2, v48;
	v52 =	vmul.f32 v43, v6;
	[tilespmem:s10+$0x27D0] =	vst v47;
	v49 =	vld [tilespmem:s25+$0x27A0]  }
0x1d7: {  	s24 =	sor.u32 $0x4, s23;
	v54 =	vld [tilespmem:s25+$0x27D0];
	[tilespmem:s10+$0x27C0] =	vst v3;
	v3 =	vmul.f32 v42, v6  }
0x1d8: {  	s26 =	sor.u32 s22, s24;
	[tilespmem:s10+$0x27F0] =	vst v52;
	v53 =	vld [tilespmem:s25+$0x27C0];
	v55 =	vmul.f32 v46, v50  }
0x1d9: {  	s26 =	sshll.u32 s26, $0x7;
	v57 =	vld [tilespmem:s25+$0x27F0];
	[tilespmem:s10+$0x27E0] =	vst v3;
	v3 =	vmul.f32 v45, v50  }
0x1da: {  	v56 =	vld [tilespmem:s25+$0x27E0];
	v58 =	vmul.f32 v51, v50;
	s10 =	sand.u32 $0x3FFFFF80, s26;
	[tilespmem:s25+$0x2790] =	vst v55  }
0x1db: {  	v60 =	vld [tilespmem:s10+$0x2790];
	[tilespmem:s25+$0x2780] =	vst v3;
	v3 =	vmul.f32 v49, v50  }
0x1dc: {  	v61 =	vmul.f32 v54, v50;
	[tilespmem:s25+$0x27B0] =	vst v58;
	v59 =	vld [tilespmem:s10+$0x2780]  }
0x1dd: {  	v62 =	vmov s24;
	v12 =	vld [tilespmem:s10+$0x27B0];
	[tilespmem:s25+$0x27A0] =	vst v3;
	v3 =	vmul.f32 v53, v50  }
0x1de: {  	v7 =	vperm.xlane v2, v62;
	v13 =	vmul.f32 v57, v50;
	[tilespmem:s25+$0x27D0] =	vst v61;
	v63 =	vld [tilespmem:s10+$0x27A0]  }
0x1df: {  	s24 =	sor.u32 $0x5, s23;
	v15 =	vld [tilespmem:s10+$0x27D0];
	[tilespmem:s25+$0x27C0] =	vst v3;
	v3 =	vmul.f32 v56, v50  }
0x1e0: {  	s26 =	sor.u32 s22, s24;
	[tilespmem:s25+$0x27F0] =	vst v13;
	v14 =	vld [tilespmem:s10+$0x27C0];
	v16 =	vmul.f32 v60, v7  }
0x1e1: {  	s26 =	sshll.u32 s26, $0x7;
	v18 =	vld [tilespmem:s10+$0x27F0];
	[tilespmem:s25+$0x27E0] =	vst v3;
	v3 =	vmul.f32 v59, v7  }
0x1e2: {  	v17 =	vld [tilespmem:s10+$0x27E0];
	v19 =	vmul.f32 v12, v7;
	s25 =	sand.u32 $0x3FFFFF80, s26;
	[tilespmem:s10+$0x2790] =	vst v16  }
0x1e3: {  	v21 =	vld [tilespmem:s25+$0x2790];
	[tilespmem:s10+$0x2780] =	vst v3;
	v3 =	vmul.f32 v63, v7  }
0x1e4: {  	v22 =	vmul.f32 v15, v7;
	[tilespmem:s10+$0x27B0] =	vst v19;
	v20 =	vld [tilespmem:s25+$0x2780]  }
0x1e5: {  	v23 =	vmov s24;
	v26 =	vld [tilespmem:s25+$0x27B0];
	[tilespmem:s10+$0x27A0] =	vst v3;
	v3 =	vmul.f32 v14, v7  }
0x1e6: {  	v25 =	vperm.xlane v2, v23;
	v27 =	vmul.f32 v18, v7;
	[tilespmem:s10+$0x27D0] =	vst v22;
	v24 =	vld [tilespmem:s25+$0x27A0]  }
0x1e7: {  	s24 =	sor.u32 $0x6, s23;
	v29 =	vld [tilespmem:s25+$0x27D0];
	[tilespmem:s10+$0x27C0] =	vst v3;
	v3 =	vmul.f32 v17, v7  }
0x1e8: {  	s26 =	sor.u32 s22, s24;
	[tilespmem:s10+$0x27F0] =	vst v27;
	v28 =	vld [tilespmem:s25+$0x27C0];
	v30 =	vmul.f32 v21, v25  }
0x1e9: {  	s26 =	sshll.u32 s26, $0x7;
	v32 =	vld [tilespmem:s25+$0x27F0];
	[tilespmem:s10+$0x27E0] =	vst v3;
	v3 =	vmul.f32 v20, v25  }
0x1ea: {  	v31 =	vld [tilespmem:s25+$0x27E0];
	v33 =	vmul.f32 v26, v25;
	s10 =	sand.u32 $0x3FFFFF80, s26;
	[tilespmem:s25+$0x2790] =	vst v30  }
0x1eb: {  	v35 =	vld [tilespmem:s10+$0x2790];
	[tilespmem:s25+$0x2780] =	vst v3;
	v3 =	vmul.f32 v24, v25  }
0x1ec: {  	v36 =	vmul.f32 v29, v25;
	[tilespmem:s25+$0x27B0] =	vst v33;
	v34 =	vld [tilespmem:s10+$0x2780]  }
0x1ed: {  	v37 =	vmov s24;
	v40 =	vld [tilespmem:s10+$0x27B0];
	[tilespmem:s25+$0x27A0] =	vst v3;
	v3 =	vmul.f32 v28, v25  }
0x1ee: {  	v39 =	vperm.xlane v2, v37;
	v41 =	vmul.f32 v32, v25;
	[tilespmem:s25+$0x27D0] =	vst v36;
	v38 =	vld [tilespmem:s10+$0x27A0]  }
0x1ef: {  	s23 =	sor.u32 $0x7, s23;
	v43 =	vld [tilespmem:s10+$0x27D0];
	[tilespmem:s25+$0x27C0] =	vst v3;
	v3 =	vmul.f32 v31, v25  }
0x1f0: {  	s26 =	sor.u32 s22, s23;
	[tilespmem:s25+$0x27F0] =	vst v41;
	v42 =	vld [tilespmem:s10+$0x27C0];
	v44 =	vmul.f32 v35, v39  }
0x1f1: {  	s24 =	sshll.u32 s26, $0x7;
	v46 =	vld [tilespmem:s10+$0x27F0];
	[tilespmem:s25+$0x27E0] =	vst v3;
	v3 =	vmul.f32 v34, v39  }
0x1f2: {  	v45 =	vld [tilespmem:s10+$0x27E0];
	s24 =	sand.u32 $0x3FFFFF80, s24;
	v47 =	vmul.f32 v40, v39;
	[tilespmem:s10+$0x2790] =	vst v44  }
0x1f3: {  	v49 =	vld [tilespmem:s24+$0x2790];
	[tilespmem:s10+$0x2780] =	vst v3;
	v3 =	vmul.f32 v38, v39  }
0x1f4: {  	v48 =	vld [tilespmem:s24+$0x2780];
	v50 =	vmul.f32 v43, v39;
	[tilespmem:s10+$0x27B0] =	vst v47  }
0x1f5: {  	v51 =	vmov s23;
	v54 =	vld [tilespmem:s24+$0x27B0];
	[tilespmem:s10+$0x27A0] =	vst v3;
	v3 =	vmul.f32 v42, v39  }
0x1f6: {  	v53 =	vperm.xlane v2, v51;
	v52 =	vld [tilespmem:s24+$0x27A0];
	v55 =	vmul.f32 v46, v39;
	[tilespmem:s10+$0x27D0] =	vst v50  }
0x1f7: {  	v57 =	vld [tilespmem:s24+$0x27D0];
	[tilespmem:s10+$0x27C0] =	vst v3;
	v3 =	vmul.f32 v45, v39  }
0x1f8: {  	v56 =	vld [tilespmem:s24+$0x27C0];
	[tilespmem:s10+$0x27F0] =	vst v55;
	v58 =	vmul.f32 v49, v53  }
0x1f9: {  	v60 =	vld [tilespmem:s24+$0x27F0];
	[tilespmem:s10+$0x27E0] =	vst v3;
	v3 =	vmul.f32 v48, v53  }
0x1fa: {  	v59 =	vld [tilespmem:s24+$0x27E0];
	v61 =	vmul.f32 v54, v53;
	[tilespmem:s24+$0x2790] =	vst v58  }
0x1fb: {  	[tilespmem:s24+$0x2780] =	vst v3;
	v3 =	vmul.f32 v52, v53  }
0x1fc: {  	p2 =	por p1, p1;
	v62 =	vmul.f32 v57, v53;
	[tilespmem:s24+$0x27B0] =	vst v61  }
.Ltmp6:
0x1fd: {  	[tilespmem:s24+$0x27A0] =	vst v3;
	v3 =	vmul.f32 v56, v53;
	(pc) =	sbr.rel @p2 .LBB2_15-.Ltmp6, $4  }
0x1fe: {  	v63 =	vmul.f32 v60, v53;
	[tilespmem:s24+$0x27D0] =	vst v62  }
0x1ff: {  	[tilespmem:s24+$0x27C0] =	vst v3;
	v3 =	vmul.f32 v59, v53  }
0x200: {  	[tilespmem:s24+$0x27F0] =	vst v63  }
0x201: {  	p1 =	por $0x0, $0x0;
	s23 =	simm.s32 $0x8;
	[tilespmem:s24+$0x27E0] =	vst v3  }
0x202: {  	s20 =	sadd.s32 $0x40, s20;
	s22 =	simm.s32 $0x0;
	p1 =	por $0x1, $0x1  }
.LBB2_17:
0x203: {  	s10 =	sor.u32 s20, s22  }
0x204: {  	s10 =	sshll.u32 s10, $0x7  }
0x205: {  	s10 =	sand.u32 $0x3FFFFF80, s10  }
0x206: {  	v2 =	vld [tilespmem:s10+$0x2780]  }
0x207: {  	v3 =	vld [tilespmem:s10+$0x2790]  }
0x208: {  	v4 =	vmov s22;
	v5 =	vld [tilespmem:s10+$0x27A0]  }
0x209: {  	v4 =	vperm.xlane v1, v4;
	v6 =	vld [tilespmem:s10+$0x27B0]  }
0x20a: {  	s23 =	sor.u32 $0x1, s22;
	v7 =	vld [tilespmem:s10+$0x27C0]  }
0x20b: {  	s24 =	sor.u32 s20, s23;
	v8 =	vld [tilespmem:s10+$0x27D0];
	v2 =	vmul.f32 v2, v4  }
0x20c: {  	s24 =	sshll.u32 s24, $0x7;
	v9 =	vld [tilespmem:s10+$0x27E0];
	v3 =	vmul.f32 v3, v4  }
0x20d: {  	v49 =	vld [tilespmem:s10+$0x27F0];
	s24 =	sand.u32 $0x3FFFFF80, s24;
	[tilespmem:s10+$0x2780] =	vst v2;
	v2 =	vmul.f32 v5, v4  }
0x20e: {  	v50 =	vld [tilespmem:s24+$0x2780];
	[tilespmem:s10+$0x2790] =	vst v3;
	v3 =	vmul.f32 v6, v4  }
0x20f: {  	v51 =	vld [tilespmem:s24+$0x2790];
	[tilespmem:s10+$0x27A0] =	vst v2;
	v2 =	vmul.f32 v7, v4  }
0x210: {  	v52 =	vmov s23;
	v10 =	vld [tilespmem:s24+$0x27A0];
	[tilespmem:s10+$0x27B0] =	vst v3;
	v3 =	vmul.f32 v8, v4  }
0x211: {  	v53 =	vld [tilespmem:s24+$0x27B0];
	v8 =	vperm.xlane v1, v52;
	[tilespmem:s10+$0x27C0] =	vst v2;
	v2 =	vmul.f32 v9, v4  }
0x212: {  	s26 =	sor.u32 $0x2, s22;
	v54 =	vld [tilespmem:s24+$0x27C0];
	[tilespmem:s10+$0x27D0] =	vst v3;
	v3 =	vmul.f32 v49, v4  }
0x213: {  	s25 =	sor.u32 s20, s26;
	v55 =	vld [tilespmem:s24+$0x27D0];
	[tilespmem:s10+$0x27E0] =	vst v2;
	v2 =	vmul.f32 v50, v8  }
0x214: {  	s25 =	sshll.u32 s25, $0x7;
	v56 =	vld [tilespmem:s24+$0x27E0];
	[tilespmem:s10+$0x27F0] =	vst v3;
	v3 =	vmul.f32 v51, v8  }
0x215: {  	v57 =	vld [tilespmem:s24+$0x27F0];
	s10 =	sand.u32 $0x3FFFFF80, s25;
	[tilespmem:s24+$0x2780] =	vst v2;
	v2 =	vmul.f32 v10, v8  }
0x216: {  	v58 =	vld [tilespmem:s10+$0x2780];
	[tilespmem:s24+$0x2790] =	vst v3;
	v3 =	vmul.f32 v53, v8  }
0x217: {  	v59 =	vld [tilespmem:s10+$0x2790];
	[tilespmem:s24+$0x27A0] =	vst v2;
	v2 =	vmul.f32 v54, v8  }
0x218: {  	v60 =	vmov s26;
	v61 =	vld [tilespmem:s10+$0x27A0];
	[tilespmem:s24+$0x27B0] =	vst v3;
	v3 =	vmul.f32 v55, v8  }
0x219: {  	v5 =	vperm.xlane v1, v60;
	v62 =	vld [tilespmem:s10+$0x27B0];
	[tilespmem:s24+$0x27C0] =	vst v2;
	v2 =	vmul.f32 v56, v8  }
0x21a: {  	s23 =	sor.u32 $0x3, s22;
	v63 =	vld [tilespmem:s10+$0x27C0];
	[tilespmem:s24+$0x27D0] =	vst v3;
	v3 =	vmul.f32 v57, v8  }
0x21b: {  	s26 =	sor.u32 s20, s23;
	v12 =	vld [tilespmem:s10+$0x27D0];
	[tilespmem:s24+$0x27E0] =	vst v2;
	v2 =	vmul.f32 v58, v5  }
0x21c: {  	s25 =	sshll.u32 s26, $0x7;
	v13 =	vld [tilespmem:s10+$0x27E0];
	[tilespmem:s24+$0x27F0] =	vst v3;
	v3 =	vmul.f32 v59, v5  }
0x21d: {  	v14 =	vld [tilespmem:s10+$0x27F0];
	s24 =	sand.u32 $0x3FFFFF80, s25;
	[tilespmem:s10+$0x2780] =	vst v2;
	v2 =	vmul.f32 v61, v5  }
0x21e: {  	v15 =	vld [tilespmem:s24+$0x2780];
	[tilespmem:s10+$0x2790] =	vst v3;
	v3 =	vmul.f32 v62, v5  }
0x21f: {  	v16 =	vld [tilespmem:s24+$0x2790];
	[tilespmem:s10+$0x27A0] =	vst v2;
	v2 =	vmul.f32 v63, v5  }
0x220: {  	v17 =	vmov s23;
	v18 =	vld [tilespmem:s24+$0x27A0];
	[tilespmem:s10+$0x27B0] =	vst v3;
	v3 =	vmul.f32 v12, v5  }
0x221: {  	v19 =	vperm.xlane v1, v17;
	v20 =	vld [tilespmem:s24+$0x27B0];
	[tilespmem:s10+$0x27C0] =	vst v2;
	v2 =	vmul.f32 v13, v5  }
0x222: {  	s23 =	sor.u32 $0x4, s22;
	v21 =	vld [tilespmem:s24+$0x27C0];
	[tilespmem:s10+$0x27D0] =	vst v3;
	v3 =	vmul.f32 v14, v5  }
0x223: {  	s26 =	sor.u32 s20, s23;
	v22 =	vld [tilespmem:s24+$0x27D0];
	[tilespmem:s10+$0x27E0] =	vst v2;
	v2 =	vmul.f32 v15, v19  }
0x224: {  	s25 =	sshll.u32 s26, $0x7;
	v23 =	vld [tilespmem:s24+$0x27E0];
	[tilespmem:s10+$0x27F0] =	vst v3;
	v3 =	vmul.f32 v16, v19  }
0x225: {  	v24 =	vld [tilespmem:s24+$0x27F0];
	s10 =	sand.u32 $0x3FFFFF80, s25;
	[tilespmem:s24+$0x2780] =	vst v2;
	v2 =	vmul.f32 v18, v19  }
0x226: {  	v25 =	vld [tilespmem:s10+$0x2780];
	[tilespmem:s24+$0x2790] =	vst v3;
	v3 =	vmul.f32 v20, v19  }
0x227: {  	v26 =	vld [tilespmem:s10+$0x2790];
	[tilespmem:s24+$0x27A0] =	vst v2;
	v2 =	vmul.f32 v21, v19  }
0x228: {  	v27 =	vmov s23;
	v28 =	vld [tilespmem:s10+$0x27A0];
	[tilespmem:s24+$0x27B0] =	vst v3;
	v3 =	vmul.f32 v22, v19  }
0x229: {  	v6 =	vperm.xlane v1, v27;
	v29 =	vld [tilespmem:s10+$0x27B0];
	[tilespmem:s24+$0x27C0] =	vst v2;
	v2 =	vmul.f32 v23, v19  }
0x22a: {  	s23 =	sor.u32 $0x5, s22;
	v30 =	vld [tilespmem:s10+$0x27C0];
	[tilespmem:s24+$0x27D0] =	vst v3;
	v3 =	vmul.f32 v24, v19  }
0x22b: {  	s26 =	sor.u32 s20, s23;
	v31 =	vld [tilespmem:s10+$0x27D0];
	[tilespmem:s24+$0x27E0] =	vst v2;
	v2 =	vmul.f32 v25, v6  }
0x22c: {  	s25 =	sshll.u32 s26, $0x7;
	v32 =	vld [tilespmem:s10+$0x27E0];
	[tilespmem:s24+$0x27F0] =	vst v3;
	v3 =	vmul.f32 v26, v6  }
0x22d: {  	v33 =	vld [tilespmem:s10+$0x27F0];
	s24 =	sand.u32 $0x3FFFFF80, s25;
	[tilespmem:s10+$0x2780] =	vst v2;
	v2 =	vmul.f32 v28, v6  }
0x22e: {  	v34 =	vld [tilespmem:s24+$0x2780];
	[tilespmem:s10+$0x2790] =	vst v3;
	v3 =	vmul.f32 v29, v6  }
0x22f: {  	v35 =	vld [tilespmem:s24+$0x2790];
	[tilespmem:s10+$0x27A0] =	vst v2;
	v2 =	vmul.f32 v30, v6  }
0x230: {  	v36 =	vmov s23;
	v37 =	vld [tilespmem:s24+$0x27A0];
	[tilespmem:s10+$0x27B0] =	vst v3;
	v3 =	vmul.f32 v31, v6  }
0x231: {  	v38 =	vperm.xlane v1, v36;
	v39 =	vld [tilespmem:s24+$0x27B0];
	[tilespmem:s10+$0x27C0] =	vst v2;
	v2 =	vmul.f32 v32, v6  }
0x232: {  	s23 =	sor.u32 $0x6, s22;
	v40 =	vld [tilespmem:s24+$0x27C0];
	[tilespmem:s10+$0x27D0] =	vst v3;
	v3 =	vmul.f32 v33, v6  }
0x233: {  	s26 =	sor.u32 s20, s23;
	v41 =	vld [tilespmem:s24+$0x27D0];
	[tilespmem:s10+$0x27E0] =	vst v2;
	v2 =	vmul.f32 v34, v38  }
0x234: {  	s26 =	sshll.u32 s26, $0x7;
	v42 =	vld [tilespmem:s24+$0x27E0];
	[tilespmem:s10+$0x27F0] =	vst v3;
	v3 =	vmul.f32 v35, v38  }
0x235: {  	v43 =	vld [tilespmem:s24+$0x27F0];
	s10 =	sand.u32 $0x3FFFFF80, s26;
	[tilespmem:s24+$0x2780] =	vst v2;
	v2 =	vmul.f32 v37, v38  }
0x236: {  	v44 =	vld [tilespmem:s10+$0x2780];
	[tilespmem:s24+$0x2790] =	vst v3;
	v3 =	vmul.f32 v39, v38  }
0x237: {  	v45 =	vld [tilespmem:s10+$0x2790];
	[tilespmem:s24+$0x27A0] =	vst v2;
	v2 =	vmul.f32 v40, v38  }
0x238: {  	v46 =	vmov s23;
	v47 =	vld [tilespmem:s10+$0x27A0];
	[tilespmem:s24+$0x27B0] =	vst v3;
	v3 =	vmul.f32 v41, v38  }
0x239: {  	v48 =	vperm.xlane v1, v46;
	v49 =	vld [tilespmem:s10+$0x27B0];
	[tilespmem:s24+$0x27C0] =	vst v2;
	v2 =	vmul.f32 v42, v38  }
0x23a: {  	s25 =	sor.u32 $0x7, s22;
	v50 =	vld [tilespmem:s10+$0x27C0];
	[tilespmem:s24+$0x27D0] =	vst v3;
	v3 =	vmul.f32 v43, v38  }
0x23b: {  	s26 =	sor.u32 s20, s25;
	v51 =	vld [tilespmem:s10+$0x27D0];
	[tilespmem:s24+$0x27E0] =	vst v2;
	v2 =	vmul.f32 v44, v48  }
0x23c: {  	v52 =	vld [tilespmem:s10+$0x27E0];
	s23 =	sshll.u32 s26, $0x7;
	[tilespmem:s24+$0x27F0] =	vst v3;
	v3 =	vmul.f32 v45, v48  }
0x23d: {  	v53 =	vld [tilespmem:s10+$0x27F0];
	s23 =	sand.u32 $0x3FFFFF80, s23;
	[tilespmem:s10+$0x2780] =	vst v2;
	v2 =	vmul.f32 v47, v48  }
0x23e: {  	v54 =	vld [tilespmem:s23+$0x2780];
	[tilespmem:s10+$0x2790] =	vst v3;
	v3 =	vmul.f32 v49, v48  }
0x23f: {  	v55 =	vld [tilespmem:s23+$0x2790];
	[tilespmem:s10+$0x27A0] =	vst v2;
	v2 =	vmul.f32 v50, v48  }
0x240: {  	v56 =	vmov s25;
	v57 =	vld [tilespmem:s23+$0x27A0];
	[tilespmem:s10+$0x27B0] =	vst v3;
	v3 =	vmul.f32 v51, v48  }
0x241: {  	v58 =	vperm.xlane v1, v56;
	v59 =	vld [tilespmem:s23+$0x27B0];
	[tilespmem:s10+$0x27C0] =	vst v2;
	v2 =	vmul.f32 v52, v48  }
0x242: {  	v60 =	vld [tilespmem:s23+$0x27C0];
	[tilespmem:s10+$0x27D0] =	vst v3;
	v3 =	vmul.f32 v53, v48  }
0x243: {  	v61 =	vld [tilespmem:s23+$0x27D0];
	[tilespmem:s10+$0x27E0] =	vst v2;
	v2 =	vmul.f32 v54, v58  }
0x244: {  	v62 =	vld [tilespmem:s23+$0x27E0];
	[tilespmem:s10+$0x27F0] =	vst v3;
	v3 =	vmul.f32 v55, v58  }
0x245: {  	v63 =	vld [tilespmem:s23+$0x27F0];
	[tilespmem:s23+$0x2780] =	vst v2;
	v2 =	vmul.f32 v57, v58  }
0x246: {  	[tilespmem:s23+$0x2790] =	vst v3;
	v3 =	vmul.f32 v59, v58  }
0x247: {  	p2 =	por p1, p1;
	[tilespmem:s23+$0x27A0] =	vst v2;
	v2 =	vmul.f32 v60, v58  }
.Ltmp7:
0x248: {  	[tilespmem:s23+$0x27B0] =	vst v3;
	v3 =	vmul.f32 v61, v58;
	(pc) =	sbr.rel @p2 .LBB2_17-.Ltmp7, $4  }
0x249: {  	[tilespmem:s23+$0x27C0] =	vst v2;
	v2 =	vmul.f32 v62, v58  }
0x24a: {  	[tilespmem:s23+$0x27D0] =	vst v3;
	v3 =	vmul.f32 v63, v58  }
0x24b: {  	[tilespmem:s23+$0x27E0] =	vst v2  }
0x24c: {  	p1 =	por $0x0, $0x0;
	s22 =	simm.s32 $0x8;
	[tilespmem:s23+$0x27F0] =	vst v3  }
0x24d: {  	p1 =	slt.u32 s18, $0x7D  }
.Ltmp8:
0x24e: {  	_ = 	snop;
	(pc) =	sbr.rel @p1 .LBB2_6-.Ltmp8, $3  }
0x24f: {  	_ =	sdelay $0x1  }
0x250: {  	s10 =	sadd.s32 $0x3780, s21;
	s17 =	sadd.s32 $0x7F80, s17;
	s20 =	smov.u32 s18  }
0x251: {  	[spmem:s2] =	stream.indirect.scatter.add.f32 [tilespmem:s10], [sflag:$0x4], $0x80, s17, s14, $0xb8;
	[tilespmem:$0x1BA00] =	vst v63  }
0x252: {  	_ =	swait.ge [sflag:s15], $0x1000  }
0x253: {  	[sflag:s15] =	ssyncset.done $0x0  }
0x254: {  	[sflag:s15] =	ssyncadd.s32 $0xFFFFF000  }
0x255: {  	_ =	swait.ge [sflag:s15], $0x1800  }
0x256: {  	[sflag:s15] =	ssyncset.done $0x0  }
0x257: {  	[sflag:s15] =	ssyncadd.s32 $0xFFFFE800  }
0x258: {  	[bflag:$0x0] =	sbarrier.arrive $0xFFFF  }
0x259: {  	s17 =	rddreg [dreg:$0xd]  }
0x25a: {  	s10 =	simm.s32 @p0 $0x1FC5;
	s18 =	rddreg [dreg:$0x10]  }
0x25b: {  	[hbm:s17], [sflag:s10] =	dma.local @p0 [spmem:s18], $0x2800  }
0x25c: {  	s10 =	simm.s32 @p0 $0x5  }
0x25d: {  	s17 =	stileid.u32;
	_ =	swait.ge @p0 [sflag:s10], $0x2800  }
0x25e: {  	s17 =	sshll.u32 @!p0 s17, $0x6;
	[sflag:s10] =	ssyncset.done @p0 $0x0;
	s18 =	rddreg [dreg:$0x11]  }
0x25f: {  	[sflag:s10] =	ssyncadd.s32 @p0 $0xFFFFD800;
	s10 =	sor.u32 @!p0 $0x1C05, s17;
	s17 =	rddreg [dreg:$0xc]  }
0x260: {  	[hbm:s17], [sflag:s10] =	dma.local @!p0 [spmem:s18], $0x2700  }
0x261: {  	s10 =	simm.s32 @!p0 $0x5  }
0x262: {  	_ =	swait.ge @!p0 [sflag:s10], $0x2700  }
0x263: {  	[sflag:s10] =	ssyncset.done @!p0 $0x0  }
0x264: {  	s25 =	rddreg [dreg:$0xe];
	[sflag:s10] =	ssyncadd.s32 @!p0 $0xFFFFD900  }
0x265: {  	[hbm4b:s25+s4] =	stream.linear.scatter [tilespmem:s4], [sflag:$0x5], $0x2710, $0x38;
	[tilespmem:$0x1BA00] =	vst v63  }
0x266: {  	_ =	swait.ge [sflag:s29], $0x2710  }
0x267: {  	s31 =	sadd.s32 $0x1, s31;
	s26 =	rddreg [dreg:$0xf]  }
0x268: {  	p1 =	sne.s32 s31, s26  }
.Ltmp9:
0x269: {  	_ = 	snop;
	(pc) =	sbr.rel @p1 .LBB2_1-.Ltmp9, $3  }
0x26a: {  	_ =	sdelay $0x1  }
0x26b: {  	[sflag:s29] =	ssyncset.done $0x0  }
0x26c: {  	[sflag:s29] =	ssyncadd.s32 $0xFFFFD8F0  }
0x26d: {  	_ =	sfence.sel $0x180000  }
0x26e: {  	[bflag:$0x0] =	sbarrier.arrive $0xFFFF  }
0x26f: {  	_ =	strace $0x90000047  }
0x270: {  	s0 =	stileid.u32;
	[bflag:$0x2] =	sbarrier.arrive $0xFFFF  }
0x271: {  	p0 =	sne.s32 s0, $0x0;
	s0 =	rddreg [dreg:$0x3]  }
0x272: {  	s0 =	sadd.s32 @!p0 $0x100000, s0  }
0x273: {  	[sflag:s0] =	ssyncadd.tile.s32 @!p0 $0x1;
	_ =	shalt  }
.Lfunc_end2:
_tile_overlayer_lowered:
.L_overlay_start_2:
0x274: {  	(tag) =	ssettag $0x2  }
0x275: {  	s0 =	rddreg [dreg:$0x0];
	s2 =	stileid.u32  }
0x276: {  	s1 =	rddreg [dreg:$0x1];
	p0 =	sne.s32 s2, $0x0  }
0x277: {  	s3 =	rddreg [dreg:$0x2];
	[bflag:$0x3] =	sbarrier.arrive $0xFFFF;
	s2 =	simm.s32 @!p0 $0x1C05  }
0x278: {  	[timem:s3], [sflag:s2] =	dma.local @!p0 [hbm:s0], s1  }
0x279: {  	s0 =	simm.s32 @!p0 $0x5  }
0x27a: {  	_ =	swait.ge @!p0 [sflag:s0], s1  }
0x27b: {  	s1 =	ssub.s32 @!p0 $0x0, s1;
	[sflag:s0] =	ssyncset.done @!p0 $0x0  }
0x27c: {  	[sflag:s0] =	ssyncadd.s32 @!p0 s1  }
0x27d: {  	[bflag:$0x3] =	sbarrier.arrive $0xFFFF  }
0x27e: {  	_ =	shalt  }

</sc_bundles>
